<compile_context>
chip_gen: v7x
topology: tpu7x:2x2x1
jax: 0.10.2.dev20260603
libtpu: 0.0.44.dev20260713+nightly
codegen_flags: <defaults>
</compile_context>

<pallas_src>
import functools

import jax
import jax.numpy as jnp
from jax import lax
from jax.experimental import pallas as pl
from jax.experimental.pallas import tpu as pltpu
from jax.experimental.pallas import tpu_sc as plsc

_TPS = 2


def kernel(x):
    B, F, K, ED = x.shape
    G = F // _TPS
    NC, NS = 2, 16
    NW = NC * NS
    pairs = B * G
    per_w = pairs // NW

    xt = jnp.swapaxes(x, 2, 3)

    mesh = plsc.VectorSubcoreMesh(core_axis_name="c", subcore_axis_name="s")

    NBUF = 4
    HED = ED // 2
    n_chunks = _TPS * per_w * 2

    @functools.partial(
        pl.kernel,
        out_type=jax.ShapeDtypeStruct((B, G, _TPS * ED, K), jnp.float32),
        mesh=mesh,
        scratch_types=[
            [pltpu.VMEM((HED, K), jnp.float32) for _ in range(NBUF)],
            [pltpu.SemaphoreType.DMA for _ in range(NBUF)],
            [pltpu.SemaphoreType.DMA for _ in range(NBUF)],
        ],
    )
    def merge(xt_hbm, outt_hbm, bufs, isems, osems):
        wid = lax.axis_index("s") * NC + lax.axis_index("c")
        base = wid * per_w

        def src(j):
            q = base + j // 4
            i = (j // 2) % _TPS
            h = j % 2
            b = q // G
            g = q % G
            return xt_hbm.at[b, _TPS * g + i, pl.ds(h * HED, HED), :]

        def dst(j):
            q = base + j // 4
            i = (j // 2) % _TPS
            h = j % 2
            b = q // G
            g = q % G
            return outt_hbm.at[b, g, pl.ds(i * ED + h * HED, HED), :]

        ins = [None] * NBUF
        outs = [None] * NBUF
        for j in range(min(2, n_chunks)):
            ins[j % NBUF] = pltpu.async_copy(src(j), bufs[j % NBUF], isems[j % NBUF])
        for j in range(n_chunks):
            s = j % NBUF
            ins[s].wait()
            if j + 2 < n_chunks:
                s2 = (j + 2) % NBUF
                if outs[s2] is not None:
                    outs[s2].wait()
                ins[s2] = pltpu.async_copy(src(j + 2), bufs[s2], isems[s2])
            outs[s] = pltpu.async_copy(bufs[s], dst(j), osems[s])
        for o in outs:
            if o is not None:
                o.wait()

    outt = merge(xt)
    return jnp.swapaxes(outt, 2, 3)

# --- scband reference (transcript-rebuilt; emitter-appended) ---
"""Pipeline reference for scband-temporal-merging-60954175865292 (READ-ONLY COPY).

The authoritative reference and input builder live on the scoring server;
editing this copy changes nothing except your own understanding.
"""

import jax, jax.numpy as jnp
import numpy as np

TEMPORAL_PATCH_SIZE = 2

def setup_inputs(seed: int = 0) -> dict:
    key = jax.random.key(seed)
    x = jax.random.normal(key, (8, 64, 196, 192), dtype=jnp.float32)
    return {"x": x}

def reference(x):
    B, F, K, ED = x.shape
    tps = TEMPORAL_PATCH_SIZE
    x_list = []
    for i in range(tps):
        idx = jnp.arange(i, F, tps)
        x_list.append(jnp.take(x, idx, axis=1))
    out = jnp.concatenate(x_list, axis=-1)
    return out

if __name__ == "__main__":
    import jax
    _d = setup_inputs()
    print(jax.jit(kernel)(*tuple(_d.values())))

</pallas_src>

<mosaic_0001>
#map = affine_map<(d0, d1) -> (0, 0, 0, 0)>
module attributes {stable_mosaic.version = 14 : i64} {
  func.func @merge(%arg0: i32, %arg1: i32, %arg2: memref<8x64x192x196xf32, #tpu.memory_space<hbm>>, %arg3: memref<8x32x384x196xf32, #tpu.memory_space<hbm>>, %arg4: memref<96x196xf32, #tpu.memory_space<vmem>>, %arg5: memref<96x196xf32, #tpu.memory_space<vmem>>, %arg6: memref<96x196xf32, #tpu.memory_space<vmem>>, %arg7: memref<96x196xf32, #tpu.memory_space<vmem>>, %arg8: memref<!tpu.dma_semaphore, #tpu.memory_space<semaphore_mem>>, %arg9: memref<!tpu.dma_semaphore, #tpu.memory_space<semaphore_mem>>, %arg10: memref<!tpu.dma_semaphore, #tpu.memory_space<semaphore_mem>>, %arg11: memref<!tpu.dma_semaphore, #tpu.memory_space<semaphore_mem>>, %arg12: memref<!tpu.dma_semaphore, #tpu.memory_space<semaphore_mem>>, %arg13: memref<!tpu.dma_semaphore, #tpu.memory_space<semaphore_mem>>, %arg14: memref<!tpu.dma_semaphore, #tpu.memory_space<semaphore_mem>>, %arg15: memref<!tpu.dma_semaphore, #tpu.memory_space<semaphore_mem>>) attributes {dimension_semantics = [#tpu.dimension_semantics<core_parallel>, #tpu.dimension_semantics<subcore_parallel>], iteration_bounds = array<i64: 2, 16>, scalar_prefetch = 0 : i64, scratch_operands = 12 : i64, tpu.core_type = #tpu.core_type<sc_vector_subcore>, window_params = [{transform_indices = #map}, {transform_indices = #map}]} {
    %mul3A = arith.constant 2 : i32
    %mul3A_0 = arith.muli %arg1, %mul3A : i32
    %add3A = arith.addi %mul3A_0, %arg0 : i32
    %mul3A_1 = arith.constant 8 : i32
    %mul3A_2 = arith.muli %add3A, %mul3A_1 : i32
    %add3A_3 = arith.constant 0 : i32
    %add3A_4 = arith.addi %mul3A_2, %add3A_3 : i32
    %jit3A = arith.constant 32 : i32
    %div3A = arith.divsi %add3A_4, %jit3A : i32
    %sign3A = arith.constant 0 : i32
    %sign3A_5 = arith.cmpi sgt, %add3A_4, %sign3A : i32
    %sign3A_6 = arith.extui %sign3A_5 : i1 to i32
    %sign3A_7 = arith.constant 0 : i32
    %sign3A_8 = arith.cmpi slt, %add3A_4, %sign3A_7 : i32
    %sign3A_9 = arith.extui %sign3A_8 : i1 to i32
    %sign3A_10 = arith.subi %sign3A_6, %sign3A_9 : i32
    %sign3A_11 = arith.constant 0 : i32
    %sign3A_12 = arith.cmpi sgt, %jit3A, %sign3A_11 : i32
    %sign3A_13 = arith.extui %sign3A_12 : i1 to i32
    %sign3A_14 = arith.constant 0 : i32
    %sign3A_15 = arith.cmpi slt, %jit3A, %sign3A_14 : i32
    %sign3A_16 = arith.extui %sign3A_15 : i1 to i32
    %sign3A_17 = arith.subi %sign3A_13, %sign3A_16 : i32
    %ne3A = arith.cmpi ne, %sign3A_10, %sign3A_17 : i32
    %rem3A = arith.remsi %add3A_4, %jit3A : i32
    %ne3A_18 = arith.constant 0 : i32
    %ne3A_19 = arith.cmpi ne, %rem3A, %ne3A_18 : i32
    %and3A = arith.andi %ne3A, %ne3A_19 : i1
    %sub3A = arith.constant 1 : i32
    %sub3A_20 = arith.subi %div3A, %sub3A : i32
    %select_n3A = arith.select %and3A, %sub3A_20, %div3A : i32
    %jit3A_21 = arith.constant 32 : i32
    %eq3A = arith.constant 0 : i32
    %eq3A_22 = arith.cmpi eq, %jit3A_21, %eq3A : i32
    %jit3A_23 = arith.constant 1 : i32
    %select_n3A_24 = arith.select %eq3A_22, %jit3A_23, %jit3A_21 : i32
    %rem3A_25 = arith.remsi %add3A_4, %select_n3A_24 : i32
    %ne3A_26 = arith.constant 0 : i32
    %ne3A_27 = arith.cmpi ne, %rem3A_25, %ne3A_26 : i32
    %lt3A = arith.constant 0 : i32
    %lt3A_28 = arith.cmpi slt, %rem3A_25, %lt3A : i32
    %lt3A_29 = arith.constant 0 : i32
    %lt3A_30 = arith.cmpi slt, %select_n3A_24, %lt3A_29 : i32
    %ne3A_31 = arith.xori %lt3A_28, %lt3A_30 : i1
    %and3A_32 = arith.andi %ne3A_31, %ne3A_27 : i1
    %add3A_33 = arith.addi %rem3A_25, %select_n3A_24 : i32
    %select_n3A_34 = arith.select %and3A_32, %add3A_33, %rem3A_25 : i32
    %mul3A_35 = arith.constant 2 : i32
    %mul3A_36 = arith.muli %mul3A_35, %select_n3A_34 : i32
    %add3A_37 = arith.constant 0 : i32
    %add3A_38 = arith.addi %mul3A_36, %add3A_37 : i32
    %dma_start3A = arith.constant 0 : i32
    %dma_start3A_39 = arith.constant 0 : i32
    %dma_start3A_40 = tpu.memref_slice %arg2[%select_n3A, %add3A_38, %dma_start3A, %dma_start3A_39] : memref<8x64x192x196xf32, #tpu.memory_space<hbm>> -> memref<1x1x96x196xf32, #tpu.memory_space<hbm>>
    %dma_start3A_41 = tpu.memref_squeeze %dma_start3A_40 : memref<1x1x96x196xf32, #tpu.memory_space<hbm>> -> memref<96x196xf32, #tpu.memory_space<hbm>>
    %dma_start3A_42 = arith.constant 0 : i32
    %dma_start3A_43 = arith.constant 0 : i32
    %dma_start3A_44 = tpu.memref_slice %arg2[%select_n3A, %add3A_38, %dma_start3A_42, %dma_start3A_43] : memref<8x64x192x196xf32, #tpu.memory_space<hbm>> -> memref<1x1x96x196xf32, #tpu.memory_space<hbm>>
    %dma_start3A_45 = tpu.memref_squeeze %dma_start3A_44 : memref<1x1x96x196xf32, #tpu.memory_space<hbm>> -> memref<96x196xf32, #tpu.memory_space<hbm>>
    tpu.enqueue_dma source(%dma_start3A_45 : memref<96x196xf32, #tpu.memory_space<hbm>>) target(%arg4 : memref<96x196xf32, #tpu.memory_space<vmem>>) target_semaphore(%arg8 : memref<!tpu.dma_semaphore, #tpu.memory_space<semaphore_mem>>)
    %add3A_46 = arith.constant 0 : i32
    %add3A_47 = arith.addi %mul3A_2, %add3A_46 : i32
    %jit3A_48 = arith.constant 32 : i32
    %div3A_49 = arith.divsi %add3A_47, %jit3A_48 : i32
    %sign3A_50 = arith.constant 0 : i32
    %sign3A_51 = arith.cmpi sgt, %add3A_47, %sign3A_50 : i32
    %sign3A_52 = arith.extui %sign3A_51 : i1 to i32
    %sign3A_53 = arith.constant 0 : i32
    %sign3A_54 = arith.cmpi slt, %add3A_47, %sign3A_53 : i32
    %sign3A_55 = arith.extui %sign3A_54 : i1 to i32
    %sign3A_56 = arith.subi %sign3A_52, %sign3A_55 : i32
    %sign3A_57 = arith.constant 0 : i32
    %sign3A_58 = arith.cmpi sgt, %jit3A_48, %sign3A_57 : i32
    %sign3A_59 = arith.extui %sign3A_58 : i1 to i32
    %sign3A_60 = arith.constant 0 : i32
    %sign3A_61 = arith.cmpi slt, %jit3A_48, %sign3A_60 : i32
    %sign3A_62 = arith.extui %sign3A_61 : i1 to i32
    %sign3A_63 = arith.subi %sign3A_59, %sign3A_62 : i32
    %ne3A_64 = arith.cmpi ne, %sign3A_56, %sign3A_63 : i32
    %rem3A_65 = arith.remsi %add3A_47, %jit3A_48 : i32
    %ne3A_66 = arith.constant 0 : i32
    %ne3A_67 = arith.cmpi ne, %rem3A_65, %ne3A_66 : i32
    %and3A_68 = arith.andi %ne3A_64, %ne3A_67 : i1
    %sub3A_69 = arith.constant 1 : i32
    %sub3A_70 = arith.subi %div3A_49, %sub3A_69 : i32
    %select_n3A_71 = arith.select %and3A_68, %sub3A_70, %div3A_49 : i32
    %jit3A_72 = arith.constant 32 : i32
    %eq3A_73 = arith.constant 0 : i32
    %eq3A_74 = arith.cmpi eq, %jit3A_72, %eq3A_73 : i32
    %jit3A_75 = arith.constant 1 : i32
    %select_n3A_76 = arith.select %eq3A_74, %jit3A_75, %jit3A_72 : i32
    %rem3A_77 = arith.remsi %add3A_47, %select_n3A_76 : i32
    %ne3A_78 = arith.constant 0 : i32
    %ne3A_79 = arith.cmpi ne, %rem3A_77, %ne3A_78 : i32
    %lt3A_80 = arith.constant 0 : i32
    %lt3A_81 = arith.cmpi slt, %rem3A_77, %lt3A_80 : i32
    %lt3A_82 = arith.constant 0 : i32
    %lt3A_83 = arith.cmpi slt, %select_n3A_76, %lt3A_82 : i32
    %ne3A_84 = arith.xori %lt3A_81, %lt3A_83 : i1
    %and3A_85 = arith.andi %ne3A_84, %ne3A_79 : i1
    %add3A_86 = arith.addi %rem3A_77, %select_n3A_76 : i32
    %select_n3A_87 = arith.select %and3A_85, %add3A_86, %rem3A_77 : i32
    %mul3A_88 = arith.constant 2 : i32
    %mul3A_89 = arith.muli %mul3A_88, %select_n3A_87 : i32
    %add3A_90 = arith.constant 0 : i32
    %add3A_91 = arith.addi %mul3A_89, %add3A_90 : i32
    %dma_start3A_92 = arith.constant 96 : i32
    %dma_start3A_93 = arith.constant 0 : i32
    %dma_start3A_94 = tpu.memref_slice %arg2[%select_n3A_71, %add3A_91, %dma_start3A_92, %dma_start3A_93] : memref<8x64x192x196xf32, #tpu.memory_space<hbm>> -> memref<1x1x96x196xf32, #tpu.memory_space<hbm>>
    %dma_start3A_95 = tpu.memref_squeeze %dma_start3A_94 : memref<1x1x96x196xf32, #tpu.memory_space<hbm>> -> memref<96x196xf32, #tpu.memory_space<hbm>>
    %dma_start3A_96 = arith.constant 96 : i32
    %dma_start3A_97 = arith.constant 0 : i32
    %dma_start3A_98 = tpu.memref_slice %arg2[%select_n3A_71, %add3A_91, %dma_start3A_96, %dma_start3A_97] : memref<8x64x192x196xf32, #tpu.memory_space<hbm>> -> memref<1x1x96x196xf32, #tpu.memory_space<hbm>>
    %dma_start3A_99 = tpu.memref_squeeze %dma_start3A_98 : memref<1x1x96x196xf32, #tpu.memory_space<hbm>> -> memref<96x196xf32, #tpu.memory_space<hbm>>
    tpu.enqueue_dma source(%dma_start3A_99 : memref<96x196xf32, #tpu.memory_space<hbm>>) target(%arg5 : memref<96x196xf32, #tpu.memory_space<vmem>>) target_semaphore(%arg9 : memref<!tpu.dma_semaphore, #tpu.memory_space<semaphore_mem>>)
    %dma_wait3A = arith.constant 0 : i32
    %dma_wait3A_100 = arith.constant 0 : i32
    %dma_wait3A_101 = tpu.memref_slice %arg2[%select_n3A, %add3A_38, %dma_wait3A, %dma_wait3A_100] : memref<8x64x192x196xf32, #tpu.memory_space<hbm>> -> memref<1x1x96x196xf32, #tpu.memory_space<hbm>>
    %dma_wait3A_102 = tpu.memref_squeeze %dma_wait3A_101 : memref<1x1x96x196xf32, #tpu.memory_space<hbm>> -> memref<96x196xf32, #tpu.memory_space<hbm>>
    %dma_wait3A_103 = arith.constant 0 : i32
    %dma_wait3A_104 = arith.constant 0 : i32
    %dma_wait3A_105 = tpu.memref_slice %arg2[%select_n3A, %add3A_38, %dma_wait3A_103, %dma_wait3A_104] : memref<8x64x192x196xf32, #tpu.memory_space<hbm>> -> memref<1x1x96x196xf32, #tpu.memory_space<hbm>>
    %dma_wait3A_106 = tpu.memref_squeeze %dma_wait3A_105 : memref<1x1x96x196xf32, #tpu.memory_space<hbm>> -> memref<96x196xf32, #tpu.memory_space<hbm>>
    tpu.wait_dma2 semaphore(%arg8 : memref<!tpu.dma_semaphore, #tpu.memory_space<semaphore_mem>>) src(%dma_wait3A_106 : memref<96x196xf32, #tpu.memory_space<hbm>>) dst(%arg4 : memref<96x196xf32, #tpu.memory_space<vmem>>)
    %add3A_107 = arith.constant 0 : i32
    %add3A_108 = arith.addi %mul3A_2, %add3A_107 : i32
    %jit3A_109 = arith.constant 32 : i32
    %div3A_110 = arith.divsi %add3A_108, %jit3A_109 : i32
    %sign3A_111 = arith.constant 0 : i32
    %sign3A_112 = arith.cmpi sgt, %add3A_108, %sign3A_111 : i32
    %sign3A_113 = arith.extui %sign3A_112 : i1 to i32
    %sign3A_114 = arith.constant 0 : i32
    %sign3A_115 = arith.cmpi slt, %add3A_108, %sign3A_114 : i32
    %sign3A_116 = arith.extui %sign3A_115 : i1 to i32
    %sign3A_117 = arith.subi %sign3A_113, %sign3A_116 : i32
    %sign3A_118 = arith.constant 0 : i32
    %sign3A_119 = arith.cmpi sgt, %jit3A_109, %sign3A_118 : i32
    %sign3A_120 = arith.extui %sign3A_119 : i1 to i32
    %sign3A_121 = arith.constant 0 : i32
    %sign3A_122 = arith.cmpi slt, %jit3A_109, %sign3A_121 : i32
    %sign3A_123 = arith.extui %sign3A_122 : i1 to i32
    %sign3A_124 = arith.subi %sign3A_120, %sign3A_123 : i32
    %ne3A_125 = arith.cmpi ne, %sign3A_117, %sign3A_124 : i32
    %rem3A_126 = arith.remsi %add3A_108, %jit3A_109 : i32
    %ne3A_127 = arith.constant 0 : i32
    %ne3A_128 = arith.cmpi ne, %rem3A_126, %ne3A_127 : i32
    %and3A_129 = arith.andi %ne3A_125, %ne3A_128 : i1
    %sub3A_130 = arith.constant 1 : i32
    %sub3A_131 = arith.subi %div3A_110, %sub3A_130 : i32
    %select_n3A_132 = arith.select %and3A_129, %sub3A_131, %div3A_110 : i32
    %jit3A_133 = arith.constant 32 : i32
    %eq3A_134 = arith.constant 0 : i32
    %eq3A_135 = arith.cmpi eq, %jit3A_133, %eq3A_134 : i32
    %jit3A_136 = arith.constant 1 : i32
    %select_n3A_137 = arith.select %eq3A_135, %jit3A_136, %jit3A_133 : i32
    %rem3A_138 = arith.remsi %add3A_108, %select_n3A_137 : i32
    %ne3A_139 = arith.constant 0 : i32
    %ne3A_140 = arith.cmpi ne, %rem3A_138, %ne3A_139 : i32
    %lt3A_141 = arith.constant 0 : i32
    %lt3A_142 = arith.cmpi slt, %rem3A_138, %lt3A_141 : i32
    %lt3A_143 = arith.constant 0 : i32
    %lt3A_144 = arith.cmpi slt, %select_n3A_137, %lt3A_143 : i32
    %ne3A_145 = arith.xori %lt3A_142, %lt3A_144 : i1
    %and3A_146 = arith.andi %ne3A_145, %ne3A_140 : i1
    %add3A_147 = arith.addi %rem3A_138, %select_n3A_137 : i32
    %select_n3A_148 = arith.select %and3A_146, %add3A_147, %rem3A_138 : i32
    %mul3A_149 = arith.constant 2 : i32
    %mul3A_150 = arith.muli %mul3A_149, %select_n3A_148 : i32
    %add3A_151 = arith.constant 1 : i32
    %add3A_152 = arith.addi %mul3A_150, %add3A_151 : i32
    %dma_start3A_153 = arith.constant 0 : i32
    %dma_start3A_154 = arith.constant 0 : i32
    %dma_start3A_155 = tpu.memref_slice %arg2[%select_n3A_132, %add3A_152, %dma_start3A_153, %dma_start3A_154] : memref<8x64x192x196xf32, #tpu.memory_space<hbm>> -> memref<1x1x96x196xf32, #tpu.memory_space<hbm>>
    %dma_start3A_156 = tpu.memref_squeeze %dma_start3A_155 : memref<1x1x96x196xf32, #tpu.memory_space<hbm>> -> memref<96x196xf32, #tpu.memory_space<hbm>>
    %dma_start3A_157 = arith.constant 0 : i32
    %dma_start3A_158 = arith.constant 0 : i32
    %dma_start3A_159 = tpu.memref_slice %arg2[%select_n3A_132, %add3A_152, %dma_start3A_157, %dma_start3A_158] : memref<8x64x192x196xf32, #tpu.memory_space<hbm>> -> memref<1x1x96x196xf32, #tpu.memory_space<hbm>>
    %dma_start3A_160 = tpu.memref_squeeze %dma_start3A_159 : memref<1x1x96x196xf32, #tpu.memory_space<hbm>> -> memref<96x196xf32, #tpu.memory_space<hbm>>
    tpu.enqueue_dma source(%dma_start3A_160 : memref<96x196xf32, #tpu.memory_space<hbm>>) target(%arg6 : memref<96x196xf32, #tpu.memory_space<vmem>>) target_semaphore(%arg10 : memref<!tpu.dma_semaphore, #tpu.memory_space<semaphore_mem>>)
    %add3A_161 = arith.constant 0 : i32
    %add3A_162 = arith.addi %mul3A_2, %add3A_161 : i32
    %jit3A_163 = arith.constant 32 : i32
    %div3A_164 = arith.divsi %add3A_162, %jit3A_163 : i32
    %sign3A_165 = arith.constant 0 : i32
    %sign3A_166 = arith.cmpi sgt, %add3A_162, %sign3A_165 : i32
    %sign3A_167 = arith.extui %sign3A_166 : i1 to i32
    %sign3A_168 = arith.constant 0 : i32
    %sign3A_169 = arith.cmpi slt, %add3A_162, %sign3A_168 : i32
    %sign3A_170 = arith.extui %sign3A_169 : i1 to i32
    %sign3A_171 = arith.subi %sign3A_167, %sign3A_170 : i32
    %sign3A_172 = arith.constant 0 : i32
    %sign3A_173 = arith.cmpi sgt, %jit3A_163, %sign3A_172 : i32
    %sign3A_174 = arith.extui %sign3A_173 : i1 to i32
    %sign3A_175 = arith.constant 0 : i32
    %sign3A_176 = arith.cmpi slt, %jit3A_163, %sign3A_175 : i32
    %sign3A_177 = arith.extui %sign3A_176 : i1 to i32
    %sign3A_178 = arith.subi %sign3A_174, %sign3A_177 : i32
    %ne3A_179 = arith.cmpi ne, %sign3A_171, %sign3A_178 : i32
    %rem3A_180 = arith.remsi %add3A_162, %jit3A_163 : i32
    %ne3A_181 = arith.constant 0 : i32
    %ne3A_182 = arith.cmpi ne, %rem3A_180, %ne3A_181 : i32
    %and3A_183 = arith.andi %ne3A_179, %ne3A_182 : i1
    %sub3A_184 = arith.constant 1 : i32
    %sub3A_185 = arith.subi %div3A_164, %sub3A_184 : i32
    %select_n3A_186 = arith.select %and3A_183, %sub3A_185, %div3A_164 : i32
    %jit3A_187 = arith.constant 32 : i32
    %eq3A_188 = arith.constant 0 : i32
    %eq3A_189 = arith.cmpi eq, %jit3A_187, %eq3A_188 : i32
    %jit3A_190 = arith.constant 1 : i32
    %select_n3A_191 = arith.select %eq3A_189, %jit3A_190, %jit3A_187 : i32
    %rem3A_192 = arith.remsi %add3A_162, %select_n3A_191 : i32
    %ne3A_193 = arith.constant 0 : i32
    %ne3A_194 = arith.cmpi ne, %rem3A_192, %ne3A_193 : i32
    %lt3A_195 = arith.constant 0 : i32
    %lt3A_196 = arith.cmpi slt, %rem3A_192, %lt3A_195 : i32
    %lt3A_197 = arith.constant 0 : i32
    %lt3A_198 = arith.cmpi slt, %select_n3A_191, %lt3A_197 : i32
    %ne3A_199 = arith.xori %lt3A_196, %lt3A_198 : i1
    %and3A_200 = arith.andi %ne3A_199, %ne3A_194 : i1
    %add3A_201 = arith.addi %rem3A_192, %select_n3A_191 : i32
    %select_n3A_202 = arith.select %and3A_200, %add3A_201, %rem3A_192 : i32
    %dma_start3A_203 = arith.constant 0 : i32
    %dma_start3A_204 = arith.constant 0 : i32
    %dma_start3A_205 = tpu.memref_slice %arg3[%select_n3A_186, %select_n3A_202, %dma_start3A_203, %dma_start3A_204] : memref<8x32x384x196xf32, #tpu.memory_space<hbm>> -> memref<1x1x96x196xf32, #tpu.memory_space<hbm>>
    %dma_start3A_206 = tpu.memref_squeeze %dma_start3A_205 : memref<1x1x96x196xf32, #tpu.memory_space<hbm>> -> memref<96x196xf32, #tpu.memory_space<hbm>>
    %dma_start3A_207 = arith.constant 0 : i32
    %dma_start3A_208 = arith.constant 0 : i32
    %dma_start3A_209 = tpu.memref_slice %arg3[%select_n3A_186, %select_n3A_202, %dma_start3A_207, %dma_start3A_208] : memref<8x32x384x196xf32, #tpu.memory_space<hbm>> -> memref<1x1x96x196xf32, #tpu.memory_space<hbm>>
    %dma_start3A_210 = tpu.memref_squeeze %dma_start3A_209 : memref<1x1x96x196xf32, #tpu.memory_space<hbm>> -> memref<96x196xf32, #tpu.memory_space<hbm>>
    tpu.enqueue_dma source(%arg4 : memref<96x196xf32, #tpu.memory_space<vmem>>) target(%dma_start3A_210 : memref<96x196xf32, #tpu.memory_space<hbm>>) target_semaphore(%arg12 : memref<!tpu.dma_semaphore, #tpu.memory_space<semaphore_mem>>)
    %dma_wait3A_211 = arith.constant 96 : i32
    %dma_wait3A_212 = arith.constant 0 : i32
    %dma_wait3A_213 = tpu.memref_slice %arg2[%select_n3A_71, %add3A_91, %dma_wait3A_211, %dma_wait3A_212] : memref<8x64x192x196xf32, #tpu.memory_space<hbm>> -> memref<1x1x96x196xf32, #tpu.memory_space<hbm>>
    %dma_wait3A_214 = tpu.memref_squeeze %dma_wait3A_213 : memref<1x1x96x196xf32, #tpu.memory_space<hbm>> -> memref<96x196xf32, #tpu.memory_space<hbm>>
    %dma_wait3A_215 = arith.constant 96 : i32
    %dma_wait3A_216 = arith.constant 0 : i32
    %dma_wait3A_217 = tpu.memref_slice %arg2[%select_n3A_71, %add3A_91, %dma_wait3A_215, %dma_wait3A_216] : memref<8x64x192x196xf32, #tpu.memory_space<hbm>> -> memref<1x1x96x196xf32, #tpu.memory_space<hbm>>
    %dma_wait3A_218 = tpu.memref_squeeze %dma_wait3A_217 : memref<1x1x96x196xf32, #tpu.memory_space<hbm>> -> memref<96x196xf32, #tpu.memory_space<hbm>>
    tpu.wait_dma2 semaphore(%arg9 : memref<!tpu.dma_semaphore, #tpu.memory_space<semaphore_mem>>) src(%dma_wait3A_218 : memref<96x196xf32, #tpu.memory_space<hbm>>) dst(%arg5 : memref<96x196xf32, #tpu.memory_space<vmem>>)
    %add3A_219 = arith.constant 0 : i32
    %add3A_220 = arith.addi %mul3A_2, %add3A_219 : i32
    %jit3A_221 = arith.constant 32 : i32
    %div3A_222 = arith.divsi %add3A_220, %jit3A_221 : i32
    %sign3A_223 = arith.constant 0 : i32
    %sign3A_224 = arith.cmpi sgt, %add3A_220, %sign3A_223 : i32
    %sign3A_225 = arith.extui %sign3A_224 : i1 to i32
    %sign3A_226 = arith.constant 0 : i32
    %sign3A_227 = arith.cmpi slt, %add3A_220, %sign3A_226 : i32
    %sign3A_228 = arith.extui %sign3A_227 : i1 to i32
    %sign3A_229 = arith.subi %sign3A_225, %sign3A_228 : i32
    %sign3A_230 = arith.constant 0 : i32
    %sign3A_231 = arith.cmpi sgt, %jit3A_221, %sign3A_230 : i32
    %sign3A_232 = arith.extui %sign3A_231 : i1 to i32
    %sign3A_233 = arith.constant 0 : i32
    %sign3A_234 = arith.cmpi slt, %jit3A_221, %sign3A_233 : i32
    %sign3A_235 = arith.extui %sign3A_234 : i1 to i32
    %sign3A_236 = arith.subi %sign3A_232, %sign3A_235 : i32
    %ne3A_237 = arith.cmpi ne, %sign3A_229, %sign3A_236 : i32
    %rem3A_238 = arith.remsi %add3A_220, %jit3A_221 : i32
    %ne3A_239 = arith.constant 0 : i32
    %ne3A_240 = arith.cmpi ne, %rem3A_238, %ne3A_239 : i32
    %and3A_241 = arith.andi %ne3A_237, %ne3A_240 : i1
    %sub3A_242 = arith.constant 1 : i32
    %sub3A_243 = arith.subi %div3A_222, %sub3A_242 : i32
    %select_n3A_244 = arith.select %and3A_241, %sub3A_243, %div3A_222 : i32
    %jit3A_245 = arith.constant 32 : i32
    %eq3A_246 = arith.constant 0 : i32
    %eq3A_247 = arith.cmpi eq, %jit3A_245, %eq3A_246 : i32
    %jit3A_248 = arith.constant 1 : i32
    %select_n3A_249 = arith.select %eq3A_247, %jit3A_248, %jit3A_245 : i32
    %rem3A_250 = arith.remsi %add3A_220, %select_n3A_249 : i32
    %ne3A_251 = arith.constant 0 : i32
    %ne3A_252 = arith.cmpi ne, %rem3A_250, %ne3A_251 : i32
    %lt3A_253 = arith.constant 0 : i32
    %lt3A_254 = arith.cmpi slt, %rem3A_250, %lt3A_253 : i32
    %lt3A_255 = arith.constant 0 : i32
    %lt3A_256 = arith.cmpi slt, %select_n3A_249, %lt3A_255 : i32
    %ne3A_257 = arith.xori %lt3A_254, %lt3A_256 : i1
    %and3A_258 = arith.andi %ne3A_257, %ne3A_252 : i1
    %add3A_259 = arith.addi %rem3A_250, %select_n3A_249 : i32
    %select_n3A_260 = arith.select %and3A_258, %add3A_259, %rem3A_250 : i32
    %mul3A_261 = arith.constant 2 : i32
    %mul3A_262 = arith.muli %mul3A_261, %select_n3A_260 : i32
    %add3A_263 = arith.constant 1 : i32
    %add3A_264 = arith.addi %mul3A_262, %add3A_263 : i32
    %dma_start3A_265 = arith.constant 96 : i32
    %dma_start3A_266 = arith.constant 0 : i32
    %dma_start3A_267 = tpu.memref_slice %arg2[%select_n3A_244, %add3A_264, %dma_start3A_265, %dma_start3A_266] : memref<8x64x192x196xf32, #tpu.memory_space<hbm>> -> memref<1x1x96x196xf32, #tpu.memory_space<hbm>>
    %dma_start3A_268 = tpu.memref_squeeze %dma_start3A_267 : memref<1x1x96x196xf32, #tpu.memory_space<hbm>> -> memref<96x196xf32, #tpu.memory_space<hbm>>
    %dma_start3A_269 = arith.constant 96 : i32
    %dma_start3A_270 = arith.constant 0 : i32
    %dma_start3A_271 = tpu.memref_slice %arg2[%select_n3A_244, %add3A_264, %dma_start3A_269, %dma_start3A_270] : memref<8x64x192x196xf32, #tpu.memory_space<hbm>> -> memref<1x1x96x196xf32, #tpu.memory_space<hbm>>
    %dma_start3A_272 = tpu.memref_squeeze %dma_start3A_271 : memref<1x1x96x196xf32, #tpu.memory_space<hbm>> -> memref<96x196xf32, #tpu.memory_space<hbm>>
    tpu.enqueue_dma source(%dma_start3A_272 : memref<96x196xf32, #tpu.memory_space<hbm>>) target(%arg7 : memref<96x196xf32, #tpu.memory_space<vmem>>) target_semaphore(%arg11 : memref<!tpu.dma_semaphore, #tpu.memory_space<semaphore_mem>>)
    %add3A_273 = arith.constant 0 : i32
    %add3A_274 = arith.addi %mul3A_2, %add3A_273 : i32
    %jit3A_275 = arith.constant 32 : i32
    %div3A_276 = arith.divsi %add3A_274, %jit3A_275 : i32
    %sign3A_277 = arith.constant 0 : i32
    %sign3A_278 = arith.cmpi sgt, %add3A_274, %sign3A_277 : i32
    %sign3A_279 = arith.extui %sign3A_278 : i1 to i32
    %sign3A_280 = arith.constant 0 : i32
    %sign3A_281 = arith.cmpi slt, %add3A_274, %sign3A_280 : i32
    %sign3A_282 = arith.extui %sign3A_281 : i1 to i32
    %sign3A_283 = arith.subi %sign3A_279, %sign3A_282 : i32
    %sign3A_284 = arith.constant 0 : i32
    %sign3A_285 = arith.cmpi sgt, %jit3A_275, %sign3A_284 : i32
    %sign3A_286 = arith.extui %sign3A_285 : i1 to i32
    %sign3A_287 = arith.constant 0 : i32
    %sign3A_288 = arith.cmpi slt, %jit3A_275, %sign3A_287 : i32
    %sign3A_289 = arith.extui %sign3A_288 : i1 to i32
    %sign3A_290 = arith.subi %sign3A_286, %sign3A_289 : i32
    %ne3A_291 = arith.cmpi ne, %sign3A_283, %sign3A_290 : i32
    %rem3A_292 = arith.remsi %add3A_274, %jit3A_275 : i32
    %ne3A_293 = arith.constant 0 : i32
    %ne3A_294 = arith.cmpi ne, %rem3A_292, %ne3A_293 : i32
    %and3A_295 = arith.andi %ne3A_291, %ne3A_294 : i1
    %sub3A_296 = arith.constant 1 : i32
    %sub3A_297 = arith.subi %div3A_276, %sub3A_296 : i32
    %select_n3A_298 = arith.select %and3A_295, %sub3A_297, %div3A_276 : i32
    %jit3A_299 = arith.constant 32 : i32
    %eq3A_300 = arith.constant 0 : i32
    %eq3A_301 = arith.cmpi eq, %jit3A_299, %eq3A_300 : i32
    %jit3A_302 = arith.constant 1 : i32
    %select_n3A_303 = arith.select %eq3A_301, %jit3A_302, %jit3A_299 : i32
    %rem3A_304 = arith.remsi %add3A_274, %select_n3A_303 : i32
    %ne3A_305 = arith.constant 0 : i32
    %ne3A_306 = arith.cmpi ne, %rem3A_304, %ne3A_305 : i32
    %lt3A_307 = arith.constant 0 : i32
    %lt3A_308 = arith.cmpi slt, %rem3A_304, %lt3A_307 : i32
    %lt3A_309 = arith.constant 0 : i32
    %lt3A_310 = arith.cmpi slt, %select_n3A_303, %lt3A_309 : i32
    %ne3A_311 = arith.xori %lt3A_308, %lt3A_310 : i1
    %and3A_312 = arith.andi %ne3A_311, %ne3A_306 : i1
    %add3A_313 = arith.addi %rem3A_304, %select_n3A_303 : i32
    %select_n3A_314 = arith.select %and3A_312, %add3A_313, %rem3A_304 : i32
    %dma_start3A_315 = arith.constant 96 : i32
    %dma_start3A_316 = arith.constant 0 : i32
    %dma_start3A_317 = tpu.memref_slice %arg3[%select_n3A_298, %select_n3A_314, %dma_start3A_315, %dma_start3A_316] : memref<8x32x384x196xf32, #tpu.memory_space<hbm>> -> memref<1x1x96x196xf32, #tpu.memory_space<hbm>>
    %dma_start3A_318 = tpu.memref_squeeze %dma_start3A_317 : memref<1x1x96x196xf32, #tpu.memory_space<hbm>> -> memref<96x196xf32, #tpu.memory_space<hbm>>
    %dma_start3A_319 = arith.constant 96 : i32
    %dma_start3A_320 = arith.constant 0 : i32
    %dma_start3A_321 = tpu.memref_slice %arg3[%select_n3A_298, %select_n3A_314, %dma_start3A_319, %dma_start3A_320] : memref<8x32x384x196xf32, #tpu.memory_space<hbm>> -> memref<1x1x96x196xf32, #tpu.memory_space<hbm>>
    %dma_start3A_322 = tpu.memref_squeeze %dma_start3A_321 : memref<1x1x96x196xf32, #tpu.memory_space<hbm>> -> memref<96x196xf32, #tpu.memory_space<hbm>>
    tpu.enqueue_dma source(%arg5 : memref<96x196xf32, #tpu.memory_space<vmem>>) target(%dma_start3A_322 : memref<96x196xf32, #tpu.memory_space<hbm>>) target_semaphore(%arg13 : memref<!tpu.dma_semaphore, #tpu.memory_space<semaphore_mem>>)
    %dma_wait3A_323 = arith.constant 0 : i32
    %dma_wait3A_324 = arith.constant 0 : i32
    %dma_wait3A_325 = tpu.memref_slice %arg2[%select_n3A_132, %add3A_152, %dma_wait3A_323, %dma_wait3A_324] : memref<8x64x192x196xf32, #tpu.memory_space<hbm>> -> memref<1x1x96x196xf32, #tpu.memory_space<hbm>>
    %dma_wait3A_326 = tpu.memref_squeeze %dma_wait3A_325 : memref<1x1x96x196xf32, #tpu.memory_space<hbm>> -> memref<96x196xf32, #tpu.memory_space<hbm>>
    %dma_wait3A_327 = arith.constant 0 : i32
    %dma_wait3A_328 = arith.constant 0 : i32
    %dma_wait3A_329 = tpu.memref_slice %arg2[%select_n3A_132, %add3A_152, %dma_wait3A_327, %dma_wait3A_328] : memref<8x64x192x196xf32, #tpu.memory_space<hbm>> -> memref<1x1x96x196xf32, #tpu.memory_space<hbm>>
    %dma_wait3A_330 = tpu.memref_squeeze %dma_wait3A_329 : memref<1x1x96x196xf32, #tpu.memory_space<hbm>> -> memref<96x196xf32, #tpu.memory_space<hbm>>
    tpu.wait_dma2 semaphore(%arg10 : memref<!tpu.dma_semaphore, #tpu.memory_space<semaphore_mem>>) src(%dma_wait3A_330 : memref<96x196xf32, #tpu.memory_space<hbm>>) dst(%arg6 : memref<96x196xf32, #tpu.memory_space<vmem>>)
    %dma_wait3A_331 = arith.constant 0 : i32
    %dma_wait3A_332 = arith.constant 0 : i32
    %dma_wait3A_333 = tpu.memref_slice %arg3[%select_n3A_186, %select_n3A_202, %dma_wait3A_331, %dma_wait3A_332] : memref<8x32x384x196xf32, #tpu.memory_space<hbm>> -> memref<1x1x96x196xf32, #tpu.memory_space<hbm>>
    %dma_wait3A_334 = tpu.memref_squeeze %dma_wait3A_333 : memref<1x1x96x196xf32, #tpu.memory_space<hbm>> -> memref<96x196xf32, #tpu.memory_space<hbm>>
    %dma_wait3A_335 = arith.constant 0 : i32
    %dma_wait3A_336 = arith.constant 0 : i32
    %dma_wait3A_337 = tpu.memref_slice %arg3[%select_n3A_186, %select_n3A_202, %dma_wait3A_335, %dma_wait3A_336] : memref<8x32x384x196xf32, #tpu.memory_space<hbm>> -> memref<1x1x96x196xf32, #tpu.memory_space<hbm>>
    %dma_wait3A_338 = tpu.memref_squeeze %dma_wait3A_337 : memref<1x1x96x196xf32, #tpu.memory_space<hbm>> -> memref<96x196xf32, #tpu.memory_space<hbm>>
    tpu.wait_dma2 semaphore(%arg12 : memref<!tpu.dma_semaphore, #tpu.memory_space<semaphore_mem>>) src(%arg4 : memref<96x196xf32, #tpu.memory_space<vmem>>) dst(%dma_wait3A_338 : memref<96x196xf32, #tpu.memory_space<hbm>>)
    %add3A_339 = arith.constant 1 : i32
    %add3A_340 = arith.addi %mul3A_2, %add3A_339 : i32
    %jit3A_341 = arith.constant 32 : i32
    %div3A_342 = arith.divsi %add3A_340, %jit3A_341 : i32
    %sign3A_343 = arith.constant 0 : i32
    %sign3A_344 = arith.cmpi sgt, %add3A_340, %sign3A_343 : i32
    %sign3A_345 = arith.extui %sign3A_344 : i1 to i32
    %sign3A_346 = arith.constant 0 : i32
    %sign3A_347 = arith.cmpi slt, %add3A_340, %sign3A_346 : i32
    %sign3A_348 = arith.extui %sign3A_347 : i1 to i32
    %sign3A_349 = arith.subi %sign3A_345, %sign3A_348 : i32
    %sign3A_350 = arith.constant 0 : i32
    %sign3A_351 = arith.cmpi sgt, %jit3A_341, %sign3A_350 : i32
    %sign3A_352 = arith.extui %sign3A_351 : i1 to i32
    %sign3A_353 = arith.constant 0 : i32
    %sign3A_354 = arith.cmpi slt, %jit3A_341, %sign3A_353 : i32
    %sign3A_355 = arith.extui %sign3A_354 : i1 to i32
    %sign3A_356 = arith.subi %sign3A_352, %sign3A_355 : i32
    %ne3A_357 = arith.cmpi ne, %sign3A_349, %sign3A_356 : i32
    %rem3A_358 = arith.remsi %add3A_340, %jit3A_341 : i32
    %ne3A_359 = arith.constant 0 : i32
    %ne3A_360 = arith.cmpi ne, %rem3A_358, %ne3A_359 : i32
    %and3A_361 = arith.andi %ne3A_357, %ne3A_360 : i1
    %sub3A_362 = arith.constant 1 : i32
    %sub3A_363 = arith.subi %div3A_342, %sub3A_362 : i32
    %select_n3A_364 = arith.select %and3A_361, %sub3A_363, %div3A_342 : i32
    %jit3A_365 = arith.constant 32 : i32
    %eq3A_366 = arith.constant 0 : i32
    %eq3A_367 = arith.cmpi eq, %jit3A_365, %eq3A_366 : i32
    %jit3A_368 = arith.constant 1 : i32
    %select_n3A_369 = arith.select %eq3A_367, %jit3A_368, %jit3A_365 : i32
    %rem3A_370 = arith.remsi %add3A_340, %select_n3A_369 : i32
    %ne3A_371 = arith.constant 0 : i32
    %ne3A_372 = arith.cmpi ne, %rem3A_370, %ne3A_371 : i32
    %lt3A_373 = arith.constant 0 : i32
    %lt3A_374 = arith.cmpi slt, %rem3A_370, %lt3A_373 : i32
    %lt3A_375 = arith.constant 0 : i32
    %lt3A_376 = arith.cmpi slt, %select_n3A_369, %lt3A_375 : i32
    %ne3A_377 = arith.xori %lt3A_374, %lt3A_376 : i1
    %and3A_378 = arith.andi %ne3A_377, %ne3A_372 : i1
    %add3A_379 = arith.addi %rem3A_370, %select_n3A_369 : i32
    %select_n3A_380 = arith.select %and3A_378, %add3A_379, %rem3A_370 : i32
    %mul3A_381 = arith.constant 2 : i32
    %mul3A_382 = arith.muli %mul3A_381, %select_n3A_380 : i32
    %add3A_383 = arith.constant 0 : i32
    %add3A_384 = arith.addi %mul3A_382, %add3A_383 : i32
    %dma_start3A_385 = arith.constant 0 : i32
    %dma_start3A_386 = arith.constant 0 : i32
    %dma_start3A_387 = tpu.memref_slice %arg2[%select_n3A_364, %add3A_384, %dma_start3A_385, %dma_start3A_386] : memref<8x64x192x196xf32, #tpu.memory_space<hbm>> -> memref<1x1x96x196xf32, #tpu.memory_space<hbm>>
    %dma_start3A_388 = tpu.memref_squeeze %dma_start3A_387 : memref<1x1x96x196xf32, #tpu.memory_space<hbm>> -> memref<96x196xf32, #tpu.memory_space<hbm>>
    %dma_start3A_389 = arith.constant 0 : i32
    %dma_start3A_390 = arith.constant 0 : i32
    %dma_start3A_391 = tpu.memref_slice %arg2[%select_n3A_364, %add3A_384, %dma_start3A_389, %dma_start3A_390] : memref<8x64x192x196xf32, #tpu.memory_space<hbm>> -> memref<1x1x96x196xf32, #tpu.memory_space<hbm>>
    %dma_start3A_392 = tpu.memref_squeeze %dma_start3A_391 : memref<1x1x96x196xf32, #tpu.memory_space<hbm>> -> memref<96x196xf32, #tpu.memory_space<hbm>>
    tpu.enqueue_dma source(%dma_start3A_392 : memref<96x196xf32, #tpu.memory_space<hbm>>) target(%arg4 : memref<96x196xf32, #tpu.memory_space<vmem>>) target_semaphore(%arg8 : memref<!tpu.dma_semaphore, #tpu.memory_space<semaphore_mem>>)
    %add3A_393 = arith.constant 0 : i32
    %add3A_394 = arith.addi %mul3A_2, %add3A_393 : i32
    %jit3A_395 = arith.constant 32 : i32
    %div3A_396 = arith.divsi %add3A_394, %jit3A_395 : i32
    %sign3A_397 = arith.constant 0 : i32
    %sign3A_398 = arith.cmpi sgt, %add3A_394, %sign3A_397 : i32
    %sign3A_399 = arith.extui %sign3A_398 : i1 to i32
    %sign3A_400 = arith.constant 0 : i32
    %sign3A_401 = arith.cmpi slt, %add3A_394, %sign3A_400 : i32
    %sign3A_402 = arith.extui %sign3A_401 : i1 to i32
    %sign3A_403 = arith.subi %sign3A_399, %sign3A_402 : i32
    %sign3A_404 = arith.constant 0 : i32
    %sign3A_405 = arith.cmpi sgt, %jit3A_395, %sign3A_404 : i32
    %sign3A_406 = arith.extui %sign3A_405 : i1 to i32
    %sign3A_407 = arith.constant 0 : i32
    %sign3A_408 = arith.cmpi slt, %jit3A_395, %sign3A_407 : i32
    %sign3A_409 = arith.extui %sign3A_408 : i1 to i32
    %sign3A_410 = arith.subi %sign3A_406, %sign3A_409 : i32
    %ne3A_411 = arith.cmpi ne, %sign3A_403, %sign3A_410 : i32
    %rem3A_412 = arith.remsi %add3A_394, %jit3A_395 : i32
    %ne3A_413 = arith.constant 0 : i32
    %ne3A_414 = arith.cmpi ne, %rem3A_412, %ne3A_413 : i32
    %and3A_415 = arith.andi %ne3A_411, %ne3A_414 : i1
    %sub3A_416 = arith.constant 1 : i32
    %sub3A_417 = arith.subi %div3A_396, %sub3A_416 : i32
    %select_n3A_418 = arith.select %and3A_415, %sub3A_417, %div3A_396 : i32
    %jit3A_419 = arith.constant 32 : i32
    %eq3A_420 = arith.constant 0 : i32
    %eq3A_421 = arith.cmpi eq, %jit3A_419, %eq3A_420 : i32
    %jit3A_422 = arith.constant 1 : i32
    %select_n3A_423 = arith.select %eq3A_421, %jit3A_422, %jit3A_419 : i32
    %rem3A_424 = arith.remsi %add3A_394, %select_n3A_423 : i32
    %ne3A_425 = arith.constant 0 : i32
    %ne3A_426 = arith.cmpi ne, %rem3A_424, %ne3A_425 : i32
    %lt3A_427 = arith.constant 0 : i32
    %lt3A_428 = arith.cmpi slt, %rem3A_424, %lt3A_427 : i32
    %lt3A_429 = arith.constant 0 : i32
    %lt3A_430 = arith.cmpi slt, %select_n3A_423, %lt3A_429 : i32
    %ne3A_431 = arith.xori %lt3A_428, %lt3A_430 : i1
    %and3A_432 = arith.andi %ne3A_431, %ne3A_426 : i1
    %add3A_433 = arith.addi %rem3A_424, %select_n3A_423 : i32
    %select_n3A_434 = arith.select %and3A_432, %add3A_433, %rem3A_424 : i32
    %dma_start3A_435 = arith.constant 192 : i32
    %dma_start3A_436 = arith.constant 0 : i32
    %dma_start3A_437 = tpu.memref_slice %arg3[%select_n3A_418, %select_n3A_434, %dma_start3A_435, %dma_start3A_436] : memref<8x32x384x196xf32, #tpu.memory_space<hbm>> -> memref<1x1x96x196xf32, #tpu.memory_space<hbm>>
    %dma_start3A_438 = tpu.memref_squeeze %dma_start3A_437 : memref<1x1x96x196xf32, #tpu.memory_space<hbm>> -> memref<96x196xf32, #tpu.memory_space<hbm>>
    %dma_start3A_439 = arith.constant 192 : i32
    %dma_start3A_440 = arith.constant 0 : i32
    %dma_start3A_441 = tpu.memref_slice %arg3[%select_n3A_418, %select_n3A_434, %dma_start3A_439, %dma_start3A_440] : memref<8x32x384x196xf32, #tpu.memory_space<hbm>> -> memref<1x1x96x196xf32, #tpu.memory_space<hbm>>
    %dma_start3A_442 = tpu.memref_squeeze %dma_start3A_441 : memref<1x1x96x196xf32, #tpu.memory_space<hbm>> -> memref<96x196xf32, #tpu.memory_space<hbm>>
    tpu.enqueue_dma source(%arg6 : memref<96x196xf32, #tpu.memory_space<vmem>>) target(%dma_start3A_442 : memref<96x196xf32, #tpu.memory_space<hbm>>) target_semaphore(%arg14 : memref<!tpu.dma_semaphore, #tpu.memory_space<semaphore_mem>>)
    %dma_wait3A_443 = arith.constant 96 : i32
    %dma_wait3A_444 = arith.constant 0 : i32
    %dma_wait3A_445 = tpu.memref_slice %arg2[%select_n3A_244, %add3A_264, %dma_wait3A_443, %dma_wait3A_444] : memref<8x64x192x196xf32, #tpu.memory_space<hbm>> -> memref<1x1x96x196xf32, #tpu.memory_space<hbm>>
    %dma_wait3A_446 = tpu.memref_squeeze %dma_wait3A_445 : memref<1x1x96x196xf32, #tpu.memory_space<hbm>> -> memref<96x196xf32, #tpu.memory_space<hbm>>
    %dma_wait3A_447 = arith.constant 96 : i32
    %dma_wait3A_448 = arith.constant 0 : i32
    %dma_wait3A_449 = tpu.memref_slice %arg2[%select_n3A_244, %add3A_264, %dma_wait3A_447, %dma_wait3A_448] : memref<8x64x192x196xf32, #tpu.memory_space<hbm>> -> memref<1x1x96x196xf32, #tpu.memory_space<hbm>>
    %dma_wait3A_450 = tpu.memref_squeeze %dma_wait3A_449 : memref<1x1x96x196xf32, #tpu.memory_space<hbm>> -> memref<96x196xf32, #tpu.memory_space<hbm>>
    tpu.wait_dma2 semaphore(%arg11 : memref<!tpu.dma_semaphore, #tpu.memory_space<semaphore_mem>>) src(%dma_wait3A_450 : memref<96x196xf32, #tpu.memory_space<hbm>>) dst(%arg7 : memref<96x196xf32, #tpu.memory_space<vmem>>)
    %dma_wait3A_451 = arith.constant 96 : i32
    %dma_wait3A_452 = arith.constant 0 : i32
    %dma_wait3A_453 = tpu.memref_slice %arg3[%select_n3A_298, %select_n3A_314, %dma_wait3A_451, %dma_wait3A_452] : memref<8x32x384x196xf32, #tpu.memory_space<hbm>> -> memref<1x1x96x196xf32, #tpu.memory_space<hbm>>
    %dma_wait3A_454 = tpu.memref_squeeze %dma_wait3A_453 : memref<1x1x96x196xf32, #tpu.memory_space<hbm>> -> memref<96x196xf32, #tpu.memory_space<hbm>>
    %dma_wait3A_455 = arith.constant 96 : i32
    %dma_wait3A_456 = arith.constant 0 : i32
    %dma_wait3A_457 = tpu.memref_slice %arg3[%select_n3A_298, %select_n3A_314, %dma_wait3A_455, %dma_wait3A_456] : memref<8x32x384x196xf32, #tpu.memory_space<hbm>> -> memref<1x1x96x196xf32, #tpu.memory_space<hbm>>
    %dma_wait3A_458 = tpu.memref_squeeze %dma_wait3A_457 : memref<1x1x96x196xf32, #tpu.memory_space<hbm>> -> memref<96x196xf32, #tpu.memory_space<hbm>>
    tpu.wait_dma2 semaphore(%arg13 : memref<!tpu.dma_semaphore, #tpu.memory_space<semaphore_mem>>) src(%arg5 : memref<96x196xf32, #tpu.memory_space<vmem>>) dst(%dma_wait3A_458 : memref<96x196xf32, #tpu.memory_space<hbm>>)
    %add3A_459 = arith.constant 1 : i32
    %add3A_460 = arith.addi %mul3A_2, %add3A_459 : i32
    %jit3A_461 = arith.constant 32 : i32
    %div3A_462 = arith.divsi %add3A_460, %jit3A_461 : i32
    %sign3A_463 = arith.constant 0 : i32
    %sign3A_464 = arith.cmpi sgt, %add3A_460, %sign3A_463 : i32
    %sign3A_465 = arith.extui %sign3A_464 : i1 to i32
    %sign3A_466 = arith.constant 0 : i32
    %sign3A_467 = arith.cmpi slt, %add3A_460, %sign3A_466 : i32
    %sign3A_468 = arith.extui %sign3A_467 : i1 to i32
    %sign3A_469 = arith.subi %sign3A_465, %sign3A_468 : i32
    %sign3A_470 = arith.constant 0 : i32
    %sign3A_471 = arith.cmpi sgt, %jit3A_461, %sign3A_470 : i32
    %sign3A_472 = arith.extui %sign3A_471 : i1 to i32
    %sign3A_473 = arith.constant 0 : i32
    %sign3A_474 = arith.cmpi slt, %jit3A_461, %sign3A_473 : i32
    %sign3A_475 = arith.extui %sign3A_474 : i1 to i32
    %sign3A_476 = arith.subi %sign3A_472, %sign3A_475 : i32
    %ne3A_477 = arith.cmpi ne, %sign3A_469, %sign3A_476 : i32
    %rem3A_478 = arith.remsi %add3A_460, %jit3A_461 : i32
    %ne3A_479 = arith.constant 0 : i32
    %ne3A_480 = arith.cmpi ne, %rem3A_478, %ne3A_479 : i32
    %and3A_481 = arith.andi %ne3A_477, %ne3A_480 : i1
    %sub3A_482 = arith.constant 1 : i32
    %sub3A_483 = arith.subi %div3A_462, %sub3A_482 : i32
    %select_n3A_484 = arith.select %and3A_481, %sub3A_483, %div3A_462 : i32
    %jit3A_485 = arith.constant 32 : i32
    %eq3A_486 = arith.constant 0 : i32
    %eq3A_487 = arith.cmpi eq, %jit3A_485, %eq3A_486 : i32
    %jit3A_488 = arith.constant 1 : i32
    %select_n3A_489 = arith.select %eq3A_487, %jit3A_488, %jit3A_485 : i32
    %rem3A_490 = arith.remsi %add3A_460, %select_n3A_489 : i32
    %ne3A_491 = arith.constant 0 : i32
    %ne3A_492 = arith.cmpi ne, %rem3A_490, %ne3A_491 : i32
    %lt3A_493 = arith.constant 0 : i32
    %lt3A_494 = arith.cmpi slt, %rem3A_490, %lt3A_493 : i32
    %lt3A_495 = arith.constant 0 : i32
    %lt3A_496 = arith.cmpi slt, %select_n3A_489, %lt3A_495 : i32
    %ne3A_497 = arith.xori %lt3A_494, %lt3A_496 : i1
    %and3A_498 = arith.andi %ne3A_497, %ne3A_492 : i1
    %add3A_499 = arith.addi %rem3A_490, %select_n3A_489 : i32
    %select_n3A_500 = arith.select %and3A_498, %add3A_499, %rem3A_490 : i32
    %mul3A_501 = arith.constant 2 : i32
    %mul3A_502 = arith.muli %mul3A_501, %select_n3A_500 : i32
    %add3A_503 = arith.constant 0 : i32
    %add3A_504 = arith.addi %mul3A_502, %add3A_503 : i32
    %dma_start3A_505 = arith.constant 96 : i32
    %dma_start3A_506 = arith.constant 0 : i32
    %dma_start3A_507 = tpu.memref_slice %arg2[%select_n3A_484, %add3A_504, %dma_start3A_505, %dma_start3A_506] : memref<8x64x192x196xf32, #tpu.memory_space<hbm>> -> memref<1x1x96x196xf32, #tpu.memory_space<hbm>>
    %dma_start3A_508 = tpu.memref_squeeze %dma_start3A_507 : memref<1x1x96x196xf32, #tpu.memory_space<hbm>> -> memref<96x196xf32, #tpu.memory_space<hbm>>
    %dma_start3A_509 = arith.constant 96 : i32
    %dma_start3A_510 = arith.constant 0 : i32
    %dma_start3A_511 = tpu.memref_slice %arg2[%select_n3A_484, %add3A_504, %dma_start3A_509, %dma_start3A_510] : memref<8x64x192x196xf32, #tpu.memory_space<hbm>> -> memref<1x1x96x196xf32, #tpu.memory_space<hbm>>
    %dma_start3A_512 = tpu.memref_squeeze %dma_start3A_511 : memref<1x1x96x196xf32, #tpu.memory_space<hbm>> -> memref<96x196xf32, #tpu.memory_space<hbm>>
    tpu.enqueue_dma source(%dma_start3A_512 : memref<96x196xf32, #tpu.memory_space<hbm>>) target(%arg5 : memref<96x196xf32, #tpu.memory_space<vmem>>) target_semaphore(%arg9 : memref<!tpu.dma_semaphore, #tpu.memory_space<semaphore_mem>>)
    %add3A_513 = arith.constant 0 : i32
    %add3A_514 = arith.addi %mul3A_2, %add3A_513 : i32
    %jit3A_515 = arith.constant 32 : i32
    %div3A_516 = arith.divsi %add3A_514, %jit3A_515 : i32
    %sign3A_517 = arith.constant 0 : i32
    %sign3A_518 = arith.cmpi sgt, %add3A_514, %sign3A_517 : i32
    %sign3A_519 = arith.extui %sign3A_518 : i1 to i32
    %sign3A_520 = arith.constant 0 : i32
    %sign3A_521 = arith.cmpi slt, %add3A_514, %sign3A_520 : i32
    %sign3A_522 = arith.extui %sign3A_521 : i1 to i32
    %sign3A_523 = arith.subi %sign3A_519, %sign3A_522 : i32
    %sign3A_524 = arith.constant 0 : i32
    %sign3A_525 = arith.cmpi sgt, %jit3A_515, %sign3A_524 : i32
    %sign3A_526 = arith.extui %sign3A_525 : i1 to i32
    %sign3A_527 = arith.constant 0 : i32
    %sign3A_528 = arith.cmpi slt, %jit3A_515, %sign3A_527 : i32
    %sign3A_529 = arith.extui %sign3A_528 : i1 to i32
    %sign3A_530 = arith.subi %sign3A_526, %sign3A_529 : i32
    %ne3A_531 = arith.cmpi ne, %sign3A_523, %sign3A_530 : i32
    %rem3A_532 = arith.remsi %add3A_514, %jit3A_515 : i32
    %ne3A_533 = arith.constant 0 : i32
    %ne3A_534 = arith.cmpi ne, %rem3A_532, %ne3A_533 : i32
    %and3A_535 = arith.andi %ne3A_531, %ne3A_534 : i1
    %sub3A_536 = arith.constant 1 : i32
    %sub3A_537 = arith.subi %div3A_516, %sub3A_536 : i32
    %select_n3A_538 = arith.select %and3A_535, %sub3A_537, %div3A_516 : i32
    %jit3A_539 = arith.constant 32 : i32
    %eq3A_540 = arith.constant 0 : i32
    %eq3A_541 = arith.cmpi eq, %jit3A_539, %eq3A_540 : i32
    %jit3A_542 = arith.constant 1 : i32
    %select_n3A_543 = arith.select %eq3A_541, %jit3A_542, %jit3A_539 : i32
    %rem3A_544 = arith.remsi %add3A_514, %select_n3A_543 : i32
    %ne3A_545 = arith.constant 0 : i32
    %ne3A_546 = arith.cmpi ne, %rem3A_544, %ne3A_545 : i32
    %lt3A_547 = arith.constant 0 : i32
    %lt3A_548 = arith.cmpi slt, %rem3A_544, %lt3A_547 : i32
    %lt3A_549 = arith.constant 0 : i32
    %lt3A_550 = arith.cmpi slt, %select_n3A_543, %lt3A_549 : i32
    %ne3A_551 = arith.xori %lt3A_548, %lt3A_550 : i1
    %and3A_552 = arith.andi %ne3A_551, %ne3A_546 : i1
    %add3A_553 = arith.addi %rem3A_544, %select_n3A_543 : i32
    %select_n3A_554 = arith.select %and3A_552, %add3A_553, %rem3A_544 : i32
    %dma_start3A_555 = arith.constant 288 : i32
    %dma_start3A_556 = arith.constant 0 : i32
    %dma_start3A_557 = tpu.memref_slice %arg3[%select_n3A_538, %select_n3A_554, %dma_start3A_555, %dma_start3A_556] : memref<8x32x384x196xf32, #tpu.memory_space<hbm>> -> memref<1x1x96x196xf32, #tpu.memory_space<hbm>>
    %dma_start3A_558 = tpu.memref_squeeze %dma_start3A_557 : memref<1x1x96x196xf32, #tpu.memory_space<hbm>> -> memref<96x196xf32, #tpu.memory_space<hbm>>
    %dma_start3A_559 = arith.constant 288 : i32
    %dma_start3A_560 = arith.constant 0 : i32
    %dma_start3A_561 = tpu.memref_slice %arg3[%select_n3A_538, %select_n3A_554, %dma_start3A_559, %dma_start3A_560] : memref<8x32x384x196xf32, #tpu.memory_space<hbm>> -> memref<1x1x96x196xf32, #tpu.memory_space<hbm>>
    %dma_start3A_562 = tpu.memref_squeeze %dma_start3A_561 : memref<1x1x96x196xf32, #tpu.memory_space<hbm>> -> memref<96x196xf32, #tpu.memory_space<hbm>>
    tpu.enqueue_dma source(%arg7 : memref<96x196xf32, #tpu.memory_space<vmem>>) target(%dma_start3A_562 : memref<96x196xf32, #tpu.memory_space<hbm>>) target_semaphore(%arg15 : memref<!tpu.dma_semaphore, #tpu.memory_space<semaphore_mem>>)
    %dma_wait3A_563 = arith.constant 0 : i32
    %dma_wait3A_564 = arith.constant 0 : i32
    %dma_wait3A_565 = tpu.memref_slice %arg2[%select_n3A_364, %add3A_384, %dma_wait3A_563, %dma_wait3A_564] : memref<8x64x192x196xf32, #tpu.memory_space<hbm>> -> memref<1x1x96x196xf32, #tpu.memory_space<hbm>>
    %dma_wait3A_566 = tpu.memref_squeeze %dma_wait3A_565 : memref<1x1x96x196xf32, #tpu.memory_space<hbm>> -> memref<96x196xf32, #tpu.memory_space<hbm>>
    %dma_wait3A_567 = arith.constant 0 : i32
    %dma_wait3A_568 = arith.constant 0 : i32
    %dma_wait3A_569 = tpu.memref_slice %arg2[%select_n3A_364, %add3A_384, %dma_wait3A_567, %dma_wait3A_568] : memref<8x64x192x196xf32, #tpu.memory_space<hbm>> -> memref<1x1x96x196xf32, #tpu.memory_space<hbm>>
    %dma_wait3A_570 = tpu.memref_squeeze %dma_wait3A_569 : memref<1x1x96x196xf32, #tpu.memory_space<hbm>> -> memref<96x196xf32, #tpu.memory_space<hbm>>
    tpu.wait_dma2 semaphore(%arg8 : memref<!tpu.dma_semaphore, #tpu.memory_space<semaphore_mem>>) src(%dma_wait3A_570 : memref<96x196xf32, #tpu.memory_space<hbm>>) dst(%arg4 : memref<96x196xf32, #tpu.memory_space<vmem>>)
    %dma_wait3A_571 = arith.constant 192 : i32
    %dma_wait3A_572 = arith.constant 0 : i32
    %dma_wait3A_573 = tpu.memref_slice %arg3[%select_n3A_418, %select_n3A_434, %dma_wait3A_571, %dma_wait3A_572] : memref<8x32x384x196xf32, #tpu.memory_space<hbm>> -> memref<1x1x96x196xf32, #tpu.memory_space<hbm>>
    %dma_wait3A_574 = tpu.memref_squeeze %dma_wait3A_573 : memref<1x1x96x196xf32, #tpu.memory_space<hbm>> -> memref<96x196xf32, #tpu.memory_space<hbm>>
    %dma_wait3A_575 = arith.constant 192 : i32
    %dma_wait3A_576 = arith.constant 0 : i32
    %dma_wait3A_577 = tpu.memref_slice %arg3[%select_n3A_418, %select_n3A_434, %dma_wait3A_575, %dma_wait3A_576] : memref<8x32x384x196xf32, #tpu.memory_space<hbm>> -> memref<1x1x96x196xf32, #tpu.memory_space<hbm>>
    %dma_wait3A_578 = tpu.memref_squeeze %dma_wait3A_577 : memref<1x1x96x196xf32, #tpu.memory_space<hbm>> -> memref<96x196xf32, #tpu.memory_space<hbm>>
    tpu.wait_dma2 semaphore(%arg14 : memref<!tpu.dma_semaphore, #tpu.memory_space<semaphore_mem>>) src(%arg6 : memref<96x196xf32, #tpu.memory_space<vmem>>) dst(%dma_wait3A_578 : memref<96x196xf32, #tpu.memory_space<hbm>>)
    %add3A_579 = arith.constant 1 : i32
    %add3A_580 = arith.addi %mul3A_2, %add3A_579 : i32
    %jit3A_581 = arith.constant 32 : i32
    %div3A_582 = arith.divsi %add3A_580, %jit3A_581 : i32
    %sign3A_583 = arith.constant 0 : i32
    %sign3A_584 = arith.cmpi sgt, %add3A_580, %sign3A_583 : i32
    %sign3A_585 = arith.extui %sign3A_584 : i1 to i32
    %sign3A_586 = arith.constant 0 : i32
    %sign3A_587 = arith.cmpi slt, %add3A_580, %sign3A_586 : i32
    %sign3A_588 = arith.extui %sign3A_587 : i1 to i32
    %sign3A_589 = arith.subi %sign3A_585, %sign3A_588 : i32
    %sign3A_590 = arith.constant 0 : i32
    %sign3A_591 = arith.cmpi sgt, %jit3A_581, %sign3A_590 : i32
    %sign3A_592 = arith.extui %sign3A_591 : i1 to i32
    %sign3A_593 = arith.constant 0 : i32
    %sign3A_594 = arith.cmpi slt, %jit3A_581, %sign3A_593 : i32
    %sign3A_595 = arith.extui %sign3A_594 : i1 to i32
    %sign3A_596 = arith.subi %sign3A_592, %sign3A_595 : i32
    %ne3A_597 = arith.cmpi ne, %sign3A_589, %sign3A_596 : i32
    %rem3A_598 = arith.remsi %add3A_580, %jit3A_581 : i32
    %ne3A_599 = arith.constant 0 : i32
    %ne3A_600 = arith.cmpi ne, %rem3A_598, %ne3A_599 : i32
    %and3A_601 = arith.andi %ne3A_597, %ne3A_600 : i1
    %sub3A_602 = arith.constant 1 : i32
    %sub3A_603 = arith.subi %div3A_582, %sub3A_602 : i32
    %select_n3A_604 = arith.select %and3A_601, %sub3A_603, %div3A_582 : i32
    %jit3A_605 = arith.constant 32 : i32
    %eq3A_606 = arith.constant 0 : i32
    %eq3A_607 = arith.cmpi eq, %jit3A_605, %eq3A_606 : i32
    %jit3A_608 = arith.constant 1 : i32
    %select_n3A_609 = arith.select %eq3A_607, %jit3A_608, %jit3A_605 : i32
    %rem3A_610 = arith.remsi %add3A_580, %select_n3A_609 : i32
    %ne3A_611 = arith.constant 0 : i32
    %ne3A_612 = arith.cmpi ne, %rem3A_610, %ne3A_611 : i32
    %lt3A_613 = arith.constant 0 : i32
    %lt3A_614 = arith.cmpi slt, %rem3A_610, %lt3A_613 : i32
    %lt3A_615 = arith.constant 0 : i32
    %lt3A_616 = arith.cmpi slt, %select_n3A_609, %lt3A_615 : i32
    %ne3A_617 = arith.xori %lt3A_614, %lt3A_616 : i1
    %and3A_618 = arith.andi %ne3A_617, %ne3A_612 : i1
    %add3A_619 = arith.addi %rem3A_610, %select_n3A_609 : i32
    %select_n3A_620 = arith.select %and3A_618, %add3A_619, %rem3A_610 : i32
    %mul3A_621 = arith.constant 2 : i32
    %mul3A_622 = arith.muli %mul3A_621, %select_n3A_620 : i32
    %add3A_623 = arith.constant 1 : i32
    %add3A_624 = arith.addi %mul3A_622, %add3A_623 : i32
    %dma_start3A_625 = arith.constant 0 : i32
    %dma_start3A_626 = arith.constant 0 : i32
    %dma_start3A_627 = tpu.memref_slice %arg2[%select_n3A_604, %add3A_624, %dma_start3A_625, %dma_start3A_626] : memref<8x64x192x196xf32, #tpu.memory_space<hbm>> -> memref<1x1x96x196xf32, #tpu.memory_space<hbm>>
    %dma_start3A_628 = tpu.memref_squeeze %dma_start3A_627 : memref<1x1x96x196xf32, #tpu.memory_space<hbm>> -> memref<96x196xf32, #tpu.memory_space<hbm>>
    %dma_start3A_629 = arith.constant 0 : i32
    %dma_start3A_630 = arith.constant 0 : i32
    %dma_start3A_631 = tpu.memref_slice %arg2[%select_n3A_604, %add3A_624, %dma_start3A_629, %dma_start3A_630] : memref<8x64x192x196xf32, #tpu.memory_space<hbm>> -> memref<1x1x96x196xf32, #tpu.memory_space<hbm>>
    %dma_start3A_632 = tpu.memref_squeeze %dma_start3A_631 : memref<1x1x96x196xf32, #tpu.memory_space<hbm>> -> memref<96x196xf32, #tpu.memory_space<hbm>>
    tpu.enqueue_dma source(%dma_start3A_632 : memref<96x196xf32, #tpu.memory_space<hbm>>) target(%arg6 : memref<96x196xf32, #tpu.memory_space<vmem>>) target_semaphore(%arg10 : memref<!tpu.dma_semaphore, #tpu.memory_space<semaphore_mem>>)
    %add3A_633 = arith.constant 1 : i32
    %add3A_634 = arith.addi %mul3A_2, %add3A_633 : i32
    %jit3A_635 = arith.constant 32 : i32
    %div3A_636 = arith.divsi %add3A_634, %jit3A_635 : i32
    %sign3A_637 = arith.constant 0 : i32
    %sign3A_638 = arith.cmpi sgt, %add3A_634, %sign3A_637 : i32
    %sign3A_639 = arith.extui %sign3A_638 : i1 to i32
    %sign3A_640 = arith.constant 0 : i32
    %sign3A_641 = arith.cmpi slt, %add3A_634, %sign3A_640 : i32
    %sign3A_642 = arith.extui %sign3A_641 : i1 to i32
    %sign3A_643 = arith.subi %sign3A_639, %sign3A_642 : i32
    %sign3A_644 = arith.constant 0 : i32
    %sign3A_645 = arith.cmpi sgt, %jit3A_635, %sign3A_644 : i32
    %sign3A_646 = arith.extui %sign3A_645 : i1 to i32
    %sign3A_647 = arith.constant 0 : i32
    %sign3A_648 = arith.cmpi slt, %jit3A_635, %sign3A_647 : i32
    %sign3A_649 = arith.extui %sign3A_648 : i1 to i32
    %sign3A_650 = arith.subi %sign3A_646, %sign3A_649 : i32
    %ne3A_651 = arith.cmpi ne, %sign3A_643, %sign3A_650 : i32
    %rem3A_652 = arith.remsi %add3A_634, %jit3A_635 : i32
    %ne3A_653 = arith.constant 0 : i32
    %ne3A_654 = arith.cmpi ne, %rem3A_652, %ne3A_653 : i32
    %and3A_655 = arith.andi %ne3A_651, %ne3A_654 : i1
    %sub3A_656 = arith.constant 1 : i32
    %sub3A_657 = arith.subi %div3A_636, %sub3A_656 : i32
    %select_n3A_658 = arith.select %and3A_655, %sub3A_657, %div3A_636 : i32
    %jit3A_659 = arith.constant 32 : i32
    %eq3A_660 = arith.constant 0 : i32
    %eq3A_661 = arith.cmpi eq, %jit3A_659, %eq3A_660 : i32
    %jit3A_662 = arith.constant 1 : i32
    %select_n3A_663 = arith.select %eq3A_661, %jit3A_662, %jit3A_659 : i32
    %rem3A_664 = arith.remsi %add3A_634, %select_n3A_663 : i32
    %ne3A_665 = arith.constant 0 : i32
    %ne3A_666 = arith.cmpi ne, %rem3A_664, %ne3A_665 : i32
    %lt3A_667 = arith.constant 0 : i32
    %lt3A_668 = arith.cmpi slt, %rem3A_664, %lt3A_667 : i32
    %lt3A_669 = arith.constant 0 : i32
    %lt3A_670 = arith.cmpi slt, %select_n3A_663, %lt3A_669 : i32
    %ne3A_671 = arith.xori %lt3A_668, %lt3A_670 : i1
    %and3A_672 = arith.andi %ne3A_671, %ne3A_666 : i1
    %add3A_673 = arith.addi %rem3A_664, %select_n3A_663 : i32
    %select_n3A_674 = arith.select %and3A_672, %add3A_673, %rem3A_664 : i32
    %dma_start3A_675 = arith.constant 0 : i32
    %dma_start3A_676 = arith.constant 0 : i32
    %dma_start3A_677 = tpu.memref_slice %arg3[%select_n3A_658, %select_n3A_674, %dma_start3A_675, %dma_start3A_676] : memref<8x32x384x196xf32, #tpu.memory_space<hbm>> -> memref<1x1x96x196xf32, #tpu.memory_space<hbm>>
    %dma_start3A_678 = tpu.memref_squeeze %dma_start3A_677 : memref<1x1x96x196xf32, #tpu.memory_space<hbm>> -> memref<96x196xf32, #tpu.memory_space<hbm>>
    %dma_start3A_679 = arith.constant 0 : i32
    %dma_start3A_680 = arith.constant 0 : i32
    %dma_start3A_681 = tpu.memref_slice %arg3[%select_n3A_658, %select_n3A_674, %dma_start3A_679, %dma_start3A_680] : memref<8x32x384x196xf32, #tpu.memory_space<hbm>> -> memref<1x1x96x196xf32, #tpu.memory_space<hbm>>
    %dma_start3A_682 = tpu.memref_squeeze %dma_start3A_681 : memref<1x1x96x196xf32, #tpu.memory_space<hbm>> -> memref<96x196xf32, #tpu.memory_space<hbm>>
    tpu.enqueue_dma source(%arg4 : memref<96x196xf32, #tpu.memory_space<vmem>>) target(%dma_start3A_682 : memref<96x196xf32, #tpu.memory_space<hbm>>) target_semaphore(%arg12 : memref<!tpu.dma_semaphore, #tpu.memory_space<semaphore_mem>>)
    %dma_wait3A_683 = arith.constant 96 : i32
    %dma_wait3A_684 = arith.constant 0 : i32
    %dma_wait3A_685 = tpu.memref_slice %arg2[%select_n3A_484, %add3A_504, %dma_wait3A_683, %dma_wait3A_684] : memref<8x64x192x196xf32, #tpu.memory_space<hbm>> -> memref<1x1x96x196xf32, #tpu.memory_space<hbm>>
    %dma_wait3A_686 = tpu.memref_squeeze %dma_wait3A_685 : memref<1x1x96x196xf32, #tpu.memory_space<hbm>> -> memref<96x196xf32, #tpu.memory_space<hbm>>
    %dma_wait3A_687 = arith.constant 96 : i32
    %dma_wait3A_688 = arith.constant 0 : i32
    %dma_wait3A_689 = tpu.memref_slice %arg2[%select_n3A_484, %add3A_504, %dma_wait3A_687, %dma_wait3A_688] : memref<8x64x192x196xf32, #tpu.memory_space<hbm>> -> memref<1x1x96x196xf32, #tpu.memory_space<hbm>>
    %dma_wait3A_690 = tpu.memref_squeeze %dma_wait3A_689 : memref<1x1x96x196xf32, #tpu.memory_space<hbm>> -> memref<96x196xf32, #tpu.memory_space<hbm>>
    tpu.wait_dma2 semaphore(%arg9 : memref<!tpu.dma_semaphore, #tpu.memory_space<semaphore_mem>>) src(%dma_wait3A_690 : memref<96x196xf32, #tpu.memory_space<hbm>>) dst(%arg5 : memref<96x196xf32, #tpu.memory_space<vmem>>)
    %dma_wait3A_691 = arith.constant 288 : i32
    %dma_wait3A_692 = arith.constant 0 : i32
    %dma_wait3A_693 = tpu.memref_slice %arg3[%select_n3A_538, %select_n3A_554, %dma_wait3A_691, %dma_wait3A_692] : memref<8x32x384x196xf32, #tpu.memory_space<hbm>> -> memref<1x1x96x196xf32, #tpu.memory_space<hbm>>
    %dma_wait3A_694 = tpu.memref_squeeze %dma_wait3A_693 : memref<1x1x96x196xf32, #tpu.memory_space<hbm>> -> memref<96x196xf32, #tpu.memory_space<hbm>>
    %dma_wait3A_695 = arith.constant 288 : i32
    %dma_wait3A_696 = arith.constant 0 : i32
    %dma_wait3A_697 = tpu.memref_slice %arg3[%select_n3A_538, %select_n3A_554, %dma_wait3A_695, %dma_wait3A_696] : memref<8x32x384x196xf32, #tpu.memory_space<hbm>> -> memref<1x1x96x196xf32, #tpu.memory_space<hbm>>
    %dma_wait3A_698 = tpu.memref_squeeze %dma_wait3A_697 : memref<1x1x96x196xf32, #tpu.memory_space<hbm>> -> memref<96x196xf32, #tpu.memory_space<hbm>>
    tpu.wait_dma2 semaphore(%arg15 : memref<!tpu.dma_semaphore, #tpu.memory_space<semaphore_mem>>) src(%arg7 : memref<96x196xf32, #tpu.memory_space<vmem>>) dst(%dma_wait3A_698 : memref<96x196xf32, #tpu.memory_space<hbm>>)
    %add3A_699 = arith.constant 1 : i32
    %add3A_700 = arith.addi %mul3A_2, %add3A_699 : i32
    %jit3A_701 = arith.constant 32 : i32
    %div3A_702 = arith.divsi %add3A_700, %jit3A_701 : i32
    %sign3A_703 = arith.constant 0 : i32
    %sign3A_704 = arith.cmpi sgt, %add3A_700, %sign3A_703 : i32
    %sign3A_705 = arith.extui %sign3A_704 : i1 to i32
    %sign3A_706 = arith.constant 0 : i32
    %sign3A_707 = arith.cmpi slt, %add3A_700, %sign3A_706 : i32
    %sign3A_708 = arith.extui %sign3A_707 : i1 to i32
    %sign3A_709 = arith.subi %sign3A_705, %sign3A_708 : i32
    %sign3A_710 = arith.constant 0 : i32
    %sign3A_711 = arith.cmpi sgt, %jit3A_701, %sign3A_710 : i32
    %sign3A_712 = arith.extui %sign3A_711 : i1 to i32
    %sign3A_713 = arith.constant 0 : i32
    %sign3A_714 = arith.cmpi slt, %jit3A_701, %sign3A_713 : i32
    %sign3A_715 = arith.extui %sign3A_714 : i1 to i32
    %sign3A_716 = arith.subi %sign3A_712, %sign3A_715 : i32
    %ne3A_717 = arith.cmpi ne, %sign3A_709, %sign3A_716 : i32
    %rem3A_718 = arith.remsi %add3A_700, %jit3A_701 : i32
    %ne3A_719 = arith.constant 0 : i32
    %ne3A_720 = arith.cmpi ne, %rem3A_718, %ne3A_719 : i32
    %and3A_721 = arith.andi %ne3A_717, %ne3A_720 : i1
    %sub3A_722 = arith.constant 1 : i32
    %sub3A_723 = arith.subi %div3A_702, %sub3A_722 : i32
    %select_n3A_724 = arith.select %and3A_721, %sub3A_723, %div3A_702 : i32
    %jit3A_725 = arith.constant 32 : i32
    %eq3A_726 = arith.constant 0 : i32
    %eq3A_727 = arith.cmpi eq, %jit3A_725, %eq3A_726 : i32
    %jit3A_728 = arith.constant 1 : i32
    %select_n3A_729 = arith.select %eq3A_727, %jit3A_728, %jit3A_725 : i32
    %rem3A_730 = arith.remsi %add3A_700, %select_n3A_729 : i32
    %ne3A_731 = arith.constant 0 : i32
    %ne3A_732 = arith.cmpi ne, %rem3A_730, %ne3A_731 : i32
    %lt3A_733 = arith.constant 0 : i32
    %lt3A_734 = arith.cmpi slt, %rem3A_730, %lt3A_733 : i32
    %lt3A_735 = arith.constant 0 : i32
    %lt3A_736 = arith.cmpi slt, %select_n3A_729, %lt3A_735 : i32
    %ne3A_737 = arith.xori %lt3A_734, %lt3A_736 : i1
    %and3A_738 = arith.andi %ne3A_737, %ne3A_732 : i1
    %add3A_739 = arith.addi %rem3A_730, %select_n3A_729 : i32
    %select_n3A_740 = arith.select %and3A_738, %add3A_739, %rem3A_730 : i32
    %mul3A_741 = arith.constant 2 : i32
    %mul3A_742 = arith.muli %mul3A_741, %select_n3A_740 : i32
    %add3A_743 = arith.constant 1 : i32
    %add3A_744 = arith.addi %mul3A_742, %add3A_743 : i32
    %dma_start3A_745 = arith.constant 96 : i32
    %dma_start3A_746 = arith.constant 0 : i32
    %dma_start3A_747 = tpu.memref_slice %arg2[%select_n3A_724, %add3A_744, %dma_start3A_745, %dma_start3A_746] : memref<8x64x192x196xf32, #tpu.memory_space<hbm>> -> memref<1x1x96x196xf32, #tpu.memory_space<hbm>>
    %dma_start3A_748 = tpu.memref_squeeze %dma_start3A_747 : memref<1x1x96x196xf32, #tpu.memory_space<hbm>> -> memref<96x196xf32, #tpu.memory_space<hbm>>
    %dma_start3A_749 = arith.constant 96 : i32
    %dma_start3A_750 = arith.constant 0 : i32
    %dma_start3A_751 = tpu.memref_slice %arg2[%select_n3A_724, %add3A_744, %dma_start3A_749, %dma_start3A_750] : memref<8x64x192x196xf32, #tpu.memory_space<hbm>> -> memref<1x1x96x196xf32, #tpu.memory_space<hbm>>
    %dma_start3A_752 = tpu.memref_squeeze %dma_start3A_751 : memref<1x1x96x196xf32, #tpu.memory_space<hbm>> -> memref<96x196xf32, #tpu.memory_space<hbm>>
    tpu.enqueue_dma source(%dma_start3A_752 : memref<96x196xf32, #tpu.memory_space<hbm>>) target(%arg7 : memref<96x196xf32, #tpu.memory_space<vmem>>) target_semaphore(%arg11 : memref<!tpu.dma_semaphore, #tpu.memory_space<semaphore_mem>>)
    %add3A_753 = arith.constant 1 : i32
    %add3A_754 = arith.addi %mul3A_2, %add3A_753 : i32
    %jit3A_755 = arith.constant 32 : i32
    %div3A_756 = arith.divsi %add3A_754, %jit3A_755 : i32
    %sign3A_757 = arith.constant 0 : i32
    %sign3A_758 = arith.cmpi sgt, %add3A_754, %sign3A_757 : i32
    %sign3A_759 = arith.extui %sign3A_758 : i1 to i32
    %sign3A_760 = arith.constant 0 : i32
    %sign3A_761 = arith.cmpi slt, %add3A_754, %sign3A_760 : i32
    %sign3A_762 = arith.extui %sign3A_761 : i1 to i32
    %sign3A_763 = arith.subi %sign3A_759, %sign3A_762 : i32
    %sign3A_764 = arith.constant 0 : i32
    %sign3A_765 = arith.cmpi sgt, %jit3A_755, %sign3A_764 : i32
    %sign3A_766 = arith.extui %sign3A_765 : i1 to i32
    %sign3A_767 = arith.constant 0 : i32
    %sign3A_768 = arith.cmpi slt, %jit3A_755, %sign3A_767 : i32
    %sign3A_769 = arith.extui %sign3A_768 : i1 to i32
    %sign3A_770 = arith.subi %sign3A_766, %sign3A_769 : i32
    %ne3A_771 = arith.cmpi ne, %sign3A_763, %sign3A_770 : i32
    %rem3A_772 = arith.remsi %add3A_754, %jit3A_755 : i32
    %ne3A_773 = arith.constant 0 : i32
    %ne3A_774 = arith.cmpi ne, %rem3A_772, %ne3A_773 : i32
    %and3A_775 = arith.andi %ne3A_771, %ne3A_774 : i1
    %sub3A_776 = arith.constant 1 : i32
    %sub3A_777 = arith.subi %div3A_756, %sub3A_776 : i32
    %select_n3A_778 = arith.select %and3A_775, %sub3A_777, %div3A_756 : i32
    %jit3A_779 = arith.constant 32 : i32
    %eq3A_780 = arith.constant 0 : i32
    %eq3A_781 = arith.cmpi eq, %jit3A_779, %eq3A_780 : i32
    %jit3A_782 = arith.constant 1 : i32
    %select_n3A_783 = arith.select %eq3A_781, %jit3A_782, %jit3A_779 : i32
    %rem3A_784 = arith.remsi %add3A_754, %select_n3A_783 : i32
    %ne3A_785 = arith.constant 0 : i32
    %ne3A_786 = arith.cmpi ne, %rem3A_784, %ne3A_785 : i32
    %lt3A_787 = arith.constant 0 : i32
    %lt3A_788 = arith.cmpi slt, %rem3A_784, %lt3A_787 : i32
    %lt3A_789 = arith.constant 0 : i32
    %lt3A_790 = arith.cmpi slt, %select_n3A_783, %lt3A_789 : i32
    %ne3A_791 = arith.xori %lt3A_788, %lt3A_790 : i1
    %and3A_792 = arith.andi %ne3A_791, %ne3A_786 : i1
    %add3A_793 = arith.addi %rem3A_784, %select_n3A_783 : i32
    %select_n3A_794 = arith.select %and3A_792, %add3A_793, %rem3A_784 : i32
    %dma_start3A_795 = arith.constant 96 : i32
    %dma_start3A_796 = arith.constant 0 : i32
    %dma_start3A_797 = tpu.memref_slice %arg3[%select_n3A_778, %select_n3A_794, %dma_start3A_795, %dma_start3A_796] : memref<8x32x384x196xf32, #tpu.memory_space<hbm>> -> memref<1x1x96x196xf32, #tpu.memory_space<hbm>>
    %dma_start3A_798 = tpu.memref_squeeze %dma_start3A_797 : memref<1x1x96x196xf32, #tpu.memory_space<hbm>> -> memref<96x196xf32, #tpu.memory_space<hbm>>
    %dma_start3A_799 = arith.constant 96 : i32
    %dma_start3A_800 = arith.constant 0 : i32
    %dma_start3A_801 = tpu.memref_slice %arg3[%select_n3A_778, %select_n3A_794, %dma_start3A_799, %dma_start3A_800] : memref<8x32x384x196xf32, #tpu.memory_space<hbm>> -> memref<1x1x96x196xf32, #tpu.memory_space<hbm>>
    %dma_start3A_802 = tpu.memref_squeeze %dma_start3A_801 : memref<1x1x96x196xf32, #tpu.memory_space<hbm>> -> memref<96x196xf32, #tpu.memory_space<hbm>>
    tpu.enqueue_dma source(%arg5 : memref<96x196xf32, #tpu.memory_space<vmem>>) target(%dma_start3A_802 : memref<96x196xf32, #tpu.memory_space<hbm>>) target_semaphore(%arg13 : memref<!tpu.dma_semaphore, #tpu.memory_space<semaphore_mem>>)
    %dma_wait3A_803 = arith.constant 0 : i32
    %dma_wait3A_804 = arith.constant 0 : i32
    %dma_wait3A_805 = tpu.memref_slice %arg2[%select_n3A_604, %add3A_624, %dma_wait3A_803, %dma_wait3A_804] : memref<8x64x192x196xf32, #tpu.memory_space<hbm>> -> memref<1x1x96x196xf32, #tpu.memory_space<hbm>>
    %dma_wait3A_806 = tpu.memref_squeeze %dma_wait3A_805 : memref<1x1x96x196xf32, #tpu.memory_space<hbm>> -> memref<96x196xf32, #tpu.memory_space<hbm>>
    %dma_wait3A_807 = arith.constant 0 : i32
    %dma_wait3A_808 = arith.constant 0 : i32
    %dma_wait3A_809 = tpu.memref_slice %arg2[%select_n3A_604, %add3A_624, %dma_wait3A_807, %dma_wait3A_808] : memref<8x64x192x196xf32, #tpu.memory_space<hbm>> -> memref<1x1x96x196xf32, #tpu.memory_space<hbm>>
    %dma_wait3A_810 = tpu.memref_squeeze %dma_wait3A_809 : memref<1x1x96x196xf32, #tpu.memory_space<hbm>> -> memref<96x196xf32, #tpu.memory_space<hbm>>
    tpu.wait_dma2 semaphore(%arg10 : memref<!tpu.dma_semaphore, #tpu.memory_space<semaphore_mem>>) src(%dma_wait3A_810 : memref<96x196xf32, #tpu.memory_space<hbm>>) dst(%arg6 : memref<96x196xf32, #tpu.memory_space<vmem>>)
    %dma_wait3A_811 = arith.constant 0 : i32
    %dma_wait3A_812 = arith.constant 0 : i32
    %dma_wait3A_813 = tpu.memref_slice %arg3[%select_n3A_658, %select_n3A_674, %dma_wait3A_811, %dma_wait3A_812] : memref<8x32x384x196xf32, #tpu.memory_space<hbm>> -> memref<1x1x96x196xf32, #tpu.memory_space<hbm>>
    %dma_wait3A_814 = tpu.memref_squeeze %dma_wait3A_813 : memref<1x1x96x196xf32, #tpu.memory_space<hbm>> -> memref<96x196xf32, #tpu.memory_space<hbm>>
    %dma_wait3A_815 = arith.constant 0 : i32
    %dma_wait3A_816 = arith.constant 0 : i32
    %dma_wait3A_817 = tpu.memref_slice %arg3[%select_n3A_658, %select_n3A_674, %dma_wait3A_815, %dma_wait3A_816] : memref<8x32x384x196xf32, #tpu.memory_space<hbm>> -> memref<1x1x96x196xf32, #tpu.memory_space<hbm>>
    %dma_wait3A_818 = tpu.memref_squeeze %dma_wait3A_817 : memref<1x1x96x196xf32, #tpu.memory_space<hbm>> -> memref<96x196xf32, #tpu.memory_space<hbm>>
    tpu.wait_dma2 semaphore(%arg12 : memref<!tpu.dma_semaphore, #tpu.memory_space<semaphore_mem>>) src(%arg4 : memref<96x196xf32, #tpu.memory_space<vmem>>) dst(%dma_wait3A_818 : memref<96x196xf32, #tpu.memory_space<hbm>>)
    %add3A_819 = arith.constant 2 : i32
    %add3A_820 = arith.addi %mul3A_2, %add3A_819 : i32
    %jit3A_821 = arith.constant 32 : i32
    %div3A_822 = arith.divsi %add3A_820, %jit3A_821 : i32
    %sign3A_823 = arith.constant 0 : i32
    %sign3A_824 = arith.cmpi sgt, %add3A_820, %sign3A_823 : i32
    %sign3A_825 = arith.extui %sign3A_824 : i1 to i32
    %sign3A_826 = arith.constant 0 : i32
    %sign3A_827 = arith.cmpi slt, %add3A_820, %sign3A_826 : i32
    %sign3A_828 = arith.extui %sign3A_827 : i1 to i32
    %sign3A_829 = arith.subi %sign3A_825, %sign3A_828 : i32
    %sign3A_830 = arith.constant 0 : i32
    %sign3A_831 = arith.cmpi sgt, %jit3A_821, %sign3A_830 : i32
    %sign3A_832 = arith.extui %sign3A_831 : i1 to i32
    %sign3A_833 = arith.constant 0 : i32
    %sign3A_834 = arith.cmpi slt, %jit3A_821, %sign3A_833 : i32
    %sign3A_835 = arith.extui %sign3A_834 : i1 to i32
    %sign3A_836 = arith.subi %sign3A_832, %sign3A_835 : i32
    %ne3A_837 = arith.cmpi ne, %sign3A_829, %sign3A_836 : i32
    %rem3A_838 = arith.remsi %add3A_820, %jit3A_821 : i32
    %ne3A_839 = arith.constant 0 : i32
    %ne3A_840 = arith.cmpi ne, %rem3A_838, %ne3A_839 : i32
    %and3A_841 = arith.andi %ne3A_837, %ne3A_840 : i1
    %sub3A_842 = arith.constant 1 : i32
    %sub3A_843 = arith.subi %div3A_822, %sub3A_842 : i32
    %select_n3A_844 = arith.select %and3A_841, %sub3A_843, %div3A_822 : i32
    %jit3A_845 = arith.constant 32 : i32
    %eq3A_846 = arith.constant 0 : i32
    %eq3A_847 = arith.cmpi eq, %jit3A_845, %eq3A_846 : i32
    %jit3A_848 = arith.constant 1 : i32
    %select_n3A_849 = arith.select %eq3A_847, %jit3A_848, %jit3A_845 : i32
    %rem3A_850 = arith.remsi %add3A_820, %select_n3A_849 : i32
    %ne3A_851 = arith.constant 0 : i32
    %ne3A_852 = arith.cmpi ne, %rem3A_850, %ne3A_851 : i32
    %lt3A_853 = arith.constant 0 : i32
    %lt3A_854 = arith.cmpi slt, %rem3A_850, %lt3A_853 : i32
    %lt3A_855 = arith.constant 0 : i32
    %lt3A_856 = arith.cmpi slt, %select_n3A_849, %lt3A_855 : i32
    %ne3A_857 = arith.xori %lt3A_854, %lt3A_856 : i1
    %and3A_858 = arith.andi %ne3A_857, %ne3A_852 : i1
    %add3A_859 = arith.addi %rem3A_850, %select_n3A_849 : i32
    %select_n3A_860 = arith.select %and3A_858, %add3A_859, %rem3A_850 : i32
    %mul3A_861 = arith.constant 2 : i32
    %mul3A_862 = arith.muli %mul3A_861, %select_n3A_860 : i32
    %add3A_863 = arith.constant 0 : i32
    %add3A_864 = arith.addi %mul3A_862, %add3A_863 : i32
    %dma_start3A_865 = arith.constant 0 : i32
    %dma_start3A_866 = arith.constant 0 : i32
    %dma_start3A_867 = tpu.memref_slice %arg2[%select_n3A_844, %add3A_864, %dma_start3A_865, %dma_start3A_866] : memref<8x64x192x196xf32, #tpu.memory_space<hbm>> -> memref<1x1x96x196xf32, #tpu.memory_space<hbm>>
    %dma_start3A_868 = tpu.memref_squeeze %dma_start3A_867 : memref<1x1x96x196xf32, #tpu.memory_space<hbm>> -> memref<96x196xf32, #tpu.memory_space<hbm>>
    %dma_start3A_869 = arith.constant 0 : i32
    %dma_start3A_870 = arith.constant 0 : i32
    %dma_start3A_871 = tpu.memref_slice %arg2[%select_n3A_844, %add3A_864, %dma_start3A_869, %dma_start3A_870] : memref<8x64x192x196xf32, #tpu.memory_space<hbm>> -> memref<1x1x96x196xf32, #tpu.memory_space<hbm>>
    %dma_start3A_872 = tpu.memref_squeeze %dma_start3A_871 : memref<1x1x96x196xf32, #tpu.memory_space<hbm>> -> memref<96x196xf32, #tpu.memory_space<hbm>>
    tpu.enqueue_dma source(%dma_start3A_872 : memref<96x196xf32, #tpu.memory_space<hbm>>) target(%arg4 : memref<96x196xf32, #tpu.memory_space<vmem>>) target_semaphore(%arg8 : memref<!tpu.dma_semaphore, #tpu.memory_space<semaphore_mem>>)
    %add3A_873 = arith.constant 1 : i32
    %add3A_874 = arith.addi %mul3A_2, %add3A_873 : i32
    %jit3A_875 = arith.constant 32 : i32
    %div3A_876 = arith.divsi %add3A_874, %jit3A_875 : i32
    %sign3A_877 = arith.constant 0 : i32
    %sign3A_878 = arith.cmpi sgt, %add3A_874, %sign3A_877 : i32
    %sign3A_879 = arith.extui %sign3A_878 : i1 to i32
    %sign3A_880 = arith.constant 0 : i32
    %sign3A_881 = arith.cmpi slt, %add3A_874, %sign3A_880 : i32
    %sign3A_882 = arith.extui %sign3A_881 : i1 to i32
    %sign3A_883 = arith.subi %sign3A_879, %sign3A_882 : i32
    %sign3A_884 = arith.constant 0 : i32
    %sign3A_885 = arith.cmpi sgt, %jit3A_875, %sign3A_884 : i32
    %sign3A_886 = arith.extui %sign3A_885 : i1 to i32
    %sign3A_887 = arith.constant 0 : i32
    %sign3A_888 = arith.cmpi slt, %jit3A_875, %sign3A_887 : i32
    %sign3A_889 = arith.extui %sign3A_888 : i1 to i32
    %sign3A_890 = arith.subi %sign3A_886, %sign3A_889 : i32
    %ne3A_891 = arith.cmpi ne, %sign3A_883, %sign3A_890 : i32
    %rem3A_892 = arith.remsi %add3A_874, %jit3A_875 : i32
    %ne3A_893 = arith.constant 0 : i32
    %ne3A_894 = arith.cmpi ne, %rem3A_892, %ne3A_893 : i32
    %and3A_895 = arith.andi %ne3A_891, %ne3A_894 : i1
    %sub3A_896 = arith.constant 1 : i32
    %sub3A_897 = arith.subi %div3A_876, %sub3A_896 : i32
    %select_n3A_898 = arith.select %and3A_895, %sub3A_897, %div3A_876 : i32
    %jit3A_899 = arith.constant 32 : i32
    %eq3A_900 = arith.constant 0 : i32
    %eq3A_901 = arith.cmpi eq, %jit3A_899, %eq3A_900 : i32
    %jit3A_902 = arith.constant 1 : i32
    %select_n3A_903 = arith.select %eq3A_901, %jit3A_902, %jit3A_899 : i32
    %rem3A_904 = arith.remsi %add3A_874, %select_n3A_903 : i32
    %ne3A_905 = arith.constant 0 : i32
    %ne3A_906 = arith.cmpi ne, %rem3A_904, %ne3A_905 : i32
    %lt3A_907 = arith.constant 0 : i32
    %lt3A_908 = arith.cmpi slt, %rem3A_904, %lt3A_907 : i32
    %lt3A_909 = arith.constant 0 : i32
    %lt3A_910 = arith.cmpi slt, %select_n3A_903, %lt3A_909 : i32
    %ne3A_911 = arith.xori %lt3A_908, %lt3A_910 : i1
    %and3A_912 = arith.andi %ne3A_911, %ne3A_906 : i1
    %add3A_913 = arith.addi %rem3A_904, %select_n3A_903 : i32
    %select_n3A_914 = arith.select %and3A_912, %add3A_913, %rem3A_904 : i32
    %dma_start3A_915 = arith.constant 192 : i32
    %dma_start3A_916 = arith.constant 0 : i32
    %dma_start3A_917 = tpu.memref_slice %arg3[%select_n3A_898, %select_n3A_914, %dma_start3A_915, %dma_start3A_916] : memref<8x32x384x196xf32, #tpu.memory_space<hbm>> -> memref<1x1x96x196xf32, #tpu.memory_space<hbm>>
    %dma_start3A_918 = tpu.memref_squeeze %dma_start3A_917 : memref<1x1x96x196xf32, #tpu.memory_space<hbm>> -> memref<96x196xf32, #tpu.memory_space<hbm>>
    %dma_start3A_919 = arith.constant 192 : i32
    %dma_start3A_920 = arith.constant 0 : i32
    %dma_start3A_921 = tpu.memref_slice %arg3[%select_n3A_898, %select_n3A_914, %dma_start3A_919, %dma_start3A_920] : memref<8x32x384x196xf32, #tpu.memory_space<hbm>> -> memref<1x1x96x196xf32, #tpu.memory_space<hbm>>
    %dma_start3A_922 = tpu.memref_squeeze %dma_start3A_921 : memref<1x1x96x196xf32, #tpu.memory_space<hbm>> -> memref<96x196xf32, #tpu.memory_space<hbm>>
    tpu.enqueue_dma source(%arg6 : memref<96x196xf32, #tpu.memory_space<vmem>>) target(%dma_start3A_922 : memref<96x196xf32, #tpu.memory_space<hbm>>) target_semaphore(%arg14 : memref<!tpu.dma_semaphore, #tpu.memory_space<semaphore_mem>>)
    %dma_wait3A_923 = arith.constant 96 : i32
    %dma_wait3A_924 = arith.constant 0 : i32
    %dma_wait3A_925 = tpu.memref_slice %arg2[%select_n3A_724, %add3A_744, %dma_wait3A_923, %dma_wait3A_924] : memref<8x64x192x196xf32, #tpu.memory_space<hbm>> -> memref<1x1x96x196xf32, #tpu.memory_space<hbm>>
    %dma_wait3A_926 = tpu.memref_squeeze %dma_wait3A_925 : memref<1x1x96x196xf32, #tpu.memory_space<hbm>> -> memref<96x196xf32, #tpu.memory_space<hbm>>
    %dma_wait3A_927 = arith.constant 96 : i32
    %dma_wait3A_928 = arith.constant 0 : i32
    %dma_wait3A_929 = tpu.memref_slice %arg2[%select_n3A_724, %add3A_744, %dma_wait3A_927, %dma_wait3A_928] : memref<8x64x192x196xf32, #tpu.memory_space<hbm>> -> memref<1x1x96x196xf32, #tpu.memory_space<hbm>>
    %dma_wait3A_930 = tpu.memref_squeeze %dma_wait3A_929 : memref<1x1x96x196xf32, #tpu.memory_space<hbm>> -> memref<96x196xf32, #tpu.memory_space<hbm>>
    tpu.wait_dma2 semaphore(%arg11 : memref<!tpu.dma_semaphore, #tpu.memory_space<semaphore_mem>>) src(%dma_wait3A_930 : memref<96x196xf32, #tpu.memory_space<hbm>>) dst(%arg7 : memref<96x196xf32, #tpu.memory_space<vmem>>)
    %dma_wait3A_931 = arith.constant 96 : i32
    %dma_wait3A_932 = arith.constant 0 : i32
    %dma_wait3A_933 = tpu.memref_slice %arg3[%select_n3A_778, %select_n3A_794, %dma_wait3A_931, %dma_wait3A_932] : memref<8x32x384x196xf32, #tpu.memory_space<hbm>> -> memref<1x1x96x196xf32, #tpu.memory_space<hbm>>
    %dma_wait3A_934 = tpu.memref_squeeze %dma_wait3A_933 : memref<1x1x96x196xf32, #tpu.memory_space<hbm>> -> memref<96x196xf32, #tpu.memory_space<hbm>>
    %dma_wait3A_935 = arith.constant 96 : i32
    %dma_wait3A_936 = arith.constant 0 : i32
    %dma_wait3A_937 = tpu.memref_slice %arg3[%select_n3A_778, %select_n3A_794, %dma_wait3A_935, %dma_wait3A_936] : memref<8x32x384x196xf32, #tpu.memory_space<hbm>> -> memref<1x1x96x196xf32, #tpu.memory_space<hbm>>
    %dma_wait3A_938 = tpu.memref_squeeze %dma_wait3A_937 : memref<1x1x96x196xf32, #tpu.memory_space<hbm>> -> memref<96x196xf32, #tpu.memory_space<hbm>>
    tpu.wait_dma2 semaphore(%arg13 : memref<!tpu.dma_semaphore, #tpu.memory_space<semaphore_mem>>) src(%arg5 : memref<96x196xf32, #tpu.memory_space<vmem>>) dst(%dma_wait3A_938 : memref<96x196xf32, #tpu.memory_space<hbm>>)
    %add3A_939 = arith.constant 2 : i32
    %add3A_940 = arith.addi %mul3A_2, %add3A_939 : i32
    %jit3A_941 = arith.constant 32 : i32
    %div3A_942 = arith.divsi %add3A_940, %jit3A_941 : i32
    %sign3A_943 = arith.constant 0 : i32
    %sign3A_944 = arith.cmpi sgt, %add3A_940, %sign3A_943 : i32
    %sign3A_945 = arith.extui %sign3A_944 : i1 to i32
    %sign3A_946 = arith.constant 0 : i32
    %sign3A_947 = arith.cmpi slt, %add3A_940, %sign3A_946 : i32
    %sign3A_948 = arith.extui %sign3A_947 : i1 to i32
    %sign3A_949 = arith.subi %sign3A_945, %sign3A_948 : i32
    %sign3A_950 = arith.constant 0 : i32
    %sign3A_951 = arith.cmpi sgt, %jit3A_941, %sign3A_950 : i32
    %sign3A_952 = arith.extui %sign3A_951 : i1 to i32
    %sign3A_953 = arith.constant 0 : i32
    %sign3A_954 = arith.cmpi slt, %jit3A_941, %sign3A_953 : i32
    %sign3A_955 = arith.extui %sign3A_954 : i1 to i32
    %sign3A_956 = arith.subi %sign3A_952, %sign3A_955 : i32
    %ne3A_957 = arith.cmpi ne, %sign3A_949, %sign3A_956 : i32
    %rem3A_958 = arith.remsi %add3A_940, %jit3A_941 : i32
    %ne3A_959 = arith.constant 0 : i32
    %ne3A_960 = arith.cmpi ne, %rem3A_958, %ne3A_959 : i32
    %and3A_961 = arith.andi %ne3A_957, %ne3A_960 : i1
    %sub3A_962 = arith.constant 1 : i32
    %sub3A_963 = arith.subi %div3A_942, %sub3A_962 : i32
    %select_n3A_964 = arith.select %and3A_961, %sub3A_963, %div3A_942 : i32
    %jit3A_965 = arith.constant 32 : i32
    %eq3A_966 = arith.constant 0 : i32
    %eq3A_967 = arith.cmpi eq, %jit3A_965, %eq3A_966 : i32
    %jit3A_968 = arith.constant 1 : i32
    %select_n3A_969 = arith.select %eq3A_967, %jit3A_968, %jit3A_965 : i32
    %rem3A_970 = arith.remsi %add3A_940, %select_n3A_969 : i32
    %ne3A_971 = arith.constant 0 : i32
    %ne3A_972 = arith.cmpi ne, %rem3A_970, %ne3A_971 : i32
    %lt3A_973 = arith.constant 0 : i32
    %lt3A_974 = arith.cmpi slt, %rem3A_970, %lt3A_973 : i32
    %lt3A_975 = arith.constant 0 : i32
    %lt3A_976 = arith.cmpi slt, %select_n3A_969, %lt3A_975 : i32
    %ne3A_977 = arith.xori %lt3A_974, %lt3A_976 : i1
    %and3A_978 = arith.andi %ne3A_977, %ne3A_972 : i1
    %add3A_979 = arith.addi %rem3A_970, %select_n3A_969 : i32
    %select_n3A_980 = arith.select %and3A_978, %add3A_979, %rem3A_970 : i32
    %mul3A_981 = arith.constant 2 : i32
    %mul3A_982 = arith.muli %mul3A_981, %select_n3A_980 : i32
    %add3A_983 = arith.constant 0 : i32
    %add3A_984 = arith.addi %mul3A_982, %add3A_983 : i32
    %dma_start3A_985 = arith.constant 96 : i32
    %dma_start3A_986 = arith.constant 0 : i32
    %dma_start3A_987 = tpu.memref_slice %arg2[%select_n3A_964, %add3A_984, %dma_start3A_985, %dma_start3A_986] : memref<8x64x192x196xf32, #tpu.memory_space<hbm>> -> memref<1x1x96x196xf32, #tpu.memory_space<hbm>>
    %dma_start3A_988 = tpu.memref_squeeze %dma_start3A_987 : memref<1x1x96x196xf32, #tpu.memory_space<hbm>> -> memref<96x196xf32, #tpu.memory_space<hbm>>
    %dma_start3A_989 = arith.constant 96 : i32
    %dma_start3A_990 = arith.constant 0 : i32
    %dma_start3A_991 = tpu.memref_slice %arg2[%select_n3A_964, %add3A_984, %dma_start3A_989, %dma_start3A_990] : memref<8x64x192x196xf32, #tpu.memory_space<hbm>> -> memref<1x1x96x196xf32, #tpu.memory_space<hbm>>
    %dma_start3A_992 = tpu.memref_squeeze %dma_start3A_991 : memref<1x1x96x196xf32, #tpu.memory_space<hbm>> -> memref<96x196xf32, #tpu.memory_space<hbm>>
    tpu.enqueue_dma source(%dma_start3A_992 : memref<96x196xf32, #tpu.memory_space<hbm>>) target(%arg5 : memref<96x196xf32, #tpu.memory_space<vmem>>) target_semaphore(%arg9 : memref<!tpu.dma_semaphore, #tpu.memory_space<semaphore_mem>>)
    %add3A_993 = arith.constant 1 : i32
    %add3A_994 = arith.addi %mul3A_2, %add3A_993 : i32
    %jit3A_995 = arith.constant 32 : i32
    %div3A_996 = arith.divsi %add3A_994, %jit3A_995 : i32
    %sign3A_997 = arith.constant 0 : i32
    %sign3A_998 = arith.cmpi sgt, %add3A_994, %sign3A_997 : i32
    %sign3A_999 = arith.extui %sign3A_998 : i1 to i32
    %sign3A_1000 = arith.constant 0 : i32
    %sign3A_1001 = arith.cmpi slt, %add3A_994, %sign3A_1000 : i32
    %sign3A_1002 = arith.extui %sign3A_1001 : i1 to i32
    %sign3A_1003 = arith.subi %sign3A_999, %sign3A_1002 : i32
    %sign3A_1004 = arith.constant 0 : i32
    %sign3A_1005 = arith.cmpi sgt, %jit3A_995, %sign3A_1004 : i32
    %sign3A_1006 = arith.extui %sign3A_1005 : i1 to i32
    %sign3A_1007 = arith.constant 0 : i32
    %sign3A_1008 = arith.cmpi slt, %jit3A_995, %sign3A_1007 : i32
    %sign3A_1009 = arith.extui %sign3A_1008 : i1 to i32
    %sign3A_1010 = arith.subi %sign3A_1006, %sign3A_1009 : i32
    %ne3A_1011 = arith.cmpi ne, %sign3A_1003, %sign3A_1010 : i32
    %rem3A_1012 = arith.remsi %add3A_994, %jit3A_995 : i32
    %ne3A_1013 = arith.constant 0 : i32
    %ne3A_1014 = arith.cmpi ne, %rem3A_1012, %ne3A_1013 : i32
    %and3A_1015 = arith.andi %ne3A_1011, %ne3A_1014 : i1
    %sub3A_1016 = arith.constant 1 : i32
    %sub3A_1017 = arith.subi %div3A_996, %sub3A_1016 : i32
    %select_n3A_1018 = arith.select %and3A_1015, %sub3A_1017, %div3A_996 : i32
    %jit3A_1019 = arith.constant 32 : i32
    %eq3A_1020 = arith.constant 0 : i32
    %eq3A_1021 = arith.cmpi eq, %jit3A_1019, %eq3A_1020 : i32
    %jit3A_1022 = arith.constant 1 : i32
    %select_n3A_1023 = arith.select %eq3A_1021, %jit3A_1022, %jit3A_1019 : i32
    %rem3A_1024 = arith.remsi %add3A_994, %select_n3A_1023 : i32
    %ne3A_1025 = arith.constant 0 : i32
    %ne3A_1026 = arith.cmpi ne, %rem3A_1024, %ne3A_1025 : i32
    %lt3A_1027 = arith.constant 0 : i32
    %lt3A_1028 = arith.cmpi slt, %rem3A_1024, %lt3A_1027 : i32
    %lt3A_1029 = arith.constant 0 : i32
    %lt3A_1030 = arith.cmpi slt, %select_n3A_1023, %lt3A_1029 : i32
    %ne3A_1031 = arith.xori %lt3A_1028, %lt3A_1030 : i1
    %and3A_1032 = arith.andi %ne3A_1031, %ne3A_1026 : i1
    %add3A_1033 = arith.addi %rem3A_1024, %select_n3A_1023 : i32
    %select_n3A_1034 = arith.select %and3A_1032, %add3A_1033, %rem3A_1024 : i32
    %dma_start3A_1035 = arith.constant 288 : i32
    %dma_start3A_1036 = arith.constant 0 : i32
    %dma_start3A_1037 = tpu.memref_slice %arg3[%select_n3A_1018, %select_n3A_1034, %dma_start3A_1035, %dma_start3A_1036] : memref<8x32x384x196xf32, #tpu.memory_space<hbm>> -> memref<1x1x96x196xf32, #tpu.memory_space<hbm>>
    %dma_start3A_1038 = tpu.memref_squeeze %dma_start3A_1037 : memref<1x1x96x196xf32, #tpu.memory_space<hbm>> -> memref<96x196xf32, #tpu.memory_space<hbm>>
    %dma_start3A_1039 = arith.constant 288 : i32
    %dma_start3A_1040 = arith.constant 0 : i32
    %dma_start3A_1041 = tpu.memref_slice %arg3[%select_n3A_1018, %select_n3A_1034, %dma_start3A_1039, %dma_start3A_1040] : memref<8x32x384x196xf32, #tpu.memory_space<hbm>> -> memref<1x1x96x196xf32, #tpu.memory_space<hbm>>
    %dma_start3A_1042 = tpu.memref_squeeze %dma_start3A_1041 : memref<1x1x96x196xf32, #tpu.memory_space<hbm>> -> memref<96x196xf32, #tpu.memory_space<hbm>>
    tpu.enqueue_dma source(%arg7 : memref<96x196xf32, #tpu.memory_space<vmem>>) target(%dma_start3A_1042 : memref<96x196xf32, #tpu.memory_space<hbm>>) target_semaphore(%arg15 : memref<!tpu.dma_semaphore, #tpu.memory_space<semaphore_mem>>)
    %dma_wait3A_1043 = arith.constant 0 : i32
    %dma_wait3A_1044 = arith.constant 0 : i32
    %dma_wait3A_1045 = tpu.memref_slice %arg2[%select_n3A_844, %add3A_864, %dma_wait3A_1043, %dma_wait3A_1044] : memref<8x64x192x196xf32, #tpu.memory_space<hbm>> -> memref<1x1x96x196xf32, #tpu.memory_space<hbm>>
    %dma_wait3A_1046 = tpu.memref_squeeze %dma_wait3A_1045 : memref<1x1x96x196xf32, #tpu.memory_space<hbm>> -> memref<96x196xf32, #tpu.memory_space<hbm>>
    %dma_wait3A_1047 = arith.constant 0 : i32
    %dma_wait3A_1048 = arith.constant 0 : i32
    %dma_wait3A_1049 = tpu.memref_slice %arg2[%select_n3A_844, %add3A_864, %dma_wait3A_1047, %dma_wait3A_1048] : memref<8x64x192x196xf32, #tpu.memory_space<hbm>> -> memref<1x1x96x196xf32, #tpu.memory_space<hbm>>
    %dma_wait3A_1050 = tpu.memref_squeeze %dma_wait3A_1049 : memref<1x1x96x196xf32, #tpu.memory_space<hbm>> -> memref<96x196xf32, #tpu.memory_space<hbm>>
    tpu.wait_dma2 semaphore(%arg8 : memref<!tpu.dma_semaphore, #tpu.memory_space<semaphore_mem>>) src(%dma_wait3A_1050 : memref<96x196xf32, #tpu.memory_space<hbm>>) dst(%arg4 : memref<96x196xf32, #tpu.memory_space<vmem>>)
    %dma_wait3A_1051 = arith.constant 192 : i32
    %dma_wait3A_1052 = arith.constant 0 : i32
    %dma_wait3A_1053 = tpu.memref_slice %arg3[%select_n3A_898, %select_n3A_914, %dma_wait3A_1051, %dma_wait3A_1052] : memref<8x32x384x196xf32, #tpu.memory_space<hbm>> -> memref<1x1x96x196xf32, #tpu.memory_space<hbm>>
    %dma_wait3A_1054 = tpu.memref_squeeze %dma_wait3A_1053 : memref<1x1x96x196xf32, #tpu.memory_space<hbm>> -> memref<96x196xf32, #tpu.memory_space<hbm>>
    %dma_wait3A_1055 = arith.constant 192 : i32
    %dma_wait3A_1056 = arith.constant 0 : i32
    %dma_wait3A_1057 = tpu.memref_slice %arg3[%select_n3A_898, %select_n3A_914, %dma_wait3A_1055, %dma_wait3A_1056] : memref<8x32x384x196xf32, #tpu.memory_space<hbm>> -> memref<1x1x96x196xf32, #tpu.memory_space<hbm>>
    %dma_wait3A_1058 = tpu.memref_squeeze %dma_wait3A_1057 : memref<1x1x96x196xf32, #tpu.memory_space<hbm>> -> memref<96x196xf32, #tpu.memory_space<hbm>>
    tpu.wait_dma2 semaphore(%arg14 : memref<!tpu.dma_semaphore, #tpu.memory_space<semaphore_mem>>) src(%arg6 : memref<96x196xf32, #tpu.memory_space<vmem>>) dst(%dma_wait3A_1058 : memref<96x196xf32, #tpu.memory_space<hbm>>)
    %add3A_1059 = arith.constant 2 : i32
    %add3A_1060 = arith.addi %mul3A_2, %add3A_1059 : i32
    %jit3A_1061 = arith.constant 32 : i32
    %div3A_1062 = arith.divsi %add3A_1060, %jit3A_1061 : i32
    %sign3A_1063 = arith.constant 0 : i32
    %sign3A_1064 = arith.cmpi sgt, %add3A_1060, %sign3A_1063 : i32
    %sign3A_1065 = arith.extui %sign3A_1064 : i1 to i32
    %sign3A_1066 = arith.constant 0 : i32
    %sign3A_1067 = arith.cmpi slt, %add3A_1060, %sign3A_1066 : i32
    %sign3A_1068 = arith.extui %sign3A_1067 : i1 to i32
    %sign3A_1069 = arith.subi %sign3A_1065, %sign3A_1068 : i32
    %sign3A_1070 = arith.constant 0 : i32
    %sign3A_1071 = arith.cmpi sgt, %jit3A_1061, %sign3A_1070 : i32
    %sign3A_1072 = arith.extui %sign3A_1071 : i1 to i32
    %sign3A_1073 = arith.constant 0 : i32
    %sign3A_1074 = arith.cmpi slt, %jit3A_1061, %sign3A_1073 : i32
    %sign3A_1075 = arith.extui %sign3A_1074 : i1 to i32
    %sign3A_1076 = arith.subi %sign3A_1072, %sign3A_1075 : i32
    %ne3A_1077 = arith.cmpi ne, %sign3A_1069, %sign3A_1076 : i32
    %rem3A_1078 = arith.remsi %add3A_1060, %jit3A_1061 : i32
    %ne3A_1079 = arith.constant 0 : i32
    %ne3A_1080 = arith.cmpi ne, %rem3A_1078, %ne3A_1079 : i32
    %and3A_1081 = arith.andi %ne3A_1077, %ne3A_1080 : i1
    %sub3A_1082 = arith.constant 1 : i32
    %sub3A_1083 = arith.subi %div3A_1062, %sub3A_1082 : i32
    %select_n3A_1084 = arith.select %and3A_1081, %sub3A_1083, %div3A_1062 : i32
    %jit3A_1085 = arith.constant 32 : i32
    %eq3A_1086 = arith.constant 0 : i32
    %eq3A_1087 = arith.cmpi eq, %jit3A_1085, %eq3A_1086 : i32
    %jit3A_1088 = arith.constant 1 : i32
    %select_n3A_1089 = arith.select %eq3A_1087, %jit3A_1088, %jit3A_1085 : i32
    %rem3A_1090 = arith.remsi %add3A_1060, %select_n3A_1089 : i32
    %ne3A_1091 = arith.constant 0 : i32
    %ne3A_1092 = arith.cmpi ne, %rem3A_1090, %ne3A_1091 : i32
    %lt3A_1093 = arith.constant 0 : i32
    %lt3A_1094 = arith.cmpi slt, %rem3A_1090, %lt3A_1093 : i32
    %lt3A_1095 = arith.constant 0 : i32
    %lt3A_1096 = arith.cmpi slt, %select_n3A_1089, %lt3A_1095 : i32
    %ne3A_1097 = arith.xori %lt3A_1094, %lt3A_1096 : i1
    %and3A_1098 = arith.andi %ne3A_1097, %ne3A_1092 : i1
    %add3A_1099 = arith.addi %rem3A_1090, %select_n3A_1089 : i32
    %select_n3A_1100 = arith.select %and3A_1098, %add3A_1099, %rem3A_1090 : i32
    %mul3A_1101 = arith.constant 2 : i32
    %mul3A_1102 = arith.muli %mul3A_1101, %select_n3A_1100 : i32
    %add3A_1103 = arith.constant 1 : i32
    %add3A_1104 = arith.addi %mul3A_1102, %add3A_1103 : i32
    %dma_start3A_1105 = arith.constant 0 : i32
    %dma_start3A_1106 = arith.constant 0 : i32
    %dma_start3A_1107 = tpu.memref_slice %arg2[%select_n3A_1084, %add3A_1104, %dma_start3A_1105, %dma_start3A_1106] : memref<8x64x192x196xf32, #tpu.memory_space<hbm>> -> memref<1x1x96x196xf32, #tpu.memory_space<hbm>>
    %dma_start3A_1108 = tpu.memref_squeeze %dma_start3A_1107 : memref<1x1x96x196xf32, #tpu.memory_space<hbm>> -> memref<96x196xf32, #tpu.memory_space<hbm>>
    %dma_start3A_1109 = arith.constant 0 : i32
    %dma_start3A_1110 = arith.constant 0 : i32
    %dma_start3A_1111 = tpu.memref_slice %arg2[%select_n3A_1084, %add3A_1104, %dma_start3A_1109, %dma_start3A_1110] : memref<8x64x192x196xf32, #tpu.memory_space<hbm>> -> memref<1x1x96x196xf32, #tpu.memory_space<hbm>>
    %dma_start3A_1112 = tpu.memref_squeeze %dma_start3A_1111 : memref<1x1x96x196xf32, #tpu.memory_space<hbm>> -> memref<96x196xf32, #tpu.memory_space<hbm>>
    tpu.enqueue_dma source(%dma_start3A_1112 : memref<96x196xf32, #tpu.memory_space<hbm>>) target(%arg6 : memref<96x196xf32, #tpu.memory_space<vmem>>) target_semaphore(%arg10 : memref<!tpu.dma_semaphore, #tpu.memory_space<semaphore_mem>>)
    %add3A_1113 = arith.constant 2 : i32
    %add3A_1114 = arith.addi %mul3A_2, %add3A_1113 : i32
    %jit3A_1115 = arith.constant 32 : i32
    %div3A_1116 = arith.divsi %add3A_1114, %jit3A_1115 : i32
    %sign3A_1117 = arith.constant 0 : i32
    %sign3A_1118 = arith.cmpi sgt, %add3A_1114, %sign3A_1117 : i32
    %sign3A_1119 = arith.extui %sign3A_1118 : i1 to i32
    %sign3A_1120 = arith.constant 0 : i32
    %sign3A_1121 = arith.cmpi slt, %add3A_1114, %sign3A_1120 : i32
    %sign3A_1122 = arith.extui %sign3A_1121 : i1 to i32
    %sign3A_1123 = arith.subi %sign3A_1119, %sign3A_1122 : i32
    %sign3A_1124 = arith.constant 0 : i32
    %sign3A_1125 = arith.cmpi sgt, %jit3A_1115, %sign3A_1124 : i32
    %sign3A_1126 = arith.extui %sign3A_1125 : i1 to i32
    %sign3A_1127 = arith.constant 0 : i32
    %sign3A_1128 = arith.cmpi slt, %jit3A_1115, %sign3A_1127 : i32
    %sign3A_1129 = arith.extui %sign3A_1128 : i1 to i32
    %sign3A_1130 = arith.subi %sign3A_1126, %sign3A_1129 : i32
    %ne3A_1131 = arith.cmpi ne, %sign3A_1123, %sign3A_1130 : i32
    %rem3A_1132 = arith.remsi %add3A_1114, %jit3A_1115 : i32
    %ne3A_1133 = arith.constant 0 : i32
    %ne3A_1134 = arith.cmpi ne, %rem3A_1132, %ne3A_1133 : i32
    %and3A_1135 = arith.andi %ne3A_1131, %ne3A_1134 : i1
    %sub3A_1136 = arith.constant 1 : i32
    %sub3A_1137 = arith.subi %div3A_1116, %sub3A_1136 : i32
    %select_n3A_1138 = arith.select %and3A_1135, %sub3A_1137, %div3A_1116 : i32
    %jit3A_1139 = arith.constant 32 : i32
    %eq3A_1140 = arith.constant 0 : i32
    %eq3A_1141 = arith.cmpi eq, %jit3A_1139, %eq3A_1140 : i32
    %jit3A_1142 = arith.constant 1 : i32
    %select_n3A_1143 = arith.select %eq3A_1141, %jit3A_1142, %jit3A_1139 : i32
    %rem3A_1144 = arith.remsi %add3A_1114, %select_n3A_1143 : i32
    %ne3A_1145 = arith.constant 0 : i32
    %ne3A_1146 = arith.cmpi ne, %rem3A_1144, %ne3A_1145 : i32
    %lt3A_1147 = arith.constant 0 : i32
    %lt3A_1148 = arith.cmpi slt, %rem3A_1144, %lt3A_1147 : i32
    %lt3A_1149 = arith.constant 0 : i32
    %lt3A_1150 = arith.cmpi slt, %select_n3A_1143, %lt3A_1149 : i32
    %ne3A_1151 = arith.xori %lt3A_1148, %lt3A_1150 : i1
    %and3A_1152 = arith.andi %ne3A_1151, %ne3A_1146 : i1
    %add3A_1153 = arith.addi %rem3A_1144, %select_n3A_1143 : i32
    %select_n3A_1154 = arith.select %and3A_1152, %add3A_1153, %rem3A_1144 : i32
    %dma_start3A_1155 = arith.constant 0 : i32
    %dma_start3A_1156 = arith.constant 0 : i32
    %dma_start3A_1157 = tpu.memref_slice %arg3[%select_n3A_1138, %select_n3A_1154, %dma_start3A_1155, %dma_start3A_1156] : memref<8x32x384x196xf32, #tpu.memory_space<hbm>> -> memref<1x1x96x196xf32, #tpu.memory_space<hbm>>
    %dma_start3A_1158 = tpu.memref_squeeze %dma_start3A_1157 : memref<1x1x96x196xf32, #tpu.memory_space<hbm>> -> memref<96x196xf32, #tpu.memory_space<hbm>>
    %dma_start3A_1159 = arith.constant 0 : i32
    %dma_start3A_1160 = arith.constant 0 : i32
    %dma_start3A_1161 = tpu.memref_slice %arg3[%select_n3A_1138, %select_n3A_1154, %dma_start3A_1159, %dma_start3A_1160] : memref<8x32x384x196xf32, #tpu.memory_space<hbm>> -> memref<1x1x96x196xf32, #tpu.memory_space<hbm>>
    %dma_start3A_1162 = tpu.memref_squeeze %dma_start3A_1161 : memref<1x1x96x196xf32, #tpu.memory_space<hbm>> -> memref<96x196xf32, #tpu.memory_space<hbm>>
    tpu.enqueue_dma source(%arg4 : memref<96x196xf32, #tpu.memory_space<vmem>>) target(%dma_start3A_1162 : memref<96x196xf32, #tpu.memory_space<hbm>>) target_semaphore(%arg12 : memref<!tpu.dma_semaphore, #tpu.memory_space<semaphore_mem>>)
    %dma_wait3A_1163 = arith.constant 96 : i32
    %dma_wait3A_1164 = arith.constant 0 : i32
    %dma_wait3A_1165 = tpu.memref_slice %arg2[%select_n3A_964, %add3A_984, %dma_wait3A_1163, %dma_wait3A_1164] : memref<8x64x192x196xf32, #tpu.memory_space<hbm>> -> memref<1x1x96x196xf32, #tpu.memory_space<hbm>>
    %dma_wait3A_1166 = tpu.memref_squeeze %dma_wait3A_1165 : memref<1x1x96x196xf32, #tpu.memory_space<hbm>> -> memref<96x196xf32, #tpu.memory_space<hbm>>
    %dma_wait3A_1167 = arith.constant 96 : i32
    %dma_wait3A_1168 = arith.constant 0 : i32
    %dma_wait3A_1169 = tpu.memref_slice %arg2[%select_n3A_964, %add3A_984, %dma_wait3A_1167, %dma_wait3A_1168] : memref<8x64x192x196xf32, #tpu.memory_space<hbm>> -> memref<1x1x96x196xf32, #tpu.memory_space<hbm>>
    %dma_wait3A_1170 = tpu.memref_squeeze %dma_wait3A_1169 : memref<1x1x96x196xf32, #tpu.memory_space<hbm>> -> memref<96x196xf32, #tpu.memory_space<hbm>>
    tpu.wait_dma2 semaphore(%arg9 : memref<!tpu.dma_semaphore, #tpu.memory_space<semaphore_mem>>) src(%dma_wait3A_1170 : memref<96x196xf32, #tpu.memory_space<hbm>>) dst(%arg5 : memref<96x196xf32, #tpu.memory_space<vmem>>)
    %dma_wait3A_1171 = arith.constant 288 : i32
    %dma_wait3A_1172 = arith.constant 0 : i32
    %dma_wait3A_1173 = tpu.memref_slice %arg3[%select_n3A_1018, %select_n3A_1034, %dma_wait3A_1171, %dma_wait3A_1172] : memref<8x32x384x196xf32, #tpu.memory_space<hbm>> -> memref<1x1x96x196xf32, #tpu.memory_space<hbm>>
    %dma_wait3A_1174 = tpu.memref_squeeze %dma_wait3A_1173 : memref<1x1x96x196xf32, #tpu.memory_space<hbm>> -> memref<96x196xf32, #tpu.memory_space<hbm>>
    %dma_wait3A_1175 = arith.constant 288 : i32
    %dma_wait3A_1176 = arith.constant 0 : i32
    %dma_wait3A_1177 = tpu.memref_slice %arg3[%select_n3A_1018, %select_n3A_1034, %dma_wait3A_1175, %dma_wait3A_1176] : memref<8x32x384x196xf32, #tpu.memory_space<hbm>> -> memref<1x1x96x196xf32, #tpu.memory_space<hbm>>
    %dma_wait3A_1178 = tpu.memref_squeeze %dma_wait3A_1177 : memref<1x1x96x196xf32, #tpu.memory_space<hbm>> -> memref<96x196xf32, #tpu.memory_space<hbm>>
    tpu.wait_dma2 semaphore(%arg15 : memref<!tpu.dma_semaphore, #tpu.memory_space<semaphore_mem>>) src(%arg7 : memref<96x196xf32, #tpu.memory_space<vmem>>) dst(%dma_wait3A_1178 : memref<96x196xf32, #tpu.memory_space<hbm>>)
    %add3A_1179 = arith.constant 2 : i32
    %add3A_1180 = arith.addi %mul3A_2, %add3A_1179 : i32
    %jit3A_1181 = arith.constant 32 : i32
    %div3A_1182 = arith.divsi %add3A_1180, %jit3A_1181 : i32
    %sign3A_1183 = arith.constant 0 : i32
    %sign3A_1184 = arith.cmpi sgt, %add3A_1180, %sign3A_1183 : i32
    %sign3A_1185 = arith.extui %sign3A_1184 : i1 to i32
    %sign3A_1186 = arith.constant 0 : i32
    %sign3A_1187 = arith.cmpi slt, %add3A_1180, %sign3A_1186 : i32
    %sign3A_1188 = arith.extui %sign3A_1187 : i1 to i32
    %sign3A_1189 = arith.subi %sign3A_1185, %sign3A_1188 : i32
    %sign3A_1190 = arith.constant 0 : i32
    %sign3A_1191 = arith.cmpi sgt, %jit3A_1181, %sign3A_1190 : i32
    %sign3A_1192 = arith.extui %sign3A_1191 : i1 to i32
    %sign3A_1193 = arith.constant 0 : i32
    %sign3A_1194 = arith.cmpi slt, %jit3A_1181, %sign3A_1193 : i32
    %sign3A_1195 = arith.extui %sign3A_1194 : i1 to i32
    %sign3A_1196 = arith.subi %sign3A_1192, %sign3A_1195 : i32
    %ne3A_1197 = arith.cmpi ne, %sign3A_1189, %sign3A_1196 : i32
    %rem3A_1198 = arith.remsi %add3A_1180, %jit3A_1181 : i32
    %ne3A_1199 = arith.constant 0 : i32
    %ne3A_1200 = arith.cmpi ne, %rem3A_1198, %ne3A_1199 : i32
    %and3A_1201 = arith.andi %ne3A_1197, %ne3A_1200 : i1
    %sub3A_1202 = arith.constant 1 : i32
    %sub3A_1203 = arith.subi %div3A_1182, %sub3A_1202 : i32
    %select_n3A_1204 = arith.select %and3A_1201, %sub3A_1203, %div3A_1182 : i32
    %jit3A_1205 = arith.constant 32 : i32
    %eq3A_1206 = arith.constant 0 : i32
    %eq3A_1207 = arith.cmpi eq, %jit3A_1205, %eq3A_1206 : i32
    %jit3A_1208 = arith.constant 1 : i32
    %select_n3A_1209 = arith.select %eq3A_1207, %jit3A_1208, %jit3A_1205 : i32
    %rem3A_1210 = arith.remsi %add3A_1180, %select_n3A_1209 : i32
    %ne3A_1211 = arith.constant 0 : i32
    %ne3A_1212 = arith.cmpi ne, %rem3A_1210, %ne3A_1211 : i32
    %lt3A_1213 = arith.constant 0 : i32
    %lt3A_1214 = arith.cmpi slt, %rem3A_1210, %lt3A_1213 : i32
    %lt3A_1215 = arith.constant 0 : i32
    %lt3A_1216 = arith.cmpi slt, %select_n3A_1209, %lt3A_1215 : i32
    %ne3A_1217 = arith.xori %lt3A_1214, %lt3A_1216 : i1
    %and3A_1218 = arith.andi %ne3A_1217, %ne3A_1212 : i1
    %add3A_1219 = arith.addi %rem3A_1210, %select_n3A_1209 : i32
    %select_n3A_1220 = arith.select %and3A_1218, %add3A_1219, %rem3A_1210 : i32
    %mul3A_1221 = arith.constant 2 : i32
    %mul3A_1222 = arith.muli %mul3A_1221, %select_n3A_1220 : i32
    %add3A_1223 = arith.constant 1 : i32
    %add3A_1224 = arith.addi %mul3A_1222, %add3A_1223 : i32
    %dma_start3A_1225 = arith.constant 96 : i32
    %dma_start3A_1226 = arith.constant 0 : i32
    %dma_start3A_1227 = tpu.memref_slice %arg2[%select_n3A_1204, %add3A_1224, %dma_start3A_1225, %dma_start3A_1226] : memref<8x64x192x196xf32, #tpu.memory_space<hbm>> -> memref<1x1x96x196xf32, #tpu.memory_space<hbm>>
    %dma_start3A_1228 = tpu.memref_squeeze %dma_start3A_1227 : memref<1x1x96x196xf32, #tpu.memory_space<hbm>> -> memref<96x196xf32, #tpu.memory_space<hbm>>
    %dma_start3A_1229 = arith.constant 96 : i32
    %dma_start3A_1230 = arith.constant 0 : i32
    %dma_start3A_1231 = tpu.memref_slice %arg2[%select_n3A_1204, %add3A_1224, %dma_start3A_1229, %dma_start3A_1230] : memref<8x64x192x196xf32, #tpu.memory_space<hbm>> -> memref<1x1x96x196xf32, #tpu.memory_space<hbm>>
    %dma_start3A_1232 = tpu.memref_squeeze %dma_start3A_1231 : memref<1x1x96x196xf32, #tpu.memory_space<hbm>> -> memref<96x196xf32, #tpu.memory_space<hbm>>
    tpu.enqueue_dma source(%dma_start3A_1232 : memref<96x196xf32, #tpu.memory_space<hbm>>) target(%arg7 : memref<96x196xf32, #tpu.memory_space<vmem>>) target_semaphore(%arg11 : memref<!tpu.dma_semaphore, #tpu.memory_space<semaphore_mem>>)
    %add3A_1233 = arith.constant 2 : i32
    %add3A_1234 = arith.addi %mul3A_2, %add3A_1233 : i32
    %jit3A_1235 = arith.constant 32 : i32
    %div3A_1236 = arith.divsi %add3A_1234, %jit3A_1235 : i32
    %sign3A_1237 = arith.constant 0 : i32
    %sign3A_1238 = arith.cmpi sgt, %add3A_1234, %sign3A_1237 : i32
    %sign3A_1239 = arith.extui %sign3A_1238 : i1 to i32
    %sign3A_1240 = arith.constant 0 : i32
    %sign3A_1241 = arith.cmpi slt, %add3A_1234, %sign3A_1240 : i32
    %sign3A_1242 = arith.extui %sign3A_1241 : i1 to i32
    %sign3A_1243 = arith.subi %sign3A_1239, %sign3A_1242 : i32
    %sign3A_1244 = arith.constant 0 : i32
    %sign3A_1245 = arith.cmpi sgt, %jit3A_1235, %sign3A_1244 : i32
    %sign3A_1246 = arith.extui %sign3A_1245 : i1 to i32
    %sign3A_1247 = arith.constant 0 : i32
    %sign3A_1248 = arith.cmpi slt, %jit3A_1235, %sign3A_1247 : i32
    %sign3A_1249 = arith.extui %sign3A_1248 : i1 to i32
    %sign3A_1250 = arith.subi %sign3A_1246, %sign3A_1249 : i32
    %ne3A_1251 = arith.cmpi ne, %sign3A_1243, %sign3A_1250 : i32
    %rem3A_1252 = arith.remsi %add3A_1234, %jit3A_1235 : i32
    %ne3A_1253 = arith.constant 0 : i32
    %ne3A_1254 = arith.cmpi ne, %rem3A_1252, %ne3A_1253 : i32
    %and3A_1255 = arith.andi %ne3A_1251, %ne3A_1254 : i1
    %sub3A_1256 = arith.constant 1 : i32
    %sub3A_1257 = arith.subi %div3A_1236, %sub3A_1256 : i32
    %select_n3A_1258 = arith.select %and3A_1255, %sub3A_1257, %div3A_1236 : i32
    %jit3A_1259 = arith.constant 32 : i32
    %eq3A_1260 = arith.constant 0 : i32
    %eq3A_1261 = arith.cmpi eq, %jit3A_1259, %eq3A_1260 : i32
    %jit3A_1262 = arith.constant 1 : i32
    %select_n3A_1263 = arith.select %eq3A_1261, %jit3A_1262, %jit3A_1259 : i32
    %rem3A_1264 = arith.remsi %add3A_1234, %select_n3A_1263 : i32
    %ne3A_1265 = arith.constant 0 : i32
    %ne3A_1266 = arith.cmpi ne, %rem3A_1264, %ne3A_1265 : i32
    %lt3A_1267 = arith.constant 0 : i32
    %lt3A_1268 = arith.cmpi slt, %rem3A_1264, %lt3A_1267 : i32
    %lt3A_1269 = arith.constant 0 : i32
    %lt3A_1270 = arith.cmpi slt, %select_n3A_1263, %lt3A_1269 : i32
    %ne3A_1271 = arith.xori %lt3A_1268, %lt3A_1270 : i1
    %and3A_1272 = arith.andi %ne3A_1271, %ne3A_1266 : i1
    %add3A_1273 = arith.addi %rem3A_1264, %select_n3A_1263 : i32
    %select_n3A_1274 = arith.select %and3A_1272, %add3A_1273, %rem3A_1264 : i32
    %dma_start3A_1275 = arith.constant 96 : i32
    %dma_start3A_1276 = arith.constant 0 : i32
    %dma_start3A_1277 = tpu.memref_slice %arg3[%select_n3A_1258, %select_n3A_1274, %dma_start3A_1275, %dma_start3A_1276] : memref<8x32x384x196xf32, #tpu.memory_space<hbm>> -> memref<1x1x96x196xf32, #tpu.memory_space<hbm>>
    %dma_start3A_1278 = tpu.memref_squeeze %dma_start3A_1277 : memref<1x1x96x196xf32, #tpu.memory_space<hbm>> -> memref<96x196xf32, #tpu.memory_space<hbm>>
    %dma_start3A_1279 = arith.constant 96 : i32
    %dma_start3A_1280 = arith.constant 0 : i32
    %dma_start3A_1281 = tpu.memref_slice %arg3[%select_n3A_1258, %select_n3A_1274, %dma_start3A_1279, %dma_start3A_1280] : memref<8x32x384x196xf32, #tpu.memory_space<hbm>> -> memref<1x1x96x196xf32, #tpu.memory_space<hbm>>
    %dma_start3A_1282 = tpu.memref_squeeze %dma_start3A_1281 : memref<1x1x96x196xf32, #tpu.memory_space<hbm>> -> memref<96x196xf32, #tpu.memory_space<hbm>>
    tpu.enqueue_dma source(%arg5 : memref<96x196xf32, #tpu.memory_space<vmem>>) target(%dma_start3A_1282 : memref<96x196xf32, #tpu.memory_space<hbm>>) target_semaphore(%arg13 : memref<!tpu.dma_semaphore, #tpu.memory_space<semaphore_mem>>)
    %dma_wait3A_1283 = arith.constant 0 : i32
    %dma_wait3A_1284 = arith.constant 0 : i32
    %dma_wait3A_1285 = tpu.memref_slice %arg2[%select_n3A_1084, %add3A_1104, %dma_wait3A_1283, %dma_wait3A_1284] : memref<8x64x192x196xf32, #tpu.memory_space<hbm>> -> memref<1x1x96x196xf32, #tpu.memory_space<hbm>>
    %dma_wait3A_1286 = tpu.memref_squeeze %dma_wait3A_1285 : memref<1x1x96x196xf32, #tpu.memory_space<hbm>> -> memref<96x196xf32, #tpu.memory_space<hbm>>
    %dma_wait3A_1287 = arith.constant 0 : i32
    %dma_wait3A_1288 = arith.constant 0 : i32
    %dma_wait3A_1289 = tpu.memref_slice %arg2[%select_n3A_1084, %add3A_1104, %dma_wait3A_1287, %dma_wait3A_1288] : memref<8x64x192x196xf32, #tpu.memory_space<hbm>> -> memref<1x1x96x196xf32, #tpu.memory_space<hbm>>
    %dma_wait3A_1290 = tpu.memref_squeeze %dma_wait3A_1289 : memref<1x1x96x196xf32, #tpu.memory_space<hbm>> -> memref<96x196xf32, #tpu.memory_space<hbm>>
    tpu.wait_dma2 semaphore(%arg10 : memref<!tpu.dma_semaphore, #tpu.memory_space<semaphore_mem>>) src(%dma_wait3A_1290 : memref<96x196xf32, #tpu.memory_space<hbm>>) dst(%arg6 : memref<96x196xf32, #tpu.memory_space<vmem>>)
    %dma_wait3A_1291 = arith.constant 0 : i32
    %dma_wait3A_1292 = arith.constant 0 : i32
    %dma_wait3A_1293 = tpu.memref_slice %arg3[%select_n3A_1138, %select_n3A_1154, %dma_wait3A_1291, %dma_wait3A_1292] : memref<8x32x384x196xf32, #tpu.memory_space<hbm>> -> memref<1x1x96x196xf32, #tpu.memory_space<hbm>>
    %dma_wait3A_1294 = tpu.memref_squeeze %dma_wait3A_1293 : memref<1x1x96x196xf32, #tpu.memory_space<hbm>> -> memref<96x196xf32, #tpu.memory_space<hbm>>
    %dma_wait3A_1295 = arith.constant 0 : i32
    %dma_wait3A_1296 = arith.constant 0 : i32
    %dma_wait3A_1297 = tpu.memref_slice %arg3[%select_n3A_1138, %select_n3A_1154, %dma_wait3A_1295, %dma_wait3A_1296] : memref<8x32x384x196xf32, #tpu.memory_space<hbm>> -> memref<1x1x96x196xf32, #tpu.memory_space<hbm>>
    %dma_wait3A_1298 = tpu.memref_squeeze %dma_wait3A_1297 : memref<1x1x96x196xf32, #tpu.memory_space<hbm>> -> memref<96x196xf32, #tpu.memory_space<hbm>>
    tpu.wait_dma2 semaphore(%arg12 : memref<!tpu.dma_semaphore, #tpu.memory_space<semaphore_mem>>) src(%arg4 : memref<96x196xf32, #tpu.memory_space<vmem>>) dst(%dma_wait3A_1298 : memref<96x196xf32, #tpu.memory_space<hbm>>)
    %add3A_1299 = arith.constant 3 : i32
    %add3A_1300 = arith.addi %mul3A_2, %add3A_1299 : i32
    %jit3A_1301 = arith.constant 32 : i32
    %div3A_1302 = arith.divsi %add3A_1300, %jit3A_1301 : i32
    %sign3A_1303 = arith.constant 0 : i32
    %sign3A_1304 = arith.cmpi sgt, %add3A_1300, %sign3A_1303 : i32
    %sign3A_1305 = arith.extui %sign3A_1304 : i1 to i32
    %sign3A_1306 = arith.constant 0 : i32
    %sign3A_1307 = arith.cmpi slt, %add3A_1300, %sign3A_1306 : i32
    %sign3A_1308 = arith.extui %sign3A_1307 : i1 to i32
    %sign3A_1309 = arith.subi %sign3A_1305, %sign3A_1308 : i32
    %sign3A_1310 = arith.constant 0 : i32
    %sign3A_1311 = arith.cmpi sgt, %jit3A_1301, %sign3A_1310 : i32
    %sign3A_1312 = arith.extui %sign3A_1311 : i1 to i32
    %sign3A_1313 = arith.constant 0 : i32
    %sign3A_1314 = arith.cmpi slt, %jit3A_1301, %sign3A_1313 : i32
    %sign3A_1315 = arith.extui %sign3A_1314 : i1 to i32
    %sign3A_1316 = arith.subi %sign3A_1312, %sign3A_1315 : i32
    %ne3A_1317 = arith.cmpi ne, %sign3A_1309, %sign3A_1316 : i32
    %rem3A_1318 = arith.remsi %add3A_1300, %jit3A_1301 : i32
    %ne3A_1319 = arith.constant 0 : i32
    %ne3A_1320 = arith.cmpi ne, %rem3A_1318, %ne3A_1319 : i32
    %and3A_1321 = arith.andi %ne3A_1317, %ne3A_1320 : i1
    %sub3A_1322 = arith.constant 1 : i32
    %sub3A_1323 = arith.subi %div3A_1302, %sub3A_1322 : i32
    %select_n3A_1324 = arith.select %and3A_1321, %sub3A_1323, %div3A_1302 : i32
    %jit3A_1325 = arith.constant 32 : i32
    %eq3A_1326 = arith.constant 0 : i32
    %eq3A_1327 = arith.cmpi eq, %jit3A_1325, %eq3A_1326 : i32
    %jit3A_1328 = arith.constant 1 : i32
    %select_n3A_1329 = arith.select %eq3A_1327, %jit3A_1328, %jit3A_1325 : i32
    %rem3A_1330 = arith.remsi %add3A_1300, %select_n3A_1329 : i32
    %ne3A_1331 = arith.constant 0 : i32
    %ne3A_1332 = arith.cmpi ne, %rem3A_1330, %ne3A_1331 : i32
    %lt3A_1333 = arith.constant 0 : i32
    %lt3A_1334 = arith.cmpi slt, %rem3A_1330, %lt3A_1333 : i32
    %lt3A_1335 = arith.constant 0 : i32
    %lt3A_1336 = arith.cmpi slt, %select_n3A_1329, %lt3A_1335 : i32
    %ne3A_1337 = arith.xori %lt3A_1334, %lt3A_1336 : i1
    %and3A_1338 = arith.andi %ne3A_1337, %ne3A_1332 : i1
    %add3A_1339 = arith.addi %rem3A_1330, %select_n3A_1329 : i32
    %select_n3A_1340 = arith.select %and3A_1338, %add3A_1339, %rem3A_1330 : i32
    %mul3A_1341 = arith.constant 2 : i32
    %mul3A_1342 = arith.muli %mul3A_1341, %select_n3A_1340 : i32
    %add3A_1343 = arith.constant 0 : i32
    %add3A_1344 = arith.addi %mul3A_1342, %add3A_1343 : i32
    %dma_start3A_1345 = arith.constant 0 : i32
    %dma_start3A_1346 = arith.constant 0 : i32
    %dma_start3A_1347 = tpu.memref_slice %arg2[%select_n3A_1324, %add3A_1344, %dma_start3A_1345, %dma_start3A_1346] : memref<8x64x192x196xf32, #tpu.memory_space<hbm>> -> memref<1x1x96x196xf32, #tpu.memory_space<hbm>>
    %dma_start3A_1348 = tpu.memref_squeeze %dma_start3A_1347 : memref<1x1x96x196xf32, #tpu.memory_space<hbm>> -> memref<96x196xf32, #tpu.memory_space<hbm>>
    %dma_start3A_1349 = arith.constant 0 : i32
    %dma_start3A_1350 = arith.constant 0 : i32
    %dma_start3A_1351 = tpu.memref_slice %arg2[%select_n3A_1324, %add3A_1344, %dma_start3A_1349, %dma_start3A_1350] : memref<8x64x192x196xf32, #tpu.memory_space<hbm>> -> memref<1x1x96x196xf32, #tpu.memory_space<hbm>>
    %dma_start3A_1352 = tpu.memref_squeeze %dma_start3A_1351 : memref<1x1x96x196xf32, #tpu.memory_space<hbm>> -> memref<96x196xf32, #tpu.memory_space<hbm>>
    tpu.enqueue_dma source(%dma_start3A_1352 : memref<96x196xf32, #tpu.memory_space<hbm>>) target(%arg4 : memref<96x196xf32, #tpu.memory_space<vmem>>) target_semaphore(%arg8 : memref<!tpu.dma_semaphore, #tpu.memory_space<semaphore_mem>>)
    %add3A_1353 = arith.constant 2 : i32
    %add3A_1354 = arith.addi %mul3A_2, %add3A_1353 : i32
    %jit3A_1355 = arith.constant 32 : i32
    %div3A_1356 = arith.divsi %add3A_1354, %jit3A_1355 : i32
    %sign3A_1357 = arith.constant 0 : i32
    %sign3A_1358 = arith.cmpi sgt, %add3A_1354, %sign3A_1357 : i32
    %sign3A_1359 = arith.extui %sign3A_1358 : i1 to i32
    %sign3A_1360 = arith.constant 0 : i32
    %sign3A_1361 = arith.cmpi slt, %add3A_1354, %sign3A_1360 : i32
    %sign3A_1362 = arith.extui %sign3A_1361 : i1 to i32
    %sign3A_1363 = arith.subi %sign3A_1359, %sign3A_1362 : i32
    %sign3A_1364 = arith.constant 0 : i32
    %sign3A_1365 = arith.cmpi sgt, %jit3A_1355, %sign3A_1364 : i32
    %sign3A_1366 = arith.extui %sign3A_1365 : i1 to i32
    %sign3A_1367 = arith.constant 0 : i32
    %sign3A_1368 = arith.cmpi slt, %jit3A_1355, %sign3A_1367 : i32
    %sign3A_1369 = arith.extui %sign3A_1368 : i1 to i32
    %sign3A_1370 = arith.subi %sign3A_1366, %sign3A_1369 : i32
    %ne3A_1371 = arith.cmpi ne, %sign3A_1363, %sign3A_1370 : i32
    %rem3A_1372 = arith.remsi %add3A_1354, %jit3A_1355 : i32
    %ne3A_1373 = arith.constant 0 : i32
    %ne3A_1374 = arith.cmpi ne, %rem3A_1372, %ne3A_1373 : i32
    %and3A_1375 = arith.andi %ne3A_1371, %ne3A_1374 : i1
    %sub3A_1376 = arith.constant 1 : i32
    %sub3A_1377 = arith.subi %div3A_1356, %sub3A_1376 : i32
    %select_n3A_1378 = arith.select %and3A_1375, %sub3A_1377, %div3A_1356 : i32
    %jit3A_1379 = arith.constant 32 : i32
    %eq3A_1380 = arith.constant 0 : i32
    %eq3A_1381 = arith.cmpi eq, %jit3A_1379, %eq3A_1380 : i32
    %jit3A_1382 = arith.constant 1 : i32
    %select_n3A_1383 = arith.select %eq3A_1381, %jit3A_1382, %jit3A_1379 : i32
    %rem3A_1384 = arith.remsi %add3A_1354, %select_n3A_1383 : i32
    %ne3A_1385 = arith.constant 0 : i32
    %ne3A_1386 = arith.cmpi ne, %rem3A_1384, %ne3A_1385 : i32
    %lt3A_1387 = arith.constant 0 : i32
    %lt3A_1388 = arith.cmpi slt, %rem3A_1384, %lt3A_1387 : i32
    %lt3A_1389 = arith.constant 0 : i32
    %lt3A_1390 = arith.cmpi slt, %select_n3A_1383, %lt3A_1389 : i32
    %ne3A_1391 = arith.xori %lt3A_1388, %lt3A_1390 : i1
    %and3A_1392 = arith.andi %ne3A_1391, %ne3A_1386 : i1
    %add3A_1393 = arith.addi %rem3A_1384, %select_n3A_1383 : i32
    %select_n3A_1394 = arith.select %and3A_1392, %add3A_1393, %rem3A_1384 : i32
    %dma_start3A_1395 = arith.constant 192 : i32
    %dma_start3A_1396 = arith.constant 0 : i32
    %dma_start3A_1397 = tpu.memref_slice %arg3[%select_n3A_1378, %select_n3A_1394, %dma_start3A_1395, %dma_start3A_1396] : memref<8x32x384x196xf32, #tpu.memory_space<hbm>> -> memref<1x1x96x196xf32, #tpu.memory_space<hbm>>
    %dma_start3A_1398 = tpu.memref_squeeze %dma_start3A_1397 : memref<1x1x96x196xf32, #tpu.memory_space<hbm>> -> memref<96x196xf32, #tpu.memory_space<hbm>>
    %dma_start3A_1399 = arith.constant 192 : i32
    %dma_start3A_1400 = arith.constant 0 : i32
    %dma_start3A_1401 = tpu.memref_slice %arg3[%select_n3A_1378, %select_n3A_1394, %dma_start3A_1399, %dma_start3A_1400] : memref<8x32x384x196xf32, #tpu.memory_space<hbm>> -> memref<1x1x96x196xf32, #tpu.memory_space<hbm>>
    %dma_start3A_1402 = tpu.memref_squeeze %dma_start3A_1401 : memref<1x1x96x196xf32, #tpu.memory_space<hbm>> -> memref<96x196xf32, #tpu.memory_space<hbm>>
    tpu.enqueue_dma source(%arg6 : memref<96x196xf32, #tpu.memory_space<vmem>>) target(%dma_start3A_1402 : memref<96x196xf32, #tpu.memory_space<hbm>>) target_semaphore(%arg14 : memref<!tpu.dma_semaphore, #tpu.memory_space<semaphore_mem>>)
    %dma_wait3A_1403 = arith.constant 96 : i32
    %dma_wait3A_1404 = arith.constant 0 : i32
    %dma_wait3A_1405 = tpu.memref_slice %arg2[%select_n3A_1204, %add3A_1224, %dma_wait3A_1403, %dma_wait3A_1404] : memref<8x64x192x196xf32, #tpu.memory_space<hbm>> -> memref<1x1x96x196xf32, #tpu.memory_space<hbm>>
    %dma_wait3A_1406 = tpu.memref_squeeze %dma_wait3A_1405 : memref<1x1x96x196xf32, #tpu.memory_space<hbm>> -> memref<96x196xf32, #tpu.memory_space<hbm>>
    %dma_wait3A_1407 = arith.constant 96 : i32
    %dma_wait3A_1408 = arith.constant 0 : i32
    %dma_wait3A_1409 = tpu.memref_slice %arg2[%select_n3A_1204, %add3A_1224, %dma_wait3A_1407, %dma_wait3A_1408] : memref<8x64x192x196xf32, #tpu.memory_space<hbm>> -> memref<1x1x96x196xf32, #tpu.memory_space<hbm>>
    %dma_wait3A_1410 = tpu.memref_squeeze %dma_wait3A_1409 : memref<1x1x96x196xf32, #tpu.memory_space<hbm>> -> memref<96x196xf32, #tpu.memory_space<hbm>>
    tpu.wait_dma2 semaphore(%arg11 : memref<!tpu.dma_semaphore, #tpu.memory_space<semaphore_mem>>) src(%dma_wait3A_1410 : memref<96x196xf32, #tpu.memory_space<hbm>>) dst(%arg7 : memref<96x196xf32, #tpu.memory_space<vmem>>)
    %dma_wait3A_1411 = arith.constant 96 : i32
    %dma_wait3A_1412 = arith.constant 0 : i32
    %dma_wait3A_1413 = tpu.memref_slice %arg3[%select_n3A_1258, %select_n3A_1274, %dma_wait3A_1411, %dma_wait3A_1412] : memref<8x32x384x196xf32, #tpu.memory_space<hbm>> -> memref<1x1x96x196xf32, #tpu.memory_space<hbm>>
    %dma_wait3A_1414 = tpu.memref_squeeze %dma_wait3A_1413 : memref<1x1x96x196xf32, #tpu.memory_space<hbm>> -> memref<96x196xf32, #tpu.memory_space<hbm>>
    %dma_wait3A_1415 = arith.constant 96 : i32
    %dma_wait3A_1416 = arith.constant 0 : i32
    %dma_wait3A_1417 = tpu.memref_slice %arg3[%select_n3A_1258, %select_n3A_1274, %dma_wait3A_1415, %dma_wait3A_1416] : memref<8x32x384x196xf32, #tpu.memory_space<hbm>> -> memref<1x1x96x196xf32, #tpu.memory_space<hbm>>
    %dma_wait3A_1418 = tpu.memref_squeeze %dma_wait3A_1417 : memref<1x1x96x196xf32, #tpu.memory_space<hbm>> -> memref<96x196xf32, #tpu.memory_space<hbm>>
    tpu.wait_dma2 semaphore(%arg13 : memref<!tpu.dma_semaphore, #tpu.memory_space<semaphore_mem>>) src(%arg5 : memref<96x196xf32, #tpu.memory_space<vmem>>) dst(%dma_wait3A_1418 : memref<96x196xf32, #tpu.memory_space<hbm>>)
    %add3A_1419 = arith.constant 3 : i32
    %add3A_1420 = arith.addi %mul3A_2, %add3A_1419 : i32
    %jit3A_1421 = arith.constant 32 : i32
    %div3A_1422 = arith.divsi %add3A_1420, %jit3A_1421 : i32
    %sign3A_1423 = arith.constant 0 : i32
    %sign3A_1424 = arith.cmpi sgt, %add3A_1420, %sign3A_1423 : i32
    %sign3A_1425 = arith.extui %sign3A_1424 : i1 to i32
    %sign3A_1426 = arith.constant 0 : i32
    %sign3A_1427 = arith.cmpi slt, %add3A_1420, %sign3A_1426 : i32
    %sign3A_1428 = arith.extui %sign3A_1427 : i1 to i32
    %sign3A_1429 = arith.subi %sign3A_1425, %sign3A_1428 : i32
    %sign3A_1430 = arith.constant 0 : i32
    %sign3A_1431 = arith.cmpi sgt, %jit3A_1421, %sign3A_1430 : i32
    %sign3A_1432 = arith.extui %sign3A_1431 : i1 to i32
    %sign3A_1433 = arith.constant 0 : i32
    %sign3A_1434 = arith.cmpi slt, %jit3A_1421, %sign3A_1433 : i32
    %sign3A_1435 = arith.extui %sign3A_1434 : i1 to i32
    %sign3A_1436 = arith.subi %sign3A_1432, %sign3A_1435 : i32
    %ne3A_1437 = arith.cmpi ne, %sign3A_1429, %sign3A_1436 : i32
    %rem3A_1438 = arith.remsi %add3A_1420, %jit3A_1421 : i32
    %ne3A_1439 = arith.constant 0 : i32
    %ne3A_1440 = arith.cmpi ne, %rem3A_1438, %ne3A_1439 : i32
    %and3A_1441 = arith.andi %ne3A_1437, %ne3A_1440 : i1
    %sub3A_1442 = arith.constant 1 : i32
    %sub3A_1443 = arith.subi %div3A_1422, %sub3A_1442 : i32
    %select_n3A_1444 = arith.select %and3A_1441, %sub3A_1443, %div3A_1422 : i32
    %jit3A_1445 = arith.constant 32 : i32
    %eq3A_1446 = arith.constant 0 : i32
    %eq3A_1447 = arith.cmpi eq, %jit3A_1445, %eq3A_1446 : i32
    %jit3A_1448 = arith.constant 1 : i32
    %select_n3A_1449 = arith.select %eq3A_1447, %jit3A_1448, %jit3A_1445 : i32
    %rem3A_1450 = arith.remsi %add3A_1420, %select_n3A_1449 : i32
    %ne3A_1451 = arith.constant 0 : i32
    %ne3A_1452 = arith.cmpi ne, %rem3A_1450, %ne3A_1451 : i32
    %lt3A_1453 = arith.constant 0 : i32
    %lt3A_1454 = arith.cmpi slt, %rem3A_1450, %lt3A_1453 : i32
    %lt3A_1455 = arith.constant 0 : i32
    %lt3A_1456 = arith.cmpi slt, %select_n3A_1449, %lt3A_1455 : i32
    %ne3A_1457 = arith.xori %lt3A_1454, %lt3A_1456 : i1
    %and3A_1458 = arith.andi %ne3A_1457, %ne3A_1452 : i1
    %add3A_1459 = arith.addi %rem3A_1450, %select_n3A_1449 : i32
    %select_n3A_1460 = arith.select %and3A_1458, %add3A_1459, %rem3A_1450 : i32
    %mul3A_1461 = arith.constant 2 : i32
    %mul3A_1462 = arith.muli %mul3A_1461, %select_n3A_1460 : i32
    %add3A_1463 = arith.constant 0 : i32
    %add3A_1464 = arith.addi %mul3A_1462, %add3A_1463 : i32
    %dma_start3A_1465 = arith.constant 96 : i32
    %dma_start3A_1466 = arith.constant 0 : i32
    %dma_start3A_1467 = tpu.memref_slice %arg2[%select_n3A_1444, %add3A_1464, %dma_start3A_1465, %dma_start3A_1466] : memref<8x64x192x196xf32, #tpu.memory_space<hbm>> -> memref<1x1x96x196xf32, #tpu.memory_space<hbm>>
    %dma_start3A_1468 = tpu.memref_squeeze %dma_start3A_1467 : memref<1x1x96x196xf32, #tpu.memory_space<hbm>> -> memref<96x196xf32, #tpu.memory_space<hbm>>
    %dma_start3A_1469 = arith.constant 96 : i32
    %dma_start3A_1470 = arith.constant 0 : i32
    %dma_start3A_1471 = tpu.memref_slice %arg2[%select_n3A_1444, %add3A_1464, %dma_start3A_1469, %dma_start3A_1470] : memref<8x64x192x196xf32, #tpu.memory_space<hbm>> -> memref<1x1x96x196xf32, #tpu.memory_space<hbm>>
    %dma_start3A_1472 = tpu.memref_squeeze %dma_start3A_1471 : memref<1x1x96x196xf32, #tpu.memory_space<hbm>> -> memref<96x196xf32, #tpu.memory_space<hbm>>
    tpu.enqueue_dma source(%dma_start3A_1472 : memref<96x196xf32, #tpu.memory_space<hbm>>) target(%arg5 : memref<96x196xf32, #tpu.memory_space<vmem>>) target_semaphore(%arg9 : memref<!tpu.dma_semaphore, #tpu.memory_space<semaphore_mem>>)
    %add3A_1473 = arith.constant 2 : i32
    %add3A_1474 = arith.addi %mul3A_2, %add3A_1473 : i32
    %jit3A_1475 = arith.constant 32 : i32
    %div3A_1476 = arith.divsi %add3A_1474, %jit3A_1475 : i32
    %sign3A_1477 = arith.constant 0 : i32
    %sign3A_1478 = arith.cmpi sgt, %add3A_1474, %sign3A_1477 : i32
    %sign3A_1479 = arith.extui %sign3A_1478 : i1 to i32
    %sign3A_1480 = arith.constant 0 : i32
    %sign3A_1481 = arith.cmpi slt, %add3A_1474, %sign3A_1480 : i32
    %sign3A_1482 = arith.extui %sign3A_1481 : i1 to i32
    %sign3A_1483 = arith.subi %sign3A_1479, %sign3A_1482 : i32
    %sign3A_1484 = arith.constant 0 : i32
    %sign3A_1485 = arith.cmpi sgt, %jit3A_1475, %sign3A_1484 : i32
    %sign3A_1486 = arith.extui %sign3A_1485 : i1 to i32
    %sign3A_1487 = arith.constant 0 : i32
    %sign3A_1488 = arith.cmpi slt, %jit3A_1475, %sign3A_1487 : i32
    %sign3A_1489 = arith.extui %sign3A_1488 : i1 to i32
    %sign3A_1490 = arith.subi %sign3A_1486, %sign3A_1489 : i32
    %ne3A_1491 = arith.cmpi ne, %sign3A_1483, %sign3A_1490 : i32
    %rem3A_1492 = arith.remsi %add3A_1474, %jit3A_1475 : i32
    %ne3A_1493 = arith.constant 0 : i32
    %ne3A_1494 = arith.cmpi ne, %rem3A_1492, %ne3A_1493 : i32
    %and3A_1495 = arith.andi %ne3A_1491, %ne3A_1494 : i1
    %sub3A_1496 = arith.constant 1 : i32
    %sub3A_1497 = arith.subi %div3A_1476, %sub3A_1496 : i32
    %select_n3A_1498 = arith.select %and3A_1495, %sub3A_1497, %div3A_1476 : i32
    %jit3A_1499 = arith.constant 32 : i32
    %eq3A_1500 = arith.constant 0 : i32
    %eq3A_1501 = arith.cmpi eq, %jit3A_1499, %eq3A_1500 : i32
    %jit3A_1502 = arith.constant 1 : i32
    %select_n3A_1503 = arith.select %eq3A_1501, %jit3A_1502, %jit3A_1499 : i32
    %rem3A_1504 = arith.remsi %add3A_1474, %select_n3A_1503 : i32
    %ne3A_1505 = arith.constant 0 : i32
    %ne3A_1506 = arith.cmpi ne, %rem3A_1504, %ne3A_1505 : i32
    %lt3A_1507 = arith.constant 0 : i32
    %lt3A_1508 = arith.cmpi slt, %rem3A_1504, %lt3A_1507 : i32
    %lt3A_1509 = arith.constant 0 : i32
    %lt3A_1510 = arith.cmpi slt, %select_n3A_1503, %lt3A_1509 : i32
    %ne3A_1511 = arith.xori %lt3A_1508, %lt3A_1510 : i1
    %and3A_1512 = arith.andi %ne3A_1511, %ne3A_1506 : i1
    %add3A_1513 = arith.addi %rem3A_1504, %select_n3A_1503 : i32
    %select_n3A_1514 = arith.select %and3A_1512, %add3A_1513, %rem3A_1504 : i32
    %dma_start3A_1515 = arith.constant 288 : i32
    %dma_start3A_1516 = arith.constant 0 : i32
    %dma_start3A_1517 = tpu.memref_slice %arg3[%select_n3A_1498, %select_n3A_1514, %dma_start3A_1515, %dma_start3A_1516] : memref<8x32x384x196xf32, #tpu.memory_space<hbm>> -> memref<1x1x96x196xf32, #tpu.memory_space<hbm>>
    %dma_start3A_1518 = tpu.memref_squeeze %dma_start3A_1517 : memref<1x1x96x196xf32, #tpu.memory_space<hbm>> -> memref<96x196xf32, #tpu.memory_space<hbm>>
    %dma_start3A_1519 = arith.constant 288 : i32
    %dma_start3A_1520 = arith.constant 0 : i32
    %dma_start3A_1521 = tpu.memref_slice %arg3[%select_n3A_1498, %select_n3A_1514, %dma_start3A_1519, %dma_start3A_1520] : memref<8x32x384x196xf32, #tpu.memory_space<hbm>> -> memref<1x1x96x196xf32, #tpu.memory_space<hbm>>
    %dma_start3A_1522 = tpu.memref_squeeze %dma_start3A_1521 : memref<1x1x96x196xf32, #tpu.memory_space<hbm>> -> memref<96x196xf32, #tpu.memory_space<hbm>>
    tpu.enqueue_dma source(%arg7 : memref<96x196xf32, #tpu.memory_space<vmem>>) target(%dma_start3A_1522 : memref<96x196xf32, #tpu.memory_space<hbm>>) target_semaphore(%arg15 : memref<!tpu.dma_semaphore, #tpu.memory_space<semaphore_mem>>)
    %dma_wait3A_1523 = arith.constant 0 : i32
    %dma_wait3A_1524 = arith.constant 0 : i32
    %dma_wait3A_1525 = tpu.memref_slice %arg2[%select_n3A_1324, %add3A_1344, %dma_wait3A_1523, %dma_wait3A_1524] : memref<8x64x192x196xf32, #tpu.memory_space<hbm>> -> memref<1x1x96x196xf32, #tpu.memory_space<hbm>>
    %dma_wait3A_1526 = tpu.memref_squeeze %dma_wait3A_1525 : memref<1x1x96x196xf32, #tpu.memory_space<hbm>> -> memref<96x196xf32, #tpu.memory_space<hbm>>
    %dma_wait3A_1527 = arith.constant 0 : i32
    %dma_wait3A_1528 = arith.constant 0 : i32
    %dma_wait3A_1529 = tpu.memref_slice %arg2[%select_n3A_1324, %add3A_1344, %dma_wait3A_1527, %dma_wait3A_1528] : memref<8x64x192x196xf32, #tpu.memory_space<hbm>> -> memref<1x1x96x196xf32, #tpu.memory_space<hbm>>
    %dma_wait3A_1530 = tpu.memref_squeeze %dma_wait3A_1529 : memref<1x1x96x196xf32, #tpu.memory_space<hbm>> -> memref<96x196xf32, #tpu.memory_space<hbm>>
    tpu.wait_dma2 semaphore(%arg8 : memref<!tpu.dma_semaphore, #tpu.memory_space<semaphore_mem>>) src(%dma_wait3A_1530 : memref<96x196xf32, #tpu.memory_space<hbm>>) dst(%arg4 : memref<96x196xf32, #tpu.memory_space<vmem>>)
    %dma_wait3A_1531 = arith.constant 192 : i32
    %dma_wait3A_1532 = arith.constant 0 : i32
    %dma_wait3A_1533 = tpu.memref_slice %arg3[%select_n3A_1378, %select_n3A_1394, %dma_wait3A_1531, %dma_wait3A_1532] : memref<8x32x384x196xf32, #tpu.memory_space<hbm>> -> memref<1x1x96x196xf32, #tpu.memory_space<hbm>>
    %dma_wait3A_1534 = tpu.memref_squeeze %dma_wait3A_1533 : memref<1x1x96x196xf32, #tpu.memory_space<hbm>> -> memref<96x196xf32, #tpu.memory_space<hbm>>
    %dma_wait3A_1535 = arith.constant 192 : i32
    %dma_wait3A_1536 = arith.constant 0 : i32
    %dma_wait3A_1537 = tpu.memref_slice %arg3[%select_n3A_1378, %select_n3A_1394, %dma_wait3A_1535, %dma_wait3A_1536] : memref<8x32x384x196xf32, #tpu.memory_space<hbm>> -> memref<1x1x96x196xf32, #tpu.memory_space<hbm>>
    %dma_wait3A_1538 = tpu.memref_squeeze %dma_wait3A_1537 : memref<1x1x96x196xf32, #tpu.memory_space<hbm>> -> memref<96x196xf32, #tpu.memory_space<hbm>>
    tpu.wait_dma2 semaphore(%arg14 : memref<!tpu.dma_semaphore, #tpu.memory_space<semaphore_mem>>) src(%arg6 : memref<96x196xf32, #tpu.memory_space<vmem>>) dst(%dma_wait3A_1538 : memref<96x196xf32, #tpu.memory_space<hbm>>)
    %add3A_1539 = arith.constant 3 : i32
    %add3A_1540 = arith.addi %mul3A_2, %add3A_1539 : i32
    %jit3A_1541 = arith.constant 32 : i32
    %div3A_1542 = arith.divsi %add3A_1540, %jit3A_1541 : i32
    %sign3A_1543 = arith.constant 0 : i32
    %sign3A_1544 = arith.cmpi sgt, %add3A_1540, %sign3A_1543 : i32
    %sign3A_1545 = arith.extui %sign3A_1544 : i1 to i32
    %sign3A_1546 = arith.constant 0 : i32
    %sign3A_1547 = arith.cmpi slt, %add3A_1540, %sign3A_1546 : i32
    %sign3A_1548 = arith.extui %sign3A_1547 : i1 to i32
    %sign3A_1549 = arith.subi %sign3A_1545, %sign3A_1548 : i32
    %sign3A_1550 = arith.constant 0 : i32
    %sign3A_1551 = arith.cmpi sgt, %jit3A_1541, %sign3A_1550 : i32
    %sign3A_1552 = arith.extui %sign3A_1551 : i1 to i32
    %sign3A_1553 = arith.constant 0 : i32
    %sign3A_1554 = arith.cmpi slt, %jit3A_1541, %sign3A_1553 : i32
    %sign3A_1555 = arith.extui %sign3A_1554 : i1 to i32
    %sign3A_1556 = arith.subi %sign3A_1552, %sign3A_1555 : i32
    %ne3A_1557 = arith.cmpi ne, %sign3A_1549, %sign3A_1556 : i32
    %rem3A_1558 = arith.remsi %add3A_1540, %jit3A_1541 : i32
    %ne3A_1559 = arith.constant 0 : i32
    %ne3A_1560 = arith.cmpi ne, %rem3A_1558, %ne3A_1559 : i32
    %and3A_1561 = arith.andi %ne3A_1557, %ne3A_1560 : i1
    %sub3A_1562 = arith.constant 1 : i32
    %sub3A_1563 = arith.subi %div3A_1542, %sub3A_1562 : i32
    %select_n3A_1564 = arith.select %and3A_1561, %sub3A_1563, %div3A_1542 : i32
    %jit3A_1565 = arith.constant 32 : i32
    %eq3A_1566 = arith.constant 0 : i32
    %eq3A_1567 = arith.cmpi eq, %jit3A_1565, %eq3A_1566 : i32
    %jit3A_1568 = arith.constant 1 : i32
    %select_n3A_1569 = arith.select %eq3A_1567, %jit3A_1568, %jit3A_1565 : i32
    %rem3A_1570 = arith.remsi %add3A_1540, %select_n3A_1569 : i32
    %ne3A_1571 = arith.constant 0 : i32
    %ne3A_1572 = arith.cmpi ne, %rem3A_1570, %ne3A_1571 : i32
    %lt3A_1573 = arith.constant 0 : i32
    %lt3A_1574 = arith.cmpi slt, %rem3A_1570, %lt3A_1573 : i32
    %lt3A_1575 = arith.constant 0 : i32
    %lt3A_1576 = arith.cmpi slt, %select_n3A_1569, %lt3A_1575 : i32
    %ne3A_1577 = arith.xori %lt3A_1574, %lt3A_1576 : i1
    %and3A_1578 = arith.andi %ne3A_1577, %ne3A_1572 : i1
    %add3A_1579 = arith.addi %rem3A_1570, %select_n3A_1569 : i32
    %select_n3A_1580 = arith.select %and3A_1578, %add3A_1579, %rem3A_1570 : i32
    %mul3A_1581 = arith.constant 2 : i32
    %mul3A_1582 = arith.muli %mul3A_1581, %select_n3A_1580 : i32
    %add3A_1583 = arith.constant 1 : i32
    %add3A_1584 = arith.addi %mul3A_1582, %add3A_1583 : i32
    %dma_start3A_1585 = arith.constant 0 : i32
    %dma_start3A_1586 = arith.constant 0 : i32
    %dma_start3A_1587 = tpu.memref_slice %arg2[%select_n3A_1564, %add3A_1584, %dma_start3A_1585, %dma_start3A_1586] : memref<8x64x192x196xf32, #tpu.memory_space<hbm>> -> memref<1x1x96x196xf32, #tpu.memory_space<hbm>>
    %dma_start3A_1588 = tpu.memref_squeeze %dma_start3A_1587 : memref<1x1x96x196xf32, #tpu.memory_space<hbm>> -> memref<96x196xf32, #tpu.memory_space<hbm>>
    %dma_start3A_1589 = arith.constant 0 : i32
    %dma_start3A_1590 = arith.constant 0 : i32
    %dma_start3A_1591 = tpu.memref_slice %arg2[%select_n3A_1564, %add3A_1584, %dma_start3A_1589, %dma_start3A_1590] : memref<8x64x192x196xf32, #tpu.memory_space<hbm>> -> memref<1x1x96x196xf32, #tpu.memory_space<hbm>>
    %dma_start3A_1592 = tpu.memref_squeeze %dma_start3A_1591 : memref<1x1x96x196xf32, #tpu.memory_space<hbm>> -> memref<96x196xf32, #tpu.memory_space<hbm>>
    tpu.enqueue_dma source(%dma_start3A_1592 : memref<96x196xf32, #tpu.memory_space<hbm>>) target(%arg6 : memref<96x196xf32, #tpu.memory_space<vmem>>) target_semaphore(%arg10 : memref<!tpu.dma_semaphore, #tpu.memory_space<semaphore_mem>>)
    %add3A_1593 = arith.constant 3 : i32
    %add3A_1594 = arith.addi %mul3A_2, %add3A_1593 : i32
    %jit3A_1595 = arith.constant 32 : i32
    %div3A_1596 = arith.divsi %add3A_1594, %jit3A_1595 : i32
    %sign3A_1597 = arith.constant 0 : i32
    %sign3A_1598 = arith.cmpi sgt, %add3A_1594, %sign3A_1597 : i32
    %sign3A_1599 = arith.extui %sign3A_1598 : i1 to i32
    %sign3A_1600 = arith.constant 0 : i32
    %sign3A_1601 = arith.cmpi slt, %add3A_1594, %sign3A_1600 : i32
    %sign3A_1602 = arith.extui %sign3A_1601 : i1 to i32
    %sign3A_1603 = arith.subi %sign3A_1599, %sign3A_1602 : i32
    %sign3A_1604 = arith.constant 0 : i32
    %sign3A_1605 = arith.cmpi sgt, %jit3A_1595, %sign3A_1604 : i32
    %sign3A_1606 = arith.extui %sign3A_1605 : i1 to i32
    %sign3A_1607 = arith.constant 0 : i32
    %sign3A_1608 = arith.cmpi slt, %jit3A_1595, %sign3A_1607 : i32
    %sign3A_1609 = arith.extui %sign3A_1608 : i1 to i32
    %sign3A_1610 = arith.subi %sign3A_1606, %sign3A_1609 : i32
    %ne3A_1611 = arith.cmpi ne, %sign3A_1603, %sign3A_1610 : i32
    %rem3A_1612 = arith.remsi %add3A_1594, %jit3A_1595 : i32
    %ne3A_1613 = arith.constant 0 : i32
    %ne3A_1614 = arith.cmpi ne, %rem3A_1612, %ne3A_1613 : i32
    %and3A_1615 = arith.andi %ne3A_1611, %ne3A_1614 : i1
    %sub3A_1616 = arith.constant 1 : i32
    %sub3A_1617 = arith.subi %div3A_1596, %sub3A_1616 : i32
    %select_n3A_1618 = arith.select %and3A_1615, %sub3A_1617, %div3A_1596 : i32
    %jit3A_1619 = arith.constant 32 : i32
    %eq3A_1620 = arith.constant 0 : i32
    %eq3A_1621 = arith.cmpi eq, %jit3A_1619, %eq3A_1620 : i32
    %jit3A_1622 = arith.constant 1 : i32
    %select_n3A_1623 = arith.select %eq3A_1621, %jit3A_1622, %jit3A_1619 : i32
    %rem3A_1624 = arith.remsi %add3A_1594, %select_n3A_1623 : i32
    %ne3A_1625 = arith.constant 0 : i32
    %ne3A_1626 = arith.cmpi ne, %rem3A_1624, %ne3A_1625 : i32
    %lt3A_1627 = arith.constant 0 : i32
    %lt3A_1628 = arith.cmpi slt, %rem3A_1624, %lt3A_1627 : i32
    %lt3A_1629 = arith.constant 0 : i32
    %lt3A_1630 = arith.cmpi slt, %select_n3A_1623, %lt3A_1629 : i32
    %ne3A_1631 = arith.xori %lt3A_1628, %lt3A_1630 : i1
    %and3A_1632 = arith.andi %ne3A_1631, %ne3A_1626 : i1
    %add3A_1633 = arith.addi %rem3A_1624, %select_n3A_1623 : i32
    %select_n3A_1634 = arith.select %and3A_1632, %add3A_1633, %rem3A_1624 : i32
    %dma_start3A_1635 = arith.constant 0 : i32
    %dma_start3A_1636 = arith.constant 0 : i32
    %dma_start3A_1637 = tpu.memref_slice %arg3[%select_n3A_1618, %select_n3A_1634, %dma_start3A_1635, %dma_start3A_1636] : memref<8x32x384x196xf32, #tpu.memory_space<hbm>> -> memref<1x1x96x196xf32, #tpu.memory_space<hbm>>
    %dma_start3A_1638 = tpu.memref_squeeze %dma_start3A_1637 : memref<1x1x96x196xf32, #tpu.memory_space<hbm>> -> memref<96x196xf32, #tpu.memory_space<hbm>>
    %dma_start3A_1639 = arith.constant 0 : i32
    %dma_start3A_1640 = arith.constant 0 : i32
    %dma_start3A_1641 = tpu.memref_slice %arg3[%select_n3A_1618, %select_n3A_1634, %dma_start3A_1639, %dma_start3A_1640] : memref<8x32x384x196xf32, #tpu.memory_space<hbm>> -> memref<1x1x96x196xf32, #tpu.memory_space<hbm>>
    %dma_start3A_1642 = tpu.memref_squeeze %dma_start3A_1641 : memref<1x1x96x196xf32, #tpu.memory_space<hbm>> -> memref<96x196xf32, #tpu.memory_space<hbm>>
    tpu.enqueue_dma source(%arg4 : memref<96x196xf32, #tpu.memory_space<vmem>>) target(%dma_start3A_1642 : memref<96x196xf32, #tpu.memory_space<hbm>>) target_semaphore(%arg12 : memref<!tpu.dma_semaphore, #tpu.memory_space<semaphore_mem>>)
    %dma_wait3A_1643 = arith.constant 96 : i32
    %dma_wait3A_1644 = arith.constant 0 : i32
    %dma_wait3A_1645 = tpu.memref_slice %arg2[%select_n3A_1444, %add3A_1464, %dma_wait3A_1643, %dma_wait3A_1644] : memref<8x64x192x196xf32, #tpu.memory_space<hbm>> -> memref<1x1x96x196xf32, #tpu.memory_space<hbm>>
    %dma_wait3A_1646 = tpu.memref_squeeze %dma_wait3A_1645 : memref<1x1x96x196xf32, #tpu.memory_space<hbm>> -> memref<96x196xf32, #tpu.memory_space<hbm>>
    %dma_wait3A_1647 = arith.constant 96 : i32
    %dma_wait3A_1648 = arith.constant 0 : i32
    %dma_wait3A_1649 = tpu.memref_slice %arg2[%select_n3A_1444, %add3A_1464, %dma_wait3A_1647, %dma_wait3A_1648] : memref<8x64x192x196xf32, #tpu.memory_space<hbm>> -> memref<1x1x96x196xf32, #tpu.memory_space<hbm>>
    %dma_wait3A_1650 = tpu.memref_squeeze %dma_wait3A_1649 : memref<1x1x96x196xf32, #tpu.memory_space<hbm>> -> memref<96x196xf32, #tpu.memory_space<hbm>>
    tpu.wait_dma2 semaphore(%arg9 : memref<!tpu.dma_semaphore, #tpu.memory_space<semaphore_mem>>) src(%dma_wait3A_1650 : memref<96x196xf32, #tpu.memory_space<hbm>>) dst(%arg5 : memref<96x196xf32, #tpu.memory_space<vmem>>)
    %dma_wait3A_1651 = arith.constant 288 : i32
    %dma_wait3A_1652 = arith.constant 0 : i32
    %dma_wait3A_1653 = tpu.memref_slice %arg3[%select_n3A_1498, %select_n3A_1514, %dma_wait3A_1651, %dma_wait3A_1652] : memref<8x32x384x196xf32, #tpu.memory_space<hbm>> -> memref<1x1x96x196xf32, #tpu.memory_space<hbm>>
    %dma_wait3A_1654 = tpu.memref_squeeze %dma_wait3A_1653 : memref<1x1x96x196xf32, #tpu.memory_space<hbm>> -> memref<96x196xf32, #tpu.memory_space<hbm>>
    %dma_wait3A_1655 = arith.constant 288 : i32
    %dma_wait3A_1656 = arith.constant 0 : i32
    %dma_wait3A_1657 = tpu.memref_slice %arg3[%select_n3A_1498, %select_n3A_1514, %dma_wait3A_1655, %dma_wait3A_1656] : memref<8x32x384x196xf32, #tpu.memory_space<hbm>> -> memref<1x1x96x196xf32, #tpu.memory_space<hbm>>
    %dma_wait3A_1658 = tpu.memref_squeeze %dma_wait3A_1657 : memref<1x1x96x196xf32, #tpu.memory_space<hbm>> -> memref<96x196xf32, #tpu.memory_space<hbm>>
    tpu.wait_dma2 semaphore(%arg15 : memref<!tpu.dma_semaphore, #tpu.memory_space<semaphore_mem>>) src(%arg7 : memref<96x196xf32, #tpu.memory_space<vmem>>) dst(%dma_wait3A_1658 : memref<96x196xf32, #tpu.memory_space<hbm>>)
    %add3A_1659 = arith.constant 3 : i32
    %add3A_1660 = arith.addi %mul3A_2, %add3A_1659 : i32
    %jit3A_1661 = arith.constant 32 : i32
    %div3A_1662 = arith.divsi %add3A_1660, %jit3A_1661 : i32
    %sign3A_1663 = arith.constant 0 : i32
    %sign3A_1664 = arith.cmpi sgt, %add3A_1660, %sign3A_1663 : i32
    %sign3A_1665 = arith.extui %sign3A_1664 : i1 to i32
    %sign3A_1666 = arith.constant 0 : i32
    %sign3A_1667 = arith.cmpi slt, %add3A_1660, %sign3A_1666 : i32
    %sign3A_1668 = arith.extui %sign3A_1667 : i1 to i32
    %sign3A_1669 = arith.subi %sign3A_1665, %sign3A_1668 : i32
    %sign3A_1670 = arith.constant 0 : i32
    %sign3A_1671 = arith.cmpi sgt, %jit3A_1661, %sign3A_1670 : i32
    %sign3A_1672 = arith.extui %sign3A_1671 : i1 to i32
    %sign3A_1673 = arith.constant 0 : i32
    %sign3A_1674 = arith.cmpi slt, %jit3A_1661, %sign3A_1673 : i32
    %sign3A_1675 = arith.extui %sign3A_1674 : i1 to i32
    %sign3A_1676 = arith.subi %sign3A_1672, %sign3A_1675 : i32
    %ne3A_1677 = arith.cmpi ne, %sign3A_1669, %sign3A_1676 : i32
    %rem3A_1678 = arith.remsi %add3A_1660, %jit3A_1661 : i32
    %ne3A_1679 = arith.constant 0 : i32
    %ne3A_1680 = arith.cmpi ne, %rem3A_1678, %ne3A_1679 : i32
    %and3A_1681 = arith.andi %ne3A_1677, %ne3A_1680 : i1
    %sub3A_1682 = arith.constant 1 : i32
    %sub3A_1683 = arith.subi %div3A_1662, %sub3A_1682 : i32
    %select_n3A_1684 = arith.select %and3A_1681, %sub3A_1683, %div3A_1662 : i32
    %jit3A_1685 = arith.constant 32 : i32
    %eq3A_1686 = arith.constant 0 : i32
    %eq3A_1687 = arith.cmpi eq, %jit3A_1685, %eq3A_1686 : i32
    %jit3A_1688 = arith.constant 1 : i32
    %select_n3A_1689 = arith.select %eq3A_1687, %jit3A_1688, %jit3A_1685 : i32
    %rem3A_1690 = arith.remsi %add3A_1660, %select_n3A_1689 : i32
    %ne3A_1691 = arith.constant 0 : i32
    %ne3A_1692 = arith.cmpi ne, %rem3A_1690, %ne3A_1691 : i32
    %lt3A_1693 = arith.constant 0 : i32
    %lt3A_1694 = arith.cmpi slt, %rem3A_1690, %lt3A_1693 : i32
    %lt3A_1695 = arith.constant 0 : i32
    %lt3A_1696 = arith.cmpi slt, %select_n3A_1689, %lt3A_1695 : i32
    %ne3A_1697 = arith.xori %lt3A_1694, %lt3A_1696 : i1
    %and3A_1698 = arith.andi %ne3A_1697, %ne3A_1692 : i1
    %add3A_1699 = arith.addi %rem3A_1690, %select_n3A_1689 : i32
    %select_n3A_1700 = arith.select %and3A_1698, %add3A_1699, %rem3A_1690 : i32
    %mul3A_1701 = arith.constant 2 : i32
    %mul3A_1702 = arith.muli %mul3A_1701, %select_n3A_1700 : i32
    %add3A_1703 = arith.constant 1 : i32
    %add3A_1704 = arith.addi %mul3A_1702, %add3A_1703 : i32
    %dma_start3A_1705 = arith.constant 96 : i32
    %dma_start3A_1706 = arith.constant 0 : i32
    %dma_start3A_1707 = tpu.memref_slice %arg2[%select_n3A_1684, %add3A_1704, %dma_start3A_1705, %dma_start3A_1706] : memref<8x64x192x196xf32, #tpu.memory_space<hbm>> -> memref<1x1x96x196xf32, #tpu.memory_space<hbm>>
    %dma_start3A_1708 = tpu.memref_squeeze %dma_start3A_1707 : memref<1x1x96x196xf32, #tpu.memory_space<hbm>> -> memref<96x196xf32, #tpu.memory_space<hbm>>
    %dma_start3A_1709 = arith.constant 96 : i32
    %dma_start3A_1710 = arith.constant 0 : i32
    %dma_start3A_1711 = tpu.memref_slice %arg2[%select_n3A_1684, %add3A_1704, %dma_start3A_1709, %dma_start3A_1710] : memref<8x64x192x196xf32, #tpu.memory_space<hbm>> -> memref<1x1x96x196xf32, #tpu.memory_space<hbm>>
    %dma_start3A_1712 = tpu.memref_squeeze %dma_start3A_1711 : memref<1x1x96x196xf32, #tpu.memory_space<hbm>> -> memref<96x196xf32, #tpu.memory_space<hbm>>
    tpu.enqueue_dma source(%dma_start3A_1712 : memref<96x196xf32, #tpu.memory_space<hbm>>) target(%arg7 : memref<96x196xf32, #tpu.memory_space<vmem>>) target_semaphore(%arg11 : memref<!tpu.dma_semaphore, #tpu.memory_space<semaphore_mem>>)
    %add3A_1713 = arith.constant 3 : i32
    %add3A_1714 = arith.addi %mul3A_2, %add3A_1713 : i32
    %jit3A_1715 = arith.constant 32 : i32
    %div3A_1716 = arith.divsi %add3A_1714, %jit3A_1715 : i32
    %sign3A_1717 = arith.constant 0 : i32
    %sign3A_1718 = arith.cmpi sgt, %add3A_1714, %sign3A_1717 : i32
    %sign3A_1719 = arith.extui %sign3A_1718 : i1 to i32
    %sign3A_1720 = arith.constant 0 : i32
    %sign3A_1721 = arith.cmpi slt, %add3A_1714, %sign3A_1720 : i32
    %sign3A_1722 = arith.extui %sign3A_1721 : i1 to i32
    %sign3A_1723 = arith.subi %sign3A_1719, %sign3A_1722 : i32
    %sign3A_1724 = arith.constant 0 : i32
    %sign3A_1725 = arith.cmpi sgt, %jit3A_1715, %sign3A_1724 : i32
    %sign3A_1726 = arith.extui %sign3A_1725 : i1 to i32
    %sign3A_1727 = arith.constant 0 : i32
    %sign3A_1728 = arith.cmpi slt, %jit3A_1715, %sign3A_1727 : i32
    %sign3A_1729 = arith.extui %sign3A_1728 : i1 to i32
    %sign3A_1730 = arith.subi %sign3A_1726, %sign3A_1729 : i32
    %ne3A_1731 = arith.cmpi ne, %sign3A_1723, %sign3A_1730 : i32
    %rem3A_1732 = arith.remsi %add3A_1714, %jit3A_1715 : i32
    %ne3A_1733 = arith.constant 0 : i32
    %ne3A_1734 = arith.cmpi ne, %rem3A_1732, %ne3A_1733 : i32
    %and3A_1735 = arith.andi %ne3A_1731, %ne3A_1734 : i1
    %sub3A_1736 = arith.constant 1 : i32
    %sub3A_1737 = arith.subi %div3A_1716, %sub3A_1736 : i32
    %select_n3A_1738 = arith.select %and3A_1735, %sub3A_1737, %div3A_1716 : i32
    %jit3A_1739 = arith.constant 32 : i32
    %eq3A_1740 = arith.constant 0 : i32
    %eq3A_1741 = arith.cmpi eq, %jit3A_1739, %eq3A_1740 : i32
    %jit3A_1742 = arith.constant 1 : i32
    %select_n3A_1743 = arith.select %eq3A_1741, %jit3A_1742, %jit3A_1739 : i32
    %rem3A_1744 = arith.remsi %add3A_1714, %select_n3A_1743 : i32
    %ne3A_1745 = arith.constant 0 : i32
    %ne3A_1746 = arith.cmpi ne, %rem3A_1744, %ne3A_1745 : i32
    %lt3A_1747 = arith.constant 0 : i32
    %lt3A_1748 = arith.cmpi slt, %rem3A_1744, %lt3A_1747 : i32
    %lt3A_1749 = arith.constant 0 : i32
    %lt3A_1750 = arith.cmpi slt, %select_n3A_1743, %lt3A_1749 : i32
    %ne3A_1751 = arith.xori %lt3A_1748, %lt3A_1750 : i1
    %and3A_1752 = arith.andi %ne3A_1751, %ne3A_1746 : i1
    %add3A_1753 = arith.addi %rem3A_1744, %select_n3A_1743 : i32
    %select_n3A_1754 = arith.select %and3A_1752, %add3A_1753, %rem3A_1744 : i32
    %dma_start3A_1755 = arith.constant 96 : i32
    %dma_start3A_1756 = arith.constant 0 : i32
    %dma_start3A_1757 = tpu.memref_slice %arg3[%select_n3A_1738, %select_n3A_1754, %dma_start3A_1755, %dma_start3A_1756] : memref<8x32x384x196xf32, #tpu.memory_space<hbm>> -> memref<1x1x96x196xf32, #tpu.memory_space<hbm>>
    %dma_start3A_1758 = tpu.memref_squeeze %dma_start3A_1757 : memref<1x1x96x196xf32, #tpu.memory_space<hbm>> -> memref<96x196xf32, #tpu.memory_space<hbm>>
    %dma_start3A_1759 = arith.constant 96 : i32
    %dma_start3A_1760 = arith.constant 0 : i32
    %dma_start3A_1761 = tpu.memref_slice %arg3[%select_n3A_1738, %select_n3A_1754, %dma_start3A_1759, %dma_start3A_1760] : memref<8x32x384x196xf32, #tpu.memory_space<hbm>> -> memref<1x1x96x196xf32, #tpu.memory_space<hbm>>
    %dma_start3A_1762 = tpu.memref_squeeze %dma_start3A_1761 : memref<1x1x96x196xf32, #tpu.memory_space<hbm>> -> memref<96x196xf32, #tpu.memory_space<hbm>>
    tpu.enqueue_dma source(%arg5 : memref<96x196xf32, #tpu.memory_space<vmem>>) target(%dma_start3A_1762 : memref<96x196xf32, #tpu.memory_space<hbm>>) target_semaphore(%arg13 : memref<!tpu.dma_semaphore, #tpu.memory_space<semaphore_mem>>)
    %dma_wait3A_1763 = arith.constant 0 : i32
    %dma_wait3A_1764 = arith.constant 0 : i32
    %dma_wait3A_1765 = tpu.memref_slice %arg2[%select_n3A_1564, %add3A_1584, %dma_wait3A_1763, %dma_wait3A_1764] : memref<8x64x192x196xf32, #tpu.memory_space<hbm>> -> memref<1x1x96x196xf32, #tpu.memory_space<hbm>>
    %dma_wait3A_1766 = tpu.memref_squeeze %dma_wait3A_1765 : memref<1x1x96x196xf32, #tpu.memory_space<hbm>> -> memref<96x196xf32, #tpu.memory_space<hbm>>
    %dma_wait3A_1767 = arith.constant 0 : i32
    %dma_wait3A_1768 = arith.constant 0 : i32
    %dma_wait3A_1769 = tpu.memref_slice %arg2[%select_n3A_1564, %add3A_1584, %dma_wait3A_1767, %dma_wait3A_1768] : memref<8x64x192x196xf32, #tpu.memory_space<hbm>> -> memref<1x1x96x196xf32, #tpu.memory_space<hbm>>
    %dma_wait3A_1770 = tpu.memref_squeeze %dma_wait3A_1769 : memref<1x1x96x196xf32, #tpu.memory_space<hbm>> -> memref<96x196xf32, #tpu.memory_space<hbm>>
    tpu.wait_dma2 semaphore(%arg10 : memref<!tpu.dma_semaphore, #tpu.memory_space<semaphore_mem>>) src(%dma_wait3A_1770 : memref<96x196xf32, #tpu.memory_space<hbm>>) dst(%arg6 : memref<96x196xf32, #tpu.memory_space<vmem>>)
    %dma_wait3A_1771 = arith.constant 0 : i32
    %dma_wait3A_1772 = arith.constant 0 : i32
    %dma_wait3A_1773 = tpu.memref_slice %arg3[%select_n3A_1618, %select_n3A_1634, %dma_wait3A_1771, %dma_wait3A_1772] : memref<8x32x384x196xf32, #tpu.memory_space<hbm>> -> memref<1x1x96x196xf32, #tpu.memory_space<hbm>>
    %dma_wait3A_1774 = tpu.memref_squeeze %dma_wait3A_1773 : memref<1x1x96x196xf32, #tpu.memory_space<hbm>> -> memref<96x196xf32, #tpu.memory_space<hbm>>
    %dma_wait3A_1775 = arith.constant 0 : i32
    %dma_wait3A_1776 = arith.constant 0 : i32
    %dma_wait3A_1777 = tpu.memref_slice %arg3[%select_n3A_1618, %select_n3A_1634, %dma_wait3A_1775, %dma_wait3A_1776] : memref<8x32x384x196xf32, #tpu.memory_space<hbm>> -> memref<1x1x96x196xf32, #tpu.memory_space<hbm>>
    %dma_wait3A_1778 = tpu.memref_squeeze %dma_wait3A_1777 : memref<1x1x96x196xf32, #tpu.memory_space<hbm>> -> memref<96x196xf32, #tpu.memory_space<hbm>>
    tpu.wait_dma2 semaphore(%arg12 : memref<!tpu.dma_semaphore, #tpu.memory_space<semaphore_mem>>) src(%arg4 : memref<96x196xf32, #tpu.memory_space<vmem>>) dst(%dma_wait3A_1778 : memref<96x196xf32, #tpu.memory_space<hbm>>)
    %add3A_1779 = arith.constant 4 : i32
    %add3A_1780 = arith.addi %mul3A_2, %add3A_1779 : i32
    %jit3A_1781 = arith.constant 32 : i32
    %div3A_1782 = arith.divsi %add3A_1780, %jit3A_1781 : i32
    %sign3A_1783 = arith.constant 0 : i32
    %sign3A_1784 = arith.cmpi sgt, %add3A_1780, %sign3A_1783 : i32
    %sign3A_1785 = arith.extui %sign3A_1784 : i1 to i32
    %sign3A_1786 = arith.constant 0 : i32
    %sign3A_1787 = arith.cmpi slt, %add3A_1780, %sign3A_1786 : i32
    %sign3A_1788 = arith.extui %sign3A_1787 : i1 to i32
    %sign3A_1789 = arith.subi %sign3A_1785, %sign3A_1788 : i32
    %sign3A_1790 = arith.constant 0 : i32
    %sign3A_1791 = arith.cmpi sgt, %jit3A_1781, %sign3A_1790 : i32
    %sign3A_1792 = arith.extui %sign3A_1791 : i1 to i32
    %sign3A_1793 = arith.constant 0 : i32
    %sign3A_1794 = arith.cmpi slt, %jit3A_1781, %sign3A_1793 : i32
    %sign3A_1795 = arith.extui %sign3A_1794 : i1 to i32
    %sign3A_1796 = arith.subi %sign3A_1792, %sign3A_1795 : i32
    %ne3A_1797 = arith.cmpi ne, %sign3A_1789, %sign3A_1796 : i32
    %rem3A_1798 = arith.remsi %add3A_1780, %jit3A_1781 : i32
    %ne3A_1799 = arith.constant 0 : i32
    %ne3A_1800 = arith.cmpi ne, %rem3A_1798, %ne3A_1799 : i32
    %and3A_1801 = arith.andi %ne3A_1797, %ne3A_1800 : i1
    %sub3A_1802 = arith.constant 1 : i32
    %sub3A_1803 = arith.subi %div3A_1782, %sub3A_1802 : i32
    %select_n3A_1804 = arith.select %and3A_1801, %sub3A_1803, %div3A_1782 : i32
    %jit3A_1805 = arith.constant 32 : i32
    %eq3A_1806 = arith.constant 0 : i32
    %eq3A_1807 = arith.cmpi eq, %jit3A_1805, %eq3A_1806 : i32
    %jit3A_1808 = arith.constant 1 : i32
    %select_n3A_1809 = arith.select %eq3A_1807, %jit3A_1808, %jit3A_1805 : i32
    %rem3A_1810 = arith.remsi %add3A_1780, %select_n3A_1809 : i32
    %ne3A_1811 = arith.constant 0 : i32
    %ne3A_1812 = arith.cmpi ne, %rem3A_1810, %ne3A_1811 : i32
    %lt3A_1813 = arith.constant 0 : i32
    %lt3A_1814 = arith.cmpi slt, %rem3A_1810, %lt3A_1813 : i32
    %lt3A_1815 = arith.constant 0 : i32
    %lt3A_1816 = arith.cmpi slt, %select_n3A_1809, %lt3A_1815 : i32
    %ne3A_1817 = arith.xori %lt3A_1814, %lt3A_1816 : i1
    %and3A_1818 = arith.andi %ne3A_1817, %ne3A_1812 : i1
    %add3A_1819 = arith.addi %rem3A_1810, %select_n3A_1809 : i32
    %select_n3A_1820 = arith.select %and3A_1818, %add3A_1819, %rem3A_1810 : i32
    %mul3A_1821 = arith.constant 2 : i32
    %mul3A_1822 = arith.muli %mul3A_1821, %select_n3A_1820 : i32
    %add3A_1823 = arith.constant 0 : i32
    %add3A_1824 = arith.addi %mul3A_1822, %add3A_1823 : i32
    %dma_start3A_1825 = arith.constant 0 : i32
    %dma_start3A_1826 = arith.constant 0 : i32
    %dma_start3A_1827 = tpu.memref_slice %arg2[%select_n3A_1804, %add3A_1824, %dma_start3A_1825, %dma_start3A_1826] : memref<8x64x192x196xf32, #tpu.memory_space<hbm>> -> memref<1x1x96x196xf32, #tpu.memory_space<hbm>>
    %dma_start3A_1828 = tpu.memref_squeeze %dma_start3A_1827 : memref<1x1x96x196xf32, #tpu.memory_space<hbm>> -> memref<96x196xf32, #tpu.memory_space<hbm>>
    %dma_start3A_1829 = arith.constant 0 : i32
    %dma_start3A_1830 = arith.constant 0 : i32
    %dma_start3A_1831 = tpu.memref_slice %arg2[%select_n3A_1804, %add3A_1824, %dma_start3A_1829, %dma_start3A_1830] : memref<8x64x192x196xf32, #tpu.memory_space<hbm>> -> memref<1x1x96x196xf32, #tpu.memory_space<hbm>>
    %dma_start3A_1832 = tpu.memref_squeeze %dma_start3A_1831 : memref<1x1x96x196xf32, #tpu.memory_space<hbm>> -> memref<96x196xf32, #tpu.memory_space<hbm>>
    tpu.enqueue_dma source(%dma_start3A_1832 : memref<96x196xf32, #tpu.memory_space<hbm>>) target(%arg4 : memref<96x196xf32, #tpu.memory_space<vmem>>) target_semaphore(%arg8 : memref<!tpu.dma_semaphore, #tpu.memory_space<semaphore_mem>>)
    %add3A_1833 = arith.constant 3 : i32
    %add3A_1834 = arith.addi %mul3A_2, %add3A_1833 : i32
    %jit3A_1835 = arith.constant 32 : i32
    %div3A_1836 = arith.divsi %add3A_1834, %jit3A_1835 : i32
    %sign3A_1837 = arith.constant 0 : i32
    %sign3A_1838 = arith.cmpi sgt, %add3A_1834, %sign3A_1837 : i32
    %sign3A_1839 = arith.extui %sign3A_1838 : i1 to i32
    %sign3A_1840 = arith.constant 0 : i32
    %sign3A_1841 = arith.cmpi slt, %add3A_1834, %sign3A_1840 : i32
    %sign3A_1842 = arith.extui %sign3A_1841 : i1 to i32
    %sign3A_1843 = arith.subi %sign3A_1839, %sign3A_1842 : i32
    %sign3A_1844 = arith.constant 0 : i32
    %sign3A_1845 = arith.cmpi sgt, %jit3A_1835, %sign3A_1844 : i32
    %sign3A_1846 = arith.extui %sign3A_1845 : i1 to i32
    %sign3A_1847 = arith.constant 0 : i32
    %sign3A_1848 = arith.cmpi slt, %jit3A_1835, %sign3A_1847 : i32
    %sign3A_1849 = arith.extui %sign3A_1848 : i1 to i32
    %sign3A_1850 = arith.subi %sign3A_1846, %sign3A_1849 : i32
    %ne3A_1851 = arith.cmpi ne, %sign3A_1843, %sign3A_1850 : i32
    %rem3A_1852 = arith.remsi %add3A_1834, %jit3A_1835 : i32
    %ne3A_1853 = arith.constant 0 : i32
    %ne3A_1854 = arith.cmpi ne, %rem3A_1852, %ne3A_1853 : i32
    %and3A_1855 = arith.andi %ne3A_1851, %ne3A_1854 : i1
    %sub3A_1856 = arith.constant 1 : i32
    %sub3A_1857 = arith.subi %div3A_1836, %sub3A_1856 : i32
    %select_n3A_1858 = arith.select %and3A_1855, %sub3A_1857, %div3A_1836 : i32
    %jit3A_1859 = arith.constant 32 : i32
    %eq3A_1860 = arith.constant 0 : i32
    %eq3A_1861 = arith.cmpi eq, %jit3A_1859, %eq3A_1860 : i32
    %jit3A_1862 = arith.constant 1 : i32
    %select_n3A_1863 = arith.select %eq3A_1861, %jit3A_1862, %jit3A_1859 : i32
    %rem3A_1864 = arith.remsi %add3A_1834, %select_n3A_1863 : i32
    %ne3A_1865 = arith.constant 0 : i32
    %ne3A_1866 = arith.cmpi ne, %rem3A_1864, %ne3A_1865 : i32
    %lt3A_1867 = arith.constant 0 : i32
    %lt3A_1868 = arith.cmpi slt, %rem3A_1864, %lt3A_1867 : i32
    %lt3A_1869 = arith.constant 0 : i32
    %lt3A_1870 = arith.cmpi slt, %select_n3A_1863, %lt3A_1869 : i32
    %ne3A_1871 = arith.xori %lt3A_1868, %lt3A_1870 : i1
    %and3A_1872 = arith.andi %ne3A_1871, %ne3A_1866 : i1
    %add3A_1873 = arith.addi %rem3A_1864, %select_n3A_1863 : i32
    %select_n3A_1874 = arith.select %and3A_1872, %add3A_1873, %rem3A_1864 : i32
    %dma_start3A_1875 = arith.constant 192 : i32
    %dma_start3A_1876 = arith.constant 0 : i32
    %dma_start3A_1877 = tpu.memref_slice %arg3[%select_n3A_1858, %select_n3A_1874, %dma_start3A_1875, %dma_start3A_1876] : memref<8x32x384x196xf32, #tpu.memory_space<hbm>> -> memref<1x1x96x196xf32, #tpu.memory_space<hbm>>
    %dma_start3A_1878 = tpu.memref_squeeze %dma_start3A_1877 : memref<1x1x96x196xf32, #tpu.memory_space<hbm>> -> memref<96x196xf32, #tpu.memory_space<hbm>>
    %dma_start3A_1879 = arith.constant 192 : i32
    %dma_start3A_1880 = arith.constant 0 : i32
    %dma_start3A_1881 = tpu.memref_slice %arg3[%select_n3A_1858, %select_n3A_1874, %dma_start3A_1879, %dma_start3A_1880] : memref<8x32x384x196xf32, #tpu.memory_space<hbm>> -> memref<1x1x96x196xf32, #tpu.memory_space<hbm>>
    %dma_start3A_1882 = tpu.memref_squeeze %dma_start3A_1881 : memref<1x1x96x196xf32, #tpu.memory_space<hbm>> -> memref<96x196xf32, #tpu.memory_space<hbm>>
    tpu.enqueue_dma source(%arg6 : memref<96x196xf32, #tpu.memory_space<vmem>>) target(%dma_start3A_1882 : memref<96x196xf32, #tpu.memory_space<hbm>>) target_semaphore(%arg14 : memref<!tpu.dma_semaphore, #tpu.memory_space<semaphore_mem>>)
    %dma_wait3A_1883 = arith.constant 96 : i32
    %dma_wait3A_1884 = arith.constant 0 : i32
    %dma_wait3A_1885 = tpu.memref_slice %arg2[%select_n3A_1684, %add3A_1704, %dma_wait3A_1883, %dma_wait3A_1884] : memref<8x64x192x196xf32, #tpu.memory_space<hbm>> -> memref<1x1x96x196xf32, #tpu.memory_space<hbm>>
    %dma_wait3A_1886 = tpu.memref_squeeze %dma_wait3A_1885 : memref<1x1x96x196xf32, #tpu.memory_space<hbm>> -> memref<96x196xf32, #tpu.memory_space<hbm>>
    %dma_wait3A_1887 = arith.constant 96 : i32
    %dma_wait3A_1888 = arith.constant 0 : i32
    %dma_wait3A_1889 = tpu.memref_slice %arg2[%select_n3A_1684, %add3A_1704, %dma_wait3A_1887, %dma_wait3A_1888] : memref<8x64x192x196xf32, #tpu.memory_space<hbm>> -> memref<1x1x96x196xf32, #tpu.memory_space<hbm>>
    %dma_wait3A_1890 = tpu.memref_squeeze %dma_wait3A_1889 : memref<1x1x96x196xf32, #tpu.memory_space<hbm>> -> memref<96x196xf32, #tpu.memory_space<hbm>>
    tpu.wait_dma2 semaphore(%arg11 : memref<!tpu.dma_semaphore, #tpu.memory_space<semaphore_mem>>) src(%dma_wait3A_1890 : memref<96x196xf32, #tpu.memory_space<hbm>>) dst(%arg7 : memref<96x196xf32, #tpu.memory_space<vmem>>)
    %dma_wait3A_1891 = arith.constant 96 : i32
    %dma_wait3A_1892 = arith.constant 0 : i32
    %dma_wait3A_1893 = tpu.memref_slice %arg3[%select_n3A_1738, %select_n3A_1754, %dma_wait3A_1891, %dma_wait3A_1892] : memref<8x32x384x196xf32, #tpu.memory_space<hbm>> -> memref<1x1x96x196xf32, #tpu.memory_space<hbm>>
    %dma_wait3A_1894 = tpu.memref_squeeze %dma_wait3A_1893 : memref<1x1x96x196xf32, #tpu.memory_space<hbm>> -> memref<96x196xf32, #tpu.memory_space<hbm>>
    %dma_wait3A_1895 = arith.constant 96 : i32
    %dma_wait3A_1896 = arith.constant 0 : i32
    %dma_wait3A_1897 = tpu.memref_slice %arg3[%select_n3A_1738, %select_n3A_1754, %dma_wait3A_1895, %dma_wait3A_1896] : memref<8x32x384x196xf32, #tpu.memory_space<hbm>> -> memref<1x1x96x196xf32, #tpu.memory_space<hbm>>
    %dma_wait3A_1898 = tpu.memref_squeeze %dma_wait3A_1897 : memref<1x1x96x196xf32, #tpu.memory_space<hbm>> -> memref<96x196xf32, #tpu.memory_space<hbm>>
    tpu.wait_dma2 semaphore(%arg13 : memref<!tpu.dma_semaphore, #tpu.memory_space<semaphore_mem>>) src(%arg5 : memref<96x196xf32, #tpu.memory_space<vmem>>) dst(%dma_wait3A_1898 : memref<96x196xf32, #tpu.memory_space<hbm>>)
    %add3A_1899 = arith.constant 4 : i32
    %add3A_1900 = arith.addi %mul3A_2, %add3A_1899 : i32
    %jit3A_1901 = arith.constant 32 : i32
    %div3A_1902 = arith.divsi %add3A_1900, %jit3A_1901 : i32
    %sign3A_1903 = arith.constant 0 : i32
    %sign3A_1904 = arith.cmpi sgt, %add3A_1900, %sign3A_1903 : i32
    %sign3A_1905 = arith.extui %sign3A_1904 : i1 to i32
    %sign3A_1906 = arith.constant 0 : i32
    %sign3A_1907 = arith.cmpi slt, %add3A_1900, %sign3A_1906 : i32
    %sign3A_1908 = arith.extui %sign3A_1907 : i1 to i32
    %sign3A_1909 = arith.subi %sign3A_1905, %sign3A_1908 : i32
    %sign3A_1910 = arith.constant 0 : i32
    %sign3A_1911 = arith.cmpi sgt, %jit3A_1901, %sign3A_1910 : i32
    %sign3A_1912 = arith.extui %sign3A_1911 : i1 to i32
    %sign3A_1913 = arith.constant 0 : i32
    %sign3A_1914 = arith.cmpi slt, %jit3A_1901, %sign3A_1913 : i32
    %sign3A_1915 = arith.extui %sign3A_1914 : i1 to i32
    %sign3A_1916 = arith.subi %sign3A_1912, %sign3A_1915 : i32
    %ne3A_1917 = arith.cmpi ne, %sign3A_1909, %sign3A_1916 : i32
    %rem3A_1918 = arith.remsi %add3A_1900, %jit3A_1901 : i32
    %ne3A_1919 = arith.constant 0 : i32
    %ne3A_1920 = arith.cmpi ne, %rem3A_1918, %ne3A_1919 : i32
    %and3A_1921 = arith.andi %ne3A_1917, %ne3A_1920 : i1
    %sub3A_1922 = arith.constant 1 : i32
    %sub3A_1923 = arith.subi %div3A_1902, %sub3A_1922 : i32
    %select_n3A_1924 = arith.select %and3A_1921, %sub3A_1923, %div3A_1902 : i32
    %jit3A_1925 = arith.constant 32 : i32
    %eq3A_1926 = arith.constant 0 : i32
    %eq3A_1927 = arith.cmpi eq, %jit3A_1925, %eq3A_1926 : i32
    %jit3A_1928 = arith.constant 1 : i32
    %select_n3A_1929 = arith.select %eq3A_1927, %jit3A_1928, %jit3A_1925 : i32
    %rem3A_1930 = arith.remsi %add3A_1900, %select_n3A_1929 : i32
    %ne3A_1931 = arith.constant 0 : i32
    %ne3A_1932 = arith.cmpi ne, %rem3A_1930, %ne3A_1931 : i32
    %lt3A_1933 = arith.constant 0 : i32
    %lt3A_1934 = arith.cmpi slt, %rem3A_1930, %lt3A_1933 : i32
    %lt3A_1935 = arith.constant 0 : i32
    %lt3A_1936 = arith.cmpi slt, %select_n3A_1929, %lt3A_1935 : i32
    %ne3A_1937 = arith.xori %lt3A_1934, %lt3A_1936 : i1
    %and3A_1938 = arith.andi %ne3A_1937, %ne3A_1932 : i1
    %add3A_1939 = arith.addi %rem3A_1930, %select_n3A_1929 : i32
    %select_n3A_1940 = arith.select %and3A_1938, %add3A_1939, %rem3A_1930 : i32
    %mul3A_1941 = arith.constant 2 : i32
    %mul3A_1942 = arith.muli %mul3A_1941, %select_n3A_1940 : i32
    %add3A_1943 = arith.constant 0 : i32
    %add3A_1944 = arith.addi %mul3A_1942, %add3A_1943 : i32
    %dma_start3A_1945 = arith.constant 96 : i32
    %dma_start3A_1946 = arith.constant 0 : i32
    %dma_start3A_1947 = tpu.memref_slice %arg2[%select_n3A_1924, %add3A_1944, %dma_start3A_1945, %dma_start3A_1946] : memref<8x64x192x196xf32, #tpu.memory_space<hbm>> -> memref<1x1x96x196xf32, #tpu.memory_space<hbm>>
    %dma_start3A_1948 = tpu.memref_squeeze %dma_start3A_1947 : memref<1x1x96x196xf32, #tpu.memory_space<hbm>> -> memref<96x196xf32, #tpu.memory_space<hbm>>
    %dma_start3A_1949 = arith.constant 96 : i32
    %dma_start3A_1950 = arith.constant 0 : i32
    %dma_start3A_1951 = tpu.memref_slice %arg2[%select_n3A_1924, %add3A_1944, %dma_start3A_1949, %dma_start3A_1950] : memref<8x64x192x196xf32, #tpu.memory_space<hbm>> -> memref<1x1x96x196xf32, #tpu.memory_space<hbm>>
    %dma_start3A_1952 = tpu.memref_squeeze %dma_start3A_1951 : memref<1x1x96x196xf32, #tpu.memory_space<hbm>> -> memref<96x196xf32, #tpu.memory_space<hbm>>
    tpu.enqueue_dma source(%dma_start3A_1952 : memref<96x196xf32, #tpu.memory_space<hbm>>) target(%arg5 : memref<96x196xf32, #tpu.memory_space<vmem>>) target_semaphore(%arg9 : memref<!tpu.dma_semaphore, #tpu.memory_space<semaphore_mem>>)
    %add3A_1953 = arith.constant 3 : i32
    %add3A_1954 = arith.addi %mul3A_2, %add3A_1953 : i32
    %jit3A_1955 = arith.constant 32 : i32
    %div3A_1956 = arith.divsi %add3A_1954, %jit3A_1955 : i32
    %sign3A_1957 = arith.constant 0 : i32
    %sign3A_1958 = arith.cmpi sgt, %add3A_1954, %sign3A_1957 : i32
    %sign3A_1959 = arith.extui %sign3A_1958 : i1 to i32
    %sign3A_1960 = arith.constant 0 : i32
    %sign3A_1961 = arith.cmpi slt, %add3A_1954, %sign3A_1960 : i32
    %sign3A_1962 = arith.extui %sign3A_1961 : i1 to i32
    %sign3A_1963 = arith.subi %sign3A_1959, %sign3A_1962 : i32
    %sign3A_1964 = arith.constant 0 : i32
    %sign3A_1965 = arith.cmpi sgt, %jit3A_1955, %sign3A_1964 : i32
    %sign3A_1966 = arith.extui %sign3A_1965 : i1 to i32
    %sign3A_1967 = arith.constant 0 : i32
    %sign3A_1968 = arith.cmpi slt, %jit3A_1955, %sign3A_1967 : i32
    %sign3A_1969 = arith.extui %sign3A_1968 : i1 to i32
    %sign3A_1970 = arith.subi %sign3A_1966, %sign3A_1969 : i32
    %ne3A_1971 = arith.cmpi ne, %sign3A_1963, %sign3A_1970 : i32
    %rem3A_1972 = arith.remsi %add3A_1954, %jit3A_1955 : i32
    %ne3A_1973 = arith.constant 0 : i32
    %ne3A_1974 = arith.cmpi ne, %rem3A_1972, %ne3A_1973 : i32
    %and3A_1975 = arith.andi %ne3A_1971, %ne3A_1974 : i1
    %sub3A_1976 = arith.constant 1 : i32
    %sub3A_1977 = arith.subi %div3A_1956, %sub3A_1976 : i32
    %select_n3A_1978 = arith.select %and3A_1975, %sub3A_1977, %div3A_1956 : i32
    %jit3A_1979 = arith.constant 32 : i32
    %eq3A_1980 = arith.constant 0 : i32
    %eq3A_1981 = arith.cmpi eq, %jit3A_1979, %eq3A_1980 : i32
    %jit3A_1982 = arith.constant 1 : i32
    %select_n3A_1983 = arith.select %eq3A_1981, %jit3A_1982, %jit3A_1979 : i32
    %rem3A_1984 = arith.remsi %add3A_1954, %select_n3A_1983 : i32
    %ne3A_1985 = arith.constant 0 : i32
    %ne3A_1986 = arith.cmpi ne, %rem3A_1984, %ne3A_1985 : i32
    %lt3A_1987 = arith.constant 0 : i32
    %lt3A_1988 = arith.cmpi slt, %rem3A_1984, %lt3A_1987 : i32
    %lt3A_1989 = arith.constant 0 : i32
    %lt3A_1990 = arith.cmpi slt, %select_n3A_1983, %lt3A_1989 : i32
    %ne3A_1991 = arith.xori %lt3A_1988, %lt3A_1990 : i1
    %and3A_1992 = arith.andi %ne3A_1991, %ne3A_1986 : i1
    %add3A_1993 = arith.addi %rem3A_1984, %select_n3A_1983 : i32
    %select_n3A_1994 = arith.select %and3A_1992, %add3A_1993, %rem3A_1984 : i32
    %dma_start3A_1995 = arith.constant 288 : i32
    %dma_start3A_1996 = arith.constant 0 : i32
    %dma_start3A_1997 = tpu.memref_slice %arg3[%select_n3A_1978, %select_n3A_1994, %dma_start3A_1995, %dma_start3A_1996] : memref<8x32x384x196xf32, #tpu.memory_space<hbm>> -> memref<1x1x96x196xf32, #tpu.memory_space<hbm>>
    %dma_start3A_1998 = tpu.memref_squeeze %dma_start3A_1997 : memref<1x1x96x196xf32, #tpu.memory_space<hbm>> -> memref<96x196xf32, #tpu.memory_space<hbm>>
    %dma_start3A_1999 = arith.constant 288 : i32
    %dma_start3A_2000 = arith.constant 0 : i32
    %dma_start3A_2001 = tpu.memref_slice %arg3[%select_n3A_1978, %select_n3A_1994, %dma_start3A_1999, %dma_start3A_2000] : memref<8x32x384x196xf32, #tpu.memory_space<hbm>> -> memref<1x1x96x196xf32, #tpu.memory_space<hbm>>
    %dma_start3A_2002 = tpu.memref_squeeze %dma_start3A_2001 : memref<1x1x96x196xf32, #tpu.memory_space<hbm>> -> memref<96x196xf32, #tpu.memory_space<hbm>>
    tpu.enqueue_dma source(%arg7 : memref<96x196xf32, #tpu.memory_space<vmem>>) target(%dma_start3A_2002 : memref<96x196xf32, #tpu.memory_space<hbm>>) target_semaphore(%arg15 : memref<!tpu.dma_semaphore, #tpu.memory_space<semaphore_mem>>)
    %dma_wait3A_2003 = arith.constant 0 : i32
    %dma_wait3A_2004 = arith.constant 0 : i32
    %dma_wait3A_2005 = tpu.memref_slice %arg2[%select_n3A_1804, %add3A_1824, %dma_wait3A_2003, %dma_wait3A_2004] : memref<8x64x192x196xf32, #tpu.memory_space<hbm>> -> memref<1x1x96x196xf32, #tpu.memory_space<hbm>>
    %dma_wait3A_2006 = tpu.memref_squeeze %dma_wait3A_2005 : memref<1x1x96x196xf32, #tpu.memory_space<hbm>> -> memref<96x196xf32, #tpu.memory_space<hbm>>
    %dma_wait3A_2007 = arith.constant 0 : i32
    %dma_wait3A_2008 = arith.constant 0 : i32
    %dma_wait3A_2009 = tpu.memref_slice %arg2[%select_n3A_1804, %add3A_1824, %dma_wait3A_2007, %dma_wait3A_2008] : memref<8x64x192x196xf32, #tpu.memory_space<hbm>> -> memref<1x1x96x196xf32, #tpu.memory_space<hbm>>
    %dma_wait3A_2010 = tpu.memref_squeeze %dma_wait3A_2009 : memref<1x1x96x196xf32, #tpu.memory_space<hbm>> -> memref<96x196xf32, #tpu.memory_space<hbm>>
    tpu.wait_dma2 semaphore(%arg8 : memref<!tpu.dma_semaphore, #tpu.memory_space<semaphore_mem>>) src(%dma_wait3A_2010 : memref<96x196xf32, #tpu.memory_space<hbm>>) dst(%arg4 : memref<96x196xf32, #tpu.memory_space<vmem>>)
    %dma_wait3A_2011 = arith.constant 192 : i32
    %dma_wait3A_2012 = arith.constant 0 : i32
    %dma_wait3A_2013 = tpu.memref_slice %arg3[%select_n3A_1858, %select_n3A_1874, %dma_wait3A_2011, %dma_wait3A_2012] : memref<8x32x384x196xf32, #tpu.memory_space<hbm>> -> memref<1x1x96x196xf32, #tpu.memory_space<hbm>>
    %dma_wait3A_2014 = tpu.memref_squeeze %dma_wait3A_2013 : memref<1x1x96x196xf32, #tpu.memory_space<hbm>> -> memref<96x196xf32, #tpu.memory_space<hbm>>
    %dma_wait3A_2015 = arith.constant 192 : i32
    %dma_wait3A_2016 = arith.constant 0 : i32
    %dma_wait3A_2017 = tpu.memref_slice %arg3[%select_n3A_1858, %select_n3A_1874, %dma_wait3A_2015, %dma_wait3A_2016] : memref<8x32x384x196xf32, #tpu.memory_space<hbm>> -> memref<1x1x96x196xf32, #tpu.memory_space<hbm>>
    %dma_wait3A_2018 = tpu.memref_squeeze %dma_wait3A_2017 : memref<1x1x96x196xf32, #tpu.memory_space<hbm>> -> memref<96x196xf32, #tpu.memory_space<hbm>>
    tpu.wait_dma2 semaphore(%arg14 : memref<!tpu.dma_semaphore, #tpu.memory_space<semaphore_mem>>) src(%arg6 : memref<96x196xf32, #tpu.memory_space<vmem>>) dst(%dma_wait3A_2018 : memref<96x196xf32, #tpu.memory_space<hbm>>)
    %add3A_2019 = arith.constant 4 : i32
    %add3A_2020 = arith.addi %mul3A_2, %add3A_2019 : i32
    %jit3A_2021 = arith.constant 32 : i32
    %div3A_2022 = arith.divsi %add3A_2020, %jit3A_2021 : i32
    %sign3A_2023 = arith.constant 0 : i32
    %sign3A_2024 = arith.cmpi sgt, %add3A_2020, %sign3A_2023 : i32
    %sign3A_2025 = arith.extui %sign3A_2024 : i1 to i32
    %sign3A_2026 = arith.constant 0 : i32
    %sign3A_2027 = arith.cmpi slt, %add3A_2020, %sign3A_2026 : i32
    %sign3A_2028 = arith.extui %sign3A_2027 : i1 to i32
    %sign3A_2029 = arith.subi %sign3A_2025, %sign3A_2028 : i32
    %sign3A_2030 = arith.constant 0 : i32
    %sign3A_2031 = arith.cmpi sgt, %jit3A_2021, %sign3A_2030 : i32
    %sign3A_2032 = arith.extui %sign3A_2031 : i1 to i32
    %sign3A_2033 = arith.constant 0 : i32
    %sign3A_2034 = arith.cmpi slt, %jit3A_2021, %sign3A_2033 : i32
    %sign3A_2035 = arith.extui %sign3A_2034 : i1 to i32
    %sign3A_2036 = arith.subi %sign3A_2032, %sign3A_2035 : i32
    %ne3A_2037 = arith.cmpi ne, %sign3A_2029, %sign3A_2036 : i32
    %rem3A_2038 = arith.remsi %add3A_2020, %jit3A_2021 : i32
    %ne3A_2039 = arith.constant 0 : i32
    %ne3A_2040 = arith.cmpi ne, %rem3A_2038, %ne3A_2039 : i32
    %and3A_2041 = arith.andi %ne3A_2037, %ne3A_2040 : i1
    %sub3A_2042 = arith.constant 1 : i32
    %sub3A_2043 = arith.subi %div3A_2022, %sub3A_2042 : i32
    %select_n3A_2044 = arith.select %and3A_2041, %sub3A_2043, %div3A_2022 : i32
    %jit3A_2045 = arith.constant 32 : i32
    %eq3A_2046 = arith.constant 0 : i32
    %eq3A_2047 = arith.cmpi eq, %jit3A_2045, %eq3A_2046 : i32
    %jit3A_2048 = arith.constant 1 : i32
    %select_n3A_2049 = arith.select %eq3A_2047, %jit3A_2048, %jit3A_2045 : i32
    %rem3A_2050 = arith.remsi %add3A_2020, %select_n3A_2049 : i32
    %ne3A_2051 = arith.constant 0 : i32
    %ne3A_2052 = arith.cmpi ne, %rem3A_2050, %ne3A_2051 : i32
    %lt3A_2053 = arith.constant 0 : i32
    %lt3A_2054 = arith.cmpi slt, %rem3A_2050, %lt3A_2053 : i32
    %lt3A_2055 = arith.constant 0 : i32
    %lt3A_2056 = arith.cmpi slt, %select_n3A_2049, %lt3A_2055 : i32
    %ne3A_2057 = arith.xori %lt3A_2054, %lt3A_2056 : i1
    %and3A_2058 = arith.andi %ne3A_2057, %ne3A_2052 : i1
    %add3A_2059 = arith.addi %rem3A_2050, %select_n3A_2049 : i32
    %select_n3A_2060 = arith.select %and3A_2058, %add3A_2059, %rem3A_2050 : i32
    %mul3A_2061 = arith.constant 2 : i32
    %mul3A_2062 = arith.muli %mul3A_2061, %select_n3A_2060 : i32
    %add3A_2063 = arith.constant 1 : i32
    %add3A_2064 = arith.addi %mul3A_2062, %add3A_2063 : i32
    %dma_start3A_2065 = arith.constant 0 : i32
    %dma_start3A_2066 = arith.constant 0 : i32
    %dma_start3A_2067 = tpu.memref_slice %arg2[%select_n3A_2044, %add3A_2064, %dma_start3A_2065, %dma_start3A_2066] : memref<8x64x192x196xf32, #tpu.memory_space<hbm>> -> memref<1x1x96x196xf32, #tpu.memory_space<hbm>>
    %dma_start3A_2068 = tpu.memref_squeeze %dma_start3A_2067 : memref<1x1x96x196xf32, #tpu.memory_space<hbm>> -> memref<96x196xf32, #tpu.memory_space<hbm>>
    %dma_start3A_2069 = arith.constant 0 : i32
    %dma_start3A_2070 = arith.constant 0 : i32
    %dma_start3A_2071 = tpu.memref_slice %arg2[%select_n3A_2044, %add3A_2064, %dma_start3A_2069, %dma_start3A_2070] : memref<8x64x192x196xf32, #tpu.memory_space<hbm>> -> memref<1x1x96x196xf32, #tpu.memory_space<hbm>>
    %dma_start3A_2072 = tpu.memref_squeeze %dma_start3A_2071 : memref<1x1x96x196xf32, #tpu.memory_space<hbm>> -> memref<96x196xf32, #tpu.memory_space<hbm>>
    tpu.enqueue_dma source(%dma_start3A_2072 : memref<96x196xf32, #tpu.memory_space<hbm>>) target(%arg6 : memref<96x196xf32, #tpu.memory_space<vmem>>) target_semaphore(%arg10 : memref<!tpu.dma_semaphore, #tpu.memory_space<semaphore_mem>>)
    %add3A_2073 = arith.constant 4 : i32
    %add3A_2074 = arith.addi %mul3A_2, %add3A_2073 : i32
    %jit3A_2075 = arith.constant 32 : i32
    %div3A_2076 = arith.divsi %add3A_2074, %jit3A_2075 : i32
    %sign3A_2077 = arith.constant 0 : i32
    %sign3A_2078 = arith.cmpi sgt, %add3A_2074, %sign3A_2077 : i32
    %sign3A_2079 = arith.extui %sign3A_2078 : i1 to i32
    %sign3A_2080 = arith.constant 0 : i32
    %sign3A_2081 = arith.cmpi slt, %add3A_2074, %sign3A_2080 : i32
    %sign3A_2082 = arith.extui %sign3A_2081 : i1 to i32
    %sign3A_2083 = arith.subi %sign3A_2079, %sign3A_2082 : i32
    %sign3A_2084 = arith.constant 0 : i32
    %sign3A_2085 = arith.cmpi sgt, %jit3A_2075, %sign3A_2084 : i32
    %sign3A_2086 = arith.extui %sign3A_2085 : i1 to i32
    %sign3A_2087 = arith.constant 0 : i32
    %sign3A_2088 = arith.cmpi slt, %jit3A_2075, %sign3A_2087 : i32
    %sign3A_2089 = arith.extui %sign3A_2088 : i1 to i32
    %sign3A_2090 = arith.subi %sign3A_2086, %sign3A_2089 : i32
    %ne3A_2091 = arith.cmpi ne, %sign3A_2083, %sign3A_2090 : i32
    %rem3A_2092 = arith.remsi %add3A_2074, %jit3A_2075 : i32
    %ne3A_2093 = arith.constant 0 : i32
    %ne3A_2094 = arith.cmpi ne, %rem3A_2092, %ne3A_2093 : i32
    %and3A_2095 = arith.andi %ne3A_2091, %ne3A_2094 : i1
    %sub3A_2096 = arith.constant 1 : i32
    %sub3A_2097 = arith.subi %div3A_2076, %sub3A_2096 : i32
    %select_n3A_2098 = arith.select %and3A_2095, %sub3A_2097, %div3A_2076 : i32
    %jit3A_2099 = arith.constant 32 : i32
    %eq3A_2100 = arith.constant 0 : i32
    %eq3A_2101 = arith.cmpi eq, %jit3A_2099, %eq3A_2100 : i32
    %jit3A_2102 = arith.constant 1 : i32
    %select_n3A_2103 = arith.select %eq3A_2101, %jit3A_2102, %jit3A_2099 : i32
    %rem3A_2104 = arith.remsi %add3A_2074, %select_n3A_2103 : i32
    %ne3A_2105 = arith.constant 0 : i32
    %ne3A_2106 = arith.cmpi ne, %rem3A_2104, %ne3A_2105 : i32
    %lt3A_2107 = arith.constant 0 : i32
    %lt3A_2108 = arith.cmpi slt, %rem3A_2104, %lt3A_2107 : i32
    %lt3A_2109 = arith.constant 0 : i32
    %lt3A_2110 = arith.cmpi slt, %select_n3A_2103, %lt3A_2109 : i32
    %ne3A_2111 = arith.xori %lt3A_2108, %lt3A_2110 : i1
    %and3A_2112 = arith.andi %ne3A_2111, %ne3A_2106 : i1
    %add3A_2113 = arith.addi %rem3A_2104, %select_n3A_2103 : i32
    %select_n3A_2114 = arith.select %and3A_2112, %add3A_2113, %rem3A_2104 : i32
    %dma_start3A_2115 = arith.constant 0 : i32
    %dma_start3A_2116 = arith.constant 0 : i32
    %dma_start3A_2117 = tpu.memref_slice %arg3[%select_n3A_2098, %select_n3A_2114, %dma_start3A_2115, %dma_start3A_2116] : memref<8x32x384x196xf32, #tpu.memory_space<hbm>> -> memref<1x1x96x196xf32, #tpu.memory_space<hbm>>
    %dma_start3A_2118 = tpu.memref_squeeze %dma_start3A_2117 : memref<1x1x96x196xf32, #tpu.memory_space<hbm>> -> memref<96x196xf32, #tpu.memory_space<hbm>>
    %dma_start3A_2119 = arith.constant 0 : i32
    %dma_start3A_2120 = arith.constant 0 : i32
    %dma_start3A_2121 = tpu.memref_slice %arg3[%select_n3A_2098, %select_n3A_2114, %dma_start3A_2119, %dma_start3A_2120] : memref<8x32x384x196xf32, #tpu.memory_space<hbm>> -> memref<1x1x96x196xf32, #tpu.memory_space<hbm>>
    %dma_start3A_2122 = tpu.memref_squeeze %dma_start3A_2121 : memref<1x1x96x196xf32, #tpu.memory_space<hbm>> -> memref<96x196xf32, #tpu.memory_space<hbm>>
    tpu.enqueue_dma source(%arg4 : memref<96x196xf32, #tpu.memory_space<vmem>>) target(%dma_start3A_2122 : memref<96x196xf32, #tpu.memory_space<hbm>>) target_semaphore(%arg12 : memref<!tpu.dma_semaphore, #tpu.memory_space<semaphore_mem>>)
    %dma_wait3A_2123 = arith.constant 96 : i32
    %dma_wait3A_2124 = arith.constant 0 : i32
    %dma_wait3A_2125 = tpu.memref_slice %arg2[%select_n3A_1924, %add3A_1944, %dma_wait3A_2123, %dma_wait3A_2124] : memref<8x64x192x196xf32, #tpu.memory_space<hbm>> -> memref<1x1x96x196xf32, #tpu.memory_space<hbm>>
    %dma_wait3A_2126 = tpu.memref_squeeze %dma_wait3A_2125 : memref<1x1x96x196xf32, #tpu.memory_space<hbm>> -> memref<96x196xf32, #tpu.memory_space<hbm>>
    %dma_wait3A_2127 = arith.constant 96 : i32
    %dma_wait3A_2128 = arith.constant 0 : i32
    %dma_wait3A_2129 = tpu.memref_slice %arg2[%select_n3A_1924, %add3A_1944, %dma_wait3A_2127, %dma_wait3A_2128] : memref<8x64x192x196xf32, #tpu.memory_space<hbm>> -> memref<1x1x96x196xf32, #tpu.memory_space<hbm>>
    %dma_wait3A_2130 = tpu.memref_squeeze %dma_wait3A_2129 : memref<1x1x96x196xf32, #tpu.memory_space<hbm>> -> memref<96x196xf32, #tpu.memory_space<hbm>>
    tpu.wait_dma2 semaphore(%arg9 : memref<!tpu.dma_semaphore, #tpu.memory_space<semaphore_mem>>) src(%dma_wait3A_2130 : memref<96x196xf32, #tpu.memory_space<hbm>>) dst(%arg5 : memref<96x196xf32, #tpu.memory_space<vmem>>)
    %dma_wait3A_2131 = arith.constant 288 : i32
    %dma_wait3A_2132 = arith.constant 0 : i32
    %dma_wait3A_2133 = tpu.memref_slice %arg3[%select_n3A_1978, %select_n3A_1994, %dma_wait3A_2131, %dma_wait3A_2132] : memref<8x32x384x196xf32, #tpu.memory_space<hbm>> -> memref<1x1x96x196xf32, #tpu.memory_space<hbm>>
    %dma_wait3A_2134 = tpu.memref_squeeze %dma_wait3A_2133 : memref<1x1x96x196xf32, #tpu.memory_space<hbm>> -> memref<96x196xf32, #tpu.memory_space<hbm>>
    %dma_wait3A_2135 = arith.constant 288 : i32
    %dma_wait3A_2136 = arith.constant 0 : i32
    %dma_wait3A_2137 = tpu.memref_slice %arg3[%select_n3A_1978, %select_n3A_1994, %dma_wait3A_2135, %dma_wait3A_2136] : memref<8x32x384x196xf32, #tpu.memory_space<hbm>> -> memref<1x1x96x196xf32, #tpu.memory_space<hbm>>
    %dma_wait3A_2138 = tpu.memref_squeeze %dma_wait3A_2137 : memref<1x1x96x196xf32, #tpu.memory_space<hbm>> -> memref<96x196xf32, #tpu.memory_space<hbm>>
    tpu.wait_dma2 semaphore(%arg15 : memref<!tpu.dma_semaphore, #tpu.memory_space<semaphore_mem>>) src(%arg7 : memref<96x196xf32, #tpu.memory_space<vmem>>) dst(%dma_wait3A_2138 : memref<96x196xf32, #tpu.memory_space<hbm>>)
    %add3A_2139 = arith.constant 4 : i32
    %add3A_2140 = arith.addi %mul3A_2, %add3A_2139 : i32
    %jit3A_2141 = arith.constant 32 : i32
    %div3A_2142 = arith.divsi %add3A_2140, %jit3A_2141 : i32
    %sign3A_2143 = arith.constant 0 : i32
    %sign3A_2144 = arith.cmpi sgt, %add3A_2140, %sign3A_2143 : i32
    %sign3A_2145 = arith.extui %sign3A_2144 : i1 to i32
    %sign3A_2146 = arith.constant 0 : i32
    %sign3A_2147 = arith.cmpi slt, %add3A_2140, %sign3A_2146 : i32
    %sign3A_2148 = arith.extui %sign3A_2147 : i1 to i32
    %sign3A_2149 = arith.subi %sign3A_2145, %sign3A_2148 : i32
    %sign3A_2150 = arith.constant 0 : i32
    %sign3A_2151 = arith.cmpi sgt, %jit3A_2141, %sign3A_2150 : i32
    %sign3A_2152 = arith.extui %sign3A_2151 : i1 to i32
    %sign3A_2153 = arith.constant 0 : i32
    %sign3A_2154 = arith.cmpi slt, %jit3A_2141, %sign3A_2153 : i32
    %sign3A_2155 = arith.extui %sign3A_2154 : i1 to i32
    %sign3A_2156 = arith.subi %sign3A_2152, %sign3A_2155 : i32
    %ne3A_2157 = arith.cmpi ne, %sign3A_2149, %sign3A_2156 : i32
    %rem3A_2158 = arith.remsi %add3A_2140, %jit3A_2141 : i32
    %ne3A_2159 = arith.constant 0 : i32
    %ne3A_2160 = arith.cmpi ne, %rem3A_2158, %ne3A_2159 : i32
    %and3A_2161 = arith.andi %ne3A_2157, %ne3A_2160 : i1
    %sub3A_2162 = arith.constant 1 : i32
    %sub3A_2163 = arith.subi %div3A_2142, %sub3A_2162 : i32
    %select_n3A_2164 = arith.select %and3A_2161, %sub3A_2163, %div3A_2142 : i32
    %jit3A_2165 = arith.constant 32 : i32
    %eq3A_2166 = arith.constant 0 : i32
    %eq3A_2167 = arith.cmpi eq, %jit3A_2165, %eq3A_2166 : i32
    %jit3A_2168 = arith.constant 1 : i32
    %select_n3A_2169 = arith.select %eq3A_2167, %jit3A_2168, %jit3A_2165 : i32
    %rem3A_2170 = arith.remsi %add3A_2140, %select_n3A_2169 : i32
    %ne3A_2171 = arith.constant 0 : i32
    %ne3A_2172 = arith.cmpi ne, %rem3A_2170, %ne3A_2171 : i32
    %lt3A_2173 = arith.constant 0 : i32
    %lt3A_2174 = arith.cmpi slt, %rem3A_2170, %lt3A_2173 : i32
    %lt3A_2175 = arith.constant 0 : i32
    %lt3A_2176 = arith.cmpi slt, %select_n3A_2169, %lt3A_2175 : i32
    %ne3A_2177 = arith.xori %lt3A_2174, %lt3A_2176 : i1
    %and3A_2178 = arith.andi %ne3A_2177, %ne3A_2172 : i1
    %add3A_2179 = arith.addi %rem3A_2170, %select_n3A_2169 : i32
    %select_n3A_2180 = arith.select %and3A_2178, %add3A_2179, %rem3A_2170 : i32
    %mul3A_2181 = arith.constant 2 : i32
    %mul3A_2182 = arith.muli %mul3A_2181, %select_n3A_2180 : i32
    %add3A_2183 = arith.constant 1 : i32
    %add3A_2184 = arith.addi %mul3A_2182, %add3A_2183 : i32
    %dma_start3A_2185 = arith.constant 96 : i32
    %dma_start3A_2186 = arith.constant 0 : i32
    %dma_start3A_2187 = tpu.memref_slice %arg2[%select_n3A_2164, %add3A_2184, %dma_start3A_2185, %dma_start3A_2186] : memref<8x64x192x196xf32, #tpu.memory_space<hbm>> -> memref<1x1x96x196xf32, #tpu.memory_space<hbm>>
    %dma_start3A_2188 = tpu.memref_squeeze %dma_start3A_2187 : memref<1x1x96x196xf32, #tpu.memory_space<hbm>> -> memref<96x196xf32, #tpu.memory_space<hbm>>
    %dma_start3A_2189 = arith.constant 96 : i32
    %dma_start3A_2190 = arith.constant 0 : i32
    %dma_start3A_2191 = tpu.memref_slice %arg2[%select_n3A_2164, %add3A_2184, %dma_start3A_2189, %dma_start3A_2190] : memref<8x64x192x196xf32, #tpu.memory_space<hbm>> -> memref<1x1x96x196xf32, #tpu.memory_space<hbm>>
    %dma_start3A_2192 = tpu.memref_squeeze %dma_start3A_2191 : memref<1x1x96x196xf32, #tpu.memory_space<hbm>> -> memref<96x196xf32, #tpu.memory_space<hbm>>
    tpu.enqueue_dma source(%dma_start3A_2192 : memref<96x196xf32, #tpu.memory_space<hbm>>) target(%arg7 : memref<96x196xf32, #tpu.memory_space<vmem>>) target_semaphore(%arg11 : memref<!tpu.dma_semaphore, #tpu.memory_space<semaphore_mem>>)
    %add3A_2193 = arith.constant 4 : i32
    %add3A_2194 = arith.addi %mul3A_2, %add3A_2193 : i32
    %jit3A_2195 = arith.constant 32 : i32
    %div3A_2196 = arith.divsi %add3A_2194, %jit3A_2195 : i32
    %sign3A_2197 = arith.constant 0 : i32
    %sign3A_2198 = arith.cmpi sgt, %add3A_2194, %sign3A_2197 : i32
    %sign3A_2199 = arith.extui %sign3A_2198 : i1 to i32
    %sign3A_2200 = arith.constant 0 : i32
    %sign3A_2201 = arith.cmpi slt, %add3A_2194, %sign3A_2200 : i32
    %sign3A_2202 = arith.extui %sign3A_2201 : i1 to i32
    %sign3A_2203 = arith.subi %sign3A_2199, %sign3A_2202 : i32
    %sign3A_2204 = arith.constant 0 : i32
    %sign3A_2205 = arith.cmpi sgt, %jit3A_2195, %sign3A_2204 : i32
    %sign3A_2206 = arith.extui %sign3A_2205 : i1 to i32
    %sign3A_2207 = arith.constant 0 : i32
    %sign3A_2208 = arith.cmpi slt, %jit3A_2195, %sign3A_2207 : i32
    %sign3A_2209 = arith.extui %sign3A_2208 : i1 to i32
    %sign3A_2210 = arith.subi %sign3A_2206, %sign3A_2209 : i32
    %ne3A_2211 = arith.cmpi ne, %sign3A_2203, %sign3A_2210 : i32
    %rem3A_2212 = arith.remsi %add3A_2194, %jit3A_2195 : i32
    %ne3A_2213 = arith.constant 0 : i32
    %ne3A_2214 = arith.cmpi ne, %rem3A_2212, %ne3A_2213 : i32
    %and3A_2215 = arith.andi %ne3A_2211, %ne3A_2214 : i1
    %sub3A_2216 = arith.constant 1 : i32
    %sub3A_2217 = arith.subi %div3A_2196, %sub3A_2216 : i32
    %select_n3A_2218 = arith.select %and3A_2215, %sub3A_2217, %div3A_2196 : i32
    %jit3A_2219 = arith.constant 32 : i32
    %eq3A_2220 = arith.constant 0 : i32
    %eq3A_2221 = arith.cmpi eq, %jit3A_2219, %eq3A_2220 : i32
    %jit3A_2222 = arith.constant 1 : i32
    %select_n3A_2223 = arith.select %eq3A_2221, %jit3A_2222, %jit3A_2219 : i32
    %rem3A_2224 = arith.remsi %add3A_2194, %select_n3A_2223 : i32
    %ne3A_2225 = arith.constant 0 : i32
    %ne3A_2226 = arith.cmpi ne, %rem3A_2224, %ne3A_2225 : i32
    %lt3A_2227 = arith.constant 0 : i32
    %lt3A_2228 = arith.cmpi slt, %rem3A_2224, %lt3A_2227 : i32
    %lt3A_2229 = arith.constant 0 : i32
    %lt3A_2230 = arith.cmpi slt, %select_n3A_2223, %lt3A_2229 : i32
    %ne3A_2231 = arith.xori %lt3A_2228, %lt3A_2230 : i1
    %and3A_2232 = arith.andi %ne3A_2231, %ne3A_2226 : i1
    %add3A_2233 = arith.addi %rem3A_2224, %select_n3A_2223 : i32
    %select_n3A_2234 = arith.select %and3A_2232, %add3A_2233, %rem3A_2224 : i32
    %dma_start3A_2235 = arith.constant 96 : i32
    %dma_start3A_2236 = arith.constant 0 : i32
    %dma_start3A_2237 = tpu.memref_slice %arg3[%select_n3A_2218, %select_n3A_2234, %dma_start3A_2235, %dma_start3A_2236] : memref<8x32x384x196xf32, #tpu.memory_space<hbm>> -> memref<1x1x96x196xf32, #tpu.memory_space<hbm>>
    %dma_start3A_2238 = tpu.memref_squeeze %dma_start3A_2237 : memref<1x1x96x196xf32, #tpu.memory_space<hbm>> -> memref<96x196xf32, #tpu.memory_space<hbm>>
    %dma_start3A_2239 = arith.constant 96 : i32
    %dma_start3A_2240 = arith.constant 0 : i32
    %dma_start3A_2241 = tpu.memref_slice %arg3[%select_n3A_2218, %select_n3A_2234, %dma_start3A_2239, %dma_start3A_2240] : memref<8x32x384x196xf32, #tpu.memory_space<hbm>> -> memref<1x1x96x196xf32, #tpu.memory_space<hbm>>
    %dma_start3A_2242 = tpu.memref_squeeze %dma_start3A_2241 : memref<1x1x96x196xf32, #tpu.memory_space<hbm>> -> memref<96x196xf32, #tpu.memory_space<hbm>>
    tpu.enqueue_dma source(%arg5 : memref<96x196xf32, #tpu.memory_space<vmem>>) target(%dma_start3A_2242 : memref<96x196xf32, #tpu.memory_space<hbm>>) target_semaphore(%arg13 : memref<!tpu.dma_semaphore, #tpu.memory_space<semaphore_mem>>)
    %dma_wait3A_2243 = arith.constant 0 : i32
    %dma_wait3A_2244 = arith.constant 0 : i32
    %dma_wait3A_2245 = tpu.memref_slice %arg2[%select_n3A_2044, %add3A_2064, %dma_wait3A_2243, %dma_wait3A_2244] : memref<8x64x192x196xf32, #tpu.memory_space<hbm>> -> memref<1x1x96x196xf32, #tpu.memory_space<hbm>>
    %dma_wait3A_2246 = tpu.memref_squeeze %dma_wait3A_2245 : memref<1x1x96x196xf32, #tpu.memory_space<hbm>> -> memref<96x196xf32, #tpu.memory_space<hbm>>
    %dma_wait3A_2247 = arith.constant 0 : i32
    %dma_wait3A_2248 = arith.constant 0 : i32
    %dma_wait3A_2249 = tpu.memref_slice %arg2[%select_n3A_2044, %add3A_2064, %dma_wait3A_2247, %dma_wait3A_2248] : memref<8x64x192x196xf32, #tpu.memory_space<hbm>> -> memref<1x1x96x196xf32, #tpu.memory_space<hbm>>
    %dma_wait3A_2250 = tpu.memref_squeeze %dma_wait3A_2249 : memref<1x1x96x196xf32, #tpu.memory_space<hbm>> -> memref<96x196xf32, #tpu.memory_space<hbm>>
    tpu.wait_dma2 semaphore(%arg10 : memref<!tpu.dma_semaphore, #tpu.memory_space<semaphore_mem>>) src(%dma_wait3A_2250 : memref<96x196xf32, #tpu.memory_space<hbm>>) dst(%arg6 : memref<96x196xf32, #tpu.memory_space<vmem>>)
    %dma_wait3A_2251 = arith.constant 0 : i32
    %dma_wait3A_2252 = arith.constant 0 : i32
    %dma_wait3A_2253 = tpu.memref_slice %arg3[%select_n3A_2098, %select_n3A_2114, %dma_wait3A_2251, %dma_wait3A_2252] : memref<8x32x384x196xf32, #tpu.memory_space<hbm>> -> memref<1x1x96x196xf32, #tpu.memory_space<hbm>>
    %dma_wait3A_2254 = tpu.memref_squeeze %dma_wait3A_2253 : memref<1x1x96x196xf32, #tpu.memory_space<hbm>> -> memref<96x196xf32, #tpu.memory_space<hbm>>
    %dma_wait3A_2255 = arith.constant 0 : i32
    %dma_wait3A_2256 = arith.constant 0 : i32
    %dma_wait3A_2257 = tpu.memref_slice %arg3[%select_n3A_2098, %select_n3A_2114, %dma_wait3A_2255, %dma_wait3A_2256] : memref<8x32x384x196xf32, #tpu.memory_space<hbm>> -> memref<1x1x96x196xf32, #tpu.memory_space<hbm>>
    %dma_wait3A_2258 = tpu.memref_squeeze %dma_wait3A_2257 : memref<1x1x96x196xf32, #tpu.memory_space<hbm>> -> memref<96x196xf32, #tpu.memory_space<hbm>>
    tpu.wait_dma2 semaphore(%arg12 : memref<!tpu.dma_semaphore, #tpu.memory_space<semaphore_mem>>) src(%arg4 : memref<96x196xf32, #tpu.memory_space<vmem>>) dst(%dma_wait3A_2258 : memref<96x196xf32, #tpu.memory_space<hbm>>)
    %add3A_2259 = arith.constant 5 : i32
    %add3A_2260 = arith.addi %mul3A_2, %add3A_2259 : i32
    %jit3A_2261 = arith.constant 32 : i32
    %div3A_2262 = arith.divsi %add3A_2260, %jit3A_2261 : i32
    %sign3A_2263 = arith.constant 0 : i32
    %sign3A_2264 = arith.cmpi sgt, %add3A_2260, %sign3A_2263 : i32
    %sign3A_2265 = arith.extui %sign3A_2264 : i1 to i32
    %sign3A_2266 = arith.constant 0 : i32
    %sign3A_2267 = arith.cmpi slt, %add3A_2260, %sign3A_2266 : i32
    %sign3A_2268 = arith.extui %sign3A_2267 : i1 to i32
    %sign3A_2269 = arith.subi %sign3A_2265, %sign3A_2268 : i32
    %sign3A_2270 = arith.constant 0 : i32
    %sign3A_2271 = arith.cmpi sgt, %jit3A_2261, %sign3A_2270 : i32
    %sign3A_2272 = arith.extui %sign3A_2271 : i1 to i32
    %sign3A_2273 = arith.constant 0 : i32
    %sign3A_2274 = arith.cmpi slt, %jit3A_2261, %sign3A_2273 : i32
    %sign3A_2275 = arith.extui %sign3A_2274 : i1 to i32
    %sign3A_2276 = arith.subi %sign3A_2272, %sign3A_2275 : i32
    %ne3A_2277 = arith.cmpi ne, %sign3A_2269, %sign3A_2276 : i32
    %rem3A_2278 = arith.remsi %add3A_2260, %jit3A_2261 : i32
    %ne3A_2279 = arith.constant 0 : i32
    %ne3A_2280 = arith.cmpi ne, %rem3A_2278, %ne3A_2279 : i32
    %and3A_2281 = arith.andi %ne3A_2277, %ne3A_2280 : i1
    %sub3A_2282 = arith.constant 1 : i32
    %sub3A_2283 = arith.subi %div3A_2262, %sub3A_2282 : i32
    %select_n3A_2284 = arith.select %and3A_2281, %sub3A_2283, %div3A_2262 : i32
    %jit3A_2285 = arith.constant 32 : i32
    %eq3A_2286 = arith.constant 0 : i32
    %eq3A_2287 = arith.cmpi eq, %jit3A_2285, %eq3A_2286 : i32
    %jit3A_2288 = arith.constant 1 : i32
    %select_n3A_2289 = arith.select %eq3A_2287, %jit3A_2288, %jit3A_2285 : i32
    %rem3A_2290 = arith.remsi %add3A_2260, %select_n3A_2289 : i32
    %ne3A_2291 = arith.constant 0 : i32
    %ne3A_2292 = arith.cmpi ne, %rem3A_2290, %ne3A_2291 : i32
    %lt3A_2293 = arith.constant 0 : i32
    %lt3A_2294 = arith.cmpi slt, %rem3A_2290, %lt3A_2293 : i32
    %lt3A_2295 = arith.constant 0 : i32
    %lt3A_2296 = arith.cmpi slt, %select_n3A_2289, %lt3A_2295 : i32
    %ne3A_2297 = arith.xori %lt3A_2294, %lt3A_2296 : i1
    %and3A_2298 = arith.andi %ne3A_2297, %ne3A_2292 : i1
    %add3A_2299 = arith.addi %rem3A_2290, %select_n3A_2289 : i32
    %select_n3A_2300 = arith.select %and3A_2298, %add3A_2299, %rem3A_2290 : i32
    %mul3A_2301 = arith.constant 2 : i32
    %mul3A_2302 = arith.muli %mul3A_2301, %select_n3A_2300 : i32
    %add3A_2303 = arith.constant 0 : i32
    %add3A_2304 = arith.addi %mul3A_2302, %add3A_2303 : i32
    %dma_start3A_2305 = arith.constant 0 : i32
    %dma_start3A_2306 = arith.constant 0 : i32
    %dma_start3A_2307 = tpu.memref_slice %arg2[%select_n3A_2284, %add3A_2304, %dma_start3A_2305, %dma_start3A_2306] : memref<8x64x192x196xf32, #tpu.memory_space<hbm>> -> memref<1x1x96x196xf32, #tpu.memory_space<hbm>>
    %dma_start3A_2308 = tpu.memref_squeeze %dma_start3A_2307 : memref<1x1x96x196xf32, #tpu.memory_space<hbm>> -> memref<96x196xf32, #tpu.memory_space<hbm>>
    %dma_start3A_2309 = arith.constant 0 : i32
    %dma_start3A_2310 = arith.constant 0 : i32
    %dma_start3A_2311 = tpu.memref_slice %arg2[%select_n3A_2284, %add3A_2304, %dma_start3A_2309, %dma_start3A_2310] : memref<8x64x192x196xf32, #tpu.memory_space<hbm>> -> memref<1x1x96x196xf32, #tpu.memory_space<hbm>>
    %dma_start3A_2312 = tpu.memref_squeeze %dma_start3A_2311 : memref<1x1x96x196xf32, #tpu.memory_space<hbm>> -> memref<96x196xf32, #tpu.memory_space<hbm>>
    tpu.enqueue_dma source(%dma_start3A_2312 : memref<96x196xf32, #tpu.memory_space<hbm>>) target(%arg4 : memref<96x196xf32, #tpu.memory_space<vmem>>) target_semaphore(%arg8 : memref<!tpu.dma_semaphore, #tpu.memory_space<semaphore_mem>>)
    %add3A_2313 = arith.constant 4 : i32
    %add3A_2314 = arith.addi %mul3A_2, %add3A_2313 : i32
    %jit3A_2315 = arith.constant 32 : i32
    %div3A_2316 = arith.divsi %add3A_2314, %jit3A_2315 : i32
    %sign3A_2317 = arith.constant 0 : i32
    %sign3A_2318 = arith.cmpi sgt, %add3A_2314, %sign3A_2317 : i32
    %sign3A_2319 = arith.extui %sign3A_2318 : i1 to i32
    %sign3A_2320 = arith.constant 0 : i32
    %sign3A_2321 = arith.cmpi slt, %add3A_2314, %sign3A_2320 : i32
    %sign3A_2322 = arith.extui %sign3A_2321 : i1 to i32
    %sign3A_2323 = arith.subi %sign3A_2319, %sign3A_2322 : i32
    %sign3A_2324 = arith.constant 0 : i32
    %sign3A_2325 = arith.cmpi sgt, %jit3A_2315, %sign3A_2324 : i32
    %sign3A_2326 = arith.extui %sign3A_2325 : i1 to i32
    %sign3A_2327 = arith.constant 0 : i32
    %sign3A_2328 = arith.cmpi slt, %jit3A_2315, %sign3A_2327 : i32
    %sign3A_2329 = arith.extui %sign3A_2328 : i1 to i32
    %sign3A_2330 = arith.subi %sign3A_2326, %sign3A_2329 : i32
    %ne3A_2331 = arith.cmpi ne, %sign3A_2323, %sign3A_2330 : i32
    %rem3A_2332 = arith.remsi %add3A_2314, %jit3A_2315 : i32
    %ne3A_2333 = arith.constant 0 : i32
    %ne3A_2334 = arith.cmpi ne, %rem3A_2332, %ne3A_2333 : i32
    %and3A_2335 = arith.andi %ne3A_2331, %ne3A_2334 : i1
    %sub3A_2336 = arith.constant 1 : i32
    %sub3A_2337 = arith.subi %div3A_2316, %sub3A_2336 : i32
    %select_n3A_2338 = arith.select %and3A_2335, %sub3A_2337, %div3A_2316 : i32
    %jit3A_2339 = arith.constant 32 : i32
    %eq3A_2340 = arith.constant 0 : i32
    %eq3A_2341 = arith.cmpi eq, %jit3A_2339, %eq3A_2340 : i32
    %jit3A_2342 = arith.constant 1 : i32
    %select_n3A_2343 = arith.select %eq3A_2341, %jit3A_2342, %jit3A_2339 : i32
    %rem3A_2344 = arith.remsi %add3A_2314, %select_n3A_2343 : i32
    %ne3A_2345 = arith.constant 0 : i32
    %ne3A_2346 = arith.cmpi ne, %rem3A_2344, %ne3A_2345 : i32
    %lt3A_2347 = arith.constant 0 : i32
    %lt3A_2348 = arith.cmpi slt, %rem3A_2344, %lt3A_2347 : i32
    %lt3A_2349 = arith.constant 0 : i32
    %lt3A_2350 = arith.cmpi slt, %select_n3A_2343, %lt3A_2349 : i32
    %ne3A_2351 = arith.xori %lt3A_2348, %lt3A_2350 : i1
    %and3A_2352 = arith.andi %ne3A_2351, %ne3A_2346 : i1
    %add3A_2353 = arith.addi %rem3A_2344, %select_n3A_2343 : i32
    %select_n3A_2354 = arith.select %and3A_2352, %add3A_2353, %rem3A_2344 : i32
    %dma_start3A_2355 = arith.constant 192 : i32
    %dma_start3A_2356 = arith.constant 0 : i32
    %dma_start3A_2357 = tpu.memref_slice %arg3[%select_n3A_2338, %select_n3A_2354, %dma_start3A_2355, %dma_start3A_2356] : memref<8x32x384x196xf32, #tpu.memory_space<hbm>> -> memref<1x1x96x196xf32, #tpu.memory_space<hbm>>
    %dma_start3A_2358 = tpu.memref_squeeze %dma_start3A_2357 : memref<1x1x96x196xf32, #tpu.memory_space<hbm>> -> memref<96x196xf32, #tpu.memory_space<hbm>>
    %dma_start3A_2359 = arith.constant 192 : i32
    %dma_start3A_2360 = arith.constant 0 : i32
    %dma_start3A_2361 = tpu.memref_slice %arg3[%select_n3A_2338, %select_n3A_2354, %dma_start3A_2359, %dma_start3A_2360] : memref<8x32x384x196xf32, #tpu.memory_space<hbm>> -> memref<1x1x96x196xf32, #tpu.memory_space<hbm>>
    %dma_start3A_2362 = tpu.memref_squeeze %dma_start3A_2361 : memref<1x1x96x196xf32, #tpu.memory_space<hbm>> -> memref<96x196xf32, #tpu.memory_space<hbm>>
    tpu.enqueue_dma source(%arg6 : memref<96x196xf32, #tpu.memory_space<vmem>>) target(%dma_start3A_2362 : memref<96x196xf32, #tpu.memory_space<hbm>>) target_semaphore(%arg14 : memref<!tpu.dma_semaphore, #tpu.memory_space<semaphore_mem>>)
    %dma_wait3A_2363 = arith.constant 96 : i32
    %dma_wait3A_2364 = arith.constant 0 : i32
    %dma_wait3A_2365 = tpu.memref_slice %arg2[%select_n3A_2164, %add3A_2184, %dma_wait3A_2363, %dma_wait3A_2364] : memref<8x64x192x196xf32, #tpu.memory_space<hbm>> -> memref<1x1x96x196xf32, #tpu.memory_space<hbm>>
    %dma_wait3A_2366 = tpu.memref_squeeze %dma_wait3A_2365 : memref<1x1x96x196xf32, #tpu.memory_space<hbm>> -> memref<96x196xf32, #tpu.memory_space<hbm>>
    %dma_wait3A_2367 = arith.constant 96 : i32
    %dma_wait3A_2368 = arith.constant 0 : i32
    %dma_wait3A_2369 = tpu.memref_slice %arg2[%select_n3A_2164, %add3A_2184, %dma_wait3A_2367, %dma_wait3A_2368] : memref<8x64x192x196xf32, #tpu.memory_space<hbm>> -> memref<1x1x96x196xf32, #tpu.memory_space<hbm>>
    %dma_wait3A_2370 = tpu.memref_squeeze %dma_wait3A_2369 : memref<1x1x96x196xf32, #tpu.memory_space<hbm>> -> memref<96x196xf32, #tpu.memory_space<hbm>>
    tpu.wait_dma2 semaphore(%arg11 : memref<!tpu.dma_semaphore, #tpu.memory_space<semaphore_mem>>) src(%dma_wait3A_2370 : memref<96x196xf32, #tpu.memory_space<hbm>>) dst(%arg7 : memref<96x196xf32, #tpu.memory_space<vmem>>)
    %dma_wait3A_2371 = arith.constant 96 : i32
    %dma_wait3A_2372 = arith.constant 0 : i32
    %dma_wait3A_2373 = tpu.memref_slice %arg3[%select_n3A_2218, %select_n3A_2234, %dma_wait3A_2371, %dma_wait3A_2372] : memref<8x32x384x196xf32, #tpu.memory_space<hbm>> -> memref<1x1x96x196xf32, #tpu.memory_space<hbm>>
    %dma_wait3A_2374 = tpu.memref_squeeze %dma_wait3A_2373 : memref<1x1x96x196xf32, #tpu.memory_space<hbm>> -> memref<96x196xf32, #tpu.memory_space<hbm>>
    %dma_wait3A_2375 = arith.constant 96 : i32
    %dma_wait3A_2376 = arith.constant 0 : i32
    %dma_wait3A_2377 = tpu.memref_slice %arg3[%select_n3A_2218, %select_n3A_2234, %dma_wait3A_2375, %dma_wait3A_2376] : memref<8x32x384x196xf32, #tpu.memory_space<hbm>> -> memref<1x1x96x196xf32, #tpu.memory_space<hbm>>
    %dma_wait3A_2378 = tpu.memref_squeeze %dma_wait3A_2377 : memref<1x1x96x196xf32, #tpu.memory_space<hbm>> -> memref<96x196xf32, #tpu.memory_space<hbm>>
    tpu.wait_dma2 semaphore(%arg13 : memref<!tpu.dma_semaphore, #tpu.memory_space<semaphore_mem>>) src(%arg5 : memref<96x196xf32, #tpu.memory_space<vmem>>) dst(%dma_wait3A_2378 : memref<96x196xf32, #tpu.memory_space<hbm>>)
    %add3A_2379 = arith.constant 5 : i32
    %add3A_2380 = arith.addi %mul3A_2, %add3A_2379 : i32
    %jit3A_2381 = arith.constant 32 : i32
    %div3A_2382 = arith.divsi %add3A_2380, %jit3A_2381 : i32
    %sign3A_2383 = arith.constant 0 : i32
    %sign3A_2384 = arith.cmpi sgt, %add3A_2380, %sign3A_2383 : i32
    %sign3A_2385 = arith.extui %sign3A_2384 : i1 to i32
    %sign3A_2386 = arith.constant 0 : i32
    %sign3A_2387 = arith.cmpi slt, %add3A_2380, %sign3A_2386 : i32
    %sign3A_2388 = arith.extui %sign3A_2387 : i1 to i32
    %sign3A_2389 = arith.subi %sign3A_2385, %sign3A_2388 : i32
    %sign3A_2390 = arith.constant 0 : i32
    %sign3A_2391 = arith.cmpi sgt, %jit3A_2381, %sign3A_2390 : i32
    %sign3A_2392 = arith.extui %sign3A_2391 : i1 to i32
    %sign3A_2393 = arith.constant 0 : i32
    %sign3A_2394 = arith.cmpi slt, %jit3A_2381, %sign3A_2393 : i32
    %sign3A_2395 = arith.extui %sign3A_2394 : i1 to i32
    %sign3A_2396 = arith.subi %sign3A_2392, %sign3A_2395 : i32
    %ne3A_2397 = arith.cmpi ne, %sign3A_2389, %sign3A_2396 : i32
    %rem3A_2398 = arith.remsi %add3A_2380, %jit3A_2381 : i32
    %ne3A_2399 = arith.constant 0 : i32
    %ne3A_2400 = arith.cmpi ne, %rem3A_2398, %ne3A_2399 : i32
    %and3A_2401 = arith.andi %ne3A_2397, %ne3A_2400 : i1
    %sub3A_2402 = arith.constant 1 : i32
    %sub3A_2403 = arith.subi %div3A_2382, %sub3A_2402 : i32
    %select_n3A_2404 = arith.select %and3A_2401, %sub3A_2403, %div3A_2382 : i32
    %jit3A_2405 = arith.constant 32 : i32
    %eq3A_2406 = arith.constant 0 : i32
    %eq3A_2407 = arith.cmpi eq, %jit3A_2405, %eq3A_2406 : i32
    %jit3A_2408 = arith.constant 1 : i32
    %select_n3A_2409 = arith.select %eq3A_2407, %jit3A_2408, %jit3A_2405 : i32
    %rem3A_2410 = arith.remsi %add3A_2380, %select_n3A_2409 : i32
    %ne3A_2411 = arith.constant 0 : i32
    %ne3A_2412 = arith.cmpi ne, %rem3A_2410, %ne3A_2411 : i32
    %lt3A_2413 = arith.constant 0 : i32
    %lt3A_2414 = arith.cmpi slt, %rem3A_2410, %lt3A_2413 : i32
    %lt3A_2415 = arith.constant 0 : i32
    %lt3A_2416 = arith.cmpi slt, %select_n3A_2409, %lt3A_2415 : i32
    %ne3A_2417 = arith.xori %lt3A_2414, %lt3A_2416 : i1
    %and3A_2418 = arith.andi %ne3A_2417, %ne3A_2412 : i1
    %add3A_2419 = arith.addi %rem3A_2410, %select_n3A_2409 : i32
    %select_n3A_2420 = arith.select %and3A_2418, %add3A_2419, %rem3A_2410 : i32
    %mul3A_2421 = arith.constant 2 : i32
    %mul3A_2422 = arith.muli %mul3A_2421, %select_n3A_2420 : i32
    %add3A_2423 = arith.constant 0 : i32
    %add3A_2424 = arith.addi %mul3A_2422, %add3A_2423 : i32
    %dma_start3A_2425 = arith.constant 96 : i32
    %dma_start3A_2426 = arith.constant 0 : i32
    %dma_start3A_2427 = tpu.memref_slice %arg2[%select_n3A_2404, %add3A_2424, %dma_start3A_2425, %dma_start3A_2426] : memref<8x64x192x196xf32, #tpu.memory_space<hbm>> -> memref<1x1x96x196xf32, #tpu.memory_space<hbm>>
    %dma_start3A_2428 = tpu.memref_squeeze %dma_start3A_2427 : memref<1x1x96x196xf32, #tpu.memory_space<hbm>> -> memref<96x196xf32, #tpu.memory_space<hbm>>
    %dma_start3A_2429 = arith.constant 96 : i32
    %dma_start3A_2430 = arith.constant 0 : i32
    %dma_start3A_2431 = tpu.memref_slice %arg2[%select_n3A_2404, %add3A_2424, %dma_start3A_2429, %dma_start3A_2430] : memref<8x64x192x196xf32, #tpu.memory_space<hbm>> -> memref<1x1x96x196xf32, #tpu.memory_space<hbm>>
    %dma_start3A_2432 = tpu.memref_squeeze %dma_start3A_2431 : memref<1x1x96x196xf32, #tpu.memory_space<hbm>> -> memref<96x196xf32, #tpu.memory_space<hbm>>
    tpu.enqueue_dma source(%dma_start3A_2432 : memref<96x196xf32, #tpu.memory_space<hbm>>) target(%arg5 : memref<96x196xf32, #tpu.memory_space<vmem>>) target_semaphore(%arg9 : memref<!tpu.dma_semaphore, #tpu.memory_space<semaphore_mem>>)
    %add3A_2433 = arith.constant 4 : i32
    %add3A_2434 = arith.addi %mul3A_2, %add3A_2433 : i32
    %jit3A_2435 = arith.constant 32 : i32
    %div3A_2436 = arith.divsi %add3A_2434, %jit3A_2435 : i32
    %sign3A_2437 = arith.constant 0 : i32
    %sign3A_2438 = arith.cmpi sgt, %add3A_2434, %sign3A_2437 : i32
    %sign3A_2439 = arith.extui %sign3A_2438 : i1 to i32
    %sign3A_2440 = arith.constant 0 : i32
    %sign3A_2441 = arith.cmpi slt, %add3A_2434, %sign3A_2440 : i32
    %sign3A_2442 = arith.extui %sign3A_2441 : i1 to i32
    %sign3A_2443 = arith.subi %sign3A_2439, %sign3A_2442 : i32
    %sign3A_2444 = arith.constant 0 : i32
    %sign3A_2445 = arith.cmpi sgt, %jit3A_2435, %sign3A_2444 : i32
    %sign3A_2446 = arith.extui %sign3A_2445 : i1 to i32
    %sign3A_2447 = arith.constant 0 : i32
    %sign3A_2448 = arith.cmpi slt, %jit3A_2435, %sign3A_2447 : i32
    %sign3A_2449 = arith.extui %sign3A_2448 : i1 to i32
    %sign3A_2450 = arith.subi %sign3A_2446, %sign3A_2449 : i32
    %ne3A_2451 = arith.cmpi ne, %sign3A_2443, %sign3A_2450 : i32
    %rem3A_2452 = arith.remsi %add3A_2434, %jit3A_2435 : i32
    %ne3A_2453 = arith.constant 0 : i32
    %ne3A_2454 = arith.cmpi ne, %rem3A_2452, %ne3A_2453 : i32
    %and3A_2455 = arith.andi %ne3A_2451, %ne3A_2454 : i1
    %sub3A_2456 = arith.constant 1 : i32
    %sub3A_2457 = arith.subi %div3A_2436, %sub3A_2456 : i32
    %select_n3A_2458 = arith.select %and3A_2455, %sub3A_2457, %div3A_2436 : i32
    %jit3A_2459 = arith.constant 32 : i32
    %eq3A_2460 = arith.constant 0 : i32
    %eq3A_2461 = arith.cmpi eq, %jit3A_2459, %eq3A_2460 : i32
    %jit3A_2462 = arith.constant 1 : i32
    %select_n3A_2463 = arith.select %eq3A_2461, %jit3A_2462, %jit3A_2459 : i32
    %rem3A_2464 = arith.remsi %add3A_2434, %select_n3A_2463 : i32
    %ne3A_2465 = arith.constant 0 : i32
    %ne3A_2466 = arith.cmpi ne, %rem3A_2464, %ne3A_2465 : i32
    %lt3A_2467 = arith.constant 0 : i32
    %lt3A_2468 = arith.cmpi slt, %rem3A_2464, %lt3A_2467 : i32
    %lt3A_2469 = arith.constant 0 : i32
    %lt3A_2470 = arith.cmpi slt, %select_n3A_2463, %lt3A_2469 : i32
    %ne3A_2471 = arith.xori %lt3A_2468, %lt3A_2470 : i1
    %and3A_2472 = arith.andi %ne3A_2471, %ne3A_2466 : i1
    %add3A_2473 = arith.addi %rem3A_2464, %select_n3A_2463 : i32
    %select_n3A_2474 = arith.select %and3A_2472, %add3A_2473, %rem3A_2464 : i32
    %dma_start3A_2475 = arith.constant 288 : i32
    %dma_start3A_2476 = arith.constant 0 : i32
    %dma_start3A_2477 = tpu.memref_slice %arg3[%select_n3A_2458, %select_n3A_2474, %dma_start3A_2475, %dma_start3A_2476] : memref<8x32x384x196xf32, #tpu.memory_space<hbm>> -> memref<1x1x96x196xf32, #tpu.memory_space<hbm>>
    %dma_start3A_2478 = tpu.memref_squeeze %dma_start3A_2477 : memref<1x1x96x196xf32, #tpu.memory_space<hbm>> -> memref<96x196xf32, #tpu.memory_space<hbm>>
    %dma_start3A_2479 = arith.constant 288 : i32
    %dma_start3A_2480 = arith.constant 0 : i32
    %dma_start3A_2481 = tpu.memref_slice %arg3[%select_n3A_2458, %select_n3A_2474, %dma_start3A_2479, %dma_start3A_2480] : memref<8x32x384x196xf32, #tpu.memory_space<hbm>> -> memref<1x1x96x196xf32, #tpu.memory_space<hbm>>
    %dma_start3A_2482 = tpu.memref_squeeze %dma_start3A_2481 : memref<1x1x96x196xf32, #tpu.memory_space<hbm>> -> memref<96x196xf32, #tpu.memory_space<hbm>>
    tpu.enqueue_dma source(%arg7 : memref<96x196xf32, #tpu.memory_space<vmem>>) target(%dma_start3A_2482 : memref<96x196xf32, #tpu.memory_space<hbm>>) target_semaphore(%arg15 : memref<!tpu.dma_semaphore, #tpu.memory_space<semaphore_mem>>)
    %dma_wait3A_2483 = arith.constant 0 : i32
    %dma_wait3A_2484 = arith.constant 0 : i32
    %dma_wait3A_2485 = tpu.memref_slice %arg2[%select_n3A_2284, %add3A_2304, %dma_wait3A_2483, %dma_wait3A_2484] : memref<8x64x192x196xf32, #tpu.memory_space<hbm>> -> memref<1x1x96x196xf32, #tpu.memory_space<hbm>>
    %dma_wait3A_2486 = tpu.memref_squeeze %dma_wait3A_2485 : memref<1x1x96x196xf32, #tpu.memory_space<hbm>> -> memref<96x196xf32, #tpu.memory_space<hbm>>
    %dma_wait3A_2487 = arith.constant 0 : i32
    %dma_wait3A_2488 = arith.constant 0 : i32
    %dma_wait3A_2489 = tpu.memref_slice %arg2[%select_n3A_2284, %add3A_2304, %dma_wait3A_2487, %dma_wait3A_2488] : memref<8x64x192x196xf32, #tpu.memory_space<hbm>> -> memref<1x1x96x196xf32, #tpu.memory_space<hbm>>
    %dma_wait3A_2490 = tpu.memref_squeeze %dma_wait3A_2489 : memref<1x1x96x196xf32, #tpu.memory_space<hbm>> -> memref<96x196xf32, #tpu.memory_space<hbm>>
    tpu.wait_dma2 semaphore(%arg8 : memref<!tpu.dma_semaphore, #tpu.memory_space<semaphore_mem>>) src(%dma_wait3A_2490 : memref<96x196xf32, #tpu.memory_space<hbm>>) dst(%arg4 : memref<96x196xf32, #tpu.memory_space<vmem>>)
    %dma_wait3A_2491 = arith.constant 192 : i32
    %dma_wait3A_2492 = arith.constant 0 : i32
    %dma_wait3A_2493 = tpu.memref_slice %arg3[%select_n3A_2338, %select_n3A_2354, %dma_wait3A_2491, %dma_wait3A_2492] : memref<8x32x384x196xf32, #tpu.memory_space<hbm>> -> memref<1x1x96x196xf32, #tpu.memory_space<hbm>>
    %dma_wait3A_2494 = tpu.memref_squeeze %dma_wait3A_2493 : memref<1x1x96x196xf32, #tpu.memory_space<hbm>> -> memref<96x196xf32, #tpu.memory_space<hbm>>
    %dma_wait3A_2495 = arith.constant 192 : i32
    %dma_wait3A_2496 = arith.constant 0 : i32
    %dma_wait3A_2497 = tpu.memref_slice %arg3[%select_n3A_2338, %select_n3A_2354, %dma_wait3A_2495, %dma_wait3A_2496] : memref<8x32x384x196xf32, #tpu.memory_space<hbm>> -> memref<1x1x96x196xf32, #tpu.memory_space<hbm>>
    %dma_wait3A_2498 = tpu.memref_squeeze %dma_wait3A_2497 : memref<1x1x96x196xf32, #tpu.memory_space<hbm>> -> memref<96x196xf32, #tpu.memory_space<hbm>>
    tpu.wait_dma2 semaphore(%arg14 : memref<!tpu.dma_semaphore, #tpu.memory_space<semaphore_mem>>) src(%arg6 : memref<96x196xf32, #tpu.memory_space<vmem>>) dst(%dma_wait3A_2498 : memref<96x196xf32, #tpu.memory_space<hbm>>)
    %add3A_2499 = arith.constant 5 : i32
    %add3A_2500 = arith.addi %mul3A_2, %add3A_2499 : i32
    %jit3A_2501 = arith.constant 32 : i32
    %div3A_2502 = arith.divsi %add3A_2500, %jit3A_2501 : i32
    %sign3A_2503 = arith.constant 0 : i32
    %sign3A_2504 = arith.cmpi sgt, %add3A_2500, %sign3A_2503 : i32
    %sign3A_2505 = arith.extui %sign3A_2504 : i1 to i32
    %sign3A_2506 = arith.constant 0 : i32
    %sign3A_2507 = arith.cmpi slt, %add3A_2500, %sign3A_2506 : i32
    %sign3A_2508 = arith.extui %sign3A_2507 : i1 to i32
    %sign3A_2509 = arith.subi %sign3A_2505, %sign3A_2508 : i32
    %sign3A_2510 = arith.constant 0 : i32
    %sign3A_2511 = arith.cmpi sgt, %jit3A_2501, %sign3A_2510 : i32
    %sign3A_2512 = arith.extui %sign3A_2511 : i1 to i32
    %sign3A_2513 = arith.constant 0 : i32
    %sign3A_2514 = arith.cmpi slt, %jit3A_2501, %sign3A_2513 : i32
    %sign3A_2515 = arith.extui %sign3A_2514 : i1 to i32
    %sign3A_2516 = arith.subi %sign3A_2512, %sign3A_2515 : i32
    %ne3A_2517 = arith.cmpi ne, %sign3A_2509, %sign3A_2516 : i32
    %rem3A_2518 = arith.remsi %add3A_2500, %jit3A_2501 : i32
    %ne3A_2519 = arith.constant 0 : i32
    %ne3A_2520 = arith.cmpi ne, %rem3A_2518, %ne3A_2519 : i32
    %and3A_2521 = arith.andi %ne3A_2517, %ne3A_2520 : i1
    %sub3A_2522 = arith.constant 1 : i32
    %sub3A_2523 = arith.subi %div3A_2502, %sub3A_2522 : i32
    %select_n3A_2524 = arith.select %and3A_2521, %sub3A_2523, %div3A_2502 : i32
    %jit3A_2525 = arith.constant 32 : i32
    %eq3A_2526 = arith.constant 0 : i32
    %eq3A_2527 = arith.cmpi eq, %jit3A_2525, %eq3A_2526 : i32
    %jit3A_2528 = arith.constant 1 : i32
    %select_n3A_2529 = arith.select %eq3A_2527, %jit3A_2528, %jit3A_2525 : i32
    %rem3A_2530 = arith.remsi %add3A_2500, %select_n3A_2529 : i32
    %ne3A_2531 = arith.constant 0 : i32
    %ne3A_2532 = arith.cmpi ne, %rem3A_2530, %ne3A_2531 : i32
    %lt3A_2533 = arith.constant 0 : i32
    %lt3A_2534 = arith.cmpi slt, %rem3A_2530, %lt3A_2533 : i32
    %lt3A_2535 = arith.constant 0 : i32
    %lt3A_2536 = arith.cmpi slt, %select_n3A_2529, %lt3A_2535 : i32
    %ne3A_2537 = arith.xori %lt3A_2534, %lt3A_2536 : i1
    %and3A_2538 = arith.andi %ne3A_2537, %ne3A_2532 : i1
    %add3A_2539 = arith.addi %rem3A_2530, %select_n3A_2529 : i32
    %select_n3A_2540 = arith.select %and3A_2538, %add3A_2539, %rem3A_2530 : i32
    %mul3A_2541 = arith.constant 2 : i32
    %mul3A_2542 = arith.muli %mul3A_2541, %select_n3A_2540 : i32
    %add3A_2543 = arith.constant 1 : i32
    %add3A_2544 = arith.addi %mul3A_2542, %add3A_2543 : i32
    %dma_start3A_2545 = arith.constant 0 : i32
    %dma_start3A_2546 = arith.constant 0 : i32
    %dma_start3A_2547 = tpu.memref_slice %arg2[%select_n3A_2524, %add3A_2544, %dma_start3A_2545, %dma_start3A_2546] : memref<8x64x192x196xf32, #tpu.memory_space<hbm>> -> memref<1x1x96x196xf32, #tpu.memory_space<hbm>>
    %dma_start3A_2548 = tpu.memref_squeeze %dma_start3A_2547 : memref<1x1x96x196xf32, #tpu.memory_space<hbm>> -> memref<96x196xf32, #tpu.memory_space<hbm>>
    %dma_start3A_2549 = arith.constant 0 : i32
    %dma_start3A_2550 = arith.constant 0 : i32
    %dma_start3A_2551 = tpu.memref_slice %arg2[%select_n3A_2524, %add3A_2544, %dma_start3A_2549, %dma_start3A_2550] : memref<8x64x192x196xf32, #tpu.memory_space<hbm>> -> memref<1x1x96x196xf32, #tpu.memory_space<hbm>>
    %dma_start3A_2552 = tpu.memref_squeeze %dma_start3A_2551 : memref<1x1x96x196xf32, #tpu.memory_space<hbm>> -> memref<96x196xf32, #tpu.memory_space<hbm>>
    tpu.enqueue_dma source(%dma_start3A_2552 : memref<96x196xf32, #tpu.memory_space<hbm>>) target(%arg6 : memref<96x196xf32, #tpu.memory_space<vmem>>) target_semaphore(%arg10 : memref<!tpu.dma_semaphore, #tpu.memory_space<semaphore_mem>>)
    %add3A_2553 = arith.constant 5 : i32
    %add3A_2554 = arith.addi %mul3A_2, %add3A_2553 : i32
    %jit3A_2555 = arith.constant 32 : i32
    %div3A_2556 = arith.divsi %add3A_2554, %jit3A_2555 : i32
    %sign3A_2557 = arith.constant 0 : i32
    %sign3A_2558 = arith.cmpi sgt, %add3A_2554, %sign3A_2557 : i32
    %sign3A_2559 = arith.extui %sign3A_2558 : i1 to i32
    %sign3A_2560 = arith.constant 0 : i32
    %sign3A_2561 = arith.cmpi slt, %add3A_2554, %sign3A_2560 : i32
    %sign3A_2562 = arith.extui %sign3A_2561 : i1 to i32
    %sign3A_2563 = arith.subi %sign3A_2559, %sign3A_2562 : i32
    %sign3A_2564 = arith.constant 0 : i32
    %sign3A_2565 = arith.cmpi sgt, %jit3A_2555, %sign3A_2564 : i32
    %sign3A_2566 = arith.extui %sign3A_2565 : i1 to i32
    %sign3A_2567 = arith.constant 0 : i32
    %sign3A_2568 = arith.cmpi slt, %jit3A_2555, %sign3A_2567 : i32
    %sign3A_2569 = arith.extui %sign3A_2568 : i1 to i32
    %sign3A_2570 = arith.subi %sign3A_2566, %sign3A_2569 : i32
    %ne3A_2571 = arith.cmpi ne, %sign3A_2563, %sign3A_2570 : i32
    %rem3A_2572 = arith.remsi %add3A_2554, %jit3A_2555 : i32
    %ne3A_2573 = arith.constant 0 : i32
    %ne3A_2574 = arith.cmpi ne, %rem3A_2572, %ne3A_2573 : i32
    %and3A_2575 = arith.andi %ne3A_2571, %ne3A_2574 : i1
    %sub3A_2576 = arith.constant 1 : i32
    %sub3A_2577 = arith.subi %div3A_2556, %sub3A_2576 : i32
    %select_n3A_2578 = arith.select %and3A_2575, %sub3A_2577, %div3A_2556 : i32
    %jit3A_2579 = arith.constant 32 : i32
    %eq3A_2580 = arith.constant 0 : i32
    %eq3A_2581 = arith.cmpi eq, %jit3A_2579, %eq3A_2580 : i32
    %jit3A_2582 = arith.constant 1 : i32
    %select_n3A_2583 = arith.select %eq3A_2581, %jit3A_2582, %jit3A_2579 : i32
    %rem3A_2584 = arith.remsi %add3A_2554, %select_n3A_2583 : i32
    %ne3A_2585 = arith.constant 0 : i32
    %ne3A_2586 = arith.cmpi ne, %rem3A_2584, %ne3A_2585 : i32
    %lt3A_2587 = arith.constant 0 : i32
    %lt3A_2588 = arith.cmpi slt, %rem3A_2584, %lt3A_2587 : i32
    %lt3A_2589 = arith.constant 0 : i32
    %lt3A_2590 = arith.cmpi slt, %select_n3A_2583, %lt3A_2589 : i32
    %ne3A_2591 = arith.xori %lt3A_2588, %lt3A_2590 : i1
    %and3A_2592 = arith.andi %ne3A_2591, %ne3A_2586 : i1
    %add3A_2593 = arith.addi %rem3A_2584, %select_n3A_2583 : i32
    %select_n3A_2594 = arith.select %and3A_2592, %add3A_2593, %rem3A_2584 : i32
    %dma_start3A_2595 = arith.constant 0 : i32
    %dma_start3A_2596 = arith.constant 0 : i32
    %dma_start3A_2597 = tpu.memref_slice %arg3[%select_n3A_2578, %select_n3A_2594, %dma_start3A_2595, %dma_start3A_2596] : memref<8x32x384x196xf32, #tpu.memory_space<hbm>> -> memref<1x1x96x196xf32, #tpu.memory_space<hbm>>
    %dma_start3A_2598 = tpu.memref_squeeze %dma_start3A_2597 : memref<1x1x96x196xf32, #tpu.memory_space<hbm>> -> memref<96x196xf32, #tpu.memory_space<hbm>>
    %dma_start3A_2599 = arith.constant 0 : i32
    %dma_start3A_2600 = arith.constant 0 : i32
    %dma_start3A_2601 = tpu.memref_slice %arg3[%select_n3A_2578, %select_n3A_2594, %dma_start3A_2599, %dma_start3A_2600] : memref<8x32x384x196xf32, #tpu.memory_space<hbm>> -> memref<1x1x96x196xf32, #tpu.memory_space<hbm>>
    %dma_start3A_2602 = tpu.memref_squeeze %dma_start3A_2601 : memref<1x1x96x196xf32, #tpu.memory_space<hbm>> -> memref<96x196xf32, #tpu.memory_space<hbm>>
    tpu.enqueue_dma source(%arg4 : memref<96x196xf32, #tpu.memory_space<vmem>>) target(%dma_start3A_2602 : memref<96x196xf32, #tpu.memory_space<hbm>>) target_semaphore(%arg12 : memref<!tpu.dma_semaphore, #tpu.memory_space<semaphore_mem>>)
    %dma_wait3A_2603 = arith.constant 96 : i32
    %dma_wait3A_2604 = arith.constant 0 : i32
    %dma_wait3A_2605 = tpu.memref_slice %arg2[%select_n3A_2404, %add3A_2424, %dma_wait3A_2603, %dma_wait3A_2604] : memref<8x64x192x196xf32, #tpu.memory_space<hbm>> -> memref<1x1x96x196xf32, #tpu.memory_space<hbm>>
    %dma_wait3A_2606 = tpu.memref_squeeze %dma_wait3A_2605 : memref<1x1x96x196xf32, #tpu.memory_space<hbm>> -> memref<96x196xf32, #tpu.memory_space<hbm>>
    %dma_wait3A_2607 = arith.constant 96 : i32
    %dma_wait3A_2608 = arith.constant 0 : i32
    %dma_wait3A_2609 = tpu.memref_slice %arg2[%select_n3A_2404, %add3A_2424, %dma_wait3A_2607, %dma_wait3A_2608] : memref<8x64x192x196xf32, #tpu.memory_space<hbm>> -> memref<1x1x96x196xf32, #tpu.memory_space<hbm>>
    %dma_wait3A_2610 = tpu.memref_squeeze %dma_wait3A_2609 : memref<1x1x96x196xf32, #tpu.memory_space<hbm>> -> memref<96x196xf32, #tpu.memory_space<hbm>>
    tpu.wait_dma2 semaphore(%arg9 : memref<!tpu.dma_semaphore, #tpu.memory_space<semaphore_mem>>) src(%dma_wait3A_2610 : memref<96x196xf32, #tpu.memory_space<hbm>>) dst(%arg5 : memref<96x196xf32, #tpu.memory_space<vmem>>)
    %dma_wait3A_2611 = arith.constant 288 : i32
    %dma_wait3A_2612 = arith.constant 0 : i32
    %dma_wait3A_2613 = tpu.memref_slice %arg3[%select_n3A_2458, %select_n3A_2474, %dma_wait3A_2611, %dma_wait3A_2612] : memref<8x32x384x196xf32, #tpu.memory_space<hbm>> -> memref<1x1x96x196xf32, #tpu.memory_space<hbm>>
    %dma_wait3A_2614 = tpu.memref_squeeze %dma_wait3A_2613 : memref<1x1x96x196xf32, #tpu.memory_space<hbm>> -> memref<96x196xf32, #tpu.memory_space<hbm>>
    %dma_wait3A_2615 = arith.constant 288 : i32
    %dma_wait3A_2616 = arith.constant 0 : i32
    %dma_wait3A_2617 = tpu.memref_slice %arg3[%select_n3A_2458, %select_n3A_2474, %dma_wait3A_2615, %dma_wait3A_2616] : memref<8x32x384x196xf32, #tpu.memory_space<hbm>> -> memref<1x1x96x196xf32, #tpu.memory_space<hbm>>
    %dma_wait3A_2618 = tpu.memref_squeeze %dma_wait3A_2617 : memref<1x1x96x196xf32, #tpu.memory_space<hbm>> -> memref<96x196xf32, #tpu.memory_space<hbm>>
    tpu.wait_dma2 semaphore(%arg15 : memref<!tpu.dma_semaphore, #tpu.memory_space<semaphore_mem>>) src(%arg7 : memref<96x196xf32, #tpu.memory_space<vmem>>) dst(%dma_wait3A_2618 : memref<96x196xf32, #tpu.memory_space<hbm>>)
    %add3A_2619 = arith.constant 5 : i32
    %add3A_2620 = arith.addi %mul3A_2, %add3A_2619 : i32
    %jit3A_2621 = arith.constant 32 : i32
    %div3A_2622 = arith.divsi %add3A_2620, %jit3A_2621 : i32
    %sign3A_2623 = arith.constant 0 : i32
    %sign3A_2624 = arith.cmpi sgt, %add3A_2620, %sign3A_2623 : i32
    %sign3A_2625 = arith.extui %sign3A_2624 : i1 to i32
    %sign3A_2626 = arith.constant 0 : i32
    %sign3A_2627 = arith.cmpi slt, %add3A_2620, %sign3A_2626 : i32
    %sign3A_2628 = arith.extui %sign3A_2627 : i1 to i32
    %sign3A_2629 = arith.subi %sign3A_2625, %sign3A_2628 : i32
    %sign3A_2630 = arith.constant 0 : i32
    %sign3A_2631 = arith.cmpi sgt, %jit3A_2621, %sign3A_2630 : i32
    %sign3A_2632 = arith.extui %sign3A_2631 : i1 to i32
    %sign3A_2633 = arith.constant 0 : i32
    %sign3A_2634 = arith.cmpi slt, %jit3A_2621, %sign3A_2633 : i32
    %sign3A_2635 = arith.extui %sign3A_2634 : i1 to i32
    %sign3A_2636 = arith.subi %sign3A_2632, %sign3A_2635 : i32
    %ne3A_2637 = arith.cmpi ne, %sign3A_2629, %sign3A_2636 : i32
    %rem3A_2638 = arith.remsi %add3A_2620, %jit3A_2621 : i32
    %ne3A_2639 = arith.constant 0 : i32
    %ne3A_2640 = arith.cmpi ne, %rem3A_2638, %ne3A_2639 : i32
    %and3A_2641 = arith.andi %ne3A_2637, %ne3A_2640 : i1
    %sub3A_2642 = arith.constant 1 : i32
    %sub3A_2643 = arith.subi %div3A_2622, %sub3A_2642 : i32
    %select_n3A_2644 = arith.select %and3A_2641, %sub3A_2643, %div3A_2622 : i32
    %jit3A_2645 = arith.constant 32 : i32
    %eq3A_2646 = arith.constant 0 : i32
    %eq3A_2647 = arith.cmpi eq, %jit3A_2645, %eq3A_2646 : i32
    %jit3A_2648 = arith.constant 1 : i32
    %select_n3A_2649 = arith.select %eq3A_2647, %jit3A_2648, %jit3A_2645 : i32
    %rem3A_2650 = arith.remsi %add3A_2620, %select_n3A_2649 : i32
    %ne3A_2651 = arith.constant 0 : i32
    %ne3A_2652 = arith.cmpi ne, %rem3A_2650, %ne3A_2651 : i32
    %lt3A_2653 = arith.constant 0 : i32
    %lt3A_2654 = arith.cmpi slt, %rem3A_2650, %lt3A_2653 : i32
    %lt3A_2655 = arith.constant 0 : i32
    %lt3A_2656 = arith.cmpi slt, %select_n3A_2649, %lt3A_2655 : i32
    %ne3A_2657 = arith.xori %lt3A_2654, %lt3A_2656 : i1
    %and3A_2658 = arith.andi %ne3A_2657, %ne3A_2652 : i1
    %add3A_2659 = arith.addi %rem3A_2650, %select_n3A_2649 : i32
    %select_n3A_2660 = arith.select %and3A_2658, %add3A_2659, %rem3A_2650 : i32
    %mul3A_2661 = arith.constant 2 : i32
    %mul3A_2662 = arith.muli %mul3A_2661, %select_n3A_2660 : i32
    %add3A_2663 = arith.constant 1 : i32
    %add3A_2664 = arith.addi %mul3A_2662, %add3A_2663 : i32
    %dma_start3A_2665 = arith.constant 96 : i32
    %dma_start3A_2666 = arith.constant 0 : i32
    %dma_start3A_2667 = tpu.memref_slice %arg2[%select_n3A_2644, %add3A_2664, %dma_start3A_2665, %dma_start3A_2666] : memref<8x64x192x196xf32, #tpu.memory_space<hbm>> -> memref<1x1x96x196xf32, #tpu.memory_space<hbm>>
    %dma_start3A_2668 = tpu.memref_squeeze %dma_start3A_2667 : memref<1x1x96x196xf32, #tpu.memory_space<hbm>> -> memref<96x196xf32, #tpu.memory_space<hbm>>
    %dma_start3A_2669 = arith.constant 96 : i32
    %dma_start3A_2670 = arith.constant 0 : i32
    %dma_start3A_2671 = tpu.memref_slice %arg2[%select_n3A_2644, %add3A_2664, %dma_start3A_2669, %dma_start3A_2670] : memref<8x64x192x196xf32, #tpu.memory_space<hbm>> -> memref<1x1x96x196xf32, #tpu.memory_space<hbm>>
    %dma_start3A_2672 = tpu.memref_squeeze %dma_start3A_2671 : memref<1x1x96x196xf32, #tpu.memory_space<hbm>> -> memref<96x196xf32, #tpu.memory_space<hbm>>
    tpu.enqueue_dma source(%dma_start3A_2672 : memref<96x196xf32, #tpu.memory_space<hbm>>) target(%arg7 : memref<96x196xf32, #tpu.memory_space<vmem>>) target_semaphore(%arg11 : memref<!tpu.dma_semaphore, #tpu.memory_space<semaphore_mem>>)
    %add3A_2673 = arith.constant 5 : i32
    %add3A_2674 = arith.addi %mul3A_2, %add3A_2673 : i32
    %jit3A_2675 = arith.constant 32 : i32
    %div3A_2676 = arith.divsi %add3A_2674, %jit3A_2675 : i32
    %sign3A_2677 = arith.constant 0 : i32
    %sign3A_2678 = arith.cmpi sgt, %add3A_2674, %sign3A_2677 : i32
    %sign3A_2679 = arith.extui %sign3A_2678 : i1 to i32
    %sign3A_2680 = arith.constant 0 : i32
    %sign3A_2681 = arith.cmpi slt, %add3A_2674, %sign3A_2680 : i32
    %sign3A_2682 = arith.extui %sign3A_2681 : i1 to i32
    %sign3A_2683 = arith.subi %sign3A_2679, %sign3A_2682 : i32
    %sign3A_2684 = arith.constant 0 : i32
    %sign3A_2685 = arith.cmpi sgt, %jit3A_2675, %sign3A_2684 : i32
    %sign3A_2686 = arith.extui %sign3A_2685 : i1 to i32
    %sign3A_2687 = arith.constant 0 : i32
    %sign3A_2688 = arith.cmpi slt, %jit3A_2675, %sign3A_2687 : i32
    %sign3A_2689 = arith.extui %sign3A_2688 : i1 to i32
    %sign3A_2690 = arith.subi %sign3A_2686, %sign3A_2689 : i32
    %ne3A_2691 = arith.cmpi ne, %sign3A_2683, %sign3A_2690 : i32
    %rem3A_2692 = arith.remsi %add3A_2674, %jit3A_2675 : i32
    %ne3A_2693 = arith.constant 0 : i32
    %ne3A_2694 = arith.cmpi ne, %rem3A_2692, %ne3A_2693 : i32
    %and3A_2695 = arith.andi %ne3A_2691, %ne3A_2694 : i1
    %sub3A_2696 = arith.constant 1 : i32
    %sub3A_2697 = arith.subi %div3A_2676, %sub3A_2696 : i32
    %select_n3A_2698 = arith.select %and3A_2695, %sub3A_2697, %div3A_2676 : i32
    %jit3A_2699 = arith.constant 32 : i32
    %eq3A_2700 = arith.constant 0 : i32
    %eq3A_2701 = arith.cmpi eq, %jit3A_2699, %eq3A_2700 : i32
    %jit3A_2702 = arith.constant 1 : i32
    %select_n3A_2703 = arith.select %eq3A_2701, %jit3A_2702, %jit3A_2699 : i32
    %rem3A_2704 = arith.remsi %add3A_2674, %select_n3A_2703 : i32
    %ne3A_2705 = arith.constant 0 : i32
    %ne3A_2706 = arith.cmpi ne, %rem3A_2704, %ne3A_2705 : i32
    %lt3A_2707 = arith.constant 0 : i32
    %lt3A_2708 = arith.cmpi slt, %rem3A_2704, %lt3A_2707 : i32
    %lt3A_2709 = arith.constant 0 : i32
    %lt3A_2710 = arith.cmpi slt, %select_n3A_2703, %lt3A_2709 : i32
    %ne3A_2711 = arith.xori %lt3A_2708, %lt3A_2710 : i1
    %and3A_2712 = arith.andi %ne3A_2711, %ne3A_2706 : i1
    %add3A_2713 = arith.addi %rem3A_2704, %select_n3A_2703 : i32
    %select_n3A_2714 = arith.select %and3A_2712, %add3A_2713, %rem3A_2704 : i32
    %dma_start3A_2715 = arith.constant 96 : i32
    %dma_start3A_2716 = arith.constant 0 : i32
    %dma_start3A_2717 = tpu.memref_slice %arg3[%select_n3A_2698, %select_n3A_2714, %dma_start3A_2715, %dma_start3A_2716] : memref<8x32x384x196xf32, #tpu.memory_space<hbm>> -> memref<1x1x96x196xf32, #tpu.memory_space<hbm>>
    %dma_start3A_2718 = tpu.memref_squeeze %dma_start3A_2717 : memref<1x1x96x196xf32, #tpu.memory_space<hbm>> -> memref<96x196xf32, #tpu.memory_space<hbm>>
    %dma_start3A_2719 = arith.constant 96 : i32
    %dma_start3A_2720 = arith.constant 0 : i32
    %dma_start3A_2721 = tpu.memref_slice %arg3[%select_n3A_2698, %select_n3A_2714, %dma_start3A_2719, %dma_start3A_2720] : memref<8x32x384x196xf32, #tpu.memory_space<hbm>> -> memref<1x1x96x196xf32, #tpu.memory_space<hbm>>
    %dma_start3A_2722 = tpu.memref_squeeze %dma_start3A_2721 : memref<1x1x96x196xf32, #tpu.memory_space<hbm>> -> memref<96x196xf32, #tpu.memory_space<hbm>>
    tpu.enqueue_dma source(%arg5 : memref<96x196xf32, #tpu.memory_space<vmem>>) target(%dma_start3A_2722 : memref<96x196xf32, #tpu.memory_space<hbm>>) target_semaphore(%arg13 : memref<!tpu.dma_semaphore, #tpu.memory_space<semaphore_mem>>)
    %dma_wait3A_2723 = arith.constant 0 : i32
    %dma_wait3A_2724 = arith.constant 0 : i32
    %dma_wait3A_2725 = tpu.memref_slice %arg2[%select_n3A_2524, %add3A_2544, %dma_wait3A_2723, %dma_wait3A_2724] : memref<8x64x192x196xf32, #tpu.memory_space<hbm>> -> memref<1x1x96x196xf32, #tpu.memory_space<hbm>>
    %dma_wait3A_2726 = tpu.memref_squeeze %dma_wait3A_2725 : memref<1x1x96x196xf32, #tpu.memory_space<hbm>> -> memref<96x196xf32, #tpu.memory_space<hbm>>
    %dma_wait3A_2727 = arith.constant 0 : i32
    %dma_wait3A_2728 = arith.constant 0 : i32
    %dma_wait3A_2729 = tpu.memref_slice %arg2[%select_n3A_2524, %add3A_2544, %dma_wait3A_2727, %dma_wait3A_2728] : memref<8x64x192x196xf32, #tpu.memory_space<hbm>> -> memref<1x1x96x196xf32, #tpu.memory_space<hbm>>
    %dma_wait3A_2730 = tpu.memref_squeeze %dma_wait3A_2729 : memref<1x1x96x196xf32, #tpu.memory_space<hbm>> -> memref<96x196xf32, #tpu.memory_space<hbm>>
    tpu.wait_dma2 semaphore(%arg10 : memref<!tpu.dma_semaphore, #tpu.memory_space<semaphore_mem>>) src(%dma_wait3A_2730 : memref<96x196xf32, #tpu.memory_space<hbm>>) dst(%arg6 : memref<96x196xf32, #tpu.memory_space<vmem>>)
    %dma_wait3A_2731 = arith.constant 0 : i32
    %dma_wait3A_2732 = arith.constant 0 : i32
    %dma_wait3A_2733 = tpu.memref_slice %arg3[%select_n3A_2578, %select_n3A_2594, %dma_wait3A_2731, %dma_wait3A_2732] : memref<8x32x384x196xf32, #tpu.memory_space<hbm>> -> memref<1x1x96x196xf32, #tpu.memory_space<hbm>>
    %dma_wait3A_2734 = tpu.memref_squeeze %dma_wait3A_2733 : memref<1x1x96x196xf32, #tpu.memory_space<hbm>> -> memref<96x196xf32, #tpu.memory_space<hbm>>
    %dma_wait3A_2735 = arith.constant 0 : i32
    %dma_wait3A_2736 = arith.constant 0 : i32
    %dma_wait3A_2737 = tpu.memref_slice %arg3[%select_n3A_2578, %select_n3A_2594, %dma_wait3A_2735, %dma_wait3A_2736] : memref<8x32x384x196xf32, #tpu.memory_space<hbm>> -> memref<1x1x96x196xf32, #tpu.memory_space<hbm>>
    %dma_wait3A_2738 = tpu.memref_squeeze %dma_wait3A_2737 : memref<1x1x96x196xf32, #tpu.memory_space<hbm>> -> memref<96x196xf32, #tpu.memory_space<hbm>>
    tpu.wait_dma2 semaphore(%arg12 : memref<!tpu.dma_semaphore, #tpu.memory_space<semaphore_mem>>) src(%arg4 : memref<96x196xf32, #tpu.memory_space<vmem>>) dst(%dma_wait3A_2738 : memref<96x196xf32, #tpu.memory_space<hbm>>)
    %add3A_2739 = arith.constant 6 : i32
    %add3A_2740 = arith.addi %mul3A_2, %add3A_2739 : i32
    %jit3A_2741 = arith.constant 32 : i32
    %div3A_2742 = arith.divsi %add3A_2740, %jit3A_2741 : i32
    %sign3A_2743 = arith.constant 0 : i32
    %sign3A_2744 = arith.cmpi sgt, %add3A_2740, %sign3A_2743 : i32
    %sign3A_2745 = arith.extui %sign3A_2744 : i1 to i32
    %sign3A_2746 = arith.constant 0 : i32
    %sign3A_2747 = arith.cmpi slt, %add3A_2740, %sign3A_2746 : i32
    %sign3A_2748 = arith.extui %sign3A_2747 : i1 to i32
    %sign3A_2749 = arith.subi %sign3A_2745, %sign3A_2748 : i32
    %sign3A_2750 = arith.constant 0 : i32
    %sign3A_2751 = arith.cmpi sgt, %jit3A_2741, %sign3A_2750 : i32
    %sign3A_2752 = arith.extui %sign3A_2751 : i1 to i32
    %sign3A_2753 = arith.constant 0 : i32
    %sign3A_2754 = arith.cmpi slt, %jit3A_2741, %sign3A_2753 : i32
    %sign3A_2755 = arith.extui %sign3A_2754 : i1 to i32
    %sign3A_2756 = arith.subi %sign3A_2752, %sign3A_2755 : i32
    %ne3A_2757 = arith.cmpi ne, %sign3A_2749, %sign3A_2756 : i32
    %rem3A_2758 = arith.remsi %add3A_2740, %jit3A_2741 : i32
    %ne3A_2759 = arith.constant 0 : i32
    %ne3A_2760 = arith.cmpi ne, %rem3A_2758, %ne3A_2759 : i32
    %and3A_2761 = arith.andi %ne3A_2757, %ne3A_2760 : i1
    %sub3A_2762 = arith.constant 1 : i32
    %sub3A_2763 = arith.subi %div3A_2742, %sub3A_2762 : i32
    %select_n3A_2764 = arith.select %and3A_2761, %sub3A_2763, %div3A_2742 : i32
    %jit3A_2765 = arith.constant 32 : i32
    %eq3A_2766 = arith.constant 0 : i32
    %eq3A_2767 = arith.cmpi eq, %jit3A_2765, %eq3A_2766 : i32
    %jit3A_2768 = arith.constant 1 : i32
    %select_n3A_2769 = arith.select %eq3A_2767, %jit3A_2768, %jit3A_2765 : i32
    %rem3A_2770 = arith.remsi %add3A_2740, %select_n3A_2769 : i32
    %ne3A_2771 = arith.constant 0 : i32
    %ne3A_2772 = arith.cmpi ne, %rem3A_2770, %ne3A_2771 : i32
    %lt3A_2773 = arith.constant 0 : i32
    %lt3A_2774 = arith.cmpi slt, %rem3A_2770, %lt3A_2773 : i32
    %lt3A_2775 = arith.constant 0 : i32
    %lt3A_2776 = arith.cmpi slt, %select_n3A_2769, %lt3A_2775 : i32
    %ne3A_2777 = arith.xori %lt3A_2774, %lt3A_2776 : i1
    %and3A_2778 = arith.andi %ne3A_2777, %ne3A_2772 : i1
    %add3A_2779 = arith.addi %rem3A_2770, %select_n3A_2769 : i32
    %select_n3A_2780 = arith.select %and3A_2778, %add3A_2779, %rem3A_2770 : i32
    %mul3A_2781 = arith.constant 2 : i32
    %mul3A_2782 = arith.muli %mul3A_2781, %select_n3A_2780 : i32
    %add3A_2783 = arith.constant 0 : i32
    %add3A_2784 = arith.addi %mul3A_2782, %add3A_2783 : i32
    %dma_start3A_2785 = arith.constant 0 : i32
    %dma_start3A_2786 = arith.constant 0 : i32
    %dma_start3A_2787 = tpu.memref_slice %arg2[%select_n3A_2764, %add3A_2784, %dma_start3A_2785, %dma_start3A_2786] : memref<8x64x192x196xf32, #tpu.memory_space<hbm>> -> memref<1x1x96x196xf32, #tpu.memory_space<hbm>>
    %dma_start3A_2788 = tpu.memref_squeeze %dma_start3A_2787 : memref<1x1x96x196xf32, #tpu.memory_space<hbm>> -> memref<96x196xf32, #tpu.memory_space<hbm>>
    %dma_start3A_2789 = arith.constant 0 : i32
    %dma_start3A_2790 = arith.constant 0 : i32
    %dma_start3A_2791 = tpu.memref_slice %arg2[%select_n3A_2764, %add3A_2784, %dma_start3A_2789, %dma_start3A_2790] : memref<8x64x192x196xf32, #tpu.memory_space<hbm>> -> memref<1x1x96x196xf32, #tpu.memory_space<hbm>>
    %dma_start3A_2792 = tpu.memref_squeeze %dma_start3A_2791 : memref<1x1x96x196xf32, #tpu.memory_space<hbm>> -> memref<96x196xf32, #tpu.memory_space<hbm>>
    tpu.enqueue_dma source(%dma_start3A_2792 : memref<96x196xf32, #tpu.memory_space<hbm>>) target(%arg4 : memref<96x196xf32, #tpu.memory_space<vmem>>) target_semaphore(%arg8 : memref<!tpu.dma_semaphore, #tpu.memory_space<semaphore_mem>>)
    %add3A_2793 = arith.constant 5 : i32
    %add3A_2794 = arith.addi %mul3A_2, %add3A_2793 : i32
    %jit3A_2795 = arith.constant 32 : i32
    %div3A_2796 = arith.divsi %add3A_2794, %jit3A_2795 : i32
    %sign3A_2797 = arith.constant 0 : i32
    %sign3A_2798 = arith.cmpi sgt, %add3A_2794, %sign3A_2797 : i32
    %sign3A_2799 = arith.extui %sign3A_2798 : i1 to i32
    %sign3A_2800 = arith.constant 0 : i32
    %sign3A_2801 = arith.cmpi slt, %add3A_2794, %sign3A_2800 : i32
    %sign3A_2802 = arith.extui %sign3A_2801 : i1 to i32
    %sign3A_2803 = arith.subi %sign3A_2799, %sign3A_2802 : i32
    %sign3A_2804 = arith.constant 0 : i32
    %sign3A_2805 = arith.cmpi sgt, %jit3A_2795, %sign3A_2804 : i32
    %sign3A_2806 = arith.extui %sign3A_2805 : i1 to i32
    %sign3A_2807 = arith.constant 0 : i32
    %sign3A_2808 = arith.cmpi slt, %jit3A_2795, %sign3A_2807 : i32
    %sign3A_2809 = arith.extui %sign3A_2808 : i1 to i32
    %sign3A_2810 = arith.subi %sign3A_2806, %sign3A_2809 : i32
    %ne3A_2811 = arith.cmpi ne, %sign3A_2803, %sign3A_2810 : i32
    %rem3A_2812 = arith.remsi %add3A_2794, %jit3A_2795 : i32
    %ne3A_2813 = arith.constant 0 : i32
    %ne3A_2814 = arith.cmpi ne, %rem3A_2812, %ne3A_2813 : i32
    %and3A_2815 = arith.andi %ne3A_2811, %ne3A_2814 : i1
    %sub3A_2816 = arith.constant 1 : i32
    %sub3A_2817 = arith.subi %div3A_2796, %sub3A_2816 : i32
    %select_n3A_2818 = arith.select %and3A_2815, %sub3A_2817, %div3A_2796 : i32
    %jit3A_2819 = arith.constant 32 : i32
    %eq3A_2820 = arith.constant 0 : i32
    %eq3A_2821 = arith.cmpi eq, %jit3A_2819, %eq3A_2820 : i32
    %jit3A_2822 = arith.constant 1 : i32
    %select_n3A_2823 = arith.select %eq3A_2821, %jit3A_2822, %jit3A_2819 : i32
    %rem3A_2824 = arith.remsi %add3A_2794, %select_n3A_2823 : i32
    %ne3A_2825 = arith.constant 0 : i32
    %ne3A_2826 = arith.cmpi ne, %rem3A_2824, %ne3A_2825 : i32
    %lt3A_2827 = arith.constant 0 : i32
    %lt3A_2828 = arith.cmpi slt, %rem3A_2824, %lt3A_2827 : i32
    %lt3A_2829 = arith.constant 0 : i32
    %lt3A_2830 = arith.cmpi slt, %select_n3A_2823, %lt3A_2829 : i32
    %ne3A_2831 = arith.xori %lt3A_2828, %lt3A_2830 : i1
    %and3A_2832 = arith.andi %ne3A_2831, %ne3A_2826 : i1
    %add3A_2833 = arith.addi %rem3A_2824, %select_n3A_2823 : i32
    %select_n3A_2834 = arith.select %and3A_2832, %add3A_2833, %rem3A_2824 : i32
    %dma_start3A_2835 = arith.constant 192 : i32
    %dma_start3A_2836 = arith.constant 0 : i32
    %dma_start3A_2837 = tpu.memref_slice %arg3[%select_n3A_2818, %select_n3A_2834, %dma_start3A_2835, %dma_start3A_2836] : memref<8x32x384x196xf32, #tpu.memory_space<hbm>> -> memref<1x1x96x196xf32, #tpu.memory_space<hbm>>
    %dma_start3A_2838 = tpu.memref_squeeze %dma_start3A_2837 : memref<1x1x96x196xf32, #tpu.memory_space<hbm>> -> memref<96x196xf32, #tpu.memory_space<hbm>>
    %dma_start3A_2839 = arith.constant 192 : i32
    %dma_start3A_2840 = arith.constant 0 : i32
    %dma_start3A_2841 = tpu.memref_slice %arg3[%select_n3A_2818, %select_n3A_2834, %dma_start3A_2839, %dma_start3A_2840] : memref<8x32x384x196xf32, #tpu.memory_space<hbm>> -> memref<1x1x96x196xf32, #tpu.memory_space<hbm>>
    %dma_start3A_2842 = tpu.memref_squeeze %dma_start3A_2841 : memref<1x1x96x196xf32, #tpu.memory_space<hbm>> -> memref<96x196xf32, #tpu.memory_space<hbm>>
    tpu.enqueue_dma source(%arg6 : memref<96x196xf32, #tpu.memory_space<vmem>>) target(%dma_start3A_2842 : memref<96x196xf32, #tpu.memory_space<hbm>>) target_semaphore(%arg14 : memref<!tpu.dma_semaphore, #tpu.memory_space<semaphore_mem>>)
    %dma_wait3A_2843 = arith.constant 96 : i32
    %dma_wait3A_2844 = arith.constant 0 : i32
    %dma_wait3A_2845 = tpu.memref_slice %arg2[%select_n3A_2644, %add3A_2664, %dma_wait3A_2843, %dma_wait3A_2844] : memref<8x64x192x196xf32, #tpu.memory_space<hbm>> -> memref<1x1x96x196xf32, #tpu.memory_space<hbm>>
    %dma_wait3A_2846 = tpu.memref_squeeze %dma_wait3A_2845 : memref<1x1x96x196xf32, #tpu.memory_space<hbm>> -> memref<96x196xf32, #tpu.memory_space<hbm>>
    %dma_wait3A_2847 = arith.constant 96 : i32
    %dma_wait3A_2848 = arith.constant 0 : i32
    %dma_wait3A_2849 = tpu.memref_slice %arg2[%select_n3A_2644, %add3A_2664, %dma_wait3A_2847, %dma_wait3A_2848] : memref<8x64x192x196xf32, #tpu.memory_space<hbm>> -> memref<1x1x96x196xf32, #tpu.memory_space<hbm>>
    %dma_wait3A_2850 = tpu.memref_squeeze %dma_wait3A_2849 : memref<1x1x96x196xf32, #tpu.memory_space<hbm>> -> memref<96x196xf32, #tpu.memory_space<hbm>>
    tpu.wait_dma2 semaphore(%arg11 : memref<!tpu.dma_semaphore, #tpu.memory_space<semaphore_mem>>) src(%dma_wait3A_2850 : memref<96x196xf32, #tpu.memory_space<hbm>>) dst(%arg7 : memref<96x196xf32, #tpu.memory_space<vmem>>)
    %dma_wait3A_2851 = arith.constant 96 : i32
    %dma_wait3A_2852 = arith.constant 0 : i32
    %dma_wait3A_2853 = tpu.memref_slice %arg3[%select_n3A_2698, %select_n3A_2714, %dma_wait3A_2851, %dma_wait3A_2852] : memref<8x32x384x196xf32, #tpu.memory_space<hbm>> -> memref<1x1x96x196xf32, #tpu.memory_space<hbm>>
    %dma_wait3A_2854 = tpu.memref_squeeze %dma_wait3A_2853 : memref<1x1x96x196xf32, #tpu.memory_space<hbm>> -> memref<96x196xf32, #tpu.memory_space<hbm>>
    %dma_wait3A_2855 = arith.constant 96 : i32
    %dma_wait3A_2856 = arith.constant 0 : i32
    %dma_wait3A_2857 = tpu.memref_slice %arg3[%select_n3A_2698, %select_n3A_2714, %dma_wait3A_2855, %dma_wait3A_2856] : memref<8x32x384x196xf32, #tpu.memory_space<hbm>> -> memref<1x1x96x196xf32, #tpu.memory_space<hbm>>
    %dma_wait3A_2858 = tpu.memref_squeeze %dma_wait3A_2857 : memref<1x1x96x196xf32, #tpu.memory_space<hbm>> -> memref<96x196xf32, #tpu.memory_space<hbm>>
    tpu.wait_dma2 semaphore(%arg13 : memref<!tpu.dma_semaphore, #tpu.memory_space<semaphore_mem>>) src(%arg5 : memref<96x196xf32, #tpu.memory_space<vmem>>) dst(%dma_wait3A_2858 : memref<96x196xf32, #tpu.memory_space<hbm>>)
    %add3A_2859 = arith.constant 6 : i32
    %add3A_2860 = arith.addi %mul3A_2, %add3A_2859 : i32
    %jit3A_2861 = arith.constant 32 : i32
    %div3A_2862 = arith.divsi %add3A_2860, %jit3A_2861 : i32
    %sign3A_2863 = arith.constant 0 : i32
    %sign3A_2864 = arith.cmpi sgt, %add3A_2860, %sign3A_2863 : i32
    %sign3A_2865 = arith.extui %sign3A_2864 : i1 to i32
    %sign3A_2866 = arith.constant 0 : i32
    %sign3A_2867 = arith.cmpi slt, %add3A_2860, %sign3A_2866 : i32
    %sign3A_2868 = arith.extui %sign3A_2867 : i1 to i32
    %sign3A_2869 = arith.subi %sign3A_2865, %sign3A_2868 : i32
    %sign3A_2870 = arith.constant 0 : i32
    %sign3A_2871 = arith.cmpi sgt, %jit3A_2861, %sign3A_2870 : i32
    %sign3A_2872 = arith.extui %sign3A_2871 : i1 to i32
    %sign3A_2873 = arith.constant 0 : i32
    %sign3A_2874 = arith.cmpi slt, %jit3A_2861, %sign3A_2873 : i32
    %sign3A_2875 = arith.extui %sign3A_2874 : i1 to i32
    %sign3A_2876 = arith.subi %sign3A_2872, %sign3A_2875 : i32
    %ne3A_2877 = arith.cmpi ne, %sign3A_2869, %sign3A_2876 : i32
    %rem3A_2878 = arith.remsi %add3A_2860, %jit3A_2861 : i32
    %ne3A_2879 = arith.constant 0 : i32
    %ne3A_2880 = arith.cmpi ne, %rem3A_2878, %ne3A_2879 : i32
    %and3A_2881 = arith.andi %ne3A_2877, %ne3A_2880 : i1
    %sub3A_2882 = arith.constant 1 : i32
    %sub3A_2883 = arith.subi %div3A_2862, %sub3A_2882 : i32
    %select_n3A_2884 = arith.select %and3A_2881, %sub3A_2883, %div3A_2862 : i32
    %jit3A_2885 = arith.constant 32 : i32
    %eq3A_2886 = arith.constant 0 : i32
    %eq3A_2887 = arith.cmpi eq, %jit3A_2885, %eq3A_2886 : i32
    %jit3A_2888 = arith.constant 1 : i32
    %select_n3A_2889 = arith.select %eq3A_2887, %jit3A_2888, %jit3A_2885 : i32
    %rem3A_2890 = arith.remsi %add3A_2860, %select_n3A_2889 : i32
    %ne3A_2891 = arith.constant 0 : i32
    %ne3A_2892 = arith.cmpi ne, %rem3A_2890, %ne3A_2891 : i32
    %lt3A_2893 = arith.constant 0 : i32
    %lt3A_2894 = arith.cmpi slt, %rem3A_2890, %lt3A_2893 : i32
    %lt3A_2895 = arith.constant 0 : i32
    %lt3A_2896 = arith.cmpi slt, %select_n3A_2889, %lt3A_2895 : i32
    %ne3A_2897 = arith.xori %lt3A_2894, %lt3A_2896 : i1
    %and3A_2898 = arith.andi %ne3A_2897, %ne3A_2892 : i1
    %add3A_2899 = arith.addi %rem3A_2890, %select_n3A_2889 : i32
    %select_n3A_2900 = arith.select %and3A_2898, %add3A_2899, %rem3A_2890 : i32
    %mul3A_2901 = arith.constant 2 : i32
    %mul3A_2902 = arith.muli %mul3A_2901, %select_n3A_2900 : i32
    %add3A_2903 = arith.constant 0 : i32
    %add3A_2904 = arith.addi %mul3A_2902, %add3A_2903 : i32
    %dma_start3A_2905 = arith.constant 96 : i32
    %dma_start3A_2906 = arith.constant 0 : i32
    %dma_start3A_2907 = tpu.memref_slice %arg2[%select_n3A_2884, %add3A_2904, %dma_start3A_2905, %dma_start3A_2906] : memref<8x64x192x196xf32, #tpu.memory_space<hbm>> -> memref<1x1x96x196xf32, #tpu.memory_space<hbm>>
    %dma_start3A_2908 = tpu.memref_squeeze %dma_start3A_2907 : memref<1x1x96x196xf32, #tpu.memory_space<hbm>> -> memref<96x196xf32, #tpu.memory_space<hbm>>
    %dma_start3A_2909 = arith.constant 96 : i32
    %dma_start3A_2910 = arith.constant 0 : i32
    %dma_start3A_2911 = tpu.memref_slice %arg2[%select_n3A_2884, %add3A_2904, %dma_start3A_2909, %dma_start3A_2910] : memref<8x64x192x196xf32, #tpu.memory_space<hbm>> -> memref<1x1x96x196xf32, #tpu.memory_space<hbm>>
    %dma_start3A_2912 = tpu.memref_squeeze %dma_start3A_2911 : memref<1x1x96x196xf32, #tpu.memory_space<hbm>> -> memref<96x196xf32, #tpu.memory_space<hbm>>
    tpu.enqueue_dma source(%dma_start3A_2912 : memref<96x196xf32, #tpu.memory_space<hbm>>) target(%arg5 : memref<96x196xf32, #tpu.memory_space<vmem>>) target_semaphore(%arg9 : memref<!tpu.dma_semaphore, #tpu.memory_space<semaphore_mem>>)
    %add3A_2913 = arith.constant 5 : i32
    %add3A_2914 = arith.addi %mul3A_2, %add3A_2913 : i32
    %jit3A_2915 = arith.constant 32 : i32
    %div3A_2916 = arith.divsi %add3A_2914, %jit3A_2915 : i32
    %sign3A_2917 = arith.constant 0 : i32
    %sign3A_2918 = arith.cmpi sgt, %add3A_2914, %sign3A_2917 : i32
    %sign3A_2919 = arith.extui %sign3A_2918 : i1 to i32
    %sign3A_2920 = arith.constant 0 : i32
    %sign3A_2921 = arith.cmpi slt, %add3A_2914, %sign3A_2920 : i32
    %sign3A_2922 = arith.extui %sign3A_2921 : i1 to i32
    %sign3A_2923 = arith.subi %sign3A_2919, %sign3A_2922 : i32
    %sign3A_2924 = arith.constant 0 : i32
    %sign3A_2925 = arith.cmpi sgt, %jit3A_2915, %sign3A_2924 : i32
    %sign3A_2926 = arith.extui %sign3A_2925 : i1 to i32
    %sign3A_2927 = arith.constant 0 : i32
    %sign3A_2928 = arith.cmpi slt, %jit3A_2915, %sign3A_2927 : i32
    %sign3A_2929 = arith.extui %sign3A_2928 : i1 to i32
    %sign3A_2930 = arith.subi %sign3A_2926, %sign3A_2929 : i32
    %ne3A_2931 = arith.cmpi ne, %sign3A_2923, %sign3A_2930 : i32
    %rem3A_2932 = arith.remsi %add3A_2914, %jit3A_2915 : i32
    %ne3A_2933 = arith.constant 0 : i32
    %ne3A_2934 = arith.cmpi ne, %rem3A_2932, %ne3A_2933 : i32
    %and3A_2935 = arith.andi %ne3A_2931, %ne3A_2934 : i1
    %sub3A_2936 = arith.constant 1 : i32
    %sub3A_2937 = arith.subi %div3A_2916, %sub3A_2936 : i32
    %select_n3A_2938 = arith.select %and3A_2935, %sub3A_2937, %div3A_2916 : i32
    %jit3A_2939 = arith.constant 32 : i32
    %eq3A_2940 = arith.constant 0 : i32
    %eq3A_2941 = arith.cmpi eq, %jit3A_2939, %eq3A_2940 : i32
    %jit3A_2942 = arith.constant 1 : i32
    %select_n3A_2943 = arith.select %eq3A_2941, %jit3A_2942, %jit3A_2939 : i32
    %rem3A_2944 = arith.remsi %add3A_2914, %select_n3A_2943 : i32
    %ne3A_2945 = arith.constant 0 : i32
    %ne3A_2946 = arith.cmpi ne, %rem3A_2944, %ne3A_2945 : i32
    %lt3A_2947 = arith.constant 0 : i32
    %lt3A_2948 = arith.cmpi slt, %rem3A_2944, %lt3A_2947 : i32
    %lt3A_2949 = arith.constant 0 : i32
    %lt3A_2950 = arith.cmpi slt, %select_n3A_2943, %lt3A_2949 : i32
    %ne3A_2951 = arith.xori %lt3A_2948, %lt3A_2950 : i1
    %and3A_2952 = arith.andi %ne3A_2951, %ne3A_2946 : i1
    %add3A_2953 = arith.addi %rem3A_2944, %select_n3A_2943 : i32
    %select_n3A_2954 = arith.select %and3A_2952, %add3A_2953, %rem3A_2944 : i32
    %dma_start3A_2955 = arith.constant 288 : i32
    %dma_start3A_2956 = arith.constant 0 : i32
    %dma_start3A_2957 = tpu.memref_slice %arg3[%select_n3A_2938, %select_n3A_2954, %dma_start3A_2955, %dma_start3A_2956] : memref<8x32x384x196xf32, #tpu.memory_space<hbm>> -> memref<1x1x96x196xf32, #tpu.memory_space<hbm>>
    %dma_start3A_2958 = tpu.memref_squeeze %dma_start3A_2957 : memref<1x1x96x196xf32, #tpu.memory_space<hbm>> -> memref<96x196xf32, #tpu.memory_space<hbm>>
    %dma_start3A_2959 = arith.constant 288 : i32
    %dma_start3A_2960 = arith.constant 0 : i32
    %dma_start3A_2961 = tpu.memref_slice %arg3[%select_n3A_2938, %select_n3A_2954, %dma_start3A_2959, %dma_start3A_2960] : memref<8x32x384x196xf32, #tpu.memory_space<hbm>> -> memref<1x1x96x196xf32, #tpu.memory_space<hbm>>
    %dma_start3A_2962 = tpu.memref_squeeze %dma_start3A_2961 : memref<1x1x96x196xf32, #tpu.memory_space<hbm>> -> memref<96x196xf32, #tpu.memory_space<hbm>>
    tpu.enqueue_dma source(%arg7 : memref<96x196xf32, #tpu.memory_space<vmem>>) target(%dma_start3A_2962 : memref<96x196xf32, #tpu.memory_space<hbm>>) target_semaphore(%arg15 : memref<!tpu.dma_semaphore, #tpu.memory_space<semaphore_mem>>)
    %dma_wait3A_2963 = arith.constant 0 : i32
    %dma_wait3A_2964 = arith.constant 0 : i32
    %dma_wait3A_2965 = tpu.memref_slice %arg2[%select_n3A_2764, %add3A_2784, %dma_wait3A_2963, %dma_wait3A_2964] : memref<8x64x192x196xf32, #tpu.memory_space<hbm>> -> memref<1x1x96x196xf32, #tpu.memory_space<hbm>>
    %dma_wait3A_2966 = tpu.memref_squeeze %dma_wait3A_2965 : memref<1x1x96x196xf32, #tpu.memory_space<hbm>> -> memref<96x196xf32, #tpu.memory_space<hbm>>
    %dma_wait3A_2967 = arith.constant 0 : i32
    %dma_wait3A_2968 = arith.constant 0 : i32
    %dma_wait3A_2969 = tpu.memref_slice %arg2[%select_n3A_2764, %add3A_2784, %dma_wait3A_2967, %dma_wait3A_2968] : memref<8x64x192x196xf32, #tpu.memory_space<hbm>> -> memref<1x1x96x196xf32, #tpu.memory_space<hbm>>
    %dma_wait3A_2970 = tpu.memref_squeeze %dma_wait3A_2969 : memref<1x1x96x196xf32, #tpu.memory_space<hbm>> -> memref<96x196xf32, #tpu.memory_space<hbm>>
    tpu.wait_dma2 semaphore(%arg8 : memref<!tpu.dma_semaphore, #tpu.memory_space<semaphore_mem>>) src(%dma_wait3A_2970 : memref<96x196xf32, #tpu.memory_space<hbm>>) dst(%arg4 : memref<96x196xf32, #tpu.memory_space<vmem>>)
    %dma_wait3A_2971 = arith.constant 192 : i32
    %dma_wait3A_2972 = arith.constant 0 : i32
    %dma_wait3A_2973 = tpu.memref_slice %arg3[%select_n3A_2818, %select_n3A_2834, %dma_wait3A_2971, %dma_wait3A_2972] : memref<8x32x384x196xf32, #tpu.memory_space<hbm>> -> memref<1x1x96x196xf32, #tpu.memory_space<hbm>>
    %dma_wait3A_2974 = tpu.memref_squeeze %dma_wait3A_2973 : memref<1x1x96x196xf32, #tpu.memory_space<hbm>> -> memref<96x196xf32, #tpu.memory_space<hbm>>
    %dma_wait3A_2975 = arith.constant 192 : i32
    %dma_wait3A_2976 = arith.constant 0 : i32
    %dma_wait3A_2977 = tpu.memref_slice %arg3[%select_n3A_2818, %select_n3A_2834, %dma_wait3A_2975, %dma_wait3A_2976] : memref<8x32x384x196xf32, #tpu.memory_space<hbm>> -> memref<1x1x96x196xf32, #tpu.memory_space<hbm>>
    %dma_wait3A_2978 = tpu.memref_squeeze %dma_wait3A_2977 : memref<1x1x96x196xf32, #tpu.memory_space<hbm>> -> memref<96x196xf32, #tpu.memory_space<hbm>>
    tpu.wait_dma2 semaphore(%arg14 : memref<!tpu.dma_semaphore, #tpu.memory_space<semaphore_mem>>) src(%arg6 : memref<96x196xf32, #tpu.memory_space<vmem>>) dst(%dma_wait3A_2978 : memref<96x196xf32, #tpu.memory_space<hbm>>)
    %add3A_2979 = arith.constant 6 : i32
    %add3A_2980 = arith.addi %mul3A_2, %add3A_2979 : i32
    %jit3A_2981 = arith.constant 32 : i32
    %div3A_2982 = arith.divsi %add3A_2980, %jit3A_2981 : i32
    %sign3A_2983 = arith.constant 0 : i32
    %sign3A_2984 = arith.cmpi sgt, %add3A_2980, %sign3A_2983 : i32
    %sign3A_2985 = arith.extui %sign3A_2984 : i1 to i32
    %sign3A_2986 = arith.constant 0 : i32
    %sign3A_2987 = arith.cmpi slt, %add3A_2980, %sign3A_2986 : i32
    %sign3A_2988 = arith.extui %sign3A_2987 : i1 to i32
    %sign3A_2989 = arith.subi %sign3A_2985, %sign3A_2988 : i32
    %sign3A_2990 = arith.constant 0 : i32
    %sign3A_2991 = arith.cmpi sgt, %jit3A_2981, %sign3A_2990 : i32
    %sign3A_2992 = arith.extui %sign3A_2991 : i1 to i32
    %sign3A_2993 = arith.constant 0 : i32
    %sign3A_2994 = arith.cmpi slt, %jit3A_2981, %sign3A_2993 : i32
    %sign3A_2995 = arith.extui %sign3A_2994 : i1 to i32
    %sign3A_2996 = arith.subi %sign3A_2992, %sign3A_2995 : i32
    %ne3A_2997 = arith.cmpi ne, %sign3A_2989, %sign3A_2996 : i32
    %rem3A_2998 = arith.remsi %add3A_2980, %jit3A_2981 : i32
    %ne3A_2999 = arith.constant 0 : i32
    %ne3A_3000 = arith.cmpi ne, %rem3A_2998, %ne3A_2999 : i32
    %and3A_3001 = arith.andi %ne3A_2997, %ne3A_3000 : i1
    %sub3A_3002 = arith.constant 1 : i32
    %sub3A_3003 = arith.subi %div3A_2982, %sub3A_3002 : i32
    %select_n3A_3004 = arith.select %and3A_3001, %sub3A_3003, %div3A_2982 : i32
    %jit3A_3005 = arith.constant 32 : i32
    %eq3A_3006 = arith.constant 0 : i32
    %eq3A_3007 = arith.cmpi eq, %jit3A_3005, %eq3A_3006 : i32
    %jit3A_3008 = arith.constant 1 : i32
    %select_n3A_3009 = arith.select %eq3A_3007, %jit3A_3008, %jit3A_3005 : i32
    %rem3A_3010 = arith.remsi %add3A_2980, %select_n3A_3009 : i32
    %ne3A_3011 = arith.constant 0 : i32
    %ne3A_3012 = arith.cmpi ne, %rem3A_3010, %ne3A_3011 : i32
    %lt3A_3013 = arith.constant 0 : i32
    %lt3A_3014 = arith.cmpi slt, %rem3A_3010, %lt3A_3013 : i32
    %lt3A_3015 = arith.constant 0 : i32
    %lt3A_3016 = arith.cmpi slt, %select_n3A_3009, %lt3A_3015 : i32
    %ne3A_3017 = arith.xori %lt3A_3014, %lt3A_3016 : i1
    %and3A_3018 = arith.andi %ne3A_3017, %ne3A_3012 : i1
    %add3A_3019 = arith.addi %rem3A_3010, %select_n3A_3009 : i32
    %select_n3A_3020 = arith.select %and3A_3018, %add3A_3019, %rem3A_3010 : i32
    %mul3A_3021 = arith.constant 2 : i32
    %mul3A_3022 = arith.muli %mul3A_3021, %select_n3A_3020 : i32
    %add3A_3023 = arith.constant 1 : i32
    %add3A_3024 = arith.addi %mul3A_3022, %add3A_3023 : i32
    %dma_start3A_3025 = arith.constant 0 : i32
    %dma_start3A_3026 = arith.constant 0 : i32
    %dma_start3A_3027 = tpu.memref_slice %arg2[%select_n3A_3004, %add3A_3024, %dma_start3A_3025, %dma_start3A_3026] : memref<8x64x192x196xf32, #tpu.memory_space<hbm>> -> memref<1x1x96x196xf32, #tpu.memory_space<hbm>>
    %dma_start3A_3028 = tpu.memref_squeeze %dma_start3A_3027 : memref<1x1x96x196xf32, #tpu.memory_space<hbm>> -> memref<96x196xf32, #tpu.memory_space<hbm>>
    %dma_start3A_3029 = arith.constant 0 : i32
    %dma_start3A_3030 = arith.constant 0 : i32
    %dma_start3A_3031 = tpu.memref_slice %arg2[%select_n3A_3004, %add3A_3024, %dma_start3A_3029, %dma_start3A_3030] : memref<8x64x192x196xf32, #tpu.memory_space<hbm>> -> memref<1x1x96x196xf32, #tpu.memory_space<hbm>>
    %dma_start3A_3032 = tpu.memref_squeeze %dma_start3A_3031 : memref<1x1x96x196xf32, #tpu.memory_space<hbm>> -> memref<96x196xf32, #tpu.memory_space<hbm>>
    tpu.enqueue_dma source(%dma_start3A_3032 : memref<96x196xf32, #tpu.memory_space<hbm>>) target(%arg6 : memref<96x196xf32, #tpu.memory_space<vmem>>) target_semaphore(%arg10 : memref<!tpu.dma_semaphore, #tpu.memory_space<semaphore_mem>>)
    %add3A_3033 = arith.constant 6 : i32
    %add3A_3034 = arith.addi %mul3A_2, %add3A_3033 : i32
    %jit3A_3035 = arith.constant 32 : i32
    %div3A_3036 = arith.divsi %add3A_3034, %jit3A_3035 : i32
    %sign3A_3037 = arith.constant 0 : i32
    %sign3A_3038 = arith.cmpi sgt, %add3A_3034, %sign3A_3037 : i32
    %sign3A_3039 = arith.extui %sign3A_3038 : i1 to i32
    %sign3A_3040 = arith.constant 0 : i32
    %sign3A_3041 = arith.cmpi slt, %add3A_3034, %sign3A_3040 : i32
    %sign3A_3042 = arith.extui %sign3A_3041 : i1 to i32
    %sign3A_3043 = arith.subi %sign3A_3039, %sign3A_3042 : i32
    %sign3A_3044 = arith.constant 0 : i32
    %sign3A_3045 = arith.cmpi sgt, %jit3A_3035, %sign3A_3044 : i32
    %sign3A_3046 = arith.extui %sign3A_3045 : i1 to i32
    %sign3A_3047 = arith.constant 0 : i32
    %sign3A_3048 = arith.cmpi slt, %jit3A_3035, %sign3A_3047 : i32
    %sign3A_3049 = arith.extui %sign3A_3048 : i1 to i32
    %sign3A_3050 = arith.subi %sign3A_3046, %sign3A_3049 : i32
    %ne3A_3051 = arith.cmpi ne, %sign3A_3043, %sign3A_3050 : i32
    %rem3A_3052 = arith.remsi %add3A_3034, %jit3A_3035 : i32
    %ne3A_3053 = arith.constant 0 : i32
    %ne3A_3054 = arith.cmpi ne, %rem3A_3052, %ne3A_3053 : i32
    %and3A_3055 = arith.andi %ne3A_3051, %ne3A_3054 : i1
    %sub3A_3056 = arith.constant 1 : i32
    %sub3A_3057 = arith.subi %div3A_3036, %sub3A_3056 : i32
    %select_n3A_3058 = arith.select %and3A_3055, %sub3A_3057, %div3A_3036 : i32
    %jit3A_3059 = arith.constant 32 : i32
    %eq3A_3060 = arith.constant 0 : i32
    %eq3A_3061 = arith.cmpi eq, %jit3A_3059, %eq3A_3060 : i32
    %jit3A_3062 = arith.constant 1 : i32
    %select_n3A_3063 = arith.select %eq3A_3061, %jit3A_3062, %jit3A_3059 : i32
    %rem3A_3064 = arith.remsi %add3A_3034, %select_n3A_3063 : i32
    %ne3A_3065 = arith.constant 0 : i32
    %ne3A_3066 = arith.cmpi ne, %rem3A_3064, %ne3A_3065 : i32
    %lt3A_3067 = arith.constant 0 : i32
    %lt3A_3068 = arith.cmpi slt, %rem3A_3064, %lt3A_3067 : i32
    %lt3A_3069 = arith.constant 0 : i32
    %lt3A_3070 = arith.cmpi slt, %select_n3A_3063, %lt3A_3069 : i32
    %ne3A_3071 = arith.xori %lt3A_3068, %lt3A_3070 : i1
    %and3A_3072 = arith.andi %ne3A_3071, %ne3A_3066 : i1
    %add3A_3073 = arith.addi %rem3A_3064, %select_n3A_3063 : i32
    %select_n3A_3074 = arith.select %and3A_3072, %add3A_3073, %rem3A_3064 : i32
    %dma_start3A_3075 = arith.constant 0 : i32
    %dma_start3A_3076 = arith.constant 0 : i32
    %dma_start3A_3077 = tpu.memref_slice %arg3[%select_n3A_3058, %select_n3A_3074, %dma_start3A_3075, %dma_start3A_3076] : memref<8x32x384x196xf32, #tpu.memory_space<hbm>> -> memref<1x1x96x196xf32, #tpu.memory_space<hbm>>
    %dma_start3A_3078 = tpu.memref_squeeze %dma_start3A_3077 : memref<1x1x96x196xf32, #tpu.memory_space<hbm>> -> memref<96x196xf32, #tpu.memory_space<hbm>>
    %dma_start3A_3079 = arith.constant 0 : i32
    %dma_start3A_3080 = arith.constant 0 : i32
    %dma_start3A_3081 = tpu.memref_slice %arg3[%select_n3A_3058, %select_n3A_3074, %dma_start3A_3079, %dma_start3A_3080] : memref<8x32x384x196xf32, #tpu.memory_space<hbm>> -> memref<1x1x96x196xf32, #tpu.memory_space<hbm>>
    %dma_start3A_3082 = tpu.memref_squeeze %dma_start3A_3081 : memref<1x1x96x196xf32, #tpu.memory_space<hbm>> -> memref<96x196xf32, #tpu.memory_space<hbm>>
    tpu.enqueue_dma source(%arg4 : memref<96x196xf32, #tpu.memory_space<vmem>>) target(%dma_start3A_3082 : memref<96x196xf32, #tpu.memory_space<hbm>>) target_semaphore(%arg12 : memref<!tpu.dma_semaphore, #tpu.memory_space<semaphore_mem>>)
    %dma_wait3A_3083 = arith.constant 96 : i32
    %dma_wait3A_3084 = arith.constant 0 : i32
    %dma_wait3A_3085 = tpu.memref_slice %arg2[%select_n3A_2884, %add3A_2904, %dma_wait3A_3083, %dma_wait3A_3084] : memref<8x64x192x196xf32, #tpu.memory_space<hbm>> -> memref<1x1x96x196xf32, #tpu.memory_space<hbm>>
    %dma_wait3A_3086 = tpu.memref_squeeze %dma_wait3A_3085 : memref<1x1x96x196xf32, #tpu.memory_space<hbm>> -> memref<96x196xf32, #tpu.memory_space<hbm>>
    %dma_wait3A_3087 = arith.constant 96 : i32
    %dma_wait3A_3088 = arith.constant 0 : i32
    %dma_wait3A_3089 = tpu.memref_slice %arg2[%select_n3A_2884, %add3A_2904, %dma_wait3A_3087, %dma_wait3A_3088] : memref<8x64x192x196xf32, #tpu.memory_space<hbm>> -> memref<1x1x96x196xf32, #tpu.memory_space<hbm>>
    %dma_wait3A_3090 = tpu.memref_squeeze %dma_wait3A_3089 : memref<1x1x96x196xf32, #tpu.memory_space<hbm>> -> memref<96x196xf32, #tpu.memory_space<hbm>>
    tpu.wait_dma2 semaphore(%arg9 : memref<!tpu.dma_semaphore, #tpu.memory_space<semaphore_mem>>) src(%dma_wait3A_3090 : memref<96x196xf32, #tpu.memory_space<hbm>>) dst(%arg5 : memref<96x196xf32, #tpu.memory_space<vmem>>)
    %dma_wait3A_3091 = arith.constant 288 : i32
    %dma_wait3A_3092 = arith.constant 0 : i32
    %dma_wait3A_3093 = tpu.memref_slice %arg3[%select_n3A_2938, %select_n3A_2954, %dma_wait3A_3091, %dma_wait3A_3092] : memref<8x32x384x196xf32, #tpu.memory_space<hbm>> -> memref<1x1x96x196xf32, #tpu.memory_space<hbm>>
    %dma_wait3A_3094 = tpu.memref_squeeze %dma_wait3A_3093 : memref<1x1x96x196xf32, #tpu.memory_space<hbm>> -> memref<96x196xf32, #tpu.memory_space<hbm>>
    %dma_wait3A_3095 = arith.constant 288 : i32
    %dma_wait3A_3096 = arith.constant 0 : i32
    %dma_wait3A_3097 = tpu.memref_slice %arg3[%select_n3A_2938, %select_n3A_2954, %dma_wait3A_3095, %dma_wait3A_3096] : memref<8x32x384x196xf32, #tpu.memory_space<hbm>> -> memref<1x1x96x196xf32, #tpu.memory_space<hbm>>
    %dma_wait3A_3098 = tpu.memref_squeeze %dma_wait3A_3097 : memref<1x1x96x196xf32, #tpu.memory_space<hbm>> -> memref<96x196xf32, #tpu.memory_space<hbm>>
    tpu.wait_dma2 semaphore(%arg15 : memref<!tpu.dma_semaphore, #tpu.memory_space<semaphore_mem>>) src(%arg7 : memref<96x196xf32, #tpu.memory_space<vmem>>) dst(%dma_wait3A_3098 : memref<96x196xf32, #tpu.memory_space<hbm>>)
    %add3A_3099 = arith.constant 6 : i32
    %add3A_3100 = arith.addi %mul3A_2, %add3A_3099 : i32
    %jit3A_3101 = arith.constant 32 : i32
    %div3A_3102 = arith.divsi %add3A_3100, %jit3A_3101 : i32
    %sign3A_3103 = arith.constant 0 : i32
    %sign3A_3104 = arith.cmpi sgt, %add3A_3100, %sign3A_3103 : i32
    %sign3A_3105 = arith.extui %sign3A_3104 : i1 to i32
    %sign3A_3106 = arith.constant 0 : i32
    %sign3A_3107 = arith.cmpi slt, %add3A_3100, %sign3A_3106 : i32
    %sign3A_3108 = arith.extui %sign3A_3107 : i1 to i32
    %sign3A_3109 = arith.subi %sign3A_3105, %sign3A_3108 : i32
    %sign3A_3110 = arith.constant 0 : i32
    %sign3A_3111 = arith.cmpi sgt, %jit3A_3101, %sign3A_3110 : i32
    %sign3A_3112 = arith.extui %sign3A_3111 : i1 to i32
    %sign3A_3113 = arith.constant 0 : i32
    %sign3A_3114 = arith.cmpi slt, %jit3A_3101, %sign3A_3113 : i32
    %sign3A_3115 = arith.extui %sign3A_3114 : i1 to i32
    %sign3A_3116 = arith.subi %sign3A_3112, %sign3A_3115 : i32
    %ne3A_3117 = arith.cmpi ne, %sign3A_3109, %sign3A_3116 : i32
    %rem3A_3118 = arith.remsi %add3A_3100, %jit3A_3101 : i32
    %ne3A_3119 = arith.constant 0 : i32
    %ne3A_3120 = arith.cmpi ne, %rem3A_3118, %ne3A_3119 : i32
    %and3A_3121 = arith.andi %ne3A_3117, %ne3A_3120 : i1
    %sub3A_3122 = arith.constant 1 : i32
    %sub3A_3123 = arith.subi %div3A_3102, %sub3A_3122 : i32
    %select_n3A_3124 = arith.select %and3A_3121, %sub3A_3123, %div3A_3102 : i32
    %jit3A_3125 = arith.constant 32 : i32
    %eq3A_3126 = arith.constant 0 : i32
    %eq3A_3127 = arith.cmpi eq, %jit3A_3125, %eq3A_3126 : i32
    %jit3A_3128 = arith.constant 1 : i32
    %select_n3A_3129 = arith.select %eq3A_3127, %jit3A_3128, %jit3A_3125 : i32
    %rem3A_3130 = arith.remsi %add3A_3100, %select_n3A_3129 : i32
    %ne3A_3131 = arith.constant 0 : i32
    %ne3A_3132 = arith.cmpi ne, %rem3A_3130, %ne3A_3131 : i32
    %lt3A_3133 = arith.constant 0 : i32
    %lt3A_3134 = arith.cmpi slt, %rem3A_3130, %lt3A_3133 : i32
    %lt3A_3135 = arith.constant 0 : i32
    %lt3A_3136 = arith.cmpi slt, %select_n3A_3129, %lt3A_3135 : i32
    %ne3A_3137 = arith.xori %lt3A_3134, %lt3A_3136 : i1
    %and3A_3138 = arith.andi %ne3A_3137, %ne3A_3132 : i1
    %add3A_3139 = arith.addi %rem3A_3130, %select_n3A_3129 : i32
    %select_n3A_3140 = arith.select %and3A_3138, %add3A_3139, %rem3A_3130 : i32
    %mul3A_3141 = arith.constant 2 : i32
    %mul3A_3142 = arith.muli %mul3A_3141, %select_n3A_3140 : i32
    %add3A_3143 = arith.constant 1 : i32
    %add3A_3144 = arith.addi %mul3A_3142, %add3A_3143 : i32
    %dma_start3A_3145 = arith.constant 96 : i32
    %dma_start3A_3146 = arith.constant 0 : i32
    %dma_start3A_3147 = tpu.memref_slice %arg2[%select_n3A_3124, %add3A_3144, %dma_start3A_3145, %dma_start3A_3146] : memref<8x64x192x196xf32, #tpu.memory_space<hbm>> -> memref<1x1x96x196xf32, #tpu.memory_space<hbm>>
    %dma_start3A_3148 = tpu.memref_squeeze %dma_start3A_3147 : memref<1x1x96x196xf32, #tpu.memory_space<hbm>> -> memref<96x196xf32, #tpu.memory_space<hbm>>
    %dma_start3A_3149 = arith.constant 96 : i32
    %dma_start3A_3150 = arith.constant 0 : i32
    %dma_start3A_3151 = tpu.memref_slice %arg2[%select_n3A_3124, %add3A_3144, %dma_start3A_3149, %dma_start3A_3150] : memref<8x64x192x196xf32, #tpu.memory_space<hbm>> -> memref<1x1x96x196xf32, #tpu.memory_space<hbm>>
    %dma_start3A_3152 = tpu.memref_squeeze %dma_start3A_3151 : memref<1x1x96x196xf32, #tpu.memory_space<hbm>> -> memref<96x196xf32, #tpu.memory_space<hbm>>
    tpu.enqueue_dma source(%dma_start3A_3152 : memref<96x196xf32, #tpu.memory_space<hbm>>) target(%arg7 : memref<96x196xf32, #tpu.memory_space<vmem>>) target_semaphore(%arg11 : memref<!tpu.dma_semaphore, #tpu.memory_space<semaphore_mem>>)
    %add3A_3153 = arith.constant 6 : i32
    %add3A_3154 = arith.addi %mul3A_2, %add3A_3153 : i32
    %jit3A_3155 = arith.constant 32 : i32
    %div3A_3156 = arith.divsi %add3A_3154, %jit3A_3155 : i32
    %sign3A_3157 = arith.constant 0 : i32
    %sign3A_3158 = arith.cmpi sgt, %add3A_3154, %sign3A_3157 : i32
    %sign3A_3159 = arith.extui %sign3A_3158 : i1 to i32
    %sign3A_3160 = arith.constant 0 : i32
    %sign3A_3161 = arith.cmpi slt, %add3A_3154, %sign3A_3160 : i32
    %sign3A_3162 = arith.extui %sign3A_3161 : i1 to i32
    %sign3A_3163 = arith.subi %sign3A_3159, %sign3A_3162 : i32
    %sign3A_3164 = arith.constant 0 : i32
    %sign3A_3165 = arith.cmpi sgt, %jit3A_3155, %sign3A_3164 : i32
    %sign3A_3166 = arith.extui %sign3A_3165 : i1 to i32
    %sign3A_3167 = arith.constant 0 : i32
    %sign3A_3168 = arith.cmpi slt, %jit3A_3155, %sign3A_3167 : i32
    %sign3A_3169 = arith.extui %sign3A_3168 : i1 to i32
    %sign3A_3170 = arith.subi %sign3A_3166, %sign3A_3169 : i32
    %ne3A_3171 = arith.cmpi ne, %sign3A_3163, %sign3A_3170 : i32
    %rem3A_3172 = arith.remsi %add3A_3154, %jit3A_3155 : i32
    %ne3A_3173 = arith.constant 0 : i32
    %ne3A_3174 = arith.cmpi ne, %rem3A_3172, %ne3A_3173 : i32
    %and3A_3175 = arith.andi %ne3A_3171, %ne3A_3174 : i1
    %sub3A_3176 = arith.constant 1 : i32
    %sub3A_3177 = arith.subi %div3A_3156, %sub3A_3176 : i32
    %select_n3A_3178 = arith.select %and3A_3175, %sub3A_3177, %div3A_3156 : i32
    %jit3A_3179 = arith.constant 32 : i32
    %eq3A_3180 = arith.constant 0 : i32
    %eq3A_3181 = arith.cmpi eq, %jit3A_3179, %eq3A_3180 : i32
    %jit3A_3182 = arith.constant 1 : i32
    %select_n3A_3183 = arith.select %eq3A_3181, %jit3A_3182, %jit3A_3179 : i32
    %rem3A_3184 = arith.remsi %add3A_3154, %select_n3A_3183 : i32
    %ne3A_3185 = arith.constant 0 : i32
    %ne3A_3186 = arith.cmpi ne, %rem3A_3184, %ne3A_3185 : i32
    %lt3A_3187 = arith.constant 0 : i32
    %lt3A_3188 = arith.cmpi slt, %rem3A_3184, %lt3A_3187 : i32
    %lt3A_3189 = arith.constant 0 : i32
    %lt3A_3190 = arith.cmpi slt, %select_n3A_3183, %lt3A_3189 : i32
    %ne3A_3191 = arith.xori %lt3A_3188, %lt3A_3190 : i1
    %and3A_3192 = arith.andi %ne3A_3191, %ne3A_3186 : i1
    %add3A_3193 = arith.addi %rem3A_3184, %select_n3A_3183 : i32
    %select_n3A_3194 = arith.select %and3A_3192, %add3A_3193, %rem3A_3184 : i32
    %dma_start3A_3195 = arith.constant 96 : i32
    %dma_start3A_3196 = arith.constant 0 : i32
    %dma_start3A_3197 = tpu.memref_slice %arg3[%select_n3A_3178, %select_n3A_3194, %dma_start3A_3195, %dma_start3A_3196] : memref<8x32x384x196xf32, #tpu.memory_space<hbm>> -> memref<1x1x96x196xf32, #tpu.memory_space<hbm>>
    %dma_start3A_3198 = tpu.memref_squeeze %dma_start3A_3197 : memref<1x1x96x196xf32, #tpu.memory_space<hbm>> -> memref<96x196xf32, #tpu.memory_space<hbm>>
    %dma_start3A_3199 = arith.constant 96 : i32
    %dma_start3A_3200 = arith.constant 0 : i32
    %dma_start3A_3201 = tpu.memref_slice %arg3[%select_n3A_3178, %select_n3A_3194, %dma_start3A_3199, %dma_start3A_3200] : memref<8x32x384x196xf32, #tpu.memory_space<hbm>> -> memref<1x1x96x196xf32, #tpu.memory_space<hbm>>
    %dma_start3A_3202 = tpu.memref_squeeze %dma_start3A_3201 : memref<1x1x96x196xf32, #tpu.memory_space<hbm>> -> memref<96x196xf32, #tpu.memory_space<hbm>>
    tpu.enqueue_dma source(%arg5 : memref<96x196xf32, #tpu.memory_space<vmem>>) target(%dma_start3A_3202 : memref<96x196xf32, #tpu.memory_space<hbm>>) target_semaphore(%arg13 : memref<!tpu.dma_semaphore, #tpu.memory_space<semaphore_mem>>)
    %dma_wait3A_3203 = arith.constant 0 : i32
    %dma_wait3A_3204 = arith.constant 0 : i32
    %dma_wait3A_3205 = tpu.memref_slice %arg2[%select_n3A_3004, %add3A_3024, %dma_wait3A_3203, %dma_wait3A_3204] : memref<8x64x192x196xf32, #tpu.memory_space<hbm>> -> memref<1x1x96x196xf32, #tpu.memory_space<hbm>>
    %dma_wait3A_3206 = tpu.memref_squeeze %dma_wait3A_3205 : memref<1x1x96x196xf32, #tpu.memory_space<hbm>> -> memref<96x196xf32, #tpu.memory_space<hbm>>
    %dma_wait3A_3207 = arith.constant 0 : i32
    %dma_wait3A_3208 = arith.constant 0 : i32
    %dma_wait3A_3209 = tpu.memref_slice %arg2[%select_n3A_3004, %add3A_3024, %dma_wait3A_3207, %dma_wait3A_3208] : memref<8x64x192x196xf32, #tpu.memory_space<hbm>> -> memref<1x1x96x196xf32, #tpu.memory_space<hbm>>
    %dma_wait3A_3210 = tpu.memref_squeeze %dma_wait3A_3209 : memref<1x1x96x196xf32, #tpu.memory_space<hbm>> -> memref<96x196xf32, #tpu.memory_space<hbm>>
    tpu.wait_dma2 semaphore(%arg10 : memref<!tpu.dma_semaphore, #tpu.memory_space<semaphore_mem>>) src(%dma_wait3A_3210 : memref<96x196xf32, #tpu.memory_space<hbm>>) dst(%arg6 : memref<96x196xf32, #tpu.memory_space<vmem>>)
    %dma_wait3A_3211 = arith.constant 0 : i32
    %dma_wait3A_3212 = arith.constant 0 : i32
    %dma_wait3A_3213 = tpu.memref_slice %arg3[%select_n3A_3058, %select_n3A_3074, %dma_wait3A_3211, %dma_wait3A_3212] : memref<8x32x384x196xf32, #tpu.memory_space<hbm>> -> memref<1x1x96x196xf32, #tpu.memory_space<hbm>>
    %dma_wait3A_3214 = tpu.memref_squeeze %dma_wait3A_3213 : memref<1x1x96x196xf32, #tpu.memory_space<hbm>> -> memref<96x196xf32, #tpu.memory_space<hbm>>
    %dma_wait3A_3215 = arith.constant 0 : i32
    %dma_wait3A_3216 = arith.constant 0 : i32
    %dma_wait3A_3217 = tpu.memref_slice %arg3[%select_n3A_3058, %select_n3A_3074, %dma_wait3A_3215, %dma_wait3A_3216] : memref<8x32x384x196xf32, #tpu.memory_space<hbm>> -> memref<1x1x96x196xf32, #tpu.memory_space<hbm>>
    %dma_wait3A_3218 = tpu.memref_squeeze %dma_wait3A_3217 : memref<1x1x96x196xf32, #tpu.memory_space<hbm>> -> memref<96x196xf32, #tpu.memory_space<hbm>>
    tpu.wait_dma2 semaphore(%arg12 : memref<!tpu.dma_semaphore, #tpu.memory_space<semaphore_mem>>) src(%arg4 : memref<96x196xf32, #tpu.memory_space<vmem>>) dst(%dma_wait3A_3218 : memref<96x196xf32, #tpu.memory_space<hbm>>)
    %add3A_3219 = arith.constant 7 : i32
    %add3A_3220 = arith.addi %mul3A_2, %add3A_3219 : i32
    %jit3A_3221 = arith.constant 32 : i32
    %div3A_3222 = arith.divsi %add3A_3220, %jit3A_3221 : i32
    %sign3A_3223 = arith.constant 0 : i32
    %sign3A_3224 = arith.cmpi sgt, %add3A_3220, %sign3A_3223 : i32
    %sign3A_3225 = arith.extui %sign3A_3224 : i1 to i32
    %sign3A_3226 = arith.constant 0 : i32
    %sign3A_3227 = arith.cmpi slt, %add3A_3220, %sign3A_3226 : i32
    %sign3A_3228 = arith.extui %sign3A_3227 : i1 to i32
    %sign3A_3229 = arith.subi %sign3A_3225, %sign3A_3228 : i32
    %sign3A_3230 = arith.constant 0 : i32
    %sign3A_3231 = arith.cmpi sgt, %jit3A_3221, %sign3A_3230 : i32
    %sign3A_3232 = arith.extui %sign3A_3231 : i1 to i32
    %sign3A_3233 = arith.constant 0 : i32
    %sign3A_3234 = arith.cmpi slt, %jit3A_3221, %sign3A_3233 : i32
    %sign3A_3235 = arith.extui %sign3A_3234 : i1 to i32
    %sign3A_3236 = arith.subi %sign3A_3232, %sign3A_3235 : i32
    %ne3A_3237 = arith.cmpi ne, %sign3A_3229, %sign3A_3236 : i32
    %rem3A_3238 = arith.remsi %add3A_3220, %jit3A_3221 : i32
    %ne3A_3239 = arith.constant 0 : i32
    %ne3A_3240 = arith.cmpi ne, %rem3A_3238, %ne3A_3239 : i32
    %and3A_3241 = arith.andi %ne3A_3237, %ne3A_3240 : i1
    %sub3A_3242 = arith.constant 1 : i32
    %sub3A_3243 = arith.subi %div3A_3222, %sub3A_3242 : i32
    %select_n3A_3244 = arith.select %and3A_3241, %sub3A_3243, %div3A_3222 : i32
    %jit3A_3245 = arith.constant 32 : i32
    %eq3A_3246 = arith.constant 0 : i32
    %eq3A_3247 = arith.cmpi eq, %jit3A_3245, %eq3A_3246 : i32
    %jit3A_3248 = arith.constant 1 : i32
    %select_n3A_3249 = arith.select %eq3A_3247, %jit3A_3248, %jit3A_3245 : i32
    %rem3A_3250 = arith.remsi %add3A_3220, %select_n3A_3249 : i32
    %ne3A_3251 = arith.constant 0 : i32
    %ne3A_3252 = arith.cmpi ne, %rem3A_3250, %ne3A_3251 : i32
    %lt3A_3253 = arith.constant 0 : i32
    %lt3A_3254 = arith.cmpi slt, %rem3A_3250, %lt3A_3253 : i32
    %lt3A_3255 = arith.constant 0 : i32
    %lt3A_3256 = arith.cmpi slt, %select_n3A_3249, %lt3A_3255 : i32
    %ne3A_3257 = arith.xori %lt3A_3254, %lt3A_3256 : i1
    %and3A_3258 = arith.andi %ne3A_3257, %ne3A_3252 : i1
    %add3A_3259 = arith.addi %rem3A_3250, %select_n3A_3249 : i32
    %select_n3A_3260 = arith.select %and3A_3258, %add3A_3259, %rem3A_3250 : i32
    %mul3A_3261 = arith.constant 2 : i32
    %mul3A_3262 = arith.muli %mul3A_3261, %select_n3A_3260 : i32
    %add3A_3263 = arith.constant 0 : i32
    %add3A_3264 = arith.addi %mul3A_3262, %add3A_3263 : i32
    %dma_start3A_3265 = arith.constant 0 : i32
    %dma_start3A_3266 = arith.constant 0 : i32
    %dma_start3A_3267 = tpu.memref_slice %arg2[%select_n3A_3244, %add3A_3264, %dma_start3A_3265, %dma_start3A_3266] : memref<8x64x192x196xf32, #tpu.memory_space<hbm>> -> memref<1x1x96x196xf32, #tpu.memory_space<hbm>>
    %dma_start3A_3268 = tpu.memref_squeeze %dma_start3A_3267 : memref<1x1x96x196xf32, #tpu.memory_space<hbm>> -> memref<96x196xf32, #tpu.memory_space<hbm>>
    %dma_start3A_3269 = arith.constant 0 : i32
    %dma_start3A_3270 = arith.constant 0 : i32
    %dma_start3A_3271 = tpu.memref_slice %arg2[%select_n3A_3244, %add3A_3264, %dma_start3A_3269, %dma_start3A_3270] : memref<8x64x192x196xf32, #tpu.memory_space<hbm>> -> memref<1x1x96x196xf32, #tpu.memory_space<hbm>>
    %dma_start3A_3272 = tpu.memref_squeeze %dma_start3A_3271 : memref<1x1x96x196xf32, #tpu.memory_space<hbm>> -> memref<96x196xf32, #tpu.memory_space<hbm>>
    tpu.enqueue_dma source(%dma_start3A_3272 : memref<96x196xf32, #tpu.memory_space<hbm>>) target(%arg4 : memref<96x196xf32, #tpu.memory_space<vmem>>) target_semaphore(%arg8 : memref<!tpu.dma_semaphore, #tpu.memory_space<semaphore_mem>>)
    %add3A_3273 = arith.constant 6 : i32
    %add3A_3274 = arith.addi %mul3A_2, %add3A_3273 : i32
    %jit3A_3275 = arith.constant 32 : i32
    %div3A_3276 = arith.divsi %add3A_3274, %jit3A_3275 : i32
    %sign3A_3277 = arith.constant 0 : i32
    %sign3A_3278 = arith.cmpi sgt, %add3A_3274, %sign3A_3277 : i32
    %sign3A_3279 = arith.extui %sign3A_3278 : i1 to i32
    %sign3A_3280 = arith.constant 0 : i32
    %sign3A_3281 = arith.cmpi slt, %add3A_3274, %sign3A_3280 : i32
    %sign3A_3282 = arith.extui %sign3A_3281 : i1 to i32
    %sign3A_3283 = arith.subi %sign3A_3279, %sign3A_3282 : i32
    %sign3A_3284 = arith.constant 0 : i32
    %sign3A_3285 = arith.cmpi sgt, %jit3A_3275, %sign3A_3284 : i32
    %sign3A_3286 = arith.extui %sign3A_3285 : i1 to i32
    %sign3A_3287 = arith.constant 0 : i32
    %sign3A_3288 = arith.cmpi slt, %jit3A_3275, %sign3A_3287 : i32
    %sign3A_3289 = arith.extui %sign3A_3288 : i1 to i32
    %sign3A_3290 = arith.subi %sign3A_3286, %sign3A_3289 : i32
    %ne3A_3291 = arith.cmpi ne, %sign3A_3283, %sign3A_3290 : i32
    %rem3A_3292 = arith.remsi %add3A_3274, %jit3A_3275 : i32
    %ne3A_3293 = arith.constant 0 : i32
    %ne3A_3294 = arith.cmpi ne, %rem3A_3292, %ne3A_3293 : i32
    %and3A_3295 = arith.andi %ne3A_3291, %ne3A_3294 : i1
    %sub3A_3296 = arith.constant 1 : i32
    %sub3A_3297 = arith.subi %div3A_3276, %sub3A_3296 : i32
    %select_n3A_3298 = arith.select %and3A_3295, %sub3A_3297, %div3A_3276 : i32
    %jit3A_3299 = arith.constant 32 : i32
    %eq3A_3300 = arith.constant 0 : i32
    %eq3A_3301 = arith.cmpi eq, %jit3A_3299, %eq3A_3300 : i32
    %jit3A_3302 = arith.constant 1 : i32
    %select_n3A_3303 = arith.select %eq3A_3301, %jit3A_3302, %jit3A_3299 : i32
    %rem3A_3304 = arith.remsi %add3A_3274, %select_n3A_3303 : i32
    %ne3A_3305 = arith.constant 0 : i32
    %ne3A_3306 = arith.cmpi ne, %rem3A_3304, %ne3A_3305 : i32
    %lt3A_3307 = arith.constant 0 : i32
    %lt3A_3308 = arith.cmpi slt, %rem3A_3304, %lt3A_3307 : i32
    %lt3A_3309 = arith.constant 0 : i32
    %lt3A_3310 = arith.cmpi slt, %select_n3A_3303, %lt3A_3309 : i32
    %ne3A_3311 = arith.xori %lt3A_3308, %lt3A_3310 : i1
    %and3A_3312 = arith.andi %ne3A_3311, %ne3A_3306 : i1
    %add3A_3313 = arith.addi %rem3A_3304, %select_n3A_3303 : i32
    %select_n3A_3314 = arith.select %and3A_3312, %add3A_3313, %rem3A_3304 : i32
    %dma_start3A_3315 = arith.constant 192 : i32
    %dma_start3A_3316 = arith.constant 0 : i32
    %dma_start3A_3317 = tpu.memref_slice %arg3[%select_n3A_3298, %select_n3A_3314, %dma_start3A_3315, %dma_start3A_3316] : memref<8x32x384x196xf32, #tpu.memory_space<hbm>> -> memref<1x1x96x196xf32, #tpu.memory_space<hbm>>
    %dma_start3A_3318 = tpu.memref_squeeze %dma_start3A_3317 : memref<1x1x96x196xf32, #tpu.memory_space<hbm>> -> memref<96x196xf32, #tpu.memory_space<hbm>>
    %dma_start3A_3319 = arith.constant 192 : i32
    %dma_start3A_3320 = arith.constant 0 : i32
    %dma_start3A_3321 = tpu.memref_slice %arg3[%select_n3A_3298, %select_n3A_3314, %dma_start3A_3319, %dma_start3A_3320] : memref<8x32x384x196xf32, #tpu.memory_space<hbm>> -> memref<1x1x96x196xf32, #tpu.memory_space<hbm>>
    %dma_start3A_3322 = tpu.memref_squeeze %dma_start3A_3321 : memref<1x1x96x196xf32, #tpu.memory_space<hbm>> -> memref<96x196xf32, #tpu.memory_space<hbm>>
    tpu.enqueue_dma source(%arg6 : memref<96x196xf32, #tpu.memory_space<vmem>>) target(%dma_start3A_3322 : memref<96x196xf32, #tpu.memory_space<hbm>>) target_semaphore(%arg14 : memref<!tpu.dma_semaphore, #tpu.memory_space<semaphore_mem>>)
    %dma_wait3A_3323 = arith.constant 96 : i32
    %dma_wait3A_3324 = arith.constant 0 : i32
    %dma_wait3A_3325 = tpu.memref_slice %arg2[%select_n3A_3124, %add3A_3144, %dma_wait3A_3323, %dma_wait3A_3324] : memref<8x64x192x196xf32, #tpu.memory_space<hbm>> -> memref<1x1x96x196xf32, #tpu.memory_space<hbm>>
    %dma_wait3A_3326 = tpu.memref_squeeze %dma_wait3A_3325 : memref<1x1x96x196xf32, #tpu.memory_space<hbm>> -> memref<96x196xf32, #tpu.memory_space<hbm>>
    %dma_wait3A_3327 = arith.constant 96 : i32
    %dma_wait3A_3328 = arith.constant 0 : i32
    %dma_wait3A_3329 = tpu.memref_slice %arg2[%select_n3A_3124, %add3A_3144, %dma_wait3A_3327, %dma_wait3A_3328] : memref<8x64x192x196xf32, #tpu.memory_space<hbm>> -> memref<1x1x96x196xf32, #tpu.memory_space<hbm>>
    %dma_wait3A_3330 = tpu.memref_squeeze %dma_wait3A_3329 : memref<1x1x96x196xf32, #tpu.memory_space<hbm>> -> memref<96x196xf32, #tpu.memory_space<hbm>>
    tpu.wait_dma2 semaphore(%arg11 : memref<!tpu.dma_semaphore, #tpu.memory_space<semaphore_mem>>) src(%dma_wait3A_3330 : memref<96x196xf32, #tpu.memory_space<hbm>>) dst(%arg7 : memref<96x196xf32, #tpu.memory_space<vmem>>)
    %dma_wait3A_3331 = arith.constant 96 : i32
    %dma_wait3A_3332 = arith.constant 0 : i32
    %dma_wait3A_3333 = tpu.memref_slice %arg3[%select_n3A_3178, %select_n3A_3194, %dma_wait3A_3331, %dma_wait3A_3332] : memref<8x32x384x196xf32, #tpu.memory_space<hbm>> -> memref<1x1x96x196xf32, #tpu.memory_space<hbm>>
    %dma_wait3A_3334 = tpu.memref_squeeze %dma_wait3A_3333 : memref<1x1x96x196xf32, #tpu.memory_space<hbm>> -> memref<96x196xf32, #tpu.memory_space<hbm>>
    %dma_wait3A_3335 = arith.constant 96 : i32
    %dma_wait3A_3336 = arith.constant 0 : i32
    %dma_wait3A_3337 = tpu.memref_slice %arg3[%select_n3A_3178, %select_n3A_3194, %dma_wait3A_3335, %dma_wait3A_3336] : memref<8x32x384x196xf32, #tpu.memory_space<hbm>> -> memref<1x1x96x196xf32, #tpu.memory_space<hbm>>
    %dma_wait3A_3338 = tpu.memref_squeeze %dma_wait3A_3337 : memref<1x1x96x196xf32, #tpu.memory_space<hbm>> -> memref<96x196xf32, #tpu.memory_space<hbm>>
    tpu.wait_dma2 semaphore(%arg13 : memref<!tpu.dma_semaphore, #tpu.memory_space<semaphore_mem>>) src(%arg5 : memref<96x196xf32, #tpu.memory_space<vmem>>) dst(%dma_wait3A_3338 : memref<96x196xf32, #tpu.memory_space<hbm>>)
    %add3A_3339 = arith.constant 7 : i32
    %add3A_3340 = arith.addi %mul3A_2, %add3A_3339 : i32
    %jit3A_3341 = arith.constant 32 : i32
    %div3A_3342 = arith.divsi %add3A_3340, %jit3A_3341 : i32
    %sign3A_3343 = arith.constant 0 : i32
    %sign3A_3344 = arith.cmpi sgt, %add3A_3340, %sign3A_3343 : i32
    %sign3A_3345 = arith.extui %sign3A_3344 : i1 to i32
    %sign3A_3346 = arith.constant 0 : i32
    %sign3A_3347 = arith.cmpi slt, %add3A_3340, %sign3A_3346 : i32
    %sign3A_3348 = arith.extui %sign3A_3347 : i1 to i32
    %sign3A_3349 = arith.subi %sign3A_3345, %sign3A_3348 : i32
    %sign3A_3350 = arith.constant 0 : i32
    %sign3A_3351 = arith.cmpi sgt, %jit3A_3341, %sign3A_3350 : i32
    %sign3A_3352 = arith.extui %sign3A_3351 : i1 to i32
    %sign3A_3353 = arith.constant 0 : i32
    %sign3A_3354 = arith.cmpi slt, %jit3A_3341, %sign3A_3353 : i32
    %sign3A_3355 = arith.extui %sign3A_3354 : i1 to i32
    %sign3A_3356 = arith.subi %sign3A_3352, %sign3A_3355 : i32
    %ne3A_3357 = arith.cmpi ne, %sign3A_3349, %sign3A_3356 : i32
    %rem3A_3358 = arith.remsi %add3A_3340, %jit3A_3341 : i32
    %ne3A_3359 = arith.constant 0 : i32
    %ne3A_3360 = arith.cmpi ne, %rem3A_3358, %ne3A_3359 : i32
    %and3A_3361 = arith.andi %ne3A_3357, %ne3A_3360 : i1
    %sub3A_3362 = arith.constant 1 : i32
    %sub3A_3363 = arith.subi %div3A_3342, %sub3A_3362 : i32
    %select_n3A_3364 = arith.select %and3A_3361, %sub3A_3363, %div3A_3342 : i32
    %jit3A_3365 = arith.constant 32 : i32
    %eq3A_3366 = arith.constant 0 : i32
    %eq3A_3367 = arith.cmpi eq, %jit3A_3365, %eq3A_3366 : i32
    %jit3A_3368 = arith.constant 1 : i32
    %select_n3A_3369 = arith.select %eq3A_3367, %jit3A_3368, %jit3A_3365 : i32
    %rem3A_3370 = arith.remsi %add3A_3340, %select_n3A_3369 : i32
    %ne3A_3371 = arith.constant 0 : i32
    %ne3A_3372 = arith.cmpi ne, %rem3A_3370, %ne3A_3371 : i32
    %lt3A_3373 = arith.constant 0 : i32
    %lt3A_3374 = arith.cmpi slt, %rem3A_3370, %lt3A_3373 : i32
    %lt3A_3375 = arith.constant 0 : i32
    %lt3A_3376 = arith.cmpi slt, %select_n3A_3369, %lt3A_3375 : i32
    %ne3A_3377 = arith.xori %lt3A_3374, %lt3A_3376 : i1
    %and3A_3378 = arith.andi %ne3A_3377, %ne3A_3372 : i1
    %add3A_3379 = arith.addi %rem3A_3370, %select_n3A_3369 : i32
    %select_n3A_3380 = arith.select %and3A_3378, %add3A_3379, %rem3A_3370 : i32
    %mul3A_3381 = arith.constant 2 : i32
    %mul3A_3382 = arith.muli %mul3A_3381, %select_n3A_3380 : i32
    %add3A_3383 = arith.constant 0 : i32
    %add3A_3384 = arith.addi %mul3A_3382, %add3A_3383 : i32
    %dma_start3A_3385 = arith.constant 96 : i32
    %dma_start3A_3386 = arith.constant 0 : i32
    %dma_start3A_3387 = tpu.memref_slice %arg2[%select_n3A_3364, %add3A_3384, %dma_start3A_3385, %dma_start3A_3386] : memref<8x64x192x196xf32, #tpu.memory_space<hbm>> -> memref<1x1x96x196xf32, #tpu.memory_space<hbm>>
    %dma_start3A_3388 = tpu.memref_squeeze %dma_start3A_3387 : memref<1x1x96x196xf32, #tpu.memory_space<hbm>> -> memref<96x196xf32, #tpu.memory_space<hbm>>
    %dma_start3A_3389 = arith.constant 96 : i32
    %dma_start3A_3390 = arith.constant 0 : i32
    %dma_start3A_3391 = tpu.memref_slice %arg2[%select_n3A_3364, %add3A_3384, %dma_start3A_3389, %dma_start3A_3390] : memref<8x64x192x196xf32, #tpu.memory_space<hbm>> -> memref<1x1x96x196xf32, #tpu.memory_space<hbm>>
    %dma_start3A_3392 = tpu.memref_squeeze %dma_start3A_3391 : memref<1x1x96x196xf32, #tpu.memory_space<hbm>> -> memref<96x196xf32, #tpu.memory_space<hbm>>
    tpu.enqueue_dma source(%dma_start3A_3392 : memref<96x196xf32, #tpu.memory_space<hbm>>) target(%arg5 : memref<96x196xf32, #tpu.memory_space<vmem>>) target_semaphore(%arg9 : memref<!tpu.dma_semaphore, #tpu.memory_space<semaphore_mem>>)
    %add3A_3393 = arith.constant 6 : i32
    %add3A_3394 = arith.addi %mul3A_2, %add3A_3393 : i32
    %jit3A_3395 = arith.constant 32 : i32
    %div3A_3396 = arith.divsi %add3A_3394, %jit3A_3395 : i32
    %sign3A_3397 = arith.constant 0 : i32
    %sign3A_3398 = arith.cmpi sgt, %add3A_3394, %sign3A_3397 : i32
    %sign3A_3399 = arith.extui %sign3A_3398 : i1 to i32
    %sign3A_3400 = arith.constant 0 : i32
    %sign3A_3401 = arith.cmpi slt, %add3A_3394, %sign3A_3400 : i32
    %sign3A_3402 = arith.extui %sign3A_3401 : i1 to i32
    %sign3A_3403 = arith.subi %sign3A_3399, %sign3A_3402 : i32
    %sign3A_3404 = arith.constant 0 : i32
    %sign3A_3405 = arith.cmpi sgt, %jit3A_3395, %sign3A_3404 : i32
    %sign3A_3406 = arith.extui %sign3A_3405 : i1 to i32
    %sign3A_3407 = arith.constant 0 : i32
    %sign3A_3408 = arith.cmpi slt, %jit3A_3395, %sign3A_3407 : i32
    %sign3A_3409 = arith.extui %sign3A_3408 : i1 to i32
    %sign3A_3410 = arith.subi %sign3A_3406, %sign3A_3409 : i32
    %ne3A_3411 = arith.cmpi ne, %sign3A_3403, %sign3A_3410 : i32
    %rem3A_3412 = arith.remsi %add3A_3394, %jit3A_3395 : i32
    %ne3A_3413 = arith.constant 0 : i32
    %ne3A_3414 = arith.cmpi ne, %rem3A_3412, %ne3A_3413 : i32
    %and3A_3415 = arith.andi %ne3A_3411, %ne3A_3414 : i1
    %sub3A_3416 = arith.constant 1 : i32
    %sub3A_3417 = arith.subi %div3A_3396, %sub3A_3416 : i32
    %select_n3A_3418 = arith.select %and3A_3415, %sub3A_3417, %div3A_3396 : i32
    %jit3A_3419 = arith.constant 32 : i32
    %eq3A_3420 = arith.constant 0 : i32
    %eq3A_3421 = arith.cmpi eq, %jit3A_3419, %eq3A_3420 : i32
    %jit3A_3422 = arith.constant 1 : i32
    %select_n3A_3423 = arith.select %eq3A_3421, %jit3A_3422, %jit3A_3419 : i32
    %rem3A_3424 = arith.remsi %add3A_3394, %select_n3A_3423 : i32
    %ne3A_3425 = arith.constant 0 : i32
    %ne3A_3426 = arith.cmpi ne, %rem3A_3424, %ne3A_3425 : i32
    %lt3A_3427 = arith.constant 0 : i32
    %lt3A_3428 = arith.cmpi slt, %rem3A_3424, %lt3A_3427 : i32
    %lt3A_3429 = arith.constant 0 : i32
    %lt3A_3430 = arith.cmpi slt, %select_n3A_3423, %lt3A_3429 : i32
    %ne3A_3431 = arith.xori %lt3A_3428, %lt3A_3430 : i1
    %and3A_3432 = arith.andi %ne3A_3431, %ne3A_3426 : i1
    %add3A_3433 = arith.addi %rem3A_3424, %select_n3A_3423 : i32
    %select_n3A_3434 = arith.select %and3A_3432, %add3A_3433, %rem3A_3424 : i32
    %dma_start3A_3435 = arith.constant 288 : i32
    %dma_start3A_3436 = arith.constant 0 : i32
    %dma_start3A_3437 = tpu.memref_slice %arg3[%select_n3A_3418, %select_n3A_3434, %dma_start3A_3435, %dma_start3A_3436] : memref<8x32x384x196xf32, #tpu.memory_space<hbm>> -> memref<1x1x96x196xf32, #tpu.memory_space<hbm>>
    %dma_start3A_3438 = tpu.memref_squeeze %dma_start3A_3437 : memref<1x1x96x196xf32, #tpu.memory_space<hbm>> -> memref<96x196xf32, #tpu.memory_space<hbm>>
    %dma_start3A_3439 = arith.constant 288 : i32
    %dma_start3A_3440 = arith.constant 0 : i32
    %dma_start3A_3441 = tpu.memref_slice %arg3[%select_n3A_3418, %select_n3A_3434, %dma_start3A_3439, %dma_start3A_3440] : memref<8x32x384x196xf32, #tpu.memory_space<hbm>> -> memref<1x1x96x196xf32, #tpu.memory_space<hbm>>
    %dma_start3A_3442 = tpu.memref_squeeze %dma_start3A_3441 : memref<1x1x96x196xf32, #tpu.memory_space<hbm>> -> memref<96x196xf32, #tpu.memory_space<hbm>>
    tpu.enqueue_dma source(%arg7 : memref<96x196xf32, #tpu.memory_space<vmem>>) target(%dma_start3A_3442 : memref<96x196xf32, #tpu.memory_space<hbm>>) target_semaphore(%arg15 : memref<!tpu.dma_semaphore, #tpu.memory_space<semaphore_mem>>)
    %dma_wait3A_3443 = arith.constant 0 : i32
    %dma_wait3A_3444 = arith.constant 0 : i32
    %dma_wait3A_3445 = tpu.memref_slice %arg2[%select_n3A_3244, %add3A_3264, %dma_wait3A_3443, %dma_wait3A_3444] : memref<8x64x192x196xf32, #tpu.memory_space<hbm>> -> memref<1x1x96x196xf32, #tpu.memory_space<hbm>>
    %dma_wait3A_3446 = tpu.memref_squeeze %dma_wait3A_3445 : memref<1x1x96x196xf32, #tpu.memory_space<hbm>> -> memref<96x196xf32, #tpu.memory_space<hbm>>
    %dma_wait3A_3447 = arith.constant 0 : i32
    %dma_wait3A_3448 = arith.constant 0 : i32
    %dma_wait3A_3449 = tpu.memref_slice %arg2[%select_n3A_3244, %add3A_3264, %dma_wait3A_3447, %dma_wait3A_3448] : memref<8x64x192x196xf32, #tpu.memory_space<hbm>> -> memref<1x1x96x196xf32, #tpu.memory_space<hbm>>
    %dma_wait3A_3450 = tpu.memref_squeeze %dma_wait3A_3449 : memref<1x1x96x196xf32, #tpu.memory_space<hbm>> -> memref<96x196xf32, #tpu.memory_space<hbm>>
    tpu.wait_dma2 semaphore(%arg8 : memref<!tpu.dma_semaphore, #tpu.memory_space<semaphore_mem>>) src(%dma_wait3A_3450 : memref<96x196xf32, #tpu.memory_space<hbm>>) dst(%arg4 : memref<96x196xf32, #tpu.memory_space<vmem>>)
    %dma_wait3A_3451 = arith.constant 192 : i32
    %dma_wait3A_3452 = arith.constant 0 : i32
    %dma_wait3A_3453 = tpu.memref_slice %arg3[%select_n3A_3298, %select_n3A_3314, %dma_wait3A_3451, %dma_wait3A_3452] : memref<8x32x384x196xf32, #tpu.memory_space<hbm>> -> memref<1x1x96x196xf32, #tpu.memory_space<hbm>>
    %dma_wait3A_3454 = tpu.memref_squeeze %dma_wait3A_3453 : memref<1x1x96x196xf32, #tpu.memory_space<hbm>> -> memref<96x196xf32, #tpu.memory_space<hbm>>
    %dma_wait3A_3455 = arith.constant 192 : i32
    %dma_wait3A_3456 = arith.constant 0 : i32
    %dma_wait3A_3457 = tpu.memref_slice %arg3[%select_n3A_3298, %select_n3A_3314, %dma_wait3A_3455, %dma_wait3A_3456] : memref<8x32x384x196xf32, #tpu.memory_space<hbm>> -> memref<1x1x96x196xf32, #tpu.memory_space<hbm>>
    %dma_wait3A_3458 = tpu.memref_squeeze %dma_wait3A_3457 : memref<1x1x96x196xf32, #tpu.memory_space<hbm>> -> memref<96x196xf32, #tpu.memory_space<hbm>>
    tpu.wait_dma2 semaphore(%arg14 : memref<!tpu.dma_semaphore, #tpu.memory_space<semaphore_mem>>) src(%arg6 : memref<96x196xf32, #tpu.memory_space<vmem>>) dst(%dma_wait3A_3458 : memref<96x196xf32, #tpu.memory_space<hbm>>)
    %add3A_3459 = arith.constant 7 : i32
    %add3A_3460 = arith.addi %mul3A_2, %add3A_3459 : i32
    %jit3A_3461 = arith.constant 32 : i32
    %div3A_3462 = arith.divsi %add3A_3460, %jit3A_3461 : i32
    %sign3A_3463 = arith.constant 0 : i32
    %sign3A_3464 = arith.cmpi sgt, %add3A_3460, %sign3A_3463 : i32
    %sign3A_3465 = arith.extui %sign3A_3464 : i1 to i32
    %sign3A_3466 = arith.constant 0 : i32
    %sign3A_3467 = arith.cmpi slt, %add3A_3460, %sign3A_3466 : i32
    %sign3A_3468 = arith.extui %sign3A_3467 : i1 to i32
    %sign3A_3469 = arith.subi %sign3A_3465, %sign3A_3468 : i32
    %sign3A_3470 = arith.constant 0 : i32
    %sign3A_3471 = arith.cmpi sgt, %jit3A_3461, %sign3A_3470 : i32
    %sign3A_3472 = arith.extui %sign3A_3471 : i1 to i32
    %sign3A_3473 = arith.constant 0 : i32
    %sign3A_3474 = arith.cmpi slt, %jit3A_3461, %sign3A_3473 : i32
    %sign3A_3475 = arith.extui %sign3A_3474 : i1 to i32
    %sign3A_3476 = arith.subi %sign3A_3472, %sign3A_3475 : i32
    %ne3A_3477 = arith.cmpi ne, %sign3A_3469, %sign3A_3476 : i32
    %rem3A_3478 = arith.remsi %add3A_3460, %jit3A_3461 : i32
    %ne3A_3479 = arith.constant 0 : i32
    %ne3A_3480 = arith.cmpi ne, %rem3A_3478, %ne3A_3479 : i32
    %and3A_3481 = arith.andi %ne3A_3477, %ne3A_3480 : i1
    %sub3A_3482 = arith.constant 1 : i32
    %sub3A_3483 = arith.subi %div3A_3462, %sub3A_3482 : i32
    %select_n3A_3484 = arith.select %and3A_3481, %sub3A_3483, %div3A_3462 : i32
    %jit3A_3485 = arith.constant 32 : i32
    %eq3A_3486 = arith.constant 0 : i32
    %eq3A_3487 = arith.cmpi eq, %jit3A_3485, %eq3A_3486 : i32
    %jit3A_3488 = arith.constant 1 : i32
    %select_n3A_3489 = arith.select %eq3A_3487, %jit3A_3488, %jit3A_3485 : i32
    %rem3A_3490 = arith.remsi %add3A_3460, %select_n3A_3489 : i32
    %ne3A_3491 = arith.constant 0 : i32
    %ne3A_3492 = arith.cmpi ne, %rem3A_3490, %ne3A_3491 : i32
    %lt3A_3493 = arith.constant 0 : i32
    %lt3A_3494 = arith.cmpi slt, %rem3A_3490, %lt3A_3493 : i32
    %lt3A_3495 = arith.constant 0 : i32
    %lt3A_3496 = arith.cmpi slt, %select_n3A_3489, %lt3A_3495 : i32
    %ne3A_3497 = arith.xori %lt3A_3494, %lt3A_3496 : i1
    %and3A_3498 = arith.andi %ne3A_3497, %ne3A_3492 : i1
    %add3A_3499 = arith.addi %rem3A_3490, %select_n3A_3489 : i32
    %select_n3A_3500 = arith.select %and3A_3498, %add3A_3499, %rem3A_3490 : i32
    %mul3A_3501 = arith.constant 2 : i32
    %mul3A_3502 = arith.muli %mul3A_3501, %select_n3A_3500 : i32
    %add3A_3503 = arith.constant 1 : i32
    %add3A_3504 = arith.addi %mul3A_3502, %add3A_3503 : i32
    %dma_start3A_3505 = arith.constant 0 : i32
    %dma_start3A_3506 = arith.constant 0 : i32
    %dma_start3A_3507 = tpu.memref_slice %arg2[%select_n3A_3484, %add3A_3504, %dma_start3A_3505, %dma_start3A_3506] : memref<8x64x192x196xf32, #tpu.memory_space<hbm>> -> memref<1x1x96x196xf32, #tpu.memory_space<hbm>>
    %dma_start3A_3508 = tpu.memref_squeeze %dma_start3A_3507 : memref<1x1x96x196xf32, #tpu.memory_space<hbm>> -> memref<96x196xf32, #tpu.memory_space<hbm>>
    %dma_start3A_3509 = arith.constant 0 : i32
    %dma_start3A_3510 = arith.constant 0 : i32
    %dma_start3A_3511 = tpu.memref_slice %arg2[%select_n3A_3484, %add3A_3504, %dma_start3A_3509, %dma_start3A_3510] : memref<8x64x192x196xf32, #tpu.memory_space<hbm>> -> memref<1x1x96x196xf32, #tpu.memory_space<hbm>>
    %dma_start3A_3512 = tpu.memref_squeeze %dma_start3A_3511 : memref<1x1x96x196xf32, #tpu.memory_space<hbm>> -> memref<96x196xf32, #tpu.memory_space<hbm>>
    tpu.enqueue_dma source(%dma_start3A_3512 : memref<96x196xf32, #tpu.memory_space<hbm>>) target(%arg6 : memref<96x196xf32, #tpu.memory_space<vmem>>) target_semaphore(%arg10 : memref<!tpu.dma_semaphore, #tpu.memory_space<semaphore_mem>>)
    %add3A_3513 = arith.constant 7 : i32
    %add3A_3514 = arith.addi %mul3A_2, %add3A_3513 : i32
    %jit3A_3515 = arith.constant 32 : i32
    %div3A_3516 = arith.divsi %add3A_3514, %jit3A_3515 : i32
    %sign3A_3517 = arith.constant 0 : i32
    %sign3A_3518 = arith.cmpi sgt, %add3A_3514, %sign3A_3517 : i32
    %sign3A_3519 = arith.extui %sign3A_3518 : i1 to i32
    %sign3A_3520 = arith.constant 0 : i32
    %sign3A_3521 = arith.cmpi slt, %add3A_3514, %sign3A_3520 : i32
    %sign3A_3522 = arith.extui %sign3A_3521 : i1 to i32
    %sign3A_3523 = arith.subi %sign3A_3519, %sign3A_3522 : i32
    %sign3A_3524 = arith.constant 0 : i32
    %sign3A_3525 = arith.cmpi sgt, %jit3A_3515, %sign3A_3524 : i32
    %sign3A_3526 = arith.extui %sign3A_3525 : i1 to i32
    %sign3A_3527 = arith.constant 0 : i32
    %sign3A_3528 = arith.cmpi slt, %jit3A_3515, %sign3A_3527 : i32
    %sign3A_3529 = arith.extui %sign3A_3528 : i1 to i32
    %sign3A_3530 = arith.subi %sign3A_3526, %sign3A_3529 : i32
    %ne3A_3531 = arith.cmpi ne, %sign3A_3523, %sign3A_3530 : i32
    %rem3A_3532 = arith.remsi %add3A_3514, %jit3A_3515 : i32
    %ne3A_3533 = arith.constant 0 : i32
    %ne3A_3534 = arith.cmpi ne, %rem3A_3532, %ne3A_3533 : i32
    %and3A_3535 = arith.andi %ne3A_3531, %ne3A_3534 : i1
    %sub3A_3536 = arith.constant 1 : i32
    %sub3A_3537 = arith.subi %div3A_3516, %sub3A_3536 : i32
    %select_n3A_3538 = arith.select %and3A_3535, %sub3A_3537, %div3A_3516 : i32
    %jit3A_3539 = arith.constant 32 : i32
    %eq3A_3540 = arith.constant 0 : i32
    %eq3A_3541 = arith.cmpi eq, %jit3A_3539, %eq3A_3540 : i32
    %jit3A_3542 = arith.constant 1 : i32
    %select_n3A_3543 = arith.select %eq3A_3541, %jit3A_3542, %jit3A_3539 : i32
    %rem3A_3544 = arith.remsi %add3A_3514, %select_n3A_3543 : i32
    %ne3A_3545 = arith.constant 0 : i32
    %ne3A_3546 = arith.cmpi ne, %rem3A_3544, %ne3A_3545 : i32
    %lt3A_3547 = arith.constant 0 : i32
    %lt3A_3548 = arith.cmpi slt, %rem3A_3544, %lt3A_3547 : i32
    %lt3A_3549 = arith.constant 0 : i32
    %lt3A_3550 = arith.cmpi slt, %select_n3A_3543, %lt3A_3549 : i32
    %ne3A_3551 = arith.xori %lt3A_3548, %lt3A_3550 : i1
    %and3A_3552 = arith.andi %ne3A_3551, %ne3A_3546 : i1
    %add3A_3553 = arith.addi %rem3A_3544, %select_n3A_3543 : i32
    %select_n3A_3554 = arith.select %and3A_3552, %add3A_3553, %rem3A_3544 : i32
    %dma_start3A_3555 = arith.constant 0 : i32
    %dma_start3A_3556 = arith.constant 0 : i32
    %dma_start3A_3557 = tpu.memref_slice %arg3[%select_n3A_3538, %select_n3A_3554, %dma_start3A_3555, %dma_start3A_3556] : memref<8x32x384x196xf32, #tpu.memory_space<hbm>> -> memref<1x1x96x196xf32, #tpu.memory_space<hbm>>
    %dma_start3A_3558 = tpu.memref_squeeze %dma_start3A_3557 : memref<1x1x96x196xf32, #tpu.memory_space<hbm>> -> memref<96x196xf32, #tpu.memory_space<hbm>>
    %dma_start3A_3559 = arith.constant 0 : i32
    %dma_start3A_3560 = arith.constant 0 : i32
    %dma_start3A_3561 = tpu.memref_slice %arg3[%select_n3A_3538, %select_n3A_3554, %dma_start3A_3559, %dma_start3A_3560] : memref<8x32x384x196xf32, #tpu.memory_space<hbm>> -> memref<1x1x96x196xf32, #tpu.memory_space<hbm>>
    %dma_start3A_3562 = tpu.memref_squeeze %dma_start3A_3561 : memref<1x1x96x196xf32, #tpu.memory_space<hbm>> -> memref<96x196xf32, #tpu.memory_space<hbm>>
    tpu.enqueue_dma source(%arg4 : memref<96x196xf32, #tpu.memory_space<vmem>>) target(%dma_start3A_3562 : memref<96x196xf32, #tpu.memory_space<hbm>>) target_semaphore(%arg12 : memref<!tpu.dma_semaphore, #tpu.memory_space<semaphore_mem>>)
    %dma_wait3A_3563 = arith.constant 96 : i32
    %dma_wait3A_3564 = arith.constant 0 : i32
    %dma_wait3A_3565 = tpu.memref_slice %arg2[%select_n3A_3364, %add3A_3384, %dma_wait3A_3563, %dma_wait3A_3564] : memref<8x64x192x196xf32, #tpu.memory_space<hbm>> -> memref<1x1x96x196xf32, #tpu.memory_space<hbm>>
    %dma_wait3A_3566 = tpu.memref_squeeze %dma_wait3A_3565 : memref<1x1x96x196xf32, #tpu.memory_space<hbm>> -> memref<96x196xf32, #tpu.memory_space<hbm>>
    %dma_wait3A_3567 = arith.constant 96 : i32
    %dma_wait3A_3568 = arith.constant 0 : i32
    %dma_wait3A_3569 = tpu.memref_slice %arg2[%select_n3A_3364, %add3A_3384, %dma_wait3A_3567, %dma_wait3A_3568] : memref<8x64x192x196xf32, #tpu.memory_space<hbm>> -> memref<1x1x96x196xf32, #tpu.memory_space<hbm>>
    %dma_wait3A_3570 = tpu.memref_squeeze %dma_wait3A_3569 : memref<1x1x96x196xf32, #tpu.memory_space<hbm>> -> memref<96x196xf32, #tpu.memory_space<hbm>>
    tpu.wait_dma2 semaphore(%arg9 : memref<!tpu.dma_semaphore, #tpu.memory_space<semaphore_mem>>) src(%dma_wait3A_3570 : memref<96x196xf32, #tpu.memory_space<hbm>>) dst(%arg5 : memref<96x196xf32, #tpu.memory_space<vmem>>)
    %dma_wait3A_3571 = arith.constant 288 : i32
    %dma_wait3A_3572 = arith.constant 0 : i32
    %dma_wait3A_3573 = tpu.memref_slice %arg3[%select_n3A_3418, %select_n3A_3434, %dma_wait3A_3571, %dma_wait3A_3572] : memref<8x32x384x196xf32, #tpu.memory_space<hbm>> -> memref<1x1x96x196xf32, #tpu.memory_space<hbm>>
    %dma_wait3A_3574 = tpu.memref_squeeze %dma_wait3A_3573 : memref<1x1x96x196xf32, #tpu.memory_space<hbm>> -> memref<96x196xf32, #tpu.memory_space<hbm>>
    %dma_wait3A_3575 = arith.constant 288 : i32
    %dma_wait3A_3576 = arith.constant 0 : i32
    %dma_wait3A_3577 = tpu.memref_slice %arg3[%select_n3A_3418, %select_n3A_3434, %dma_wait3A_3575, %dma_wait3A_3576] : memref<8x32x384x196xf32, #tpu.memory_space<hbm>> -> memref<1x1x96x196xf32, #tpu.memory_space<hbm>>
    %dma_wait3A_3578 = tpu.memref_squeeze %dma_wait3A_3577 : memref<1x1x96x196xf32, #tpu.memory_space<hbm>> -> memref<96x196xf32, #tpu.memory_space<hbm>>
    tpu.wait_dma2 semaphore(%arg15 : memref<!tpu.dma_semaphore, #tpu.memory_space<semaphore_mem>>) src(%arg7 : memref<96x196xf32, #tpu.memory_space<vmem>>) dst(%dma_wait3A_3578 : memref<96x196xf32, #tpu.memory_space<hbm>>)
    %add3A_3579 = arith.constant 7 : i32
    %add3A_3580 = arith.addi %mul3A_2, %add3A_3579 : i32
    %jit3A_3581 = arith.constant 32 : i32
    %div3A_3582 = arith.divsi %add3A_3580, %jit3A_3581 : i32
    %sign3A_3583 = arith.constant 0 : i32
    %sign3A_3584 = arith.cmpi sgt, %add3A_3580, %sign3A_3583 : i32
    %sign3A_3585 = arith.extui %sign3A_3584 : i1 to i32
    %sign3A_3586 = arith.constant 0 : i32
    %sign3A_3587 = arith.cmpi slt, %add3A_3580, %sign3A_3586 : i32
    %sign3A_3588 = arith.extui %sign3A_3587 : i1 to i32
    %sign3A_3589 = arith.subi %sign3A_3585, %sign3A_3588 : i32
    %sign3A_3590 = arith.constant 0 : i32
    %sign3A_3591 = arith.cmpi sgt, %jit3A_3581, %sign3A_3590 : i32
    %sign3A_3592 = arith.extui %sign3A_3591 : i1 to i32
    %sign3A_3593 = arith.constant 0 : i32
    %sign3A_3594 = arith.cmpi slt, %jit3A_3581, %sign3A_3593 : i32
    %sign3A_3595 = arith.extui %sign3A_3594 : i1 to i32
    %sign3A_3596 = arith.subi %sign3A_3592, %sign3A_3595 : i32
    %ne3A_3597 = arith.cmpi ne, %sign3A_3589, %sign3A_3596 : i32
    %rem3A_3598 = arith.remsi %add3A_3580, %jit3A_3581 : i32
    %ne3A_3599 = arith.constant 0 : i32
    %ne3A_3600 = arith.cmpi ne, %rem3A_3598, %ne3A_3599 : i32
    %and3A_3601 = arith.andi %ne3A_3597, %ne3A_3600 : i1
    %sub3A_3602 = arith.constant 1 : i32
    %sub3A_3603 = arith.subi %div3A_3582, %sub3A_3602 : i32
    %select_n3A_3604 = arith.select %and3A_3601, %sub3A_3603, %div3A_3582 : i32
    %jit3A_3605 = arith.constant 32 : i32
    %eq3A_3606 = arith.constant 0 : i32
    %eq3A_3607 = arith.cmpi eq, %jit3A_3605, %eq3A_3606 : i32
    %jit3A_3608 = arith.constant 1 : i32
    %select_n3A_3609 = arith.select %eq3A_3607, %jit3A_3608, %jit3A_3605 : i32
    %rem3A_3610 = arith.remsi %add3A_3580, %select_n3A_3609 : i32
    %ne3A_3611 = arith.constant 0 : i32
    %ne3A_3612 = arith.cmpi ne, %rem3A_3610, %ne3A_3611 : i32
    %lt3A_3613 = arith.constant 0 : i32
    %lt3A_3614 = arith.cmpi slt, %rem3A_3610, %lt3A_3613 : i32
    %lt3A_3615 = arith.constant 0 : i32
    %lt3A_3616 = arith.cmpi slt, %select_n3A_3609, %lt3A_3615 : i32
    %ne3A_3617 = arith.xori %lt3A_3614, %lt3A_3616 : i1
    %and3A_3618 = arith.andi %ne3A_3617, %ne3A_3612 : i1
    %add3A_3619 = arith.addi %rem3A_3610, %select_n3A_3609 : i32
    %select_n3A_3620 = arith.select %and3A_3618, %add3A_3619, %rem3A_3610 : i32
    %mul3A_3621 = arith.constant 2 : i32
    %mul3A_3622 = arith.muli %mul3A_3621, %select_n3A_3620 : i32
    %add3A_3623 = arith.constant 1 : i32
    %add3A_3624 = arith.addi %mul3A_3622, %add3A_3623 : i32
    %dma_start3A_3625 = arith.constant 96 : i32
    %dma_start3A_3626 = arith.constant 0 : i32
    %dma_start3A_3627 = tpu.memref_slice %arg2[%select_n3A_3604, %add3A_3624, %dma_start3A_3625, %dma_start3A_3626] : memref<8x64x192x196xf32, #tpu.memory_space<hbm>> -> memref<1x1x96x196xf32, #tpu.memory_space<hbm>>
    %dma_start3A_3628 = tpu.memref_squeeze %dma_start3A_3627 : memref<1x1x96x196xf32, #tpu.memory_space<hbm>> -> memref<96x196xf32, #tpu.memory_space<hbm>>
    %dma_start3A_3629 = arith.constant 96 : i32
    %dma_start3A_3630 = arith.constant 0 : i32
    %dma_start3A_3631 = tpu.memref_slice %arg2[%select_n3A_3604, %add3A_3624, %dma_start3A_3629, %dma_start3A_3630] : memref<8x64x192x196xf32, #tpu.memory_space<hbm>> -> memref<1x1x96x196xf32, #tpu.memory_space<hbm>>
    %dma_start3A_3632 = tpu.memref_squeeze %dma_start3A_3631 : memref<1x1x96x196xf32, #tpu.memory_space<hbm>> -> memref<96x196xf32, #tpu.memory_space<hbm>>
    tpu.enqueue_dma source(%dma_start3A_3632 : memref<96x196xf32, #tpu.memory_space<hbm>>) target(%arg7 : memref<96x196xf32, #tpu.memory_space<vmem>>) target_semaphore(%arg11 : memref<!tpu.dma_semaphore, #tpu.memory_space<semaphore_mem>>)
    %add3A_3633 = arith.constant 7 : i32
    %add3A_3634 = arith.addi %mul3A_2, %add3A_3633 : i32
    %jit3A_3635 = arith.constant 32 : i32
    %div3A_3636 = arith.divsi %add3A_3634, %jit3A_3635 : i32
    %sign3A_3637 = arith.constant 0 : i32
    %sign3A_3638 = arith.cmpi sgt, %add3A_3634, %sign3A_3637 : i32
    %sign3A_3639 = arith.extui %sign3A_3638 : i1 to i32
    %sign3A_3640 = arith.constant 0 : i32
    %sign3A_3641 = arith.cmpi slt, %add3A_3634, %sign3A_3640 : i32
    %sign3A_3642 = arith.extui %sign3A_3641 : i1 to i32
    %sign3A_3643 = arith.subi %sign3A_3639, %sign3A_3642 : i32
    %sign3A_3644 = arith.constant 0 : i32
    %sign3A_3645 = arith.cmpi sgt, %jit3A_3635, %sign3A_3644 : i32
    %sign3A_3646 = arith.extui %sign3A_3645 : i1 to i32
    %sign3A_3647 = arith.constant 0 : i32
    %sign3A_3648 = arith.cmpi slt, %jit3A_3635, %sign3A_3647 : i32
    %sign3A_3649 = arith.extui %sign3A_3648 : i1 to i32
    %sign3A_3650 = arith.subi %sign3A_3646, %sign3A_3649 : i32
    %ne3A_3651 = arith.cmpi ne, %sign3A_3643, %sign3A_3650 : i32
    %rem3A_3652 = arith.remsi %add3A_3634, %jit3A_3635 : i32
    %ne3A_3653 = arith.constant 0 : i32
    %ne3A_3654 = arith.cmpi ne, %rem3A_3652, %ne3A_3653 : i32
    %and3A_3655 = arith.andi %ne3A_3651, %ne3A_3654 : i1
    %sub3A_3656 = arith.constant 1 : i32
    %sub3A_3657 = arith.subi %div3A_3636, %sub3A_3656 : i32
    %select_n3A_3658 = arith.select %and3A_3655, %sub3A_3657, %div3A_3636 : i32
    %jit3A_3659 = arith.constant 32 : i32
    %eq3A_3660 = arith.constant 0 : i32
    %eq3A_3661 = arith.cmpi eq, %jit3A_3659, %eq3A_3660 : i32
    %jit3A_3662 = arith.constant 1 : i32
    %select_n3A_3663 = arith.select %eq3A_3661, %jit3A_3662, %jit3A_3659 : i32
    %rem3A_3664 = arith.remsi %add3A_3634, %select_n3A_3663 : i32
    %ne3A_3665 = arith.constant 0 : i32
    %ne3A_3666 = arith.cmpi ne, %rem3A_3664, %ne3A_3665 : i32
    %lt3A_3667 = arith.constant 0 : i32
    %lt3A_3668 = arith.cmpi slt, %rem3A_3664, %lt3A_3667 : i32
    %lt3A_3669 = arith.constant 0 : i32
    %lt3A_3670 = arith.cmpi slt, %select_n3A_3663, %lt3A_3669 : i32
    %ne3A_3671 = arith.xori %lt3A_3668, %lt3A_3670 : i1
    %and3A_3672 = arith.andi %ne3A_3671, %ne3A_3666 : i1
    %add3A_3673 = arith.addi %rem3A_3664, %select_n3A_3663 : i32
    %select_n3A_3674 = arith.select %and3A_3672, %add3A_3673, %rem3A_3664 : i32
    %dma_start3A_3675 = arith.constant 96 : i32
    %dma_start3A_3676 = arith.constant 0 : i32
    %dma_start3A_3677 = tpu.memref_slice %arg3[%select_n3A_3658, %select_n3A_3674, %dma_start3A_3675, %dma_start3A_3676] : memref<8x32x384x196xf32, #tpu.memory_space<hbm>> -> memref<1x1x96x196xf32, #tpu.memory_space<hbm>>
    %dma_start3A_3678 = tpu.memref_squeeze %dma_start3A_3677 : memref<1x1x96x196xf32, #tpu.memory_space<hbm>> -> memref<96x196xf32, #tpu.memory_space<hbm>>
    %dma_start3A_3679 = arith.constant 96 : i32
    %dma_start3A_3680 = arith.constant 0 : i32
    %dma_start3A_3681 = tpu.memref_slice %arg3[%select_n3A_3658, %select_n3A_3674, %dma_start3A_3679, %dma_start3A_3680] : memref<8x32x384x196xf32, #tpu.memory_space<hbm>> -> memref<1x1x96x196xf32, #tpu.memory_space<hbm>>
    %dma_start3A_3682 = tpu.memref_squeeze %dma_start3A_3681 : memref<1x1x96x196xf32, #tpu.memory_space<hbm>> -> memref<96x196xf32, #tpu.memory_space<hbm>>
    tpu.enqueue_dma source(%arg5 : memref<96x196xf32, #tpu.memory_space<vmem>>) target(%dma_start3A_3682 : memref<96x196xf32, #tpu.memory_space<hbm>>) target_semaphore(%arg13 : memref<!tpu.dma_semaphore, #tpu.memory_space<semaphore_mem>>)
    %dma_wait3A_3683 = arith.constant 0 : i32
    %dma_wait3A_3684 = arith.constant 0 : i32
    %dma_wait3A_3685 = tpu.memref_slice %arg2[%select_n3A_3484, %add3A_3504, %dma_wait3A_3683, %dma_wait3A_3684] : memref<8x64x192x196xf32, #tpu.memory_space<hbm>> -> memref<1x1x96x196xf32, #tpu.memory_space<hbm>>
    %dma_wait3A_3686 = tpu.memref_squeeze %dma_wait3A_3685 : memref<1x1x96x196xf32, #tpu.memory_space<hbm>> -> memref<96x196xf32, #tpu.memory_space<hbm>>
    %dma_wait3A_3687 = arith.constant 0 : i32
    %dma_wait3A_3688 = arith.constant 0 : i32
    %dma_wait3A_3689 = tpu.memref_slice %arg2[%select_n3A_3484, %add3A_3504, %dma_wait3A_3687, %dma_wait3A_3688] : memref<8x64x192x196xf32, #tpu.memory_space<hbm>> -> memref<1x1x96x196xf32, #tpu.memory_space<hbm>>
    %dma_wait3A_3690 = tpu.memref_squeeze %dma_wait3A_3689 : memref<1x1x96x196xf32, #tpu.memory_space<hbm>> -> memref<96x196xf32, #tpu.memory_space<hbm>>
    tpu.wait_dma2 semaphore(%arg10 : memref<!tpu.dma_semaphore, #tpu.memory_space<semaphore_mem>>) src(%dma_wait3A_3690 : memref<96x196xf32, #tpu.memory_space<hbm>>) dst(%arg6 : memref<96x196xf32, #tpu.memory_space<vmem>>)
    %add3A_3691 = arith.constant 7 : i32
    %add3A_3692 = arith.addi %mul3A_2, %add3A_3691 : i32
    %jit3A_3693 = arith.constant 32 : i32
    %div3A_3694 = arith.divsi %add3A_3692, %jit3A_3693 : i32
    %sign3A_3695 = arith.constant 0 : i32
    %sign3A_3696 = arith.cmpi sgt, %add3A_3692, %sign3A_3695 : i32
    %sign3A_3697 = arith.extui %sign3A_3696 : i1 to i32
    %sign3A_3698 = arith.constant 0 : i32
    %sign3A_3699 = arith.cmpi slt, %add3A_3692, %sign3A_3698 : i32
    %sign3A_3700 = arith.extui %sign3A_3699 : i1 to i32
    %sign3A_3701 = arith.subi %sign3A_3697, %sign3A_3700 : i32
    %sign3A_3702 = arith.constant 0 : i32
    %sign3A_3703 = arith.cmpi sgt, %jit3A_3693, %sign3A_3702 : i32
    %sign3A_3704 = arith.extui %sign3A_3703 : i1 to i32
    %sign3A_3705 = arith.constant 0 : i32
    %sign3A_3706 = arith.cmpi slt, %jit3A_3693, %sign3A_3705 : i32
    %sign3A_3707 = arith.extui %sign3A_3706 : i1 to i32
    %sign3A_3708 = arith.subi %sign3A_3704, %sign3A_3707 : i32
    %ne3A_3709 = arith.cmpi ne, %sign3A_3701, %sign3A_3708 : i32
    %rem3A_3710 = arith.remsi %add3A_3692, %jit3A_3693 : i32
    %ne3A_3711 = arith.constant 0 : i32
    %ne3A_3712 = arith.cmpi ne, %rem3A_3710, %ne3A_3711 : i32
    %and3A_3713 = arith.andi %ne3A_3709, %ne3A_3712 : i1
    %sub3A_3714 = arith.constant 1 : i32
    %sub3A_3715 = arith.subi %div3A_3694, %sub3A_3714 : i32
    %select_n3A_3716 = arith.select %and3A_3713, %sub3A_3715, %div3A_3694 : i32
    %jit3A_3717 = arith.constant 32 : i32
    %eq3A_3718 = arith.constant 0 : i32
    %eq3A_3719 = arith.cmpi eq, %jit3A_3717, %eq3A_3718 : i32
    %jit3A_3720 = arith.constant 1 : i32
    %select_n3A_3721 = arith.select %eq3A_3719, %jit3A_3720, %jit3A_3717 : i32
    %rem3A_3722 = arith.remsi %add3A_3692, %select_n3A_3721 : i32
    %ne3A_3723 = arith.constant 0 : i32
    %ne3A_3724 = arith.cmpi ne, %rem3A_3722, %ne3A_3723 : i32
    %lt3A_3725 = arith.constant 0 : i32
    %lt3A_3726 = arith.cmpi slt, %rem3A_3722, %lt3A_3725 : i32
    %lt3A_3727 = arith.constant 0 : i32
    %lt3A_3728 = arith.cmpi slt, %select_n3A_3721, %lt3A_3727 : i32
    %ne3A_3729 = arith.xori %lt3A_3726, %lt3A_3728 : i1
    %and3A_3730 = arith.andi %ne3A_3729, %ne3A_3724 : i1
    %add3A_3731 = arith.addi %rem3A_3722, %select_n3A_3721 : i32
    %select_n3A_3732 = arith.select %and3A_3730, %add3A_3731, %rem3A_3722 : i32
    %dma_start3A_3733 = arith.constant 192 : i32
    %dma_start3A_3734 = arith.constant 0 : i32
    %dma_start3A_3735 = tpu.memref_slice %arg3[%select_n3A_3716, %select_n3A_3732, %dma_start3A_3733, %dma_start3A_3734] : memref<8x32x384x196xf32, #tpu.memory_space<hbm>> -> memref<1x1x96x196xf32, #tpu.memory_space<hbm>>
    %dma_start3A_3736 = tpu.memref_squeeze %dma_start3A_3735 : memref<1x1x96x196xf32, #tpu.memory_space<hbm>> -> memref<96x196xf32, #tpu.memory_space<hbm>>
    %dma_start3A_3737 = arith.constant 192 : i32
    %dma_start3A_3738 = arith.constant 0 : i32
    %dma_start3A_3739 = tpu.memref_slice %arg3[%select_n3A_3716, %select_n3A_3732, %dma_start3A_3737, %dma_start3A_3738] : memref<8x32x384x196xf32, #tpu.memory_space<hbm>> -> memref<1x1x96x196xf32, #tpu.memory_space<hbm>>
    %dma_start3A_3740 = tpu.memref_squeeze %dma_start3A_3739 : memref<1x1x96x196xf32, #tpu.memory_space<hbm>> -> memref<96x196xf32, #tpu.memory_space<hbm>>
    tpu.enqueue_dma source(%arg6 : memref<96x196xf32, #tpu.memory_space<vmem>>) target(%dma_start3A_3740 : memref<96x196xf32, #tpu.memory_space<hbm>>) target_semaphore(%arg14 : memref<!tpu.dma_semaphore, #tpu.memory_space<semaphore_mem>>)
    %dma_wait3A_3741 = arith.constant 96 : i32
    %dma_wait3A_3742 = arith.constant 0 : i32
    %dma_wait3A_3743 = tpu.memref_slice %arg2[%select_n3A_3604, %add3A_3624, %dma_wait3A_3741, %dma_wait3A_3742] : memref<8x64x192x196xf32, #tpu.memory_space<hbm>> -> memref<1x1x96x196xf32, #tpu.memory_space<hbm>>
    %dma_wait3A_3744 = tpu.memref_squeeze %dma_wait3A_3743 : memref<1x1x96x196xf32, #tpu.memory_space<hbm>> -> memref<96x196xf32, #tpu.memory_space<hbm>>
    %dma_wait3A_3745 = arith.constant 96 : i32
    %dma_wait3A_3746 = arith.constant 0 : i32
    %dma_wait3A_3747 = tpu.memref_slice %arg2[%select_n3A_3604, %add3A_3624, %dma_wait3A_3745, %dma_wait3A_3746] : memref<8x64x192x196xf32, #tpu.memory_space<hbm>> -> memref<1x1x96x196xf32, #tpu.memory_space<hbm>>
    %dma_wait3A_3748 = tpu.memref_squeeze %dma_wait3A_3747 : memref<1x1x96x196xf32, #tpu.memory_space<hbm>> -> memref<96x196xf32, #tpu.memory_space<hbm>>
    tpu.wait_dma2 semaphore(%arg11 : memref<!tpu.dma_semaphore, #tpu.memory_space<semaphore_mem>>) src(%dma_wait3A_3748 : memref<96x196xf32, #tpu.memory_space<hbm>>) dst(%arg7 : memref<96x196xf32, #tpu.memory_space<vmem>>)
    %add3A_3749 = arith.constant 7 : i32
    %add3A_3750 = arith.addi %mul3A_2, %add3A_3749 : i32
    %jit3A_3751 = arith.constant 32 : i32
    %div3A_3752 = arith.divsi %add3A_3750, %jit3A_3751 : i32
    %sign3A_3753 = arith.constant 0 : i32
    %sign3A_3754 = arith.cmpi sgt, %add3A_3750, %sign3A_3753 : i32
    %sign3A_3755 = arith.extui %sign3A_3754 : i1 to i32
    %sign3A_3756 = arith.constant 0 : i32
    %sign3A_3757 = arith.cmpi slt, %add3A_3750, %sign3A_3756 : i32
    %sign3A_3758 = arith.extui %sign3A_3757 : i1 to i32
    %sign3A_3759 = arith.subi %sign3A_3755, %sign3A_3758 : i32
    %sign3A_3760 = arith.constant 0 : i32
    %sign3A_3761 = arith.cmpi sgt, %jit3A_3751, %sign3A_3760 : i32
    %sign3A_3762 = arith.extui %sign3A_3761 : i1 to i32
    %sign3A_3763 = arith.constant 0 : i32
    %sign3A_3764 = arith.cmpi slt, %jit3A_3751, %sign3A_3763 : i32
    %sign3A_3765 = arith.extui %sign3A_3764 : i1 to i32
    %sign3A_3766 = arith.subi %sign3A_3762, %sign3A_3765 : i32
    %ne3A_3767 = arith.cmpi ne, %sign3A_3759, %sign3A_3766 : i32
    %rem3A_3768 = arith.remsi %add3A_3750, %jit3A_3751 : i32
    %ne3A_3769 = arith.constant 0 : i32
    %ne3A_3770 = arith.cmpi ne, %rem3A_3768, %ne3A_3769 : i32
    %and3A_3771 = arith.andi %ne3A_3767, %ne3A_3770 : i1
    %sub3A_3772 = arith.constant 1 : i32
    %sub3A_3773 = arith.subi %div3A_3752, %sub3A_3772 : i32
    %select_n3A_3774 = arith.select %and3A_3771, %sub3A_3773, %div3A_3752 : i32
    %jit3A_3775 = arith.constant 32 : i32
    %eq3A_3776 = arith.constant 0 : i32
    %eq3A_3777 = arith.cmpi eq, %jit3A_3775, %eq3A_3776 : i32
    %jit3A_3778 = arith.constant 1 : i32
    %select_n3A_3779 = arith.select %eq3A_3777, %jit3A_3778, %jit3A_3775 : i32
    %rem3A_3780 = arith.remsi %add3A_3750, %select_n3A_3779 : i32
    %ne3A_3781 = arith.constant 0 : i32
    %ne3A_3782 = arith.cmpi ne, %rem3A_3780, %ne3A_3781 : i32
    %lt3A_3783 = arith.constant 0 : i32
    %lt3A_3784 = arith.cmpi slt, %rem3A_3780, %lt3A_3783 : i32
    %lt3A_3785 = arith.constant 0 : i32
    %lt3A_3786 = arith.cmpi slt, %select_n3A_3779, %lt3A_3785 : i32
    %ne3A_3787 = arith.xori %lt3A_3784, %lt3A_3786 : i1
    %and3A_3788 = arith.andi %ne3A_3787, %ne3A_3782 : i1
    %add3A_3789 = arith.addi %rem3A_3780, %select_n3A_3779 : i32
    %select_n3A_3790 = arith.select %and3A_3788, %add3A_3789, %rem3A_3780 : i32
    %dma_start3A_3791 = arith.constant 288 : i32
    %dma_start3A_3792 = arith.constant 0 : i32
    %dma_start3A_3793 = tpu.memref_slice %arg3[%select_n3A_3774, %select_n3A_3790, %dma_start3A_3791, %dma_start3A_3792] : memref<8x32x384x196xf32, #tpu.memory_space<hbm>> -> memref<1x1x96x196xf32, #tpu.memory_space<hbm>>
    %dma_start3A_3794 = tpu.memref_squeeze %dma_start3A_3793 : memref<1x1x96x196xf32, #tpu.memory_space<hbm>> -> memref<96x196xf32, #tpu.memory_space<hbm>>
    %dma_start3A_3795 = arith.constant 288 : i32
    %dma_start3A_3796 = arith.constant 0 : i32
    %dma_start3A_3797 = tpu.memref_slice %arg3[%select_n3A_3774, %select_n3A_3790, %dma_start3A_3795, %dma_start3A_3796] : memref<8x32x384x196xf32, #tpu.memory_space<hbm>> -> memref<1x1x96x196xf32, #tpu.memory_space<hbm>>
    %dma_start3A_3798 = tpu.memref_squeeze %dma_start3A_3797 : memref<1x1x96x196xf32, #tpu.memory_space<hbm>> -> memref<96x196xf32, #tpu.memory_space<hbm>>
    tpu.enqueue_dma source(%arg7 : memref<96x196xf32, #tpu.memory_space<vmem>>) target(%dma_start3A_3798 : memref<96x196xf32, #tpu.memory_space<hbm>>) target_semaphore(%arg15 : memref<!tpu.dma_semaphore, #tpu.memory_space<semaphore_mem>>)
    %dma_wait3A_3799 = arith.constant 0 : i32
    %dma_wait3A_3800 = arith.constant 0 : i32
    %dma_wait3A_3801 = tpu.memref_slice %arg3[%select_n3A_3538, %select_n3A_3554, %dma_wait3A_3799, %dma_wait3A_3800] : memref<8x32x384x196xf32, #tpu.memory_space<hbm>> -> memref<1x1x96x196xf32, #tpu.memory_space<hbm>>
    %dma_wait3A_3802 = tpu.memref_squeeze %dma_wait3A_3801 : memref<1x1x96x196xf32, #tpu.memory_space<hbm>> -> memref<96x196xf32, #tpu.memory_space<hbm>>
    %dma_wait3A_3803 = arith.constant 0 : i32
    %dma_wait3A_3804 = arith.constant 0 : i32
    %dma_wait3A_3805 = tpu.memref_slice %arg3[%select_n3A_3538, %select_n3A_3554, %dma_wait3A_3803, %dma_wait3A_3804] : memref<8x32x384x196xf32, #tpu.memory_space<hbm>> -> memref<1x1x96x196xf32, #tpu.memory_space<hbm>>
    %dma_wait3A_3806 = tpu.memref_squeeze %dma_wait3A_3805 : memref<1x1x96x196xf32, #tpu.memory_space<hbm>> -> memref<96x196xf32, #tpu.memory_space<hbm>>
    tpu.wait_dma2 semaphore(%arg12 : memref<!tpu.dma_semaphore, #tpu.memory_space<semaphore_mem>>) src(%arg4 : memref<96x196xf32, #tpu.memory_space<vmem>>) dst(%dma_wait3A_3806 : memref<96x196xf32, #tpu.memory_space<hbm>>)
    %dma_wait3A_3807 = arith.constant 96 : i32
    %dma_wait3A_3808 = arith.constant 0 : i32
    %dma_wait3A_3809 = tpu.memref_slice %arg3[%select_n3A_3658, %select_n3A_3674, %dma_wait3A_3807, %dma_wait3A_3808] : memref<8x32x384x196xf32, #tpu.memory_space<hbm>> -> memref<1x1x96x196xf32, #tpu.memory_space<hbm>>
    %dma_wait3A_3810 = tpu.memref_squeeze %dma_wait3A_3809 : memref<1x1x96x196xf32, #tpu.memory_space<hbm>> -> memref<96x196xf32, #tpu.memory_space<hbm>>
    %dma_wait3A_3811 = arith.constant 96 : i32
    %dma_wait3A_3812 = arith.constant 0 : i32
    %dma_wait3A_3813 = tpu.memref_slice %arg3[%select_n3A_3658, %select_n3A_3674, %dma_wait3A_3811, %dma_wait3A_3812] : memref<8x32x384x196xf32, #tpu.memory_space<hbm>> -> memref<1x1x96x196xf32, #tpu.memory_space<hbm>>
    %dma_wait3A_3814 = tpu.memref_squeeze %dma_wait3A_3813 : memref<1x1x96x196xf32, #tpu.memory_space<hbm>> -> memref<96x196xf32, #tpu.memory_space<hbm>>
    tpu.wait_dma2 semaphore(%arg13 : memref<!tpu.dma_semaphore, #tpu.memory_space<semaphore_mem>>) src(%arg5 : memref<96x196xf32, #tpu.memory_space<vmem>>) dst(%dma_wait3A_3814 : memref<96x196xf32, #tpu.memory_space<hbm>>)
    %dma_wait3A_3815 = arith.constant 192 : i32
    %dma_wait3A_3816 = arith.constant 0 : i32
    %dma_wait3A_3817 = tpu.memref_slice %arg3[%select_n3A_3716, %select_n3A_3732, %dma_wait3A_3815, %dma_wait3A_3816] : memref<8x32x384x196xf32, #tpu.memory_space<hbm>> -> memref<1x1x96x196xf32, #tpu.memory_space<hbm>>
    %dma_wait3A_3818 = tpu.memref_squeeze %dma_wait3A_3817 : memref<1x1x96x196xf32, #tpu.memory_space<hbm>> -> memref<96x196xf32, #tpu.memory_space<hbm>>
    %dma_wait3A_3819 = arith.constant 192 : i32
    %dma_wait3A_3820 = arith.constant 0 : i32
    %dma_wait3A_3821 = tpu.memref_slice %arg3[%select_n3A_3716, %select_n3A_3732, %dma_wait3A_3819, %dma_wait3A_3820] : memref<8x32x384x196xf32, #tpu.memory_space<hbm>> -> memref<1x1x96x196xf32, #tpu.memory_space<hbm>>
    %dma_wait3A_3822 = tpu.memref_squeeze %dma_wait3A_3821 : memref<1x1x96x196xf32, #tpu.memory_space<hbm>> -> memref<96x196xf32, #tpu.memory_space<hbm>>
    tpu.wait_dma2 semaphore(%arg14 : memref<!tpu.dma_semaphore, #tpu.memory_space<semaphore_mem>>) src(%arg6 : memref<96x196xf32, #tpu.memory_space<vmem>>) dst(%dma_wait3A_3822 : memref<96x196xf32, #tpu.memory_space<hbm>>)
    %dma_wait3A_3823 = arith.constant 288 : i32
    %dma_wait3A_3824 = arith.constant 0 : i32
    %dma_wait3A_3825 = tpu.memref_slice %arg3[%select_n3A_3774, %select_n3A_3790, %dma_wait3A_3823, %dma_wait3A_3824] : memref<8x32x384x196xf32, #tpu.memory_space<hbm>> -> memref<1x1x96x196xf32, #tpu.memory_space<hbm>>
    %dma_wait3A_3826 = tpu.memref_squeeze %dma_wait3A_3825 : memref<1x1x96x196xf32, #tpu.memory_space<hbm>> -> memref<96x196xf32, #tpu.memory_space<hbm>>
    %dma_wait3A_3827 = arith.constant 288 : i32
    %dma_wait3A_3828 = arith.constant 0 : i32
    %dma_wait3A_3829 = tpu.memref_slice %arg3[%select_n3A_3774, %select_n3A_3790, %dma_wait3A_3827, %dma_wait3A_3828] : memref<8x32x384x196xf32, #tpu.memory_space<hbm>> -> memref<1x1x96x196xf32, #tpu.memory_space<hbm>>
    %dma_wait3A_3830 = tpu.memref_squeeze %dma_wait3A_3829 : memref<1x1x96x196xf32, #tpu.memory_space<hbm>> -> memref<96x196xf32, #tpu.memory_space<hbm>>
    tpu.wait_dma2 semaphore(%arg15 : memref<!tpu.dma_semaphore, #tpu.memory_space<semaphore_mem>>) src(%arg7 : memref<96x196xf32, #tpu.memory_space<vmem>>) dst(%dma_wait3A_3830 : memref<96x196xf32, #tpu.memory_space<hbm>>)
    return
  }
}

</mosaic_0001>

<sc_bundles>
// kernel: kernel.3.cloned.1.call-start
scs
__scs_entry_jumppad:
0x0: {  	(pc) =	sbr.rel $0x88, $3  }
0x1: {  	(tag) =	ssettag $0x0;
	lr =	simm.s32 $0x1  }
0x2: {  	[smem:$0x3FA0] =	sst lr;
	_ =	strace $0xD0000000  }
0x3: {  	_ = 	snop  }
0x4: {  	_ = 	snop  }
0x5: {  	_ = 	snop  }
0x6: {  	_ = 	snop  }
0x7: {  	_ = 	snop  }
__scs_overlays_trampoline_lowered:
0x8: {  	[smem:$0x3FAF] =	sst s0  }
0x9: {  	[smem:$0x3FB0] =	sst s1  }
0xa: {  	[smem:$0x3FB1] =	sst s2  }
0xb: {  	[smem:$0x3FB2] =	sst s3  }
0xc: {  	[smem:$0x3FB3] =	sst s4  }
0xd: {  	[smem:$0x3FB4] =	sst s5  }
0xe: {  	[smem:$0x3FB5] =	sst s6  }
0xf: {  	[smem:$0x3FB6] =	sst s7  }
0x10: {  	[smem:$0x3FB7] =	sst s8  }
0x11: {  	[smem:$0x3FB8] =	sst s9;
	s0 =	simm.s32 @!p0 $0x0  }
0x12: {  	s1 =	sld [smem:$0x3F9E];
	s0 =	simm.s32 @p0 $0x1  }
0x13: {  	[smem:$0x3FB9] =	sst s0;
	s0 =	simm.s32 @!p1 $0x0  }
0x14: {  	s2 =	sld [smem:$0x3F9D];
	s0 =	simm.s32 @p1 $0x1  }
0x15: {  	[smem:$0x3FBA] =	sst s0;
	s0 =	simm.s32 @!p2 $0x0  }
0x16: {  	s3 =	sld [smem:$0x3FDB];
	s0 =	simm.s32 @p2 $0x1  }
0x17: {  	s4 =	simm.s32 $0x1BF5;
	[smem:$0x3FBC] =	sst s0  }
0x18: {  	s0 =	sld [smem:$0x3F9F];
	_ =	swait.ge [sflag:s4], $0x0  }
0x19: {  	s7 =	sld [smem:$0x3FA0]  }
0x1a: {  	s8 =	sadd.s32 $0xFFFFE003, lr  }
0x1b: {  	s9 =	sadd.s32 $0xFFFFFEF7, lr;
	s5 =	simm.s32 $0xFFFFFFFF;
	p2 =	slt.u32 s8, $0xFFFFF086  }
0x1c: {  	p1 =	slt.u32 s9, $0xF7A;
	s5 =	simm.s32 @!p2 $0x0  }
0x1d: {  	s5 =	simm.s32 @p1 $0x1;
	p0 =	seq.s32 s7, s2  }
0x1e: {  	s7 =	smul.u32 @!p0 $0xF7A, s2;
	p2 =	seq.s32 @!p0 s5, $0x0  }
0x1f: {  	s9 =	smul.u32 $0xF7A, s1;
	s8 =	simm.s32 @!p0 $0x1BF5;
	p2 =	por !p2, p0  }
0x20: {  	[sflag:s8] =	ssyncset.s32 @!p0 $0xFFFFF086;
	s6 =	sadd.s32 @!p0 s3, s7;
	s7 =	simm.s32 @!p0 $0x108  }
0x21: {  	s3 =	sadd.s32 s3, s9;
	s6 =	sadd.s32 @!p0 $0x88, s6;
	s7 =	simm.s32 @p2 $0x1082  }
0x22: {  	[simem:s7], [sflag:s8] =	dma.local @!p0 [hbm:s6], $0xF7A  }
0x23: {  	s9 =	sor.u32 $0xD0000000, s2;
	s6 =	simm.s32 $0x108;
	_ =	swait.ge @!p0 [sflag:s8], $0x0  }
0x24: {  	s3 =	sadd.s32 $0x88, s3;
	s6 =	simm.s32 @!p1 $0x1082;
	[sflag:s4] =	ssyncset.s32 $0xFFFFF086  }
0x25: {  	[simem:s6], [sflag:s4] =	dma.local [hbm:s3], $0xF7A  }
0x26: {  	[smem:$0x3FA0] =	sst s1;
	(tag) =	ssettag s2;
	_ =	strace s9  }
0x27: {  	s1 =	sld [smem:$0x3FB0]  }
0x28: {  	s2 =	sld [smem:$0x3FB1]  }
0x29: {  	s4 =	sld [smem:$0x3FB3]  }
0x2a: {  	p0 =	seq.s32 s5, $0x0;
	s5 =	sld [smem:$0x3FB4]  }
0x2b: {  	s6 =	sld [smem:$0x3FB5]  }
0x2c: {  	s7 =	sld [smem:$0x3FB6]  }
0x2d: {  	s3 =	simm.s32 $0x108;
	s8 =	sld [smem:$0x3FB7]  }
0x2e: {  	s3 =	simm.s32 @!p0 $0x1082;
	s9 =	sld [smem:$0x3FB8]  }
0x2f: {  	lr =	sadd.s32 s0, s3;
	s0 =	sld [smem:$0x3FAF]  }
0x30: {  	s3 =	sld [smem:$0x3FB2]  }
0x31: {  	[smem:$0x3FBB] =	sst s10  }
0x32: {  	s10 =	sld [smem:$0x3FB9];
	_ =	sdelay $0x3  }
0x33: {  	p0 =	seq.s32 s10, $0x1;
	s10 =	sld [smem:$0x3FBB];
	_ =	sdelay $0x3  }
0x34: {  	[smem:$0x3FBB] =	sst s10  }
0x35: {  	s10 =	sld [smem:$0x3FBA];
	_ =	sdelay $0x3  }
0x36: {  	p1 =	seq.s32 s10, $0x1;
	s10 =	sld [smem:$0x3FBB];
	_ =	sdelay $0x3  }
0x37: {  	[smem:$0x3FBB] =	sst s10  }
0x38: {  	s10 =	sld [smem:$0x3FBC]  }
0x39: {  	_ = 	snop;
	(pc) =	sbr.ind lr, $3  }
0x3a: {  	_ = 	snop  }
0x3b: {  	_ = 	snop  }
0x3c: {  	p2 =	seq.s32 s10, $0x1;
	s10 =	sld [smem:$0x3FBB]  }
0x3d: {  	_ =	shalt  }
0x3e: {  	_ =	shalt  }
0x3f: {  	_ =	shalt  }
0x40: {  	_ =	shalt  }
0x41: {  	_ =	shalt  }
0x42: {  	_ =	shalt  }
0x43: {  	_ =	shalt  }
0x44: {  	_ =	shalt  }
0x45: {  	_ =	shalt  }
0x46: {  	_ =	shalt  }
0x47: {  	_ =	shalt  }
0x48: {  	_ =	shalt  }
0x49: {  	_ =	shalt  }
0x4a: {  	_ =	shalt  }
0x4b: {  	_ =	shalt  }
0x4c: {  	_ =	shalt  }
0x4d: {  	_ =	shalt  }
0x4e: {  	_ =	shalt  }
0x4f: {  	_ =	shalt  }
0x50: {  	_ =	shalt  }
0x51: {  	_ =	shalt  }
0x52: {  	_ =	shalt  }
0x53: {  	_ =	shalt  }
0x54: {  	_ =	shalt  }
0x55: {  	_ =	shalt  }
0x56: {  	_ =	shalt  }
0x57: {  	_ =	shalt  }
0x58: {  	_ =	shalt  }
0x59: {  	_ =	shalt  }
0x5a: {  	_ =	shalt  }
0x5b: {  	_ =	shalt  }
0x5c: {  	_ =	shalt  }
0x5d: {  	_ =	shalt  }
0x5e: {  	_ =	shalt  }
0x5f: {  	_ =	shalt  }
0x60: {  	_ =	shalt  }
0x61: {  	_ =	shalt  }
0x62: {  	_ =	shalt  }
0x63: {  	_ =	shalt  }
0x64: {  	_ =	shalt  }
0x65: {  	_ =	shalt  }
0x66: {  	_ =	shalt  }
0x67: {  	_ =	shalt  }
0x68: {  	_ =	shalt  }
0x69: {  	_ =	shalt  }
0x6a: {  	_ =	shalt  }
0x6b: {  	_ =	shalt  }
0x6c: {  	_ =	shalt  }
0x6d: {  	_ =	shalt  }
0x6e: {  	_ =	shalt  }
0x6f: {  	_ =	shalt  }
0x70: {  	_ =	shalt  }
0x71: {  	_ =	shalt  }
0x72: {  	_ =	shalt  }
0x73: {  	_ =	shalt  }
0x74: {  	_ =	shalt  }
0x75: {  	_ =	shalt  }
0x76: {  	_ =	shalt  }
0x77: {  	_ =	shalt  }
0x78: {  	_ =	shalt  }
0x79: {  	_ =	shalt  }
0x7a: {  	_ =	shalt  }
0x7b: {  	_ =	shalt  }
0x7c: {  	_ =	shalt  }
0x7d: {  	_ =	shalt  }
0x7e: {  	_ =	shalt  }
0x7f: {  	_ =	shalt  }
0x80: {  	_ =	shalt  }
0x81: {  	_ =	shalt  }
0x82: {  	_ =	shalt  }
0x83: {  	_ =	shalt  }
0x84: {  	_ =	shalt  }
0x85: {  	_ =	shalt  }
0x86: {  	_ =	shalt  }
0x87: {  	_ =	shalt  }
.Lfunc_end0:
.L_simem_size_0:
called_computation.1_lowered:
.L_overlay_start_0:
0x88: {  	s2 =	sld [smem:$0x3FD9]  }
0x89: {  	s3 =	sld [smem:$0x3FFE];
	_ =	sdelay $0x1  }
0x8a: {  	s1 =	srdreg.scid  }
0x8b: {  	s0 =	sand.u32 $0x1, s1  }
0x8c: {  	s17 =	sshll.u32 s0, $0xA;
	s2 =	sadd.s32 s3, s2  }
0x8d: {  	s2 =	sadd.s32 s2, s17  }
0x8e: {  	[smem:$0x3FC7] =	sst s2  }
0x8f: {  	_ = 	snop  }
0x90: {  	s2 =	sld [smem:$0x3FC9];
	(tm) =	ssettm $0x1  }
0x91: {  	s18 =	sld [smem:$0x3FFB];
	_ =	sdelay $0x3  }
0x92: {  	_ =	strace s18  }
0x93: {  	s3 =	sld [smem:$0x3FFC];
	_ =	sdelay $0x3  }
0x94: {  	_ =	strace s3  }
0x95: {  	s3 =	sld [smem:$0x3FFD];
	_ =	sdelay $0x3  }
0x96: {  	_ =	strace s3  }
0x97: {  	_ =	strace $0x8FFFFFFF  }
0x98: {  	s19 =	sld [smem:$0x3FDB];
	_ =	sdelay $0x1  }
0x99: {  	s4 =	simm.s32 $_scs_section_size  }
0x9a: {  	s5 =	simm.s32 $_size__tile_overlayer_lowered;
	s6 =	simm.s32 $_tile_overlayer_lowered  }
0x9b: {  	s22 =	simm.s32 $0x1BFF;
	s21 =	sshll.u32 s6, $0x1;
	s3 =	sadd.s32 s4, s19  }
0x9c: {  	s7 =	simm.s32 $0x0;
	s20 =	sshll.u32 s5, $0x1;
	s5 =	sadd.s32 s21, s3  }
0x9d: {  	[timem:s7], [sflag:s22] =	dma.local [hbm:s5], s20  }
0x9e: {  	_ =	swait.ge [sflag:s22], s20  }
0x9f: {  	s4 =	ssub.s32 $0x0, s20;
	[sflag:s22] =	ssyncset.done $0x0  }
0xa0: {  	[sflag:s22] =	ssyncadd.s32 s4;
	_ =	sdelay $0x1  }
0xa1: {  	s23 =	simm.s32 $0x1B8B  }
0xa2: {  	_ =	swait.ge [sflag:s23], $0x1  }
0xa3: {  	[sflag:s23] =	ssyncset.done $0x0  }
0xa4: {  	s25 =	simm.s32 $0x1B8E;
	s24 =	sld [smem:$0x3FFE];
	[sflag:s23] =	ssyncadd.s32 $0xFFFFFFFF  }
0xa5: {  	s26 =	simm.s32 $execute0_lowered;
	[smem:$0x3FD2] =	sst s25  }
0xa6: {  	s5 =	sshll.u32 s26, $0x1;
	_ =	strace $0x80000046;
	[dreg:$0x1] =	wrdreg $0xFFFFFFFF  }
0xa7: {  	s28 =	simm.s32 $_size_execute0_lowered;
	s3 =	sadd.s32 s3, s5;
	[dreg:$0x0] =	wrdreg $0x0  }
0xa8: {  	s5 =	sshll.u32 s28, $0x1;
	[dreg:$0x2] =	wrdreg s3  }
0xa9: {  	[dreg:$0x3] =	wrdreg s5  }
0xaa: {  	[dreg:$0x4] =	wrdreg $0xC0  }
0xab: {  	_ =	task [dreg:s7], $0x5FFFF  }
0xac: {  	[dreg:$0x1] =	wrdreg $0xFFFFFFFF  }
0xad: {  	[dreg:$0x0] =	wrdreg $0x60  }
0xae: {  	[dreg:$0x2] =	wrdreg s2  }
0xaf: {  	[dreg:$0x3] =	wrdreg s24  }
0xb0: {  	[dreg:$0x4] =	wrdreg $0x9  }
0xb1: {  	_ =	task.clear_ibuf [dreg:s7], $0x5FFFF;
	_ =	strace $0x90000046  }
0xb2: {  	s29 =	simm.s32 $0x9;
	_ =	strace $0x80000048  }
0xb3: {  	_ =	swait.ge [sflag:s29], $0x1  }
0xb4: {  	[sflag:s29] =	ssyncadd.s32 $0xFFFFFFFF  }
0xb5: {  	_ =	strace $0x90000048  }
0xb6: {  	_ =	sfence  }
0xb7: {  	s30 =	sld [smem:$0x0];
	_ =	sdelay $0x2  }
0xb8: {  	s31 =	sshll.u32 s1, $0xD;
	s1 =	sshrl.u32 s1, $0x2  }
0xb9: {  	s3 =	sand.u32 $0x4000, s31;
	s1 =	sadd.s32 s1, s30  }
0xba: {  	s0 =	sor.u32 s3, s0;
	s1 =	sshll.u32 s1, $0x11  }
0xbb: {  	s0 =	sor.u32 s1, s0  }
0xbc: {  	s0 =	sadd.s32 $0x8F2B, s0  }
0xbd: {  	[sflag:s0] =	ssyncadd.remote.s32 $0x1  }
0xbe: {  	_ =	sfence.sel $0xFFFF  }
0xbf: {  	[dreg:$0x0] =	wrdreg $0xFFFFFFFF;
	(pc) =	sbr.abs _section_cstart, $3  }
0xc0: {  	[dreg:$0x1] =	wrdreg $0xFFFFFFFF  }
0xc1: {  	_ =	task.clear_ibuf [dreg:s7], $0x2FFFF;
	_ =	strace $0x9FFFFFFF  }
0xc2: {  	(tm) =	ssettm $0x7FFFFFFF  }
0xc3: {  	_ =	shalt  }
tec
execute0_lowered:
.L_overlay_start_1:
0x0: {  	(tag) =	ssettag $0x1  }
0x1: {  	s1 =	srdreg.scid;
	s0 =	stileid.u32  }
0x2: {  	s5 =	sand.u32 $0x1, s1;
	s20 =	sshll.u32 s0, $0x4  }
0x3: {  	s3 =	sshrl.u32 s0, $0x1;
	s2 =	sshll.u32 s5, $0x3;
	s1 =	sand.u32 $0x10, s20  }
0x4: {  	s3 =	smul.u32 $0x300000, s3;
	s2 =	sor.u32 s2, s1  }
0x5: {  	s6 =	rddreg [dreg:$0x1];
	s4 =	smul.u32 $0x18000, s2;
	s2 =	simm.s32 $0x0  }
0x6: {  	[smem:$0x7FF] =	sst s2  }
0x7: {  	s1 =	rddreg [dreg:$0x0];
	s7 =	sadd.s32 s3, s4;
	_ =	strace $0x80000047  }
0x8: {  	s3 =	sadd.s32 $0x800, s6;
	s4 =	sshrl.u32 s7, $0x3;
	s9 =	sor.u32 $0xC000, s7  }
0x9: {  	s24 =	sor.u32 $0x18000, s7;
	s11 =	sor.u32 $0x24000, s7;
	s14 =	sor.u32 $0x30000, s7  }
0xa: {  	s8 =	sor.u32 $0xC00, s4;
	s9 =	sshrl.u32 s9, $0x3;
	s21 =	sadd.s32 s3, s4  }
0xb: {  	s25 =	sshrl.u32 s24, $0x3;
	s10 =	sadd.s32 s1, s8;
	[dreg:$0x4] =	wrdreg s21  }
0xc: {  	s15 =	sshrl.u32 s14, $0x3;
	s8 =	sadd.s32 s3, s8;
	[dreg:$0x3] =	wrdreg s10  }
0xd: {  	s22 =	sadd.s32 s1, s9;
	s16 =	sadd.s32 s1, s15;
	[dreg:$0x6] =	wrdreg s8  }
0xe: {  	s11 =	sshrl.u32 s11, $0x3;
	s23 =	sadd.s32 $0xC00, s22;
	[dreg:$0xd] =	wrdreg s16  }
0xf: {  	s0 =	sor.u32 $0xC00, s25;
	s10 =	sadd.s32 s1, s25;
	[dreg:$0x5] =	wrdreg s23  }
0x10: {  	s29 =	sadd.s32 s1, s11;
	s12 =	sadd.s32 s1, s0;
	[dreg:$0x7] =	wrdreg s10  }
0x11: {  	s30 =	sadd.s32 s3, s25;
	s11 =	sadd.s32 $0xC00, s29;
	[dreg:$0x9] =	wrdreg s12  }
0x12: {  	s17 =	sor.u32 $0xC00, s15;
	s9 =	sadd.s32 $0x1800, s30;
	[dreg:$0xb] =	wrdreg s11  }
0x13: {  	s19 =	sadd.s32 s1, s17;
	[dreg:$0xe] =	wrdreg s9  }
0x14: {  	s8 =	sadd.s32 $0x2000, s6;
	s20 =	sadd.s32 $0x2400, s30;
	[dreg:$0xf] =	wrdreg s19  }
0x15: {  	s6 =	sadd.s32 $0x2C00, s6;
	s26 =	sadd.s32 s4, s8;
	[dreg:$0x10] =	wrdreg s20  }
0x16: {  	p0 =	por $0x0, $0x0;
	s13 =	sadd.s32 s4, s6;
	[dreg:$0x8] =	wrdreg s26  }
0x17: {  	s5 =	ssub.s32 $0x2, s5;
	s10 =	sadd.s32 s3, s0;
	[dreg:$0xa] =	wrdreg s13  }
0x18: {  	s18 =	sor.u32 $0x3C000, s7;
	s23 =	sadd.s32 s3, s17;
	[dreg:$0xc] =	wrdreg s10  }
0x19: {  	s28 =	sadd.s32 s3, s15;
	s25 =	sadd.s32 s15, s8;
	[dreg:$0x12] =	wrdreg s23  }
0x1a: {  	s16 =	sadd.s32 $0xA800, s4;
	s15 =	sadd.s32 $0x2400, s28;
	[dreg:$0x14] =	wrdreg s25  }
0x1b: {  	s31 =	sadd.s32 s1, s4;
	s17 =	sadd.s32 s1, s16;
	[dreg:$0x16] =	wrdreg s15  }
0x1c: {  	s0 =	sadd.s32 $0x9C00, s4;
	s19 =	sadd.s32 $0xB400, s31;
	[dreg:$0x17] =	wrdreg s17  }
0x1d: {  	s12 =	sshrl.u32 s18, $0x3;
	s14 =	sadd.s32 s1, s0;
	[dreg:$0x19] =	wrdreg s19  }
0x1e: {  	s11 =	simm.s32 $0xC000;
	s20 =	sadd.s32 s3, s0;
	[dreg:$0x15] =	wrdreg s14  }
0x1f: {  	s26 =	sadd.s32 s1, s12;
	s23 =	sadd.s32 s3, s16;
	[dreg:$0x1a] =	wrdreg s20  }
0x20: {  	s10 =	sadd.s32 $0x9000, s4;
	s21 =	sadd.s32 $0xC00, s26;
	[dreg:$0x1c] =	wrdreg s23  }
0x21: {  	s9 =	simm.s32 $0x12000;
	s24 =	sadd.s32 s1, s10;
	[dreg:$0x11] =	wrdreg s21  }
0x22: {  	s13 =	sadd.s32 $0x60000, s7;
	s18 =	sadd.s32 s3, s10;
	[dreg:$0x13] =	wrdreg s24  }
0x23: {  	s12 =	sshrl.u32 s13, $0x3;
	s10 =	sadd.s32 s10, s6;
	[dreg:$0x18] =	wrdreg s18  }
0x24: {  	s0 =	sadd.s32 $0x6C000, s7;
	s21 =	sadd.s32 s1, s12;
	[dreg:$0x1e] =	wrdreg s10  }
0x25: {  	s17 =	sadd.s32 $0xF000, s4;
	s14 =	sadd.s32 s3, s12;
	[dreg:$0x1b] =	wrdreg s21  }
0x26: {  	s13 =	sshrl.u32 s0, $0x3;
	s18 =	sadd.s32 s1, s17;
	[dreg:$0x1f] =	wrdreg s14  }
0x27: {  	s20 =	sadd.s32 $0xFC00, s4;
	s19 =	sadd.s32 s12, s8;
	[smem:$0x7EE] =	sst s18  }
0x28: {  	s24 =	sor.u32 $0xC00, s12;
	s23 =	sadd.s32 s12, s6;
	[smem:$0x7EF] =	sst s19  }
0x29: {  	s12 =	sadd.s32 $0x15000, s4;
	s25 =	sadd.s32 s1, s24;
	[smem:$0x7F1] =	sst s23  }
0x2a: {  	s16 =	sadd.s32 s3, s24;
	s21 =	sadd.s32 s1, s20;
	[dreg:$0x1d] =	wrdreg s25  }
0x2b: {  	s24 =	sadd.s32 $0x10800, s4;
	s14 =	sadd.s32 $0x11400, s4;
	[smem:$0x7ED] =	sst s16  }
0x2c: {  	s25 =	sadd.s32 s1, s13;
	[smem:$0x7F0] =	sst s21;
	s0 =	sadd.s32 s1, s24  }
0x2d: {  	s13 =	sadd.s32 s3, s17;
	s16 =	sadd.s32 $0x90000, s7;
	[smem:$0x7F2] =	sst s0  }
0x2e: {  	s17 =	sadd.s32 s3, s20;
	s20 =	sadd.s32 s3, s24;
	[smem:$0x7F3] =	sst s13  }
0x2f: {  	s7 =	sadd.s32 $0x9C000, s7;
	s15 =	sadd.s32 $0xC00, s25;
	[smem:$0x7F5] =	sst s17  }
0x30: {  	s18 =	sshrl.u32 s16, $0x3;
	[smem:$0x7F7] =	sst s20;
	s7 =	sshrl.u32 s7, $0x3  }
0x31: {  	s0 =	sadd.s32 s3, s14;
	s13 =	sshrl.u32 s5, $0x1;
	s16 =	sadd.s32 $0x15C00, s4  }
0x32: {  	s4 =	sadd.s32 $0x16800, s4;
	s20 =	simm.s32 $0x2;
	[smem:$0x7EC] =	sst s15  }
0x33: {  	s15 =	sadd.s32 s1, s14;
	s19 =	sadd.s32 s1, s18;
	s21 =	sor.u32 $0xC00, s18  }
0x34: {  	s23 =	sadd.s32 s1, s7;
	[smem:$0x7F9] =	sst s0;
	s14 =	sadd.s32 s1, s12  }
0x35: {  	s5 =	ssub.s32 s5, s13;
	s13 =	simm.s32 $0x6000;
	[smem:$0x7F4] =	sst s15  }
0x36: {  	[smem:$0x7F6] =	sst s19;
	s24 =	sadd.s32 s1, s21;
	s7 =	sadd.s32 $0xC00, s23  }
0x37: {  	s10 =	sadd.s32 s3, s21;
	[smem:$0x7FC] =	sst s14;
	s15 =	sadd.s32 s18, s8  }
0x38: {  	s14 =	sadd.s32 s1, s4;
	s8 =	sadd.s32 s3, s16;
	s4 =	sadd.s32 s3, s4  }
0x39: {  	s17 =	smax.u32 s5, $0x1;
	s21 =	simm.s32 $0x1;
	[smem:$0x7F8] =	sst s24  }
0x3a: {  	s5 =	simm.s32 $0x8;
	[smem:$0x7FA] =	sst s7;
	p1 =	sne.s32 s17, $0x1  }
.Ltmp0:
0x3b: {  	[smem:$0x7FB] =	sst s10;
	s24 =	sadd.s32 s3, s18;
	(pc) =	sbr.rel @!p1 .LBB2_5-.Ltmp0, $4  }
0x3c: {  	[smem:$0x7FD] =	sst s15;
	s18 =	sadd.s32 s1, s16;
	s15 =	sadd.s32 s3, s12  }
0x3d: {  	s7 =	sadd.s32 $0x17400, s31;
	s3 =	sadd.s32 s12, s6;
	s0 =	sadd.s32 $0xFFFFFFFF, s17  }
0x3e: {  	s17 =	simm.s32 $0x3;
	s12 =	simm.s32 $0x5;
	s16 =	simm.s32 $0x4  }
0x3f: {  	s10 =	simm.s32 $0x6;
	s6 =	simm.s32 $0x7;
	s19 =	sadd.s32 $0x2400, s24  }
0x40: {  	[smem:$0x7EA] =	sst s0  }
0x41: {  	[tilespmem:s2], [sflag:$0x1] =	stream.linear.gather [hbm4b:s31+s2], $0x6000, $0x38;
	[tilespmem:$0x18000] =	vst v63  }
0x42: {  	s1 =	rddreg [dreg:$0x3]  }
0x43: {  	[tilespmem:s13], [sflag:$0x2] =	stream.linear.gather [hbm4b:s1+s2], $0x6000, $0x38;
	[tilespmem:$0x18000] =	vst v63  }
0x44: {  	_ =	swait.ge [sflag:s21], $0x6000  }
0x45: {  	[sflag:s21] =	ssyncset.done $0x0  }
0x46: {  	[sflag:s21] =	ssyncadd.s32 $0xFFFFA000  }
0x47: {  	[tilespmem:s11], [sflag:$0x3] =	stream.linear.gather [hbm4b:s22+s2], $0x6000, $0x38;
	[tilespmem:$0x18000] =	vst v63  }
0x48: {  	s1 =	rddreg [dreg:$0x4]  }
0x49: {  	[hbm4b:s1+s2] =	stream.linear.scatter [tilespmem:s2], [sflag:$0x5], $0x6000, $0x38;
	[tilespmem:$0x18000] =	vst v63  }
0x4a: {  	_ =	swait.ge [sflag:s20], $0x6000  }
0x4b: {  	[sflag:s20] =	ssyncset.done $0x0  }
0x4c: {  	s0 =	rddreg [dreg:$0x5];
	[sflag:s20] =	ssyncadd.s32 $0xFFFFA000  }
0x4d: {  	[tilespmem:s9], [sflag:$0x4] =	stream.linear.gather [hbm4b:s0+s2], $0x6000, $0x38;
	[tilespmem:$0x18000] =	vst v63  }
0x4e: {  	s1 =	rddreg [dreg:$0x6]  }
0x4f: {  	[hbm4b:s1+s2] =	stream.linear.scatter [tilespmem:s13], [sflag:$0x6], $0x6000, $0x38;
	[tilespmem:$0x18000] =	vst v63  }
0x50: {  	_ =	swait.ge [sflag:s17], $0x6000  }
0x51: {  	[sflag:s17] =	ssyncset.done $0x0  }
0x52: {  	[sflag:s17] =	ssyncadd.s32 $0xFFFFA000  }
0x53: {  	_ =	swait.ge [sflag:s12], $0x6000  }
0x54: {  	[sflag:s12] =	ssyncset.done $0x0  }
0x55: {  	s0 =	rddreg [dreg:$0x7];
	[sflag:s12] =	ssyncadd.s32 $0xFFFFA000  }
0x56: {  	[tilespmem:s2], [sflag:$0x1] =	stream.linear.gather [hbm4b:s0+s2], $0x6000, $0x38;
	[tilespmem:$0x18000] =	vst v63  }
0x57: {  	s1 =	rddreg [dreg:$0x8]  }
0x58: {  	[hbm4b:s1+s2] =	stream.linear.scatter [tilespmem:s11], [sflag:$0x7], $0x6000, $0x38;
	[tilespmem:$0x18000] =	vst v63  }
0x59: {  	_ =	swait.ge [sflag:s16], $0x6000  }
0x5a: {  	[sflag:s16] =	ssyncset.done $0x0  }
0x5b: {  	[sflag:s16] =	ssyncadd.s32 $0xFFFFA000  }
0x5c: {  	_ =	swait.ge [sflag:s10], $0x6000  }
0x5d: {  	[sflag:s10] =	ssyncset.done $0x0  }
0x5e: {  	s0 =	rddreg [dreg:$0x9];
	[sflag:s10] =	ssyncadd.s32 $0xFFFFA000  }
0x5f: {  	[tilespmem:s13], [sflag:$0x2] =	stream.linear.gather [hbm4b:s0+s2], $0x6000, $0x38;
	[tilespmem:$0x18000] =	vst v63  }
0x60: {  	s1 =	rddreg [dreg:$0xa]  }
0x61: {  	[hbm4b:s1+s2] =	stream.linear.scatter [tilespmem:s9], [sflag:$0x8], $0x6000, $0x38;
	[tilespmem:$0x18000] =	vst v63  }
0x62: {  	_ =	swait.ge [sflag:s21], $0x6000  }
0x63: {  	[sflag:s21] =	ssyncset.done $0x0  }
0x64: {  	[sflag:s21] =	ssyncadd.s32 $0xFFFFA000  }
0x65: {  	_ =	swait.ge [sflag:s6], $0x6000  }
0x66: {  	[sflag:s6] =	ssyncset.done $0x0  }
0x67: {  	[sflag:s6] =	ssyncadd.s32 $0xFFFFA000  }
0x68: {  	[tilespmem:s11], [sflag:$0x3] =	stream.linear.gather [hbm4b:s29+s2], $0x6000, $0x38;
	[tilespmem:$0x18000] =	vst v63  }
0x69: {  	_ = 	snop  }
0x6a: {  	[hbm4b:s30+s2] =	stream.linear.scatter [tilespmem:s2], [sflag:$0x5], $0x6000, $0x38;
	[tilespmem:$0x18000] =	vst v63  }
0x6b: {  	_ =	swait.ge [sflag:s20], $0x6000  }
0x6c: {  	[sflag:s20] =	ssyncset.done $0x0  }
0x6d: {  	[sflag:s20] =	ssyncadd.s32 $0xFFFFA000  }
0x6e: {  	_ =	swait.ge [sflag:s5], $0x6000  }
0x6f: {  	[sflag:s5] =	ssyncset.done $0x0  }
0x70: {  	s0 =	rddreg [dreg:$0xb];
	[sflag:s5] =	ssyncadd.s32 $0xFFFFA000  }
0x71: {  	[tilespmem:s9], [sflag:$0x4] =	stream.linear.gather [hbm4b:s0+s2], $0x6000, $0x38;
	[tilespmem:$0x18000] =	vst v63  }
0x72: {  	s1 =	rddreg [dreg:$0xc]  }
0x73: {  	[hbm4b:s1+s2] =	stream.linear.scatter [tilespmem:s13], [sflag:$0x6], $0x6000, $0x38;
	[tilespmem:$0x18000] =	vst v63  }
0x74: {  	_ =	swait.ge [sflag:s17], $0x6000  }
0x75: {  	[sflag:s17] =	ssyncset.done $0x0  }
0x76: {  	[sflag:s17] =	ssyncadd.s32 $0xFFFFA000  }
0x77: {  	_ =	swait.ge [sflag:s12], $0x6000  }
0x78: {  	[sflag:s12] =	ssyncset.done $0x0  }
0x79: {  	s0 =	rddreg [dreg:$0xd];
	[sflag:s12] =	ssyncadd.s32 $0xFFFFA000  }
0x7a: {  	[tilespmem:s2], [sflag:$0x1] =	stream.linear.gather [hbm4b:s0+s2], $0x6000, $0x38;
	[tilespmem:$0x18000] =	vst v63  }
0x7b: {  	s1 =	rddreg [dreg:$0xe]  }
0x7c: {  	[hbm4b:s1+s2] =	stream.linear.scatter [tilespmem:s11], [sflag:$0x7], $0x6000, $0x38;
	[tilespmem:$0x18000] =	vst v63  }
0x7d: {  	_ =	swait.ge [sflag:s16], $0x6000  }
0x7e: {  	[sflag:s16] =	ssyncset.done $0x0  }
0x7f: {  	[sflag:s16] =	ssyncadd.s32 $0xFFFFA000  }
0x80: {  	_ =	swait.ge [sflag:s10], $0x6000  }
0x81: {  	[sflag:s10] =	ssyncset.done $0x0  }
0x82: {  	s0 =	rddreg [dreg:$0xf];
	[sflag:s10] =	ssyncadd.s32 $0xFFFFA000  }
0x83: {  	[tilespmem:s13], [sflag:$0x2] =	stream.linear.gather [hbm4b:s0+s2], $0x6000, $0x38;
	[tilespmem:$0x18000] =	vst v63  }
0x84: {  	s1 =	rddreg [dreg:$0x10]  }
0x85: {  	[hbm4b:s1+s2] =	stream.linear.scatter [tilespmem:s9], [sflag:$0x8], $0x6000, $0x38;
	[tilespmem:$0x18000] =	vst v63  }
0x86: {  	_ =	swait.ge [sflag:s21], $0x6000  }
0x87: {  	[sflag:s21] =	ssyncset.done $0x0  }
0x88: {  	[sflag:s21] =	ssyncadd.s32 $0xFFFFA000  }
0x89: {  	_ =	swait.ge [sflag:s6], $0x6000  }
0x8a: {  	[sflag:s6] =	ssyncset.done $0x0  }
0x8b: {  	[sflag:s6] =	ssyncadd.s32 $0xFFFFA000  }
0x8c: {  	[tilespmem:s11], [sflag:$0x3] =	stream.linear.gather [hbm4b:s26+s2], $0x6000, $0x38;
	[tilespmem:$0x18000] =	vst v63  }
0x8d: {  	_ = 	snop  }
0x8e: {  	[hbm4b:s28+s2] =	stream.linear.scatter [tilespmem:s2], [sflag:$0x5], $0x6000, $0x38;
	[tilespmem:$0x18000] =	vst v63  }
0x8f: {  	_ =	swait.ge [sflag:s20], $0x6000  }
0x90: {  	[sflag:s20] =	ssyncset.done $0x0  }
0x91: {  	[sflag:s20] =	ssyncadd.s32 $0xFFFFA000  }
0x92: {  	_ =	swait.ge [sflag:s5], $0x6000  }
0x93: {  	[sflag:s5] =	ssyncset.done $0x0  }
0x94: {  	s0 =	rddreg [dreg:$0x11];
	[sflag:s5] =	ssyncadd.s32 $0xFFFFA000  }
0x95: {  	[tilespmem:s9], [sflag:$0x4] =	stream.linear.gather [hbm4b:s0+s2], $0x6000, $0x38;
	[tilespmem:$0x18000] =	vst v63  }
0x96: {  	s1 =	rddreg [dreg:$0x12]  }
0x97: {  	[hbm4b:s1+s2] =	stream.linear.scatter [tilespmem:s13], [sflag:$0x6], $0x6000, $0x38;
	[tilespmem:$0x18000] =	vst v63  }
0x98: {  	_ =	swait.ge [sflag:s17], $0x6000  }
0x99: {  	[sflag:s17] =	ssyncset.done $0x0  }
0x9a: {  	[sflag:s17] =	ssyncadd.s32 $0xFFFFA000  }
0x9b: {  	_ =	swait.ge [sflag:s12], $0x6000  }
0x9c: {  	[sflag:s12] =	ssyncset.done $0x0  }
0x9d: {  	s0 =	rddreg [dreg:$0x13];
	[sflag:s12] =	ssyncadd.s32 $0xFFFFA000  }
0x9e: {  	[tilespmem:s2], [sflag:$0x1] =	stream.linear.gather [hbm4b:s0+s2], $0x6000, $0x38;
	[tilespmem:$0x18000] =	vst v63  }
0x9f: {  	s1 =	rddreg [dreg:$0x14]  }
0xa0: {  	[hbm4b:s1+s2] =	stream.linear.scatter [tilespmem:s11], [sflag:$0x7], $0x6000, $0x38;
	[tilespmem:$0x18000] =	vst v63  }
0xa1: {  	_ =	swait.ge [sflag:s16], $0x6000  }
0xa2: {  	[sflag:s16] =	ssyncset.done $0x0  }
0xa3: {  	[sflag:s16] =	ssyncadd.s32 $0xFFFFA000  }
0xa4: {  	_ =	swait.ge [sflag:s10], $0x6000  }
0xa5: {  	[sflag:s10] =	ssyncset.done $0x0  }
0xa6: {  	s0 =	rddreg [dreg:$0x15];
	[sflag:s10] =	ssyncadd.s32 $0xFFFFA000  }
0xa7: {  	[tilespmem:s13], [sflag:$0x2] =	stream.linear.gather [hbm4b:s0+s2], $0x6000, $0x38;
	[tilespmem:$0x18000] =	vst v63  }
0xa8: {  	s1 =	rddreg [dreg:$0x16]  }
0xa9: {  	[hbm4b:s1+s2] =	stream.linear.scatter [tilespmem:s9], [sflag:$0x8], $0x6000, $0x38;
	[tilespmem:$0x18000] =	vst v63  }
0xaa: {  	_ =	swait.ge [sflag:s21], $0x6000  }
0xab: {  	[sflag:s21] =	ssyncset.done $0x0  }
0xac: {  	[sflag:s21] =	ssyncadd.s32 $0xFFFFA000  }
0xad: {  	_ =	swait.ge [sflag:s6], $0x6000  }
0xae: {  	[sflag:s6] =	ssyncset.done $0x0  }
0xaf: {  	s0 =	rddreg [dreg:$0x17];
	[sflag:s6] =	ssyncadd.s32 $0xFFFFA000  }
0xb0: {  	[tilespmem:s11], [sflag:$0x3] =	stream.linear.gather [hbm4b:s0+s2], $0x6000, $0x38;
	[tilespmem:$0x18000] =	vst v63  }
0xb1: {  	s1 =	rddreg [dreg:$0x18]  }
0xb2: {  	[hbm4b:s1+s2] =	stream.linear.scatter [tilespmem:s2], [sflag:$0x5], $0x6000, $0x38;
	[tilespmem:$0x18000] =	vst v63  }
0xb3: {  	_ =	swait.ge [sflag:s20], $0x6000  }
0xb4: {  	[sflag:s20] =	ssyncset.done $0x0  }
0xb5: {  	[sflag:s20] =	ssyncadd.s32 $0xFFFFA000  }
0xb6: {  	_ =	swait.ge [sflag:s5], $0x6000  }
0xb7: {  	[sflag:s5] =	ssyncset.done $0x0  }
0xb8: {  	s0 =	rddreg [dreg:$0x19];
	[sflag:s5] =	ssyncadd.s32 $0xFFFFA000  }
0xb9: {  	[tilespmem:s9], [sflag:$0x4] =	stream.linear.gather [hbm4b:s0+s2], $0x6000, $0x38;
	[tilespmem:$0x18000] =	vst v63  }
0xba: {  	s1 =	rddreg [dreg:$0x1a]  }
0xbb: {  	[hbm4b:s1+s2] =	stream.linear.scatter [tilespmem:s13], [sflag:$0x6], $0x6000, $0x38;
	[tilespmem:$0x18000] =	vst v63  }
0xbc: {  	_ =	swait.ge [sflag:s17], $0x6000  }
0xbd: {  	[sflag:s17] =	ssyncset.done $0x0  }
0xbe: {  	[sflag:s17] =	ssyncadd.s32 $0xFFFFA000  }
0xbf: {  	_ =	swait.ge [sflag:s12], $0x6000  }
0xc0: {  	[sflag:s12] =	ssyncset.done $0x0  }
0xc1: {  	s0 =	rddreg [dreg:$0x1b];
	[sflag:s12] =	ssyncadd.s32 $0xFFFFA000  }
0xc2: {  	[tilespmem:s2], [sflag:$0x1] =	stream.linear.gather [hbm4b:s0+s2], $0x6000, $0x38;
	[tilespmem:$0x18000] =	vst v63  }
0xc3: {  	s1 =	rddreg [dreg:$0x1c]  }
0xc4: {  	[hbm4b:s1+s2] =	stream.linear.scatter [tilespmem:s11], [sflag:$0x7], $0x6000, $0x38;
	[tilespmem:$0x18000] =	vst v63  }
0xc5: {  	_ =	swait.ge [sflag:s16], $0x6000  }
0xc6: {  	[sflag:s16] =	ssyncset.done $0x0  }
0xc7: {  	[sflag:s16] =	ssyncadd.s32 $0xFFFFA000  }
0xc8: {  	_ =	swait.ge [sflag:s10], $0x6000  }
0xc9: {  	[sflag:s10] =	ssyncset.done $0x0  }
0xca: {  	s0 =	rddreg [dreg:$0x1d];
	[sflag:s10] =	ssyncadd.s32 $0xFFFFA000  }
0xcb: {  	[tilespmem:s13], [sflag:$0x2] =	stream.linear.gather [hbm4b:s0+s2], $0x6000, $0x38;
	[tilespmem:$0x18000] =	vst v63  }
0xcc: {  	s1 =	rddreg [dreg:$0x1e]  }
0xcd: {  	[hbm4b:s1+s2] =	stream.linear.scatter [tilespmem:s9], [sflag:$0x8], $0x6000, $0x38;
	[tilespmem:$0x18000] =	vst v63  }
0xce: {  	_ =	swait.ge [sflag:s21], $0x6000  }
0xcf: {  	[sflag:s21] =	ssyncset.done $0x0  }
0xd0: {  	[sflag:s21] =	ssyncadd.s32 $0xFFFFA000  }
0xd1: {  	_ =	swait.ge [sflag:s6], $0x6000  }
0xd2: {  	[sflag:s6] =	ssyncset.done $0x0  }
0xd3: {  	[sflag:s6] =	ssyncadd.s32 $0xFFFFA000  }
0xd4: {  	[tilespmem:s11], [sflag:$0x3] =	stream.linear.gather [hbm4b:s25+s2], $0x6000, $0x38;
	[tilespmem:$0x18000] =	vst v63  }
0xd5: {  	s1 =	rddreg [dreg:$0x1f]  }
0xd6: {  	[hbm4b:s1+s2] =	stream.linear.scatter [tilespmem:s2], [sflag:$0x5], $0x6000, $0x38;
	[tilespmem:$0x18000] =	vst v63  }
0xd7: {  	_ =	swait.ge [sflag:s20], $0x6000  }
0xd8: {  	[sflag:s20] =	ssyncset.done $0x0  }
0xd9: {  	[sflag:s20] =	ssyncadd.s32 $0xFFFFA000  }
0xda: {  	_ =	swait.ge [sflag:s5], $0x6000  }
0xdb: {  	s0 =	sld [smem:$0x7EC]  }
0xdc: {  	[sflag:s5] =	ssyncset.done $0x0  }
0xdd: {  	s1 =	sld [smem:$0x7ED];
	[sflag:s5] =	ssyncadd.s32 $0xFFFFA000  }
0xde: {  	[tilespmem:s9], [sflag:$0x4] =	stream.linear.gather [hbm4b:s0+s2], $0x6000, $0x38;
	[tilespmem:$0x18000] =	vst v63  }
0xdf: {  	_ = 	snop  }
0xe0: {  	[hbm4b:s1+s2] =	stream.linear.scatter [tilespmem:s13], [sflag:$0x6], $0x6000, $0x38;
	[tilespmem:$0x18000] =	vst v63  }
0xe1: {  	_ =	swait.ge [sflag:s17], $0x6000  }
0xe2: {  	[sflag:s17] =	ssyncset.done $0x0  }
0xe3: {  	[sflag:s17] =	ssyncadd.s32 $0xFFFFA000  }
0xe4: {  	_ =	swait.ge [sflag:s12], $0x6000  }
0xe5: {  	s0 =	sld [smem:$0x7EE]  }
0xe6: {  	[sflag:s12] =	ssyncset.done $0x0  }
0xe7: {  	s1 =	sld [smem:$0x7EF];
	[sflag:s12] =	ssyncadd.s32 $0xFFFFA000  }
0xe8: {  	[tilespmem:s2], [sflag:$0x1] =	stream.linear.gather [hbm4b:s0+s2], $0x6000, $0x38;
	[tilespmem:$0x18000] =	vst v63  }
0xe9: {  	_ = 	snop  }
0xea: {  	[hbm4b:s1+s2] =	stream.linear.scatter [tilespmem:s11], [sflag:$0x7], $0x6000, $0x38;
	[tilespmem:$0x18000] =	vst v63  }
0xeb: {  	_ =	swait.ge [sflag:s16], $0x6000  }
0xec: {  	[sflag:s16] =	ssyncset.done $0x0  }
0xed: {  	[sflag:s16] =	ssyncadd.s32 $0xFFFFA000  }
0xee: {  	_ =	swait.ge [sflag:s10], $0x6000  }
0xef: {  	s0 =	sld [smem:$0x7F0]  }
0xf0: {  	[sflag:s10] =	ssyncset.done $0x0  }
0xf1: {  	s1 =	sld [smem:$0x7F1];
	[sflag:s10] =	ssyncadd.s32 $0xFFFFA000  }
0xf2: {  	[tilespmem:s13], [sflag:$0x2] =	stream.linear.gather [hbm4b:s0+s2], $0x6000, $0x38;
	[tilespmem:$0x18000] =	vst v63  }
0xf3: {  	_ = 	snop  }
0xf4: {  	[hbm4b:s1+s2] =	stream.linear.scatter [tilespmem:s9], [sflag:$0x8], $0x6000, $0x38;
	[tilespmem:$0x18000] =	vst v63  }
0xf5: {  	_ =	swait.ge [sflag:s21], $0x6000  }
0xf6: {  	[sflag:s21] =	ssyncset.done $0x0  }
0xf7: {  	[sflag:s21] =	ssyncadd.s32 $0xFFFFA000  }
0xf8: {  	_ =	swait.ge [sflag:s6], $0x6000  }
0xf9: {  	s0 =	sld [smem:$0x7F2]  }
0xfa: {  	[sflag:s6] =	ssyncset.done $0x0  }
0xfb: {  	s1 =	sld [smem:$0x7F3];
	[sflag:s6] =	ssyncadd.s32 $0xFFFFA000  }
0xfc: {  	[tilespmem:s11], [sflag:$0x3] =	stream.linear.gather [hbm4b:s0+s2], $0x6000, $0x38;
	[tilespmem:$0x18000] =	vst v63  }
0xfd: {  	_ = 	snop  }
0xfe: {  	[hbm4b:s1+s2] =	stream.linear.scatter [tilespmem:s2], [sflag:$0x5], $0x6000, $0x38;
	[tilespmem:$0x18000] =	vst v63  }
0xff: {  	_ =	swait.ge [sflag:s20], $0x6000  }
0x100: {  	[sflag:s20] =	ssyncset.done $0x0  }
0x101: {  	[sflag:s20] =	ssyncadd.s32 $0xFFFFA000  }
0x102: {  	_ =	swait.ge [sflag:s5], $0x6000  }
0x103: {  	s0 =	sld [smem:$0x7F4]  }
0x104: {  	[sflag:s5] =	ssyncset.done $0x0  }
0x105: {  	s1 =	sld [smem:$0x7F5];
	[sflag:s5] =	ssyncadd.s32 $0xFFFFA000  }
0x106: {  	[tilespmem:s9], [sflag:$0x4] =	stream.linear.gather [hbm4b:s0+s2], $0x6000, $0x38;
	[tilespmem:$0x18000] =	vst v63  }
0x107: {  	_ = 	snop  }
0x108: {  	[hbm4b:s1+s2] =	stream.linear.scatter [tilespmem:s13], [sflag:$0x6], $0x6000, $0x38;
	[tilespmem:$0x18000] =	vst v63  }
0x109: {  	_ =	swait.ge [sflag:s17], $0x6000  }
0x10a: {  	[sflag:s17] =	ssyncset.done $0x0  }
0x10b: {  	[sflag:s17] =	ssyncadd.s32 $0xFFFFA000  }
0x10c: {  	_ =	swait.ge [sflag:s12], $0x6000  }
0x10d: {  	s0 =	sld [smem:$0x7F6]  }
0x10e: {  	[sflag:s12] =	ssyncset.done $0x0  }
0x10f: {  	s1 =	sld [smem:$0x7F7];
	[sflag:s12] =	ssyncadd.s32 $0xFFFFA000  }
0x110: {  	[tilespmem:s2], [sflag:$0x1] =	stream.linear.gather [hbm4b:s0+s2], $0x6000, $0x38;
	[tilespmem:$0x18000] =	vst v63  }
0x111: {  	_ = 	snop  }
0x112: {  	[hbm4b:s1+s2] =	stream.linear.scatter [tilespmem:s11], [sflag:$0x7], $0x6000, $0x38;
	[tilespmem:$0x18000] =	vst v63  }
0x113: {  	_ =	swait.ge [sflag:s16], $0x6000  }
0x114: {  	[sflag:s16] =	ssyncset.done $0x0  }
0x115: {  	[sflag:s16] =	ssyncadd.s32 $0xFFFFA000  }
0x116: {  	_ =	swait.ge [sflag:s10], $0x6000  }
0x117: {  	s0 =	sld [smem:$0x7F8]  }
0x118: {  	[sflag:s10] =	ssyncset.done $0x0  }
0x119: {  	s1 =	sld [smem:$0x7F9];
	[sflag:s10] =	ssyncadd.s32 $0xFFFFA000  }
0x11a: {  	[tilespmem:s13], [sflag:$0x2] =	stream.linear.gather [hbm4b:s0+s2], $0x6000, $0x38;
	[tilespmem:$0x18000] =	vst v63  }
0x11b: {  	_ = 	snop  }
0x11c: {  	[hbm4b:s1+s2] =	stream.linear.scatter [tilespmem:s9], [sflag:$0x8], $0x6000, $0x38;
	[tilespmem:$0x18000] =	vst v63  }
0x11d: {  	_ =	swait.ge [sflag:s21], $0x6000  }
0x11e: {  	[sflag:s21] =	ssyncset.done $0x0  }
0x11f: {  	[sflag:s21] =	ssyncadd.s32 $0xFFFFA000  }
0x120: {  	_ =	swait.ge [sflag:s6], $0x6000  }
0x121: {  	[sflag:s6] =	ssyncset.done $0x0  }
0x122: {  	[sflag:s6] =	ssyncadd.s32 $0xFFFFA000  }
0x123: {  	[tilespmem:s11], [sflag:$0x3] =	stream.linear.gather [hbm4b:s23+s2], $0x6000, $0x38;
	[tilespmem:$0x18000] =	vst v63  }
0x124: {  	_ = 	snop  }
0x125: {  	[hbm4b:s24+s2] =	stream.linear.scatter [tilespmem:s2], [sflag:$0x5], $0x6000, $0x38;
	[tilespmem:$0x18000] =	vst v63  }
0x126: {  	_ =	swait.ge [sflag:s20], $0x6000  }
0x127: {  	[sflag:s20] =	ssyncset.done $0x0  }
0x128: {  	[sflag:s20] =	ssyncadd.s32 $0xFFFFA000  }
0x129: {  	_ =	swait.ge [sflag:s5], $0x6000  }
0x12a: {  	s0 =	sld [smem:$0x7FA]  }
0x12b: {  	[sflag:s5] =	ssyncset.done $0x0  }
0x12c: {  	s1 =	sld [smem:$0x7FB];
	[sflag:s5] =	ssyncadd.s32 $0xFFFFA000  }
0x12d: {  	[tilespmem:s9], [sflag:$0x4] =	stream.linear.gather [hbm4b:s0+s2], $0x6000, $0x38;
	[tilespmem:$0x18000] =	vst v63  }
0x12e: {  	_ = 	snop  }
0x12f: {  	[hbm4b:s1+s2] =	stream.linear.scatter [tilespmem:s13], [sflag:$0x6], $0x6000, $0x38;
	[tilespmem:$0x18000] =	vst v63  }
0x130: {  	_ =	swait.ge [sflag:s17], $0x6000  }
0x131: {  	[sflag:s17] =	ssyncset.done $0x0  }
0x132: {  	[sflag:s17] =	ssyncadd.s32 $0xFFFFA000  }
0x133: {  	_ =	swait.ge [sflag:s12], $0x6000  }
0x134: {  	s0 =	sld [smem:$0x7FC]  }
0x135: {  	[sflag:s12] =	ssyncset.done $0x0  }
0x136: {  	s1 =	sld [smem:$0x7FD];
	[sflag:s12] =	ssyncadd.s32 $0xFFFFA000  }
0x137: {  	[tilespmem:s2], [sflag:$0x1] =	stream.linear.gather [hbm4b:s0+s2], $0x6000, $0x38;
	[tilespmem:$0x18000] =	vst v63  }
0x138: {  	_ = 	snop  }
0x139: {  	[hbm4b:s1+s2] =	stream.linear.scatter [tilespmem:s11], [sflag:$0x7], $0x6000, $0x38;
	[tilespmem:$0x18000] =	vst v63  }
0x13a: {  	_ =	swait.ge [sflag:s16], $0x6000  }
0x13b: {  	[sflag:s16] =	ssyncset.done $0x0  }
0x13c: {  	[sflag:s16] =	ssyncadd.s32 $0xFFFFA000  }
0x13d: {  	_ =	swait.ge [sflag:s10], $0x6000  }
0x13e: {  	[sflag:s10] =	ssyncset.done $0x0  }
0x13f: {  	[sflag:s10] =	ssyncadd.s32 $0xFFFFA000  }
0x140: {  	[tilespmem:s13], [sflag:$0x2] =	stream.linear.gather [hbm4b:s18+s2], $0x6000, $0x38;
	[tilespmem:$0x18000] =	vst v63  }
0x141: {  	_ = 	snop  }
0x142: {  	[hbm4b:s19+s2] =	stream.linear.scatter [tilespmem:s9], [sflag:$0x8], $0x6000, $0x38;
	[tilespmem:$0x18000] =	vst v63  }
0x143: {  	_ =	swait.ge [sflag:s21], $0x6000  }
0x144: {  	[sflag:s21] =	ssyncset.done $0x0  }
0x145: {  	[sflag:s21] =	ssyncadd.s32 $0xFFFFA000  }
0x146: {  	_ =	swait.ge [sflag:s6], $0x6000  }
0x147: {  	[sflag:s6] =	ssyncset.done $0x0  }
0x148: {  	[sflag:s6] =	ssyncadd.s32 $0xFFFFA000  }
0x149: {  	[tilespmem:s11], [sflag:$0x3] =	stream.linear.gather [hbm4b:s14+s2], $0x6000, $0x38;
	[tilespmem:$0x18000] =	vst v63  }
0x14a: {  	_ = 	snop  }
0x14b: {  	[hbm4b:s15+s2] =	stream.linear.scatter [tilespmem:s2], [sflag:$0x5], $0x6000, $0x38;
	[tilespmem:$0x18000] =	vst v63  }
0x14c: {  	_ =	swait.ge [sflag:s20], $0x6000  }
0x14d: {  	[sflag:s20] =	ssyncset.done $0x0  }
0x14e: {  	[sflag:s20] =	ssyncadd.s32 $0xFFFFA000  }
0x14f: {  	_ =	swait.ge [sflag:s5], $0x6000  }
0x150: {  	[sflag:s5] =	ssyncset.done $0x0  }
0x151: {  	[sflag:s5] =	ssyncadd.s32 $0xFFFFA000  }
0x152: {  	[tilespmem:s9], [sflag:$0x4] =	stream.linear.gather [hbm4b:s7+s2], $0x6000, $0x38;
	[tilespmem:$0x18000] =	vst v63  }
0x153: {  	_ = 	snop  }
0x154: {  	[hbm4b:s8+s2] =	stream.linear.scatter [tilespmem:s13], [sflag:$0x6], $0x6000, $0x38;
	[tilespmem:$0x18000] =	vst v63  }
0x155: {  	_ =	swait.ge [sflag:s17], $0x6000  }
0x156: {  	[sflag:s17] =	ssyncset.done $0x0  }
0x157: {  	[sflag:s17] =	ssyncadd.s32 $0xFFFFA000  }
0x158: {  	[hbm4b:s4+s2] =	stream.linear.scatter [tilespmem:s11], [sflag:$0x7], $0x6000, $0x38;
	[tilespmem:$0x18000] =	vst v63  }
0x159: {  	_ =	swait.ge [sflag:s16], $0x6000  }
0x15a: {  	[sflag:s16] =	ssyncset.done $0x0  }
0x15b: {  	[sflag:s16] =	ssyncadd.s32 $0xFFFFA000  }
0x15c: {  	[hbm4b:s3+s2] =	stream.linear.scatter [tilespmem:s9], [sflag:$0x8], $0x6000, $0x38;
	[tilespmem:$0x18000] =	vst v63  }
0x15d: {  	_ =	swait.ge [sflag:s12], $0x6000  }
0x15e: {  	[sflag:s12] =	ssyncset.done $0x0  }
0x15f: {  	[sflag:s12] =	ssyncadd.s32 $0xFFFFA000  }
0x160: {  	_ =	swait.ge [sflag:s10], $0x6000  }
0x161: {  	[sflag:s10] =	ssyncset.done $0x0  }
0x162: {  	[sflag:s10] =	ssyncadd.s32 $0xFFFFA000  }
0x163: {  	_ =	swait.ge [sflag:s6], $0x6000  }
0x164: {  	s1 =	sld [smem:$0x7EA];
	_ =	sdelay $0x2  }
0x165: {  	p1 =	sne.s32 s1, $0x1  }
.Ltmp1:
0x166: {  	_ = 	snop;
	(pc) =	sbr.rel @!p1 .LBB2_2-.Ltmp1, $4  }
0x167: {  	[sflag:s6] =	ssyncset.done $0x0  }
0x168: {  	[sflag:s6] =	ssyncadd.s32 $0xFFFFA000  }
0x169: {  	p0 =	por $0x1, $0x1;
	_ =	swait.ge [sflag:s5], $0x6000  }
0x16a: {  	s1 =	sadd.s32 $0xFFFFFFFF, s1;
	[sflag:s5] =	ssyncset.done $0x0;
	[smem:$0x7EB] =	sst s26  }
.LBB2_3:
0x16b: {  	[sflag:s5] =	ssyncadd.s32 $0xFFFFA000  }
0x16c: {  	[tilespmem:s2], [sflag:$0x1] =	stream.linear.gather [hbm4b:s31+s2], $0x6000, $0x38;
	[tilespmem:$0x18000] =	vst v63  }
0x16d: {  	s0 =	rddreg [dreg:$0x3]  }
0x16e: {  	[tilespmem:s13], [sflag:$0x2] =	stream.linear.gather [hbm4b:s0+s2], $0x6000, $0x38;
	[tilespmem:$0x18000] =	vst v63  }
0x16f: {  	_ =	swait.ge [sflag:s21], $0x6000  }
0x170: {  	[sflag:s21] =	ssyncset.done $0x0  }
0x171: {  	[sflag:s21] =	ssyncadd.s32 $0xFFFFA000  }
0x172: {  	[tilespmem:s11], [sflag:$0x3] =	stream.linear.gather [hbm4b:s22+s2], $0x6000, $0x38;
	[tilespmem:$0x18000] =	vst v63  }
0x173: {  	s26 =	rddreg [dreg:$0x4]  }
0x174: {  	[hbm4b:s26+s2] =	stream.linear.scatter [tilespmem:s2], [sflag:$0x5], $0x6000, $0x38;
	[tilespmem:$0x18000] =	vst v63  }
0x175: {  	s26 =	smov.u32 s31;
	s31 =	smov.u32 s22;
	s22 =	smov.u32 s19  }
0x176: {  	s19 =	smov.u32 s18;
	s18 =	smov.u32 s15;
	_ =	swait.ge [sflag:s20], $0x6000  }
0x177: {  	s15 =	smov.u32 s14;
	s14 =	smov.u32 s8;
	[sflag:s20] =	ssyncset.done $0x0  }
0x178: {  	s8 =	smov.u32 s7;
	s0 =	rddreg [dreg:$0x5];
	[sflag:s20] =	ssyncadd.s32 $0xFFFFA000  }
0x179: {  	[tilespmem:s9], [sflag:$0x4] =	stream.linear.gather [hbm4b:s0+s2], $0x6000, $0x38;
	[tilespmem:$0x18000] =	vst v63  }
0x17a: {  	s7 =	smov.u32 s4;
	s4 =	smov.u32 s3;
	s3 =	rddreg [dreg:$0x6]  }
0x17b: {  	[hbm4b:s3+s2] =	stream.linear.scatter [tilespmem:s13], [sflag:$0x6], $0x6000, $0x38;
	[tilespmem:$0x18000] =	vst v63  }
0x17c: {  	_ =	swait.ge [sflag:s17], $0x6000  }
0x17d: {  	[sflag:s17] =	ssyncset.done $0x0  }
0x17e: {  	[sflag:s17] =	ssyncadd.s32 $0xFFFFA000  }
0x17f: {  	_ =	swait.ge [sflag:s12], $0x6000  }
0x180: {  	[sflag:s12] =	ssyncset.done $0x0  }
0x181: {  	s0 =	rddreg [dreg:$0x7];
	[sflag:s12] =	ssyncadd.s32 $0xFFFFA000  }
0x182: {  	[tilespmem:s2], [sflag:$0x1] =	stream.linear.gather [hbm4b:s0+s2], $0x6000, $0x38;
	[tilespmem:$0x18000] =	vst v63  }
0x183: {  	s3 =	rddreg [dreg:$0x8]  }
0x184: {  	[hbm4b:s3+s2] =	stream.linear.scatter [tilespmem:s11], [sflag:$0x7], $0x6000, $0x38;
	[tilespmem:$0x18000] =	vst v63  }
0x185: {  	_ =	swait.ge [sflag:s16], $0x6000  }
0x186: {  	[sflag:s16] =	ssyncset.done $0x0  }
0x187: {  	[sflag:s16] =	ssyncadd.s32 $0xFFFFA000  }
0x188: {  	_ =	swait.ge [sflag:s10], $0x6000  }
0x189: {  	[sflag:s10] =	ssyncset.done $0x0  }
0x18a: {  	s0 =	rddreg [dreg:$0x9];
	[sflag:s10] =	ssyncadd.s32 $0xFFFFA000  }
0x18b: {  	[tilespmem:s13], [sflag:$0x2] =	stream.linear.gather [hbm4b:s0+s2], $0x6000, $0x38;
	[tilespmem:$0x18000] =	vst v63  }
0x18c: {  	s3 =	rddreg [dreg:$0xa]  }
0x18d: {  	[hbm4b:s3+s2] =	stream.linear.scatter [tilespmem:s9], [sflag:$0x8], $0x6000, $0x38;
	[tilespmem:$0x18000] =	vst v63  }
0x18e: {  	_ =	swait.ge [sflag:s21], $0x6000  }
0x18f: {  	[sflag:s21] =	ssyncset.done $0x0  }
0x190: {  	[sflag:s21] =	ssyncadd.s32 $0xFFFFA000  }
0x191: {  	_ =	swait.ge [sflag:s6], $0x6000  }
0x192: {  	[sflag:s6] =	ssyncset.done $0x0  }
0x193: {  	[sflag:s6] =	ssyncadd.s32 $0xFFFFA000  }
0x194: {  	[tilespmem:s11], [sflag:$0x3] =	stream.linear.gather [hbm4b:s29+s2], $0x6000, $0x38;
	[tilespmem:$0x18000] =	vst v63  }
0x195: {  	_ = 	snop  }
0x196: {  	[hbm4b:s30+s2] =	stream.linear.scatter [tilespmem:s2], [sflag:$0x5], $0x6000, $0x38;
	[tilespmem:$0x18000] =	vst v63  }
0x197: {  	_ =	swait.ge [sflag:s20], $0x6000  }
0x198: {  	[sflag:s20] =	ssyncset.done $0x0  }
0x199: {  	[sflag:s20] =	ssyncadd.s32 $0xFFFFA000  }
0x19a: {  	_ =	swait.ge [sflag:s5], $0x6000  }
0x19b: {  	[sflag:s5] =	ssyncset.done $0x0  }
0x19c: {  	s0 =	rddreg [dreg:$0xb];
	[sflag:s5] =	ssyncadd.s32 $0xFFFFA000  }
0x19d: {  	[tilespmem:s9], [sflag:$0x4] =	stream.linear.gather [hbm4b:s0+s2], $0x6000, $0x38;
	[tilespmem:$0x18000] =	vst v63  }
0x19e: {  	s3 =	rddreg [dreg:$0xc]  }
0x19f: {  	[hbm4b:s3+s2] =	stream.linear.scatter [tilespmem:s13], [sflag:$0x6], $0x6000, $0x38;
	[tilespmem:$0x18000] =	vst v63  }
0x1a0: {  	_ =	swait.ge [sflag:s17], $0x6000  }
0x1a1: {  	[sflag:s17] =	ssyncset.done $0x0  }
0x1a2: {  	[sflag:s17] =	ssyncadd.s32 $0xFFFFA000  }
0x1a3: {  	_ =	swait.ge [sflag:s12], $0x6000  }
0x1a4: {  	[sflag:s12] =	ssyncset.done $0x0  }
0x1a5: {  	s0 =	rddreg [dreg:$0xd];
	[sflag:s12] =	ssyncadd.s32 $0xFFFFA000  }
0x1a6: {  	[tilespmem:s2], [sflag:$0x1] =	stream.linear.gather [hbm4b:s0+s2], $0x6000, $0x38;
	[tilespmem:$0x18000] =	vst v63  }
0x1a7: {  	s3 =	rddreg [dreg:$0xe]  }
0x1a8: {  	[hbm4b:s3+s2] =	stream.linear.scatter [tilespmem:s11], [sflag:$0x7], $0x6000, $0x38;
	[tilespmem:$0x18000] =	vst v63  }
0x1a9: {  	_ =	swait.ge [sflag:s16], $0x6000  }
0x1aa: {  	[sflag:s16] =	ssyncset.done $0x0  }
0x1ab: {  	[sflag:s16] =	ssyncadd.s32 $0xFFFFA000  }
0x1ac: {  	_ =	swait.ge [sflag:s10], $0x6000  }
0x1ad: {  	[sflag:s10] =	ssyncset.done $0x0  }
0x1ae: {  	s0 =	rddreg [dreg:$0xf];
	[sflag:s10] =	ssyncadd.s32 $0xFFFFA000  }
0x1af: {  	[tilespmem:s13], [sflag:$0x2] =	stream.linear.gather [hbm4b:s0+s2], $0x6000, $0x38;
	[tilespmem:$0x18000] =	vst v63  }
0x1b0: {  	s3 =	rddreg [dreg:$0x10]  }
0x1b1: {  	[hbm4b:s3+s2] =	stream.linear.scatter [tilespmem:s9], [sflag:$0x8], $0x6000, $0x38;
	[tilespmem:$0x18000] =	vst v63  }
0x1b2: {  	_ =	swait.ge [sflag:s21], $0x6000  }
0x1b3: {  	[sflag:s21] =	ssyncset.done $0x0  }
0x1b4: {  	[sflag:s21] =	ssyncadd.s32 $0xFFFFA000  }
0x1b5: {  	_ =	swait.ge [sflag:s6], $0x6000  }
0x1b6: {  	s3 =	sld [smem:$0x7EB]  }
0x1b7: {  	[sflag:s6] =	ssyncset.done $0x0  }
0x1b8: {  	[sflag:s6] =	ssyncadd.s32 $0xFFFFA000  }
0x1b9: {  	[tilespmem:s11], [sflag:$0x3] =	stream.linear.gather [hbm4b:s3+s2], $0x6000, $0x38;
	[tilespmem:$0x18000] =	vst v63  }
0x1ba: {  	_ = 	snop  }
0x1bb: {  	[hbm4b:s28+s2] =	stream.linear.scatter [tilespmem:s2], [sflag:$0x5], $0x6000, $0x38;
	[tilespmem:$0x18000] =	vst v63  }
0x1bc: {  	_ =	swait.ge [sflag:s20], $0x6000  }
0x1bd: {  	[sflag:s20] =	ssyncset.done $0x0  }
0x1be: {  	[sflag:s20] =	ssyncadd.s32 $0xFFFFA000  }
0x1bf: {  	_ =	swait.ge [sflag:s5], $0x6000  }
0x1c0: {  	[sflag:s5] =	ssyncset.done $0x0  }
0x1c1: {  	s0 =	rddreg [dreg:$0x11];
	[sflag:s5] =	ssyncadd.s32 $0xFFFFA000  }
0x1c2: {  	[tilespmem:s9], [sflag:$0x4] =	stream.linear.gather [hbm4b:s0+s2], $0x6000, $0x38;
	[tilespmem:$0x18000] =	vst v63  }
0x1c3: {  	s3 =	rddreg [dreg:$0x12]  }
0x1c4: {  	[hbm4b:s3+s2] =	stream.linear.scatter [tilespmem:s13], [sflag:$0x6], $0x6000, $0x38;
	[tilespmem:$0x18000] =	vst v63  }
0x1c5: {  	_ =	swait.ge [sflag:s17], $0x6000  }
0x1c6: {  	[sflag:s17] =	ssyncset.done $0x0  }
0x1c7: {  	[sflag:s17] =	ssyncadd.s32 $0xFFFFA000  }
0x1c8: {  	_ =	swait.ge [sflag:s12], $0x6000  }
0x1c9: {  	[sflag:s12] =	ssyncset.done $0x0  }
0x1ca: {  	s0 =	rddreg [dreg:$0x13];
	[sflag:s12] =	ssyncadd.s32 $0xFFFFA000  }
0x1cb: {  	[tilespmem:s2], [sflag:$0x1] =	stream.linear.gather [hbm4b:s0+s2], $0x6000, $0x38;
	[tilespmem:$0x18000] =	vst v63  }
0x1cc: {  	s3 =	rddreg [dreg:$0x14]  }
0x1cd: {  	[hbm4b:s3+s2] =	stream.linear.scatter [tilespmem:s11], [sflag:$0x7], $0x6000, $0x38;
	[tilespmem:$0x18000] =	vst v63  }
0x1ce: {  	_ =	swait.ge [sflag:s16], $0x6000  }
0x1cf: {  	[sflag:s16] =	ssyncset.done $0x0  }
0x1d0: {  	[sflag:s16] =	ssyncadd.s32 $0xFFFFA000  }
0x1d1: {  	_ =	swait.ge [sflag:s10], $0x6000  }
0x1d2: {  	[sflag:s10] =	ssyncset.done $0x0  }
0x1d3: {  	s0 =	rddreg [dreg:$0x15];
	[sflag:s10] =	ssyncadd.s32 $0xFFFFA000  }
0x1d4: {  	[tilespmem:s13], [sflag:$0x2] =	stream.linear.gather [hbm4b:s0+s2], $0x6000, $0x38;
	[tilespmem:$0x18000] =	vst v63  }
0x1d5: {  	s3 =	rddreg [dreg:$0x16]  }
0x1d6: {  	[hbm4b:s3+s2] =	stream.linear.scatter [tilespmem:s9], [sflag:$0x8], $0x6000, $0x38;
	[tilespmem:$0x18000] =	vst v63  }
0x1d7: {  	_ =	swait.ge [sflag:s21], $0x6000  }
0x1d8: {  	[sflag:s21] =	ssyncset.done $0x0  }
0x1d9: {  	[sflag:s21] =	ssyncadd.s32 $0xFFFFA000  }
0x1da: {  	_ =	swait.ge [sflag:s6], $0x6000  }
0x1db: {  	[sflag:s6] =	ssyncset.done $0x0  }
0x1dc: {  	s0 =	rddreg [dreg:$0x17];
	[sflag:s6] =	ssyncadd.s32 $0xFFFFA000  }
0x1dd: {  	[tilespmem:s11], [sflag:$0x3] =	stream.linear.gather [hbm4b:s0+s2], $0x6000, $0x38;
	[tilespmem:$0x18000] =	vst v63  }
0x1de: {  	s3 =	rddreg [dreg:$0x18]  }
0x1df: {  	[hbm4b:s3+s2] =	stream.linear.scatter [tilespmem:s2], [sflag:$0x5], $0x6000, $0x38;
	[tilespmem:$0x18000] =	vst v63  }
0x1e0: {  	_ =	swait.ge [sflag:s20], $0x6000  }
0x1e1: {  	[sflag:s20] =	ssyncset.done $0x0  }
0x1e2: {  	[sflag:s20] =	ssyncadd.s32 $0xFFFFA000  }
0x1e3: {  	_ =	swait.ge [sflag:s5], $0x6000  }
0x1e4: {  	[sflag:s5] =	ssyncset.done $0x0  }
0x1e5: {  	s0 =	rddreg [dreg:$0x19];
	[sflag:s5] =	ssyncadd.s32 $0xFFFFA000  }
0x1e6: {  	[tilespmem:s9], [sflag:$0x4] =	stream.linear.gather [hbm4b:s0+s2], $0x6000, $0x38;
	[tilespmem:$0x18000] =	vst v63  }
0x1e7: {  	s3 =	rddreg [dreg:$0x1a]  }
0x1e8: {  	[hbm4b:s3+s2] =	stream.linear.scatter [tilespmem:s13], [sflag:$0x6], $0x6000, $0x38;
	[tilespmem:$0x18000] =	vst v63  }
0x1e9: {  	_ =	swait.ge [sflag:s17], $0x6000  }
0x1ea: {  	[sflag:s17] =	ssyncset.done $0x0  }
0x1eb: {  	[sflag:s17] =	ssyncadd.s32 $0xFFFFA000  }
0x1ec: {  	_ =	swait.ge [sflag:s12], $0x6000  }
0x1ed: {  	[sflag:s12] =	ssyncset.done $0x0  }
0x1ee: {  	s0 =	rddreg [dreg:$0x1b];
	[sflag:s12] =	ssyncadd.s32 $0xFFFFA000  }
0x1ef: {  	[tilespmem:s2], [sflag:$0x1] =	stream.linear.gather [hbm4b:s0+s2], $0x6000, $0x38;
	[tilespmem:$0x18000] =	vst v63  }
0x1f0: {  	s3 =	rddreg [dreg:$0x1c]  }
0x1f1: {  	[hbm4b:s3+s2] =	stream.linear.scatter [tilespmem:s11], [sflag:$0x7], $0x6000, $0x38;
	[tilespmem:$0x18000] =	vst v63  }
0x1f2: {  	_ =	swait.ge [sflag:s16], $0x6000  }
0x1f3: {  	[sflag:s16] =	ssyncset.done $0x0  }
0x1f4: {  	[sflag:s16] =	ssyncadd.s32 $0xFFFFA000  }
0x1f5: {  	_ =	swait.ge [sflag:s10], $0x6000  }
0x1f6: {  	[sflag:s10] =	ssyncset.done $0x0  }
0x1f7: {  	s0 =	rddreg [dreg:$0x1d];
	[sflag:s10] =	ssyncadd.s32 $0xFFFFA000  }
0x1f8: {  	[tilespmem:s13], [sflag:$0x2] =	stream.linear.gather [hbm4b:s0+s2], $0x6000, $0x38;
	[tilespmem:$0x18000] =	vst v63  }
0x1f9: {  	s3 =	rddreg [dreg:$0x1e]  }
0x1fa: {  	[hbm4b:s3+s2] =	stream.linear.scatter [tilespmem:s9], [sflag:$0x8], $0x6000, $0x38;
	[tilespmem:$0x18000] =	vst v63  }
0x1fb: {  	_ =	swait.ge [sflag:s21], $0x6000  }
0x1fc: {  	[sflag:s21] =	ssyncset.done $0x0  }
0x1fd: {  	[sflag:s21] =	ssyncadd.s32 $0xFFFFA000  }
0x1fe: {  	_ =	swait.ge [sflag:s6], $0x6000  }
0x1ff: {  	[sflag:s6] =	ssyncset.done $0x0  }
0x200: {  	[sflag:s6] =	ssyncadd.s32 $0xFFFFA000  }
0x201: {  	[tilespmem:s11], [sflag:$0x3] =	stream.linear.gather [hbm4b:s25+s2], $0x6000, $0x38;
	[tilespmem:$0x18000] =	vst v63  }
0x202: {  	s3 =	rddreg [dreg:$0x1f]  }
0x203: {  	[hbm4b:s3+s2] =	stream.linear.scatter [tilespmem:s2], [sflag:$0x5], $0x6000, $0x38;
	[tilespmem:$0x18000] =	vst v63  }
0x204: {  	_ =	swait.ge [sflag:s20], $0x6000  }
0x205: {  	[sflag:s20] =	ssyncset.done $0x0  }
0x206: {  	[sflag:s20] =	ssyncadd.s32 $0xFFFFA000  }
0x207: {  	_ =	swait.ge [sflag:s5], $0x6000  }
0x208: {  	s0 =	sld [smem:$0x7EC]  }
0x209: {  	[sflag:s5] =	ssyncset.done $0x0  }
0x20a: {  	s3 =	sld [smem:$0x7ED];
	[sflag:s5] =	ssyncadd.s32 $0xFFFFA000  }
0x20b: {  	[tilespmem:s9], [sflag:$0x4] =	stream.linear.gather [hbm4b:s0+s2], $0x6000, $0x38;
	[tilespmem:$0x18000] =	vst v63  }
0x20c: {  	_ = 	snop  }
0x20d: {  	[hbm4b:s3+s2] =	stream.linear.scatter [tilespmem:s13], [sflag:$0x6], $0x6000, $0x38;
	[tilespmem:$0x18000] =	vst v63  }
0x20e: {  	_ =	swait.ge [sflag:s17], $0x6000  }
0x20f: {  	[sflag:s17] =	ssyncset.done $0x0  }
0x210: {  	[sflag:s17] =	ssyncadd.s32 $0xFFFFA000  }
0x211: {  	_ =	swait.ge [sflag:s12], $0x6000  }
0x212: {  	s0 =	sld [smem:$0x7EE]  }
0x213: {  	[sflag:s12] =	ssyncset.done $0x0  }
0x214: {  	s3 =	sld [smem:$0x7EF];
	[sflag:s12] =	ssyncadd.s32 $0xFFFFA000  }
0x215: {  	[tilespmem:s2], [sflag:$0x1] =	stream.linear.gather [hbm4b:s0+s2], $0x6000, $0x38;
	[tilespmem:$0x18000] =	vst v63  }
0x216: {  	_ = 	snop  }
0x217: {  	[hbm4b:s3+s2] =	stream.linear.scatter [tilespmem:s11], [sflag:$0x7], $0x6000, $0x38;
	[tilespmem:$0x18000] =	vst v63  }
0x218: {  	_ =	swait.ge [sflag:s16], $0x6000  }
0x219: {  	[sflag:s16] =	ssyncset.done $0x0  }
0x21a: {  	[sflag:s16] =	ssyncadd.s32 $0xFFFFA000  }
0x21b: {  	_ =	swait.ge [sflag:s10], $0x6000  }
0x21c: {  	s0 =	sld [smem:$0x7F0]  }
0x21d: {  	[sflag:s10] =	ssyncset.done $0x0  }
0x21e: {  	s3 =	sld [smem:$0x7F1];
	[sflag:s10] =	ssyncadd.s32 $0xFFFFA000  }
0x21f: {  	[tilespmem:s13], [sflag:$0x2] =	stream.linear.gather [hbm4b:s0+s2], $0x6000, $0x38;
	[tilespmem:$0x18000] =	vst v63  }
0x220: {  	_ = 	snop  }
0x221: {  	[hbm4b:s3+s2] =	stream.linear.scatter [tilespmem:s9], [sflag:$0x8], $0x6000, $0x38;
	[tilespmem:$0x18000] =	vst v63  }
0x222: {  	_ =	swait.ge [sflag:s21], $0x6000  }
0x223: {  	[sflag:s21] =	ssyncset.done $0x0  }
0x224: {  	[sflag:s21] =	ssyncadd.s32 $0xFFFFA000  }
0x225: {  	_ =	swait.ge [sflag:s6], $0x6000  }
0x226: {  	s0 =	sld [smem:$0x7F2]  }
0x227: {  	[sflag:s6] =	ssyncset.done $0x0  }
0x228: {  	s3 =	sld [smem:$0x7F3];
	[sflag:s6] =	ssyncadd.s32 $0xFFFFA000  }
0x229: {  	[tilespmem:s11], [sflag:$0x3] =	stream.linear.gather [hbm4b:s0+s2], $0x6000, $0x38;
	[tilespmem:$0x18000] =	vst v63  }
0x22a: {  	_ = 	snop  }
0x22b: {  	[hbm4b:s3+s2] =	stream.linear.scatter [tilespmem:s2], [sflag:$0x5], $0x6000, $0x38;
	[tilespmem:$0x18000] =	vst v63  }
0x22c: {  	_ =	swait.ge [sflag:s20], $0x6000  }
0x22d: {  	[sflag:s20] =	ssyncset.done $0x0  }
0x22e: {  	[sflag:s20] =	ssyncadd.s32 $0xFFFFA000  }
0x22f: {  	_ =	swait.ge [sflag:s5], $0x6000  }
0x230: {  	s0 =	sld [smem:$0x7F4]  }
0x231: {  	[sflag:s5] =	ssyncset.done $0x0  }
0x232: {  	s3 =	sld [smem:$0x7F5];
	[sflag:s5] =	ssyncadd.s32 $0xFFFFA000  }
0x233: {  	[tilespmem:s9], [sflag:$0x4] =	stream.linear.gather [hbm4b:s0+s2], $0x6000, $0x38;
	[tilespmem:$0x18000] =	vst v63  }
0x234: {  	_ = 	snop  }
0x235: {  	[hbm4b:s3+s2] =	stream.linear.scatter [tilespmem:s13], [sflag:$0x6], $0x6000, $0x38;
	[tilespmem:$0x18000] =	vst v63  }
0x236: {  	_ =	swait.ge [sflag:s17], $0x6000  }
0x237: {  	[sflag:s17] =	ssyncset.done $0x0  }
0x238: {  	[sflag:s17] =	ssyncadd.s32 $0xFFFFA000  }
0x239: {  	_ =	swait.ge [sflag:s12], $0x6000  }
0x23a: {  	s0 =	sld [smem:$0x7F6]  }
0x23b: {  	[sflag:s12] =	ssyncset.done $0x0  }
0x23c: {  	s3 =	sld [smem:$0x7F7];
	[sflag:s12] =	ssyncadd.s32 $0xFFFFA000  }
0x23d: {  	[tilespmem:s2], [sflag:$0x1] =	stream.linear.gather [hbm4b:s0+s2], $0x6000, $0x38;
	[tilespmem:$0x18000] =	vst v63  }
0x23e: {  	_ = 	snop  }
0x23f: {  	[hbm4b:s3+s2] =	stream.linear.scatter [tilespmem:s11], [sflag:$0x7], $0x6000, $0x38;
	[tilespmem:$0x18000] =	vst v63  }
0x240: {  	_ =	swait.ge [sflag:s16], $0x6000  }
0x241: {  	[sflag:s16] =	ssyncset.done $0x0  }
0x242: {  	[sflag:s16] =	ssyncadd.s32 $0xFFFFA000  }
0x243: {  	_ =	swait.ge [sflag:s10], $0x6000  }
0x244: {  	s0 =	sld [smem:$0x7F8]  }
0x245: {  	[sflag:s10] =	ssyncset.done $0x0  }
0x246: {  	s3 =	sld [smem:$0x7F9];
	[sflag:s10] =	ssyncadd.s32 $0xFFFFA000  }
0x247: {  	[tilespmem:s13], [sflag:$0x2] =	stream.linear.gather [hbm4b:s0+s2], $0x6000, $0x38;
	[tilespmem:$0x18000] =	vst v63  }
0x248: {  	_ = 	snop  }
0x249: {  	[hbm4b:s3+s2] =	stream.linear.scatter [tilespmem:s9], [sflag:$0x8], $0x6000, $0x38;
	[tilespmem:$0x18000] =	vst v63  }
0x24a: {  	_ =	swait.ge [sflag:s21], $0x6000  }
0x24b: {  	[sflag:s21] =	ssyncset.done $0x0  }
0x24c: {  	[sflag:s21] =	ssyncadd.s32 $0xFFFFA000  }
0x24d: {  	_ =	swait.ge [sflag:s6], $0x6000  }
0x24e: {  	[sflag:s6] =	ssyncset.done $0x0  }
0x24f: {  	[sflag:s6] =	ssyncadd.s32 $0xFFFFA000  }
0x250: {  	[tilespmem:s11], [sflag:$0x3] =	stream.linear.gather [hbm4b:s23+s2], $0x6000, $0x38;
	[tilespmem:$0x18000] =	vst v63  }
0x251: {  	_ = 	snop  }
0x252: {  	[hbm4b:s24+s2] =	stream.linear.scatter [tilespmem:s2], [sflag:$0x5], $0x6000, $0x38;
	[tilespmem:$0x18000] =	vst v63  }
0x253: {  	_ =	swait.ge [sflag:s20], $0x6000  }
0x254: {  	[sflag:s20] =	ssyncset.done $0x0  }
0x255: {  	[sflag:s20] =	ssyncadd.s32 $0xFFFFA000  }
0x256: {  	_ =	swait.ge [sflag:s5], $0x6000  }
0x257: {  	s0 =	sld [smem:$0x7FA]  }
0x258: {  	[sflag:s5] =	ssyncset.done $0x0  }
0x259: {  	s3 =	sld [smem:$0x7FB];
	[sflag:s5] =	ssyncadd.s32 $0xFFFFA000  }
0x25a: {  	[tilespmem:s9], [sflag:$0x4] =	stream.linear.gather [hbm4b:s0+s2], $0x6000, $0x38;
	[tilespmem:$0x18000] =	vst v63  }
0x25b: {  	_ = 	snop  }
0x25c: {  	[hbm4b:s3+s2] =	stream.linear.scatter [tilespmem:s13], [sflag:$0x6], $0x6000, $0x38;
	[tilespmem:$0x18000] =	vst v63  }
0x25d: {  	_ =	swait.ge [sflag:s17], $0x6000  }
0x25e: {  	[sflag:s17] =	ssyncset.done $0x0  }
0x25f: {  	[sflag:s17] =	ssyncadd.s32 $0xFFFFA000  }
0x260: {  	_ =	swait.ge [sflag:s12], $0x6000  }
0x261: {  	s0 =	sld [smem:$0x7FC]  }
0x262: {  	[sflag:s12] =	ssyncset.done $0x0  }
0x263: {  	s3 =	sld [smem:$0x7FD];
	[sflag:s12] =	ssyncadd.s32 $0xFFFFA000  }
0x264: {  	[tilespmem:s2], [sflag:$0x1] =	stream.linear.gather [hbm4b:s0+s2], $0x6000, $0x38;
	[tilespmem:$0x18000] =	vst v63  }
0x265: {  	_ = 	snop  }
0x266: {  	[hbm4b:s3+s2] =	stream.linear.scatter [tilespmem:s11], [sflag:$0x7], $0x6000, $0x38;
	[tilespmem:$0x18000] =	vst v63  }
0x267: {  	_ =	swait.ge [sflag:s16], $0x6000  }
0x268: {  	[sflag:s16] =	ssyncset.done $0x0  }
0x269: {  	s3 =	smov.u32 s4;
	[sflag:s16] =	ssyncadd.s32 $0xFFFFA000  }
0x26a: {  	s4 =	smov.u32 s7;
	s7 =	smov.u32 s8;
	_ =	swait.ge [sflag:s10], $0x6000  }
0x26b: {  	s8 =	smov.u32 s14;
	s14 =	smov.u32 s15;
	[sflag:s10] =	ssyncset.done $0x0  }
0x26c: {  	s15 =	smov.u32 s18;
	s18 =	smov.u32 s19;
	[sflag:s10] =	ssyncadd.s32 $0xFFFFA000  }
0x26d: {  	[tilespmem:s13], [sflag:$0x2] =	stream.linear.gather [hbm4b:s18+s2], $0x6000, $0x38;
	[tilespmem:$0x18000] =	vst v63  }
0x26e: {  	s19 =	smov.u32 s22  }
0x26f: {  	[hbm4b:s19+s2] =	stream.linear.scatter [tilespmem:s9], [sflag:$0x8], $0x6000, $0x38;
	[tilespmem:$0x18000] =	vst v63  }
0x270: {  	_ =	swait.ge [sflag:s21], $0x6000  }
0x271: {  	[sflag:s21] =	ssyncset.done $0x0  }
0x272: {  	[sflag:s21] =	ssyncadd.s32 $0xFFFFA000  }
0x273: {  	_ =	swait.ge [sflag:s6], $0x6000  }
0x274: {  	[sflag:s6] =	ssyncset.done $0x0  }
0x275: {  	[sflag:s6] =	ssyncadd.s32 $0xFFFFA000  }
0x276: {  	[tilespmem:s11], [sflag:$0x3] =	stream.linear.gather [hbm4b:s14+s2], $0x6000, $0x38;
	[tilespmem:$0x18000] =	vst v63  }
0x277: {  	_ = 	snop  }
0x278: {  	[hbm4b:s15+s2] =	stream.linear.scatter [tilespmem:s2], [sflag:$0x5], $0x6000, $0x38;
	[tilespmem:$0x18000] =	vst v63  }
0x279: {  	_ =	swait.ge [sflag:s20], $0x6000  }
0x27a: {  	[sflag:s20] =	ssyncset.done $0x0  }
0x27b: {  	[sflag:s20] =	ssyncadd.s32 $0xFFFFA000  }
0x27c: {  	_ =	swait.ge [sflag:s5], $0x6000  }
0x27d: {  	[sflag:s5] =	ssyncset.done $0x0  }
0x27e: {  	[sflag:s5] =	ssyncadd.s32 $0xFFFFA000  }
0x27f: {  	[tilespmem:s9], [sflag:$0x4] =	stream.linear.gather [hbm4b:s7+s2], $0x6000, $0x38;
	[tilespmem:$0x18000] =	vst v63  }
0x280: {  	_ = 	snop  }
0x281: {  	[hbm4b:s8+s2] =	stream.linear.scatter [tilespmem:s13], [sflag:$0x6], $0x6000, $0x38;
	[tilespmem:$0x18000] =	vst v63  }
0x282: {  	_ =	swait.ge [sflag:s17], $0x6000  }
0x283: {  	[sflag:s17] =	ssyncset.done $0x0  }
0x284: {  	[sflag:s17] =	ssyncadd.s32 $0xFFFFA000  }
0x285: {  	[hbm4b:s4+s2] =	stream.linear.scatter [tilespmem:s11], [sflag:$0x7], $0x6000, $0x38;
	[tilespmem:$0x18000] =	vst v63  }
0x286: {  	_ =	swait.ge [sflag:s16], $0x6000  }
0x287: {  	[sflag:s16] =	ssyncset.done $0x0  }
0x288: {  	[sflag:s16] =	ssyncadd.s32 $0xFFFFA000  }
0x289: {  	[hbm4b:s3+s2] =	stream.linear.scatter [tilespmem:s9], [sflag:$0x8], $0x6000, $0x38;
	[tilespmem:$0x18000] =	vst v63  }
0x28a: {  	_ =	swait.ge [sflag:s12], $0x6000  }
0x28b: {  	[sflag:s12] =	ssyncset.done $0x0  }
0x28c: {  	[sflag:s12] =	ssyncadd.s32 $0xFFFFA000  }
0x28d: {  	_ =	swait.ge [sflag:s10], $0x6000  }
0x28e: {  	[sflag:s10] =	ssyncset.done $0x0  }
0x28f: {  	p1 =	sne.s32 s1, $0x1;
	[sflag:s10] =	ssyncadd.s32 $0xFFFFA000  }
.Ltmp2:
0x290: {  	_ =	swait.ge [sflag:s6], $0x6000;
	(pc) =	sbr.rel @p1 .LBB2_3-.Ltmp2, $4  }
0x291: {  	[sflag:s6] =	ssyncset.done $0x0  }
0x292: {  	[sflag:s6] =	ssyncadd.s32 $0xFFFFA000  }
0x293: {  	s1 =	sadd.s32 $0xFFFFFFFF, s1;
	_ =	swait.ge [sflag:s5], $0x6000  }
0x294: {  	s22 =	smov.u32 s31;
	s31 =	smov.u32 s26;
	[sflag:s5] =	ssyncset.done $0x0  }
0x295: {  	s26 =	sld [smem:$0x7EB]  }
.LBB2_5:
0x296: {  	[sflag:s5] =	ssyncadd.s32 @p0 $0xFFFFA000  }
0x297: {  	[tilespmem:s2], [sflag:$0x1] =	stream.linear.gather [hbm4b:s31+s2], $0x6000, $0x38;
	[tilespmem:$0x18000] =	vst v63  }
0x298: {  	s0 =	rddreg [dreg:$0x3]  }
0x299: {  	[tilespmem:s13], [sflag:$0x2] =	stream.linear.gather [hbm4b:s0+s2], $0x6000, $0x38;
	[tilespmem:$0x18000] =	vst v63  }
0x29a: {  	_ =	swait.ge [sflag:s21], $0x6000  }
0x29b: {  	[sflag:s21] =	ssyncset.done $0x0  }
0x29c: {  	[sflag:s21] =	ssyncadd.s32 $0xFFFFA000  }
0x29d: {  	[tilespmem:s11], [sflag:$0x3] =	stream.linear.gather [hbm4b:s22+s2], $0x6000, $0x38;
	[tilespmem:$0x18000] =	vst v63  }
0x29e: {  	s1 =	rddreg [dreg:$0x4]  }
0x29f: {  	[hbm4b:s1+s2] =	stream.linear.scatter [tilespmem:s2], [sflag:$0x5], $0x6000, $0x38;
	[tilespmem:$0x18000] =	vst v63  }
0x2a0: {  	_ =	swait.ge [sflag:s20], $0x6000  }
0x2a1: {  	[sflag:s20] =	ssyncset.done $0x0  }
0x2a2: {  	s31 =	rddreg [dreg:$0x5];
	[sflag:s20] =	ssyncadd.s32 $0xFFFFA000  }
0x2a3: {  	[tilespmem:s9], [sflag:$0x4] =	stream.linear.gather [hbm4b:s31+s2], $0x6000, $0x38;
	[tilespmem:$0x18000] =	vst v63  }
0x2a4: {  	s1 =	rddreg [dreg:$0x6]  }
0x2a5: {  	[hbm4b:s1+s2] =	stream.linear.scatter [tilespmem:s13], [sflag:$0x6], $0x6000, $0x38;
	[tilespmem:$0x18000] =	vst v63  }
0x2a6: {  	_ =	swait.ge [sflag:s17], $0x6000  }
0x2a7: {  	[sflag:s17] =	ssyncset.done $0x0  }
0x2a8: {  	[sflag:s17] =	ssyncadd.s32 $0xFFFFA000  }
0x2a9: {  	_ =	swait.ge [sflag:s12], $0x6000  }
0x2aa: {  	[sflag:s12] =	ssyncset.done $0x0  }
0x2ab: {  	s22 =	rddreg [dreg:$0x7];
	[sflag:s12] =	ssyncadd.s32 $0xFFFFA000  }
0x2ac: {  	[tilespmem:s2], [sflag:$0x1] =	stream.linear.gather [hbm4b:s22+s2], $0x6000, $0x38;
	[tilespmem:$0x18000] =	vst v63  }
0x2ad: {  	s31 =	rddreg [dreg:$0x8]  }
0x2ae: {  	[hbm4b:s31+s2] =	stream.linear.scatter [tilespmem:s11], [sflag:$0x7], $0x6000, $0x38;
	[tilespmem:$0x18000] =	vst v63  }
0x2af: {  	_ =	swait.ge [sflag:s16], $0x6000  }
0x2b0: {  	[sflag:s16] =	ssyncset.done $0x0  }
0x2b1: {  	[sflag:s16] =	ssyncadd.s32 $0xFFFFA000  }
0x2b2: {  	_ =	swait.ge [sflag:s10], $0x6000  }
0x2b3: {  	[sflag:s10] =	ssyncset.done $0x0  }
0x2b4: {  	s1 =	rddreg [dreg:$0x9];
	[sflag:s10] =	ssyncadd.s32 $0xFFFFA000  }
0x2b5: {  	[tilespmem:s13], [sflag:$0x2] =	stream.linear.gather [hbm4b:s1+s2], $0x6000, $0x38;
	[tilespmem:$0x18000] =	vst v63  }
0x2b6: {  	s22 =	rddreg [dreg:$0xa]  }
0x2b7: {  	[hbm4b:s22+s2] =	stream.linear.scatter [tilespmem:s9], [sflag:$0x8], $0x6000, $0x38;
	[tilespmem:$0x18000] =	vst v63  }
0x2b8: {  	_ =	swait.ge [sflag:s21], $0x6000  }
0x2b9: {  	[sflag:s21] =	ssyncset.done $0x0  }
0x2ba: {  	[sflag:s21] =	ssyncadd.s32 $0xFFFFA000  }
0x2bb: {  	_ =	swait.ge [sflag:s6], $0x6000  }
0x2bc: {  	[sflag:s6] =	ssyncset.done $0x0  }
0x2bd: {  	[sflag:s6] =	ssyncadd.s32 $0xFFFFA000  }
0x2be: {  	[tilespmem:s11], [sflag:$0x3] =	stream.linear.gather [hbm4b:s29+s2], $0x6000, $0x38;
	[tilespmem:$0x18000] =	vst v63  }
0x2bf: {  	_ = 	snop  }
0x2c0: {  	[hbm4b:s30+s2] =	stream.linear.scatter [tilespmem:s2], [sflag:$0x5], $0x6000, $0x38;
	[tilespmem:$0x18000] =	vst v63  }
0x2c1: {  	_ =	swait.ge [sflag:s20], $0x6000  }
0x2c2: {  	[sflag:s20] =	ssyncset.done $0x0  }
0x2c3: {  	[sflag:s20] =	ssyncadd.s32 $0xFFFFA000  }
0x2c4: {  	_ =	swait.ge [sflag:s5], $0x6000  }
0x2c5: {  	[sflag:s5] =	ssyncset.done $0x0  }
0x2c6: {  	s30 =	rddreg [dreg:$0xb];
	[sflag:s5] =	ssyncadd.s32 $0xFFFFA000  }
0x2c7: {  	[tilespmem:s9], [sflag:$0x4] =	stream.linear.gather [hbm4b:s30+s2], $0x6000, $0x38;
	[tilespmem:$0x18000] =	vst v63  }
0x2c8: {  	s31 =	rddreg [dreg:$0xc]  }
0x2c9: {  	[hbm4b:s31+s2] =	stream.linear.scatter [tilespmem:s13], [sflag:$0x6], $0x6000, $0x38;
	[tilespmem:$0x18000] =	vst v63  }
0x2ca: {  	_ =	swait.ge [sflag:s17], $0x6000  }
0x2cb: {  	[sflag:s17] =	ssyncset.done $0x0  }
0x2cc: {  	[sflag:s17] =	ssyncadd.s32 $0xFFFFA000  }
0x2cd: {  	_ =	swait.ge [sflag:s12], $0x6000  }
0x2ce: {  	[sflag:s12] =	ssyncset.done $0x0  }
0x2cf: {  	s22 =	rddreg [dreg:$0xd];
	[sflag:s12] =	ssyncadd.s32 $0xFFFFA000  }
0x2d0: {  	[tilespmem:s2], [sflag:$0x1] =	stream.linear.gather [hbm4b:s22+s2], $0x6000, $0x38;
	[tilespmem:$0x18000] =	vst v63  }
0x2d1: {  	s29 =	rddreg [dreg:$0xe]  }
0x2d2: {  	[hbm4b:s29+s2] =	stream.linear.scatter [tilespmem:s11], [sflag:$0x7], $0x6000, $0x38;
	[tilespmem:$0x18000] =	vst v63  }
0x2d3: {  	_ =	swait.ge [sflag:s16], $0x6000  }
0x2d4: {  	[sflag:s16] =	ssyncset.done $0x0  }
0x2d5: {  	[sflag:s16] =	ssyncadd.s32 $0xFFFFA000  }
0x2d6: {  	_ =	swait.ge [sflag:s10], $0x6000  }
0x2d7: {  	[sflag:s10] =	ssyncset.done $0x0  }
0x2d8: {  	s30 =	rddreg [dreg:$0xf];
	[sflag:s10] =	ssyncadd.s32 $0xFFFFA000  }
0x2d9: {  	[tilespmem:s13], [sflag:$0x2] =	stream.linear.gather [hbm4b:s30+s2], $0x6000, $0x38;
	[tilespmem:$0x18000] =	vst v63  }
0x2da: {  	s31 =	rddreg [dreg:$0x10]  }
0x2db: {  	[hbm4b:s31+s2] =	stream.linear.scatter [tilespmem:s9], [sflag:$0x8], $0x6000, $0x38;
	[tilespmem:$0x18000] =	vst v63  }
0x2dc: {  	_ =	swait.ge [sflag:s21], $0x6000  }
0x2dd: {  	[sflag:s21] =	ssyncset.done $0x0  }
0x2de: {  	[sflag:s21] =	ssyncadd.s32 $0xFFFFA000  }
0x2df: {  	_ =	swait.ge [sflag:s6], $0x6000  }
0x2e0: {  	[sflag:s6] =	ssyncset.done $0x0  }
0x2e1: {  	[sflag:s6] =	ssyncadd.s32 $0xFFFFA000  }
0x2e2: {  	[tilespmem:s11], [sflag:$0x3] =	stream.linear.gather [hbm4b:s26+s2], $0x6000, $0x38;
	[tilespmem:$0x18000] =	vst v63  }
0x2e3: {  	_ = 	snop  }
0x2e4: {  	[hbm4b:s28+s2] =	stream.linear.scatter [tilespmem:s2], [sflag:$0x5], $0x6000, $0x38;
	[tilespmem:$0x18000] =	vst v63  }
0x2e5: {  	_ =	swait.ge [sflag:s20], $0x6000  }
0x2e6: {  	[sflag:s20] =	ssyncset.done $0x0  }
0x2e7: {  	[sflag:s20] =	ssyncadd.s32 $0xFFFFA000  }
0x2e8: {  	_ =	swait.ge [sflag:s5], $0x6000  }
0x2e9: {  	[sflag:s5] =	ssyncset.done $0x0  }
0x2ea: {  	s22 =	rddreg [dreg:$0x11];
	[sflag:s5] =	ssyncadd.s32 $0xFFFFA000  }
0x2eb: {  	[tilespmem:s9], [sflag:$0x4] =	stream.linear.gather [hbm4b:s22+s2], $0x6000, $0x38;
	[tilespmem:$0x18000] =	vst v63  }
0x2ec: {  	s26 =	rddreg [dreg:$0x12]  }
0x2ed: {  	[hbm4b:s26+s2] =	stream.linear.scatter [tilespmem:s13], [sflag:$0x6], $0x6000, $0x38;
	[tilespmem:$0x18000] =	vst v63  }
0x2ee: {  	_ =	swait.ge [sflag:s17], $0x6000  }
0x2ef: {  	[sflag:s17] =	ssyncset.done $0x0  }
0x2f0: {  	[sflag:s17] =	ssyncadd.s32 $0xFFFFA000  }
0x2f1: {  	_ =	swait.ge [sflag:s12], $0x6000  }
0x2f2: {  	[sflag:s12] =	ssyncset.done $0x0  }
0x2f3: {  	s28 =	rddreg [dreg:$0x13];
	[sflag:s12] =	ssyncadd.s32 $0xFFFFA000  }
0x2f4: {  	[tilespmem:s2], [sflag:$0x1] =	stream.linear.gather [hbm4b:s28+s2], $0x6000, $0x38;
	[tilespmem:$0x18000] =	vst v63  }
0x2f5: {  	s29 =	rddreg [dreg:$0x14]  }
0x2f6: {  	[hbm4b:s29+s2] =	stream.linear.scatter [tilespmem:s11], [sflag:$0x7], $0x6000, $0x38;
	[tilespmem:$0x18000] =	vst v63  }
0x2f7: {  	_ =	swait.ge [sflag:s16], $0x6000  }
0x2f8: {  	[sflag:s16] =	ssyncset.done $0x0  }
0x2f9: {  	[sflag:s16] =	ssyncadd.s32 $0xFFFFA000  }
0x2fa: {  	_ =	swait.ge [sflag:s10], $0x6000  }
0x2fb: {  	[sflag:s10] =	ssyncset.done $0x0  }
0x2fc: {  	s30 =	rddreg [dreg:$0x15];
	[sflag:s10] =	ssyncadd.s32 $0xFFFFA000  }
0x2fd: {  	[tilespmem:s13], [sflag:$0x2] =	stream.linear.gather [hbm4b:s30+s2], $0x6000, $0x38;
	[tilespmem:$0x18000] =	vst v63  }
0x2fe: {  	s31 =	rddreg [dreg:$0x16]  }
0x2ff: {  	[hbm4b:s31+s2] =	stream.linear.scatter [tilespmem:s9], [sflag:$0x8], $0x6000, $0x38;
	[tilespmem:$0x18000] =	vst v63  }
0x300: {  	_ =	swait.ge [sflag:s21], $0x6000  }
0x301: {  	[sflag:s21] =	ssyncset.done $0x0  }
0x302: {  	[sflag:s21] =	ssyncadd.s32 $0xFFFFA000  }
0x303: {  	_ =	swait.ge [sflag:s6], $0x6000  }
0x304: {  	[sflag:s6] =	ssyncset.done $0x0  }
0x305: {  	s22 =	rddreg [dreg:$0x17];
	[sflag:s6] =	ssyncadd.s32 $0xFFFFA000  }
0x306: {  	[tilespmem:s11], [sflag:$0x3] =	stream.linear.gather [hbm4b:s22+s2], $0x6000, $0x38;
	[tilespmem:$0x18000] =	vst v63  }
0x307: {  	s26 =	rddreg [dreg:$0x18]  }
0x308: {  	[hbm4b:s26+s2] =	stream.linear.scatter [tilespmem:s2], [sflag:$0x5], $0x6000, $0x38;
	[tilespmem:$0x18000] =	vst v63  }
0x309: {  	_ =	swait.ge [sflag:s20], $0x6000  }
0x30a: {  	[sflag:s20] =	ssyncset.done $0x0  }
0x30b: {  	[sflag:s20] =	ssyncadd.s32 $0xFFFFA000  }
0x30c: {  	_ =	swait.ge [sflag:s5], $0x6000  }
0x30d: {  	[sflag:s5] =	ssyncset.done $0x0  }
0x30e: {  	s28 =	rddreg [dreg:$0x19];
	[sflag:s5] =	ssyncadd.s32 $0xFFFFA000  }
0x30f: {  	[tilespmem:s9], [sflag:$0x4] =	stream.linear.gather [hbm4b:s28+s2], $0x6000, $0x38;
	[tilespmem:$0x18000] =	vst v63  }
0x310: {  	s29 =	rddreg [dreg:$0x1a]  }
0x311: {  	[hbm4b:s29+s2] =	stream.linear.scatter [tilespmem:s13], [sflag:$0x6], $0x6000, $0x38;
	[tilespmem:$0x18000] =	vst v63  }
0x312: {  	_ =	swait.ge [sflag:s17], $0x6000  }
0x313: {  	[sflag:s17] =	ssyncset.done $0x0  }
0x314: {  	[sflag:s17] =	ssyncadd.s32 $0xFFFFA000  }
0x315: {  	_ =	swait.ge [sflag:s12], $0x6000  }
0x316: {  	[sflag:s12] =	ssyncset.done $0x0  }
0x317: {  	s30 =	rddreg [dreg:$0x1b];
	[sflag:s12] =	ssyncadd.s32 $0xFFFFA000  }
0x318: {  	[tilespmem:s2], [sflag:$0x1] =	stream.linear.gather [hbm4b:s30+s2], $0x6000, $0x38;
	[tilespmem:$0x18000] =	vst v63  }
0x319: {  	s31 =	rddreg [dreg:$0x1c]  }
0x31a: {  	[hbm4b:s31+s2] =	stream.linear.scatter [tilespmem:s11], [sflag:$0x7], $0x6000, $0x38;
	[tilespmem:$0x18000] =	vst v63  }
0x31b: {  	_ =	swait.ge [sflag:s16], $0x6000  }
0x31c: {  	[sflag:s16] =	ssyncset.done $0x0  }
0x31d: {  	[sflag:s16] =	ssyncadd.s32 $0xFFFFA000  }
0x31e: {  	_ =	swait.ge [sflag:s10], $0x6000  }
0x31f: {  	[sflag:s10] =	ssyncset.done $0x0  }
0x320: {  	s1 =	rddreg [dreg:$0x1d];
	[sflag:s10] =	ssyncadd.s32 $0xFFFFA000  }
0x321: {  	[tilespmem:s13], [sflag:$0x2] =	stream.linear.gather [hbm4b:s1+s2], $0x6000, $0x38;
	[tilespmem:$0x18000] =	vst v63  }
0x322: {  	s22 =	rddreg [dreg:$0x1e]  }
0x323: {  	[hbm4b:s22+s2] =	stream.linear.scatter [tilespmem:s9], [sflag:$0x8], $0x6000, $0x38;
	[tilespmem:$0x18000] =	vst v63  }
0x324: {  	_ =	swait.ge [sflag:s21], $0x6000  }
0x325: {  	[sflag:s21] =	ssyncset.done $0x0  }
0x326: {  	[sflag:s21] =	ssyncadd.s32 $0xFFFFA000  }
0x327: {  	_ =	swait.ge [sflag:s6], $0x6000  }
0x328: {  	[sflag:s6] =	ssyncset.done $0x0  }
0x329: {  	[sflag:s6] =	ssyncadd.s32 $0xFFFFA000  }
0x32a: {  	[tilespmem:s11], [sflag:$0x3] =	stream.linear.gather [hbm4b:s25+s2], $0x6000, $0x38;
	[tilespmem:$0x18000] =	vst v63  }
0x32b: {  	s26 =	rddreg [dreg:$0x1f]  }
0x32c: {  	[hbm4b:s26+s2] =	stream.linear.scatter [tilespmem:s2], [sflag:$0x5], $0x6000, $0x38;
	[tilespmem:$0x18000] =	vst v63  }
0x32d: {  	_ =	swait.ge [sflag:s20], $0x6000  }
0x32e: {  	[sflag:s20] =	ssyncset.done $0x0  }
0x32f: {  	[sflag:s20] =	ssyncadd.s32 $0xFFFFA000  }
0x330: {  	_ =	swait.ge [sflag:s5], $0x6000  }
0x331: {  	s28 =	sld [smem:$0x7EC]  }
0x332: {  	[sflag:s5] =	ssyncset.done $0x0  }
0x333: {  	s29 =	sld [smem:$0x7ED];
	[sflag:s5] =	ssyncadd.s32 $0xFFFFA000  }
0x334: {  	[tilespmem:s9], [sflag:$0x4] =	stream.linear.gather [hbm4b:s28+s2], $0x6000, $0x38;
	[tilespmem:$0x18000] =	vst v63  }
0x335: {  	_ = 	snop  }
0x336: {  	[hbm4b:s29+s2] =	stream.linear.scatter [tilespmem:s13], [sflag:$0x6], $0x6000, $0x38;
	[tilespmem:$0x18000] =	vst v63  }
0x337: {  	_ =	swait.ge [sflag:s17], $0x6000  }
0x338: {  	[sflag:s17] =	ssyncset.done $0x0  }
0x339: {  	[sflag:s17] =	ssyncadd.s32 $0xFFFFA000  }
0x33a: {  	_ =	swait.ge [sflag:s12], $0x6000  }
0x33b: {  	s30 =	sld [smem:$0x7EE]  }
0x33c: {  	[sflag:s12] =	ssyncset.done $0x0  }
0x33d: {  	s31 =	sld [smem:$0x7EF];
	[sflag:s12] =	ssyncadd.s32 $0xFFFFA000  }
0x33e: {  	[tilespmem:s2], [sflag:$0x1] =	stream.linear.gather [hbm4b:s30+s2], $0x6000, $0x38;
	[tilespmem:$0x18000] =	vst v63  }
0x33f: {  	_ = 	snop  }
0x340: {  	[hbm4b:s31+s2] =	stream.linear.scatter [tilespmem:s11], [sflag:$0x7], $0x6000, $0x38;
	[tilespmem:$0x18000] =	vst v63  }
0x341: {  	_ =	swait.ge [sflag:s16], $0x6000  }
0x342: {  	[sflag:s16] =	ssyncset.done $0x0  }
0x343: {  	[sflag:s16] =	ssyncadd.s32 $0xFFFFA000  }
0x344: {  	_ =	swait.ge [sflag:s10], $0x6000  }
0x345: {  	s1 =	sld [smem:$0x7F0]  }
0x346: {  	[sflag:s10] =	ssyncset.done $0x0  }
0x347: {  	s22 =	sld [smem:$0x7F1];
	[sflag:s10] =	ssyncadd.s32 $0xFFFFA000  }
0x348: {  	[tilespmem:s13], [sflag:$0x2] =	stream.linear.gather [hbm4b:s1+s2], $0x6000, $0x38;
	[tilespmem:$0x18000] =	vst v63  }
0x349: {  	_ = 	snop  }
0x34a: {  	[hbm4b:s22+s2] =	stream.linear.scatter [tilespmem:s9], [sflag:$0x8], $0x6000, $0x38;
	[tilespmem:$0x18000] =	vst v63  }
0x34b: {  	_ =	swait.ge [sflag:s21], $0x6000  }
0x34c: {  	[sflag:s21] =	ssyncset.done $0x0  }
0x34d: {  	[sflag:s21] =	ssyncadd.s32 $0xFFFFA000  }
0x34e: {  	_ =	swait.ge [sflag:s6], $0x6000  }
0x34f: {  	s25 =	sld [smem:$0x7F2]  }
0x350: {  	[sflag:s6] =	ssyncset.done $0x0  }
0x351: {  	s26 =	sld [smem:$0x7F3];
	[sflag:s6] =	ssyncadd.s32 $0xFFFFA000  }
0x352: {  	[tilespmem:s11], [sflag:$0x3] =	stream.linear.gather [hbm4b:s25+s2], $0x6000, $0x38;
	[tilespmem:$0x18000] =	vst v63  }
0x353: {  	_ = 	snop  }
0x354: {  	[hbm4b:s26+s2] =	stream.linear.scatter [tilespmem:s2], [sflag:$0x5], $0x6000, $0x38;
	[tilespmem:$0x18000] =	vst v63  }
0x355: {  	_ =	swait.ge [sflag:s20], $0x6000  }
0x356: {  	[sflag:s20] =	ssyncset.done $0x0  }
0x357: {  	[sflag:s20] =	ssyncadd.s32 $0xFFFFA000  }
0x358: {  	_ =	swait.ge [sflag:s5], $0x6000  }
0x359: {  	s28 =	sld [smem:$0x7F4]  }
0x35a: {  	[sflag:s5] =	ssyncset.done $0x0  }
0x35b: {  	s29 =	sld [smem:$0x7F5];
	[sflag:s5] =	ssyncadd.s32 $0xFFFFA000  }
0x35c: {  	[tilespmem:s9], [sflag:$0x4] =	stream.linear.gather [hbm4b:s28+s2], $0x6000, $0x38;
	[tilespmem:$0x18000] =	vst v63  }
0x35d: {  	_ = 	snop  }
0x35e: {  	[hbm4b:s29+s2] =	stream.linear.scatter [tilespmem:s13], [sflag:$0x6], $0x6000, $0x38;
	[tilespmem:$0x18000] =	vst v63  }
0x35f: {  	_ =	swait.ge [sflag:s17], $0x6000  }
0x360: {  	[sflag:s17] =	ssyncset.done $0x0  }
0x361: {  	[sflag:s17] =	ssyncadd.s32 $0xFFFFA000  }
0x362: {  	_ =	swait.ge [sflag:s12], $0x6000  }
0x363: {  	s30 =	sld [smem:$0x7F6]  }
0x364: {  	[sflag:s12] =	ssyncset.done $0x0  }
0x365: {  	s31 =	sld [smem:$0x7F7];
	[sflag:s12] =	ssyncadd.s32 $0xFFFFA000  }
0x366: {  	[tilespmem:s2], [sflag:$0x1] =	stream.linear.gather [hbm4b:s30+s2], $0x6000, $0x38;
	[tilespmem:$0x18000] =	vst v63  }
0x367: {  	_ = 	snop  }
0x368: {  	[hbm4b:s31+s2] =	stream.linear.scatter [tilespmem:s11], [sflag:$0x7], $0x6000, $0x38;
	[tilespmem:$0x18000] =	vst v63  }
0x369: {  	_ =	swait.ge [sflag:s16], $0x6000  }
0x36a: {  	[sflag:s16] =	ssyncset.done $0x0  }
0x36b: {  	[sflag:s16] =	ssyncadd.s32 $0xFFFFA000  }
0x36c: {  	_ =	swait.ge [sflag:s10], $0x6000  }
0x36d: {  	s22 =	sld [smem:$0x7F8]  }
0x36e: {  	[sflag:s10] =	ssyncset.done $0x0  }
0x36f: {  	s25 =	sld [smem:$0x7F9];
	[sflag:s10] =	ssyncadd.s32 $0xFFFFA000  }
0x370: {  	[tilespmem:s13], [sflag:$0x2] =	stream.linear.gather [hbm4b:s22+s2], $0x6000, $0x38;
	[tilespmem:$0x18000] =	vst v63  }
0x371: {  	_ = 	snop  }
0x372: {  	[hbm4b:s25+s2] =	stream.linear.scatter [tilespmem:s9], [sflag:$0x8], $0x6000, $0x38;
	[tilespmem:$0x18000] =	vst v63  }
0x373: {  	_ =	swait.ge [sflag:s21], $0x6000  }
0x374: {  	[sflag:s21] =	ssyncset.done $0x0  }
0x375: {  	[sflag:s21] =	ssyncadd.s32 $0xFFFFA000  }
0x376: {  	_ =	swait.ge [sflag:s6], $0x6000  }
0x377: {  	[sflag:s6] =	ssyncset.done $0x0  }
0x378: {  	[sflag:s6] =	ssyncadd.s32 $0xFFFFA000  }
0x379: {  	[tilespmem:s11], [sflag:$0x3] =	stream.linear.gather [hbm4b:s23+s2], $0x6000, $0x38;
	[tilespmem:$0x18000] =	vst v63  }
0x37a: {  	_ = 	snop  }
0x37b: {  	[hbm4b:s24+s2] =	stream.linear.scatter [tilespmem:s2], [sflag:$0x5], $0x6000, $0x38;
	[tilespmem:$0x18000] =	vst v63  }
0x37c: {  	_ =	swait.ge [sflag:s20], $0x6000  }
0x37d: {  	[sflag:s20] =	ssyncset.done $0x0  }
0x37e: {  	[sflag:s20] =	ssyncadd.s32 $0xFFFFA000  }
0x37f: {  	_ =	swait.ge [sflag:s5], $0x6000  }
0x380: {  	s26 =	sld [smem:$0x7FA]  }
0x381: {  	[sflag:s5] =	ssyncset.done $0x0  }
0x382: {  	s28 =	sld [smem:$0x7FB];
	[sflag:s5] =	ssyncadd.s32 $0xFFFFA000  }
0x383: {  	[tilespmem:s9], [sflag:$0x4] =	stream.linear.gather [hbm4b:s26+s2], $0x6000, $0x38;
	[tilespmem:$0x18000] =	vst v63  }
0x384: {  	_ = 	snop  }
0x385: {  	[hbm4b:s28+s2] =	stream.linear.scatter [tilespmem:s13], [sflag:$0x6], $0x6000, $0x38;
	[tilespmem:$0x18000] =	vst v63  }
0x386: {  	_ =	swait.ge [sflag:s17], $0x6000  }
0x387: {  	[sflag:s17] =	ssyncset.done $0x0  }
0x388: {  	[sflag:s17] =	ssyncadd.s32 $0xFFFFA000  }
0x389: {  	_ =	swait.ge [sflag:s12], $0x6000  }
0x38a: {  	s29 =	sld [smem:$0x7FC]  }
0x38b: {  	[sflag:s12] =	ssyncset.done $0x0  }
0x38c: {  	s30 =	sld [smem:$0x7FD];
	[sflag:s12] =	ssyncadd.s32 $0xFFFFA000  }
0x38d: {  	[tilespmem:s2], [sflag:$0x1] =	stream.linear.gather [hbm4b:s29+s2], $0x6000, $0x38;
	[tilespmem:$0x18000] =	vst v63  }
0x38e: {  	_ = 	snop  }
0x38f: {  	[hbm4b:s30+s2] =	stream.linear.scatter [tilespmem:s11], [sflag:$0x7], $0x6000, $0x38;
	[tilespmem:$0x18000] =	vst v63  }
0x390: {  	_ =	swait.ge [sflag:s16], $0x6000  }
0x391: {  	[sflag:s16] =	ssyncset.done $0x0  }
0x392: {  	[sflag:s16] =	ssyncadd.s32 $0xFFFFA000  }
0x393: {  	_ =	swait.ge [sflag:s10], $0x6000  }
0x394: {  	[sflag:s10] =	ssyncset.done $0x0  }
0x395: {  	[sflag:s10] =	ssyncadd.s32 $0xFFFFA000  }
0x396: {  	[tilespmem:s13], [sflag:$0x2] =	stream.linear.gather [hbm4b:s18+s2], $0x6000, $0x38;
	[tilespmem:$0x18000] =	vst v63  }
0x397: {  	_ = 	snop  }
0x398: {  	[hbm4b:s19+s2] =	stream.linear.scatter [tilespmem:s9], [sflag:$0x8], $0x6000, $0x38;
	[tilespmem:$0x18000] =	vst v63  }
0x399: {  	_ =	swait.ge [sflag:s21], $0x6000  }
0x39a: {  	[sflag:s21] =	ssyncset.done $0x0  }
0x39b: {  	[sflag:s21] =	ssyncadd.s32 $0xFFFFA000  }
0x39c: {  	_ =	swait.ge [sflag:s6], $0x6000  }
0x39d: {  	[sflag:s6] =	ssyncset.done $0x0  }
0x39e: {  	[sflag:s6] =	ssyncadd.s32 $0xFFFFA000  }
0x39f: {  	[tilespmem:s11], [sflag:$0x3] =	stream.linear.gather [hbm4b:s14+s2], $0x6000, $0x38;
	[tilespmem:$0x18000] =	vst v63  }
0x3a0: {  	_ = 	snop  }
0x3a1: {  	[hbm4b:s15+s2] =	stream.linear.scatter [tilespmem:s2], [sflag:$0x5], $0x6000, $0x38;
	[tilespmem:$0x18000] =	vst v63  }
0x3a2: {  	_ =	swait.ge [sflag:s20], $0x6000  }
0x3a3: {  	[sflag:s20] =	ssyncset.done $0x0  }
0x3a4: {  	[sflag:s20] =	ssyncadd.s32 $0xFFFFA000  }
0x3a5: {  	_ =	swait.ge [sflag:s5], $0x6000  }
0x3a6: {  	[sflag:s5] =	ssyncset.done $0x0  }
0x3a7: {  	[sflag:s5] =	ssyncadd.s32 $0xFFFFA000  }
0x3a8: {  	[tilespmem:s9], [sflag:$0x4] =	stream.linear.gather [hbm4b:s7+s2], $0x6000, $0x38;
	[tilespmem:$0x18000] =	vst v63  }
0x3a9: {  	_ = 	snop  }
0x3aa: {  	[hbm4b:s8+s2] =	stream.linear.scatter [tilespmem:s13], [sflag:$0x6], $0x6000, $0x38;
	[tilespmem:$0x18000] =	vst v63  }
0x3ab: {  	_ =	swait.ge [sflag:s17], $0x6000  }
0x3ac: {  	[sflag:s17] =	ssyncset.done $0x0  }
0x3ad: {  	[sflag:s17] =	ssyncadd.s32 $0xFFFFA000  }
0x3ae: {  	[hbm4b:s4+s2] =	stream.linear.scatter [tilespmem:s11], [sflag:$0x7], $0x6000, $0x38;
	[tilespmem:$0x18000] =	vst v63  }
0x3af: {  	_ =	swait.ge [sflag:s16], $0x6000  }
0x3b0: {  	[sflag:s16] =	ssyncset.done $0x0  }
0x3b1: {  	[sflag:s16] =	ssyncadd.s32 $0xFFFFA000  }
0x3b2: {  	[hbm4b:s3+s2] =	stream.linear.scatter [tilespmem:s9], [sflag:$0x8], $0x6000, $0x38;
	[tilespmem:$0x18000] =	vst v63  }
0x3b3: {  	_ =	swait.ge [sflag:s12], $0x6000  }
0x3b4: {  	[sflag:s12] =	ssyncset.done $0x0  }
0x3b5: {  	[sflag:s12] =	ssyncadd.s32 $0xFFFFA000  }
0x3b6: {  	_ =	swait.ge [sflag:s10], $0x6000  }
0x3b7: {  	[sflag:s10] =	ssyncset.done $0x0  }
0x3b8: {  	[sflag:s10] =	ssyncadd.s32 $0xFFFFA000  }
0x3b9: {  	_ =	swait.ge [sflag:s6], $0x6000  }
0x3ba: {  	[sflag:s6] =	ssyncset.done $0x0  }
0x3bb: {  	[sflag:s6] =	ssyncadd.s32 $0xFFFFA000  }
0x3bc: {  	_ =	swait.ge [sflag:s5], $0x6000  }
0x3bd: {  	[sflag:s5] =	ssyncset.done $0x0  }
0x3be: {  	[sflag:s5] =	ssyncadd.s32 $0xFFFFA000  }
0x3bf: {  	_ =	sfence.sel $0x180000  }
0x3c0: {  	[bflag:$0x0] =	sbarrier.arrive $0xFFFF  }
0x3c1: {  	_ =	strace $0x90000047  }
0x3c2: {  	s31 =	stileid.u32;
	[bflag:$0x2] =	sbarrier.arrive $0xFFFF  }
0x3c3: {  	p0 =	sne.s32 s31, $0x0;
	s0 =	rddreg [dreg:$0x2]  }
0x3c4: {  	s0 =	sadd.s32 @!p0 $0x100000, s0  }
0x3c5: {  	[sflag:s0] =	ssyncadd.tile.s32 @!p0 $0x1;
	_ =	shalt  }
.LBB2_2:
.Ltmp3:
0x3c6: {  	(pc) =	sbr.rel .LBB2_5-.Ltmp3, $2  }
0x3c7: {  	_ =	sdelay $0x2  }
0x3c8: {  	s26 =	sld [smem:$0x7EB]  }
.Lfunc_end2:
_tile_overlayer_lowered:
.L_overlay_start_2:
0x3c9: {  	(tag) =	ssettag $0x2  }
0x3ca: {  	s0 =	rddreg [dreg:$0x0];
	s2 =	stileid.u32  }
0x3cb: {  	s1 =	rddreg [dreg:$0x1];
	p0 =	sne.s32 s2, $0x0  }
0x3cc: {  	s3 =	rddreg [dreg:$0x2];
	[bflag:$0x3] =	sbarrier.arrive $0xFFFF;
	s2 =	simm.s32 @!p0 $0x1C09  }
0x3cd: {  	[timem:s3], [sflag:s2] =	dma.local @!p0 [hbm:s0], s1  }
0x3ce: {  	s0 =	simm.s32 @!p0 $0x9  }
0x3cf: {  	_ =	swait.ge @!p0 [sflag:s0], s1  }
0x3d0: {  	s1 =	ssub.s32 @!p0 $0x0, s1;
	[sflag:s0] =	ssyncset.done @!p0 $0x0  }
0x3d1: {  	[sflag:s0] =	ssyncadd.s32 @!p0 s1  }
0x3d2: {  	[bflag:$0x3] =	sbarrier.arrive $0xFFFF  }
0x3d3: {  	_ =	shalt  }

// kernel: sparse-core-data-format-call.cloned.1.call-start
scs
called_computation_lowered:
.L_overlay_start_0:
0x0: {  	s2 =	sld [smem:$0x3FD9]  }
0x1: {  	s3 =	sld [smem:$0x3FFE];
	_ =	sdelay $0x1  }
0x2: {  	s1 =	srdreg.scid  }
0x3: {  	s0 =	sand.u32 $0x1, s1  }
0x4: {  	s18 =	sshll.u32 s0, $0xA;
	s2 =	sadd.s32 s3, s2  }
0x5: {  	s2 =	sadd.s32 s2, s18  }
0x6: {  	[smem:$0x3FC7] =	sst s2  }
0x7: {  	_ = 	snop  }
0x8: {  	s2 =	sld [smem:$0x3FD0];
	(tm) =	ssettm $0x1  }
0x9: {  	s19 =	sld [smem:$0x3FFB];
	_ =	sdelay $0x3  }
0xa: {  	_ =	strace s19  }
0xb: {  	s3 =	sld [smem:$0x3FFC];
	_ =	sdelay $0x3  }
0xc: {  	_ =	strace s3  }
0xd: {  	s3 =	sld [smem:$0x3FFD];
	_ =	sdelay $0x3  }
0xe: {  	_ =	strace s3  }
0xf: {  	_ =	strace $0x8FFFFFFF  }
0x10: {  	s20 =	sld [smem:$0x3FDB];
	_ =	sdelay $0x1  }
0x11: {  	s4 =	simm.s32 $_scs_section_size  }
0x12: {  	s5 =	simm.s32 $_size__tile_overlayer_lowered;
	s6 =	simm.s32 $_tile_overlayer_lowered  }
0x13: {  	s23 =	simm.s32 $0x1BFF;
	s22 =	sshll.u32 s6, $0x1;
	s3 =	sadd.s32 s4, s20  }
0x14: {  	s7 =	simm.s32 $0x0;
	s21 =	sshll.u32 s5, $0x1;
	s5 =	sadd.s32 s22, s3  }
0x15: {  	[timem:s7], [sflag:s23] =	dma.local [hbm:s5], s21  }
0x16: {  	_ =	swait.ge [sflag:s23], s21  }
0x17: {  	s4 =	ssub.s32 $0x0, s21;
	[sflag:s23] =	ssyncset.done $0x0  }
0x18: {  	[sflag:s23] =	ssyncadd.s32 s4;
	_ =	sdelay $0x1  }
0x19: {  	s24 =	simm.s32 $0x1B8B  }
0x1a: {  	_ =	swait.ge [sflag:s24], $0x1  }
0x1b: {  	[sflag:s24] =	ssyncset.done $0x0  }
0x1c: {  	s26 =	simm.s32 $0x1B8E;
	s25 =	sld [smem:$0x3FFE];
	[sflag:s24] =	ssyncadd.s32 $0xFFFFFFFF  }
0x1d: {  	s27 =	simm.s32 $execute0_lowered;
	[smem:$0x3FD2] =	sst s26  }
0x1e: {  	s5 =	sshll.u32 s27, $0x1;
	_ =	strace $0x80000049;
	[dreg:$0x1] =	wrdreg $0xFFFFFFFF  }
0x1f: {  	s28 =	simm.s32 $_size_execute0_lowered;
	s3 =	sadd.s32 s3, s5;
	[dreg:$0x0] =	wrdreg $0x0  }
0x20: {  	s5 =	sshll.u32 s28, $0x1;
	[dreg:$0x2] =	wrdreg s3  }
0x21: {  	[dreg:$0x3] =	wrdreg s5  }
0x22: {  	[dreg:$0x4] =	wrdreg $0xC0  }
0x23: {  	_ =	task [dreg:s7], $0x5FFFF  }
0x24: {  	[dreg:$0x1] =	wrdreg $0xFFFFFFFF  }
0x25: {  	[dreg:$0x0] =	wrdreg $0x60  }
0x26: {  	[dreg:$0x2] =	wrdreg s25  }
0x27: {  	[dreg:$0x3] =	wrdreg s2  }
0x28: {  	[dreg:$0x4] =	wrdreg $0x9  }
0x29: {  	_ =	task.clear_ibuf [dreg:s7], $0x5FFFF;
	_ =	strace $0x90000049  }
0x2a: {  	s29 =	simm.s32 $0x9;
	_ =	strace $0x8000004B  }
0x2b: {  	_ =	swait.ge [sflag:s29], $0x1  }
0x2c: {  	[sflag:s29] =	ssyncadd.s32 $0xFFFFFFFF  }
0x2d: {  	_ =	strace $0x9000004B  }
0x2e: {  	_ =	sfence  }
0x2f: {  	s30 =	sld [smem:$0x0];
	_ =	sdelay $0x2  }
0x30: {  	s31 =	sshll.u32 s1, $0xD;
	s1 =	sshrl.u32 s1, $0x2  }
0x31: {  	s3 =	sand.u32 $0x4000, s31;
	s1 =	sadd.s32 s1, s30  }
0x32: {  	s0 =	sor.u32 s3, s0;
	s1 =	sshll.u32 s1, $0x11  }
0x33: {  	s0 =	sor.u32 s1, s0  }
0x34: {  	s0 =	sadd.s32 $0x8F2B, s0  }
0x35: {  	[sflag:s0] =	ssyncadd.remote.s32 $0x1  }
0x36: {  	_ =	sfence.sel $0xFFFF  }
0x37: {  	[dreg:$0x0] =	wrdreg $0xFFFFFFFF;
	(pc) =	sbr.abs _section_cstart, $3  }
0x38: {  	[dreg:$0x1] =	wrdreg $0xFFFFFFFF  }
0x39: {  	_ =	task.clear_ibuf [dreg:s7], $0x2FFFF;
	_ =	strace $0x9FFFFFFF  }
0x3a: {  	(tm) =	ssettm $0x7FFFFFFF  }
0x3b: {  	_ =	shalt  }
tec
execute0_lowered:
.L_overlay_start_1:
0x0: {  	(tag) =	ssettag $0x1  }
0x1: {  	s3 =	rddreg [dreg:$0x0]  }
0x2: {  	s2 =	rddreg [dreg:$0x1]  }
0x3: {  	s1 =	srdreg.scid;
	s0 =	rddreg [dreg:$0x2];
	_ =	strace $0x8000004A  }
0x4: {  	s7 =	simm.s32 $0x2;
	s19 =	simm.s32 $0x0;
	p0 =	por $0x0, $0x0  }
0x5: {  	s17 =	simm.s32 $0x0;
	s18 =	simm.s32 $0x0;
	s20 =	simm.s32 $0x0  }
0x6: {  	s8 =	simm.s32 $0x0;
	s9 =	simm.s32 $0x0;
	s11 =	simm.s32 $0x0  }
0x7: {  	s12 =	simm.s32 $0x0;
	s13 =	simm.s32 $0x0;
	s14 =	simm.s32 $0x0  }
.Ltmp0:
0x8: {  	s10 =	simm.s32 $0x0;
	s4 =	sshll.u32 s1, $0x4;
	(pc) =	sbr.rel .LBB1_1-.Ltmp0, $4  }
0x9: {  	s1 =	stileid.u32;
	s3 =	sadd.s32 $0x800, s3;
	s4 =	sand.u32 $0x10, s4  }
0xa: {  	s5 =	sand.u32 $0x7, s1;
	s6 =	sor.u32 s1, s4;
	s4 =	simm.s32 $0x1  }
0xb: {  	s16 =	smov.u32 s5;
	[sflag:s4] =	ssyncpa.u1 $0x0;
	s6 =	sshrl.u32 s6, $0x3  }
0xc: {  	[sflag:s7] =	ssyncpa.u1 $0x0;
	s7 =	simm.s32 $0x3000;
	s15 =	smov.u32 s6  }
.LBB1_5:
0xd: {  	p1 =	slt.u32 s10, $0x2;
	s21 =	smov.u32 s20  }
0xe: {  	s24 =	smov.u32 s16;
	s10 =	sadd.s32 $0x1, s10;
	p2 =	sgt.s32 @!p1 s20, $0x7  }
0xf: {  	p0 =	por !p0, !p0;
	s22 =	sshra.s32 @!p1 s20, $0x1F;
	p2 =	por !p2, p1  }
0x10: {  	s23 =	sshra.s32 @!p1 s19, $0x1F;
	s20 =	sand.u32 @!p1 s22, s20;
	s21 =	simm.s32 @p2 $0x7  }
0x11: {  	s22 =	smov.u32 s19;
	p2 =	sgt.s32 @!p1 s19, $0x44;
	s20 =	ssub.s32 @!p1 s21, s20  }
0x12: {  	s19 =	sand.u32 @!p1 s23, s19;
	p2 =	por !p2, p1;
	s21 =	sadd.s32 @!p1 $0xFFFFFFF9, s20  }
0x13: {  	s22 =	simm.s32 @p2 $0x44;
	s20 =	ssub.s32 @!p1 $0x8, s20;
	p3 =	sgt.s32 @!p1 s21, $0x0  }
0x14: {  	s19 =	ssub.s32 @!p1 s22, s19;
	s22 =	sshra.s32 @!p1 s18, $0x1F;
	p2 =	por !p3, p1  }
0x15: {  	s21 =	sadd.s32 @!p1 $0xFFFFFFBC, s19;
	p3 =	sgt.s32 @!p1 s18, $0x1F;
	s19 =	ssub.s32 @!p1 $0xC4, s19  }
0x16: {  	s20 =	simm.s32 @!p2 $0x0;
	p2 =	sgt.s32 @!p1 s21, $0x7F;
	p3 =	por !p3, p1  }
0x17: {  	s21 =	smov.u32 s18;
	s18 =	sand.u32 @!p1 s22, s18;
	s22 =	sshra.s32 @!p1 s17, $0x1F  }
0x18: {  	s21 =	simm.s32 @p3 $0x1F;
	p3 =	sgt.s32 @!p1 s17, $0x100;
	p2 =	por !p2, p1  }
0x19: {  	s18 =	ssub.s32 @!p1 s21, s18;
	p3 =	por !p3, p1;
	s21 =	smov.u32 s17  }
0x1a: {  	s17 =	sand.u32 @!p1 s22, s17;
	s22 =	sadd.s32 @!p1 $0xFFFFFFE1, s18;
	s21 =	simm.s32 @p3 $0x100  }
0x1b: {  	s18 =	ssub.s32 @!p1 $0x20, s18;
	p3 =	sgt.s32 @!p1 s22, $0x0;
	s17 =	ssub.s32 @!p1 s21, s17  }
0x1c: {  	s22 =	smov.u32 s14;
	p3 =	por !p3, p1;
	s21 =	sadd.s32 @!p1 $0xFFFFFF00, s17  }
0x1d: {  	s17 =	ssub.s32 @!p1 $0x180, s17;
	s18 =	simm.s32 @!p3 $0x0;
	p3 =	sgt.s32 @!p1 s21, $0x7F  }
0x1e: {  	s21 =	sadd.s32 $0x80, s13;
	p3 =	por !p3, p1;
	s18 =	smul.u32 @!p1 s20, s18  }
0x1f: {  	s20 =	sadd.s32 $0x80, s14;
	s17 =	simm.s32 @!p3 $0x0;
	p3 =	sgt.s32 s21, $0xC3  }
0x20: {  	s23 =	smov.u32 s15;
	s19 =	simm.s32 @!p2 $0x0;
	s22 =	smov.u32 @p3 s20  }
0x21: {  	s17 =	smul.u32 @!p1 s17, s18;
	s18 =	sadd.s32 $0x4, s15;
	p2 =	sgt.s32 s22, $0x17F  }
0x22: {  	s25 =	simm.s32 @!p1 $0x2;
	s21 =	simm.s32 @p3 $0x0;
	s23 =	smov.u32 @p2 s18  }
0x23: {  	s20 =	smov.u32 s12;
	s18 =	sadd.s32 $0x8, s16;
	p3 =	sgt.s32 s23, $0x1F  }
0x24: {  	s12 =	smov.u32 s16;
	s17 =	smul.u32 @!p1 s19, s17;
	s24 =	smov.u32 @p3 s18  }
0x25: {  	s22 =	simm.s32 @p2 $0x0;
	s19 =	smov.u32 s8;
	p2 =	sgt.s32 s24, $0x7  }
0x26: {  	s8 =	smov.u32 s13;
	s24 =	smov.u32 @p2 s5;
	p2 =	sne.s32 s10, $0x32  }
.Ltmp1:
0x27: {  	s13 =	smov.u32 s21;
	s17 =	sand.u32 @!p1 $0x3FFFFFFF, s17;
	(pc) =	sbr.rel @!p2 .LBB1_6-.Ltmp1, $4  }
0x28: {  	s23 =	smov.u32 @p3 s6;
	s18 =	smov.u32 s11;
	s11 =	smov.u32 s15  }
0x29: {  	_ =	swait.ge @!p1 [sflag:s25], s17;
	s26 =	ssub.s32 @!p1 $0x0, s17;
	s17 =	smov.u32 s9  }
0x2a: {  	s9 =	smov.u32 s14;
	s14 =	smov.u32 s22;
	[sflag:s25] =	ssyncset.done @!p1 $0x0  }
0x2b: {  	s15 =	smov.u32 s23;
	[sflag:s25] =	ssyncadd.s32 @!p1 s26;
	s16 =	smov.u32 s24  }
.LBB1_1:
0x2c: {  	p1 =	sgt.u32 s10, $0x2F  }
0x2d: {  	s21 =	sshll.u32 @!p1 s14, $0x8;
	s22 =	sshll.u32 @!p1 s13, $0x3  }
0x2e: {  	s23 =	sshll.u32 @!p1 s14, $0x7;
	s21 =	sand.u32 @!p1 $0xFFFFF800, s21;
	s22 =	sand.u32 @!p1 $0xFFFFFC00, s22  }
0x2f: {  	s21 =	sadd.s32 @!p1 s21, s22;
	s22 =	sand.u32 @!p1 $0x300, s23  }
0x30: {  	s21 =	sor.u32 @!p1 s22, s21  }
0x31: {  	s21 =	sshrl.u32 @!p1 s21, $0x8  }
0x32: {  	s22 =	smulhi.u32 @!p1 $0xAAAAAB, s21  }
0x33: {  	s24 =	sxor.u32 @!p1 $0xFFFFFFFF, s10;
	s26 =	smul.u32 @!p1 $0x60000, s16  }
0x34: {  	s25 =	sand.u32 @!p1 $0x78, s13;
	s23 =	sand.u32 @!p1 $0x80, s23;
	s22 =	smul.u32 @!p1 $0x180, s22  }
0x35: {  	s24 =	sshll.u32 @!p1 s24, $0xE;
	s23 =	sor.u32 @!p1 s25, s23;
	s25 =	smul.u32 @!p1 $0x3000, s15  }
0x36: {  	s21 =	ssub.s32 @!p1 s21, s22;
	s22 =	sand.u32 @!p1 $0x4000, s24;
	s24 =	sadd.s32 @!p1 s3, s26  }
0x37: {  	s23 =	sshrl.u32 @!p1 s23, $0x3;
	s24 =	sadd.s32 @!p1 s25, s24;
	s25 =	sand.u32 @!p1 $0x7, s13  }
0x38: {  	s21 =	sshll.u32 @!p1 s21, $0x5;
	s23 =	sadd.s32 @!p1 s23, s24;
	s24 =	sshll.u32 @!p1 s25, $0x12  }
0x39: {  	s21 =	sadd.s32 @!p1 s21, s23;
	s23 =	sor.u32 @!p1 $0x400, s24;
	s24 =	simm.s32 @!p1 $0x800  }
0x3a: {  	[tilespmem:s22], [sflag:$0x1] =	stream.strided.gather @!p1 [hbm4b:s21+s23], $0x4000, s24, s23, $0x38;
	[tilespmem:$0x10100] =	vst v63  }
0x3b: {  	p1 =	seq.s32 s10, $0x0  }
0x3c: {  	p2 =	seq.s32 @!p1 s10, $0x31  }
0x3d: {  	p1 =	por p1, p2  }
.Ltmp2:
0x3e: {  	_ = 	snop;
	(pc) =	sbr.rel @p1 .LBB1_5-.Ltmp2, $1  }
0x3f: {  	_ =	sdelay $0x3  }
0x40: {  	s21 =	simm.s32 $0x1  }
0x41: {  	_ =	swait.ge [sflag:s4], $0x4000;
	s21 =	simm.s32 @!p0 $0x0  }
0x42: {  	[sflag:s4] =	ssyncset.done $0x0;
	s22 =	sshll.u32 s21, $0xE  }
0x43: {  	[sflag:s4] =	ssyncadd.s32 $0xFFFFC000;
	s22 =	sor.u32 $0x40, s22  }
0x44: {  	s21 =	smul.u32 $0x10200, s21;
	v0 =	vld [tilespmem:s22+$0x30]  }
0x45: {  	v1 =	vld [tilespmem:s22+$0xFFFFFFD0]  }
0x46: {  	s21 =	sshrl.u32 s21, $0x2;
	v5 =	vld [tilespmem:s22+$0xFFFFFFE0]  }
0x47: {  	v6 =	vld [tilespmem:s22+$0xFFFFFFF0];
	s24 =	sor.u32 $0x8000, s21  }
0x48: {  	s31 =	sand.u32 $0x1, s10;
	v4 =	vld [tilespmem:s22+$0x0];
	s23 =	sadd.s32 $0x0, s24  }
0x49: {  	v2 =	vld [tilespmem:s22+$0x10];
	s21 =	smul.u32 $0x10200, s31;
	[tilespmem:s23+$0x3870 ss:$0x81] =	vst.msk $0xffff, v0  }
0x4a: {  	v3 =	vld [tilespmem:s22+$0x20];
	[tilespmem:s23+$0x810 ss:$0x81] =	vst.msk $0xffff, v1  }
0x4b: {  	s21 =	sshrl.u32 s21, $0x2;
	v1 =	vld [tilespmem:s22+$0xFFFFFFC0];
	[tilespmem:s23+$0x1020 ss:$0x81] =	vst.msk $0xffff, v5;
	s22 =	sadd.s32 $0x80, s22  }
0x4c: {  	s25 =	simm.s32 $0x4;
	s26 =	simm.s32 $0x8;
	s21 =	sor.u32 $0x8000, s21;
	[tilespmem:s23+$0x1830 ss:$0x81] =	vst.msk $0xffff, v6;
	v0 =	vld [tilespmem:s22+$0x30]  }
.LBB1_3:
0x4d: {  	p1 =	sne.s32 s26, $0x1FC;
	v5 =	vld [tilespmem:s22+$0xFFFFFFD0];
	[tilespmem:s23+$0x2040 ss:$0x81] =	vst.msk $0xffff, v4  }
0x4e: {  	v6 =	vld [tilespmem:s22+$0xFFFFFFE0];
	[tilespmem:s23+$0x2850 ss:$0x81] =	vst.msk $0xffff, v2  }
0x4f: {  	s27 =	sshra.s32 s25, $0x2;
	s25 =	smov.u32 s26;
	v7 =	vld [tilespmem:s22+$0xFFFFFFF0];
	[tilespmem:s23+$0x3060 ss:$0x81] =	vst.msk $0xffff, v3  }
.Ltmp3:
0x50: {  	v4 =	vld [tilespmem:s22+$0x0];
	[tilespmem:s23+$0x0 ss:$0x81] =	vst.msk $0xffff, v1;
	s23 =	sadd.s32 s27, s24;
	(pc) =	sbr.rel @p1 .LBB1_3-.Ltmp3, $4  }
0x51: {  	v2 =	vld [tilespmem:s22+$0x10];
	[tilespmem:s23+$0x3870 ss:$0x81] =	vst.msk $0xffff, v0  }
0x52: {  	[tilespmem:s23+$0x810 ss:$0x81] =	vst.msk $0xffff, v5;
	v3 =	vld [tilespmem:s22+$0x20]  }
0x53: {  	v1 =	vld [tilespmem:s22+$0xFFFFFFC0];
	[tilespmem:s23+$0x1020 ss:$0x81] =	vst.msk $0xffff, v6;
	s22 =	sadd.s32 $0x80, s22  }
0x54: {  	s26 =	sadd.s32 $0x4, s26;
	v0 =	vld [tilespmem:s22+$0x30];
	[tilespmem:s23+$0x1830 ss:$0x81] =	vst.msk $0xffff, v7  }
0x55: {  	s26 =	sshrl.u32 s11, $0x3  }
0x56: {  	s27 =	sshll.u32 s9, $0x3;
	s26 =	smul.u32 $0xC00, s26  }
0x57: {  	s28 =	sshll.u32 s11, $0x7;
	s27 =	sand.u32 $0xFFFFFC00, s27  }
0x58: {  	s30 =	sand.u32 $0x380, s28;
	s26 =	sadd.s32 s26, s27  }
0x59: {  	s31 =	sand.u32 $0x7F, s9;
	s26 =	sor.u32 s30, s26  }
0x5a: {  	s27 =	sor.u32 s31, s26  }
0x5b: {  	v5 =	vld [tilespmem:s22+$0xFFFFFFD0];
	s28 =	smulhi.u32 $0xAAAAAAAB, s27  }
0x5c: {  	s25 =	sshra.s32 s25, $0x2;
	p1 =	sgt.s32 s12, $0x7;
	[tilespmem:s23+$0x2040 ss:$0x81] =	vst.msk $0xffff, v4;
	v58 =	vld [tilespmem:s22+$0xFFFFFFE0]  }
0x5d: {  	s29 =	smov.u32 s12;
	v59 =	vld [tilespmem:s22+$0xFFFFFFF0];
	[tilespmem:s23+$0x2850 ss:$0x81] =	vst.msk $0xffff, v2;
	s26 =	smulhi.u32 $0xAAAAAAAB, s26;
	s28 =	sshrl.u32 s28, $0x8  }
0x5e: {  	v60 =	vld [tilespmem:s22+$0x0];
	s24 =	sadd.s32 s25, s24;
	s29 =	simm.s32 @!p1 $0x7;
	[tilespmem:s23+$0x3060 ss:$0x81] =	vst.msk $0xffff, v3;
	s28 =	smul.u32 $0x180, s28  }
0x5f: {  	v61 =	vld [tilespmem:s22+$0x10];
	p1 =	sgt.s32 s11, $0x1F;
	[tilespmem:s23+$0x0 ss:$0x81] =	vst.msk $0xffff, v1;
	s23 =	smov.u32 s8;
	s30 =	sshra.s32 s11, $0x1F  }
0x60: {  	v62 =	vld [tilespmem:s22+$0x20];
	s26 =	sshrl.u32 s26, $0x8;
	s25 =	ssub.s32 s27, s28;
	s28 =	sshra.s32 s12, $0x1F  }
0x61: {  	v63 =	vld [tilespmem:s22+$0xFFFFFFC0];
	s30 =	sand.u32 s30, s11;
	s22 =	sand.u32 $0x1F, s26;
	s27 =	sand.u32 s28, s12  }
0x62: {  	s22 =	smul.u32 $0x30, s22;
	s28 =	smov.u32 s11;
	s27 =	ssub.s32 s29, s27  }
0x63: {  	s28 =	simm.s32 @!p1 $0x1F;
	p1 =	sgt.s32 s9, $0x100;
	s29 =	smov.u32 s9  }
0x64: {  	s28 =	ssub.s32 s28, s30;
	s30 =	sshra.s32 s9, $0x1F;
	s31 =	sadd.s32 $0xFFFFFFF9, s27  }
0x65: {  	s29 =	simm.s32 @!p1 $0x100;
	s27 =	ssub.s32 $0x8, s27;
	s30 =	sand.u32 s30, s9  }
0x66: {  	p2 =	sgt.s32 s31, $0x0;
	s31 =	sadd.s32 $0xFFFFFFE1, s28;
	s28 =	ssub.s32 $0x20, s28  }
0x67: {  	s29 =	ssub.s32 s29, s30;
	p3 =	sgt.s32 s31, $0x0;
	s27 =	simm.s32 @p2 $0x0  }
0x68: {  	p2 =	sgt.s32 s8, $0x44;
	s31 =	sadd.s32 $0xFFFFFF00, s29;
	s28 =	simm.s32 @p3 $0x0  }
0x69: {  	s29 =	ssub.s32 $0x180, s29;
	p1 =	sgt.s32 s31, $0x7F;
	s31 =	sshra.s32 s8, $0x1F  }
0x6a: {  	[tilespmem:s24+$0x3870 ss:$0x81] =	vst.msk $0xffff, v0;
	s23 =	simm.s32 @!p2 $0x44;
	s27 =	smul.u32 s27, s28;
	s28 =	sand.u32 s31, s8  }
0x6b: {  	[tilespmem:s24+$0x810 ss:$0x81] =	vst.msk $0xffff, v5;
	s30 =	smul.u32 $0x49800, s12;
	s29 =	simm.s32 @p1 $0x0;
	s23 =	ssub.s32 s23, s28  }
0x6c: {  	[tilespmem:s24+$0x1020 ss:$0x81] =	vst.msk $0xffff, v58;
	s27 =	smul.u32 s29, s27;
	s29 =	sadd.s32 $0xFFFFFFBC, s23  }
0x6d: {  	[tilespmem:s24+$0x1830 ss:$0x81] =	vst.msk $0xffff, v59;
	s31 =	smul.u32 $0x600, s8;
	s23 =	ssub.s32 $0xC4, s23;
	p1 =	sgt.s32 s29, $0x7F  }
.Ltmp4:
0x6e: {  	[tilespmem:s24+$0x2040 ss:$0x81] =	vst.msk $0xffff, v60;
	s28 =	sadd.s32 s2, s30;
	s23 =	simm.s32 @p1 $0x0;
	(pc) =	sbr.rel .LBB1_5-.Ltmp4, $4  }
0x6f: {  	[tilespmem:s24+$0x2850 ss:$0x81] =	vst.msk $0xffff, v61;
	s26 =	sadd.s32 s31, s28;
	s29 =	sand.u32 $0x7, s25;
	s23 =	smul.u32 s23, s27  }
0x70: {  	[tilespmem:s24+$0x3060 ss:$0x81] =	vst.msk $0xffff, v62;
	s25 =	sshrl.u32 s25, $0x3;
	s22 =	sadd.s32 s22, s26;
	s30 =	sshll.u32 s29, $0x12  }
0x71: {  	[tilespmem:s24+$0x0 ss:$0x81] =	vst.msk $0xffff, v63;
	s22 =	sadd.s32 s25, s22;
	s31 =	sor.u32 $0x80, s30;
	s23 =	sand.u32 $0x3FFFFFFF, s23  }
0x72: {  	[hbm4b:s22+s31] =	stream.strided.scatter [tilespmem:s21], [sflag:$0x2], s23, s7, s31, $0x20;
	[tilespmem:$0x10100] =	vst v63  }
.LBB1_6:
0x73: {  	_ =	sfence.sel $0x180000  }
0x74: {  	s2 =	simm.s32 $0x1;
	[bflag:$0x0] =	sbarrier.arrive $0xFFFF  }
0x75: {  	s31 =	simm.s32 $0x2;
	[sflag:s2] =	ssyncpa.u1 $0x1  }
0x76: {  	[sflag:s31] =	ssyncpa.u1 $0x1  }
0x77: {  	p0 =	sne.s32 s1, $0x0;
	_ =	strace $0x9000004A  }
0x78: {  	s0 =	sadd.s32 @!p0 $0x100000, s0;
	[bflag:$0x2] =	sbarrier.arrive $0xFFFF  }
0x79: {  	[sflag:s0] =	ssyncadd.tile.s32 @!p0 $0x1;
	_ =	shalt  }
.Lfunc_end1:
_tile_overlayer_lowered:
.L_overlay_start_2:
0x7a: {  	(tag) =	ssettag $0x2  }
0x7b: {  	s0 =	rddreg [dreg:$0x0];
	s2 =	stileid.u32  }
0x7c: {  	s1 =	rddreg [dreg:$0x1];
	p0 =	sne.s32 s2, $0x0  }
0x7d: {  	s3 =	rddreg [dreg:$0x2];
	[bflag:$0x3] =	sbarrier.arrive $0xFFFF;
	s2 =	simm.s32 @!p0 $0x1C01  }
0x7e: {  	[timem:s3], [sflag:s2] =	dma.local @!p0 [hbm:s0], s1  }
0x7f: {  	s0 =	simm.s32 @!p0 $0x1  }
0x80: {  	_ =	swait.ge @!p0 [sflag:s0], s1  }
0x81: {  	s1 =	ssub.s32 @!p0 $0x0, s1;
	[sflag:s0] =	ssyncset.done @!p0 $0x0  }
0x82: {  	[sflag:s0] =	ssyncadd.s32 @!p0 s1  }
0x83: {  	[bflag:$0x3] =	sbarrier.arrive $0xFFFF  }
0x84: {  	_ =	shalt  }

</sc_bundles>
